<compile_context>
chip_gen: v7x
topology: tpu7x:2x2x1
jax: 0.10.2.dev20260603
libtpu: 0.0.44.dev20260713+nightly
codegen_flags: <defaults>
</compile_context>

<pallas_src>
import jax
import jax.numpy as jnp
from jax import lax
from jax.experimental import pallas as pl
from jax.experimental.pallas import tpu as pltpu
from jax.experimental.pallas import tpu_sc as plsc

_N = 10000
_E = 320000
_R = 1024
_G = 10

_f32 = jnp.float32

_NC, _NS = 2, 16
_EROWS, _EW = 2560, 125
_NP = 10240
_RPT = _NP // _NS
_H2 = _NP // _R


def _sc_mesh():
    return plsc.VectorSubcoreMesh(core_axis_name="c", subcore_axis_name="s",
                                  num_cores=_NC, num_subcores=_NS)


def _zero_tile_slice(src, acc, sid):
    for z in range(5):
        pltpu.sync_copy(src, acc.at[pl.ds(sid * _RPT + z * 128, 128)])


def _copy_out(acc, out, cid, sid):
    pltpu.sync_copy(acc.at[pl.ds(sid * _RPT, _RPT)],
                    out.at[pl.ds(cid * _NP + sid * _RPT, _RPT)])


def _deg_body(col_hbm, o_hbm, cibuf, zbuf, obuf, acc):
    cid = lax.axis_index("c")
    sid = lax.axis_index("s")

    def fill(i, c):
        for k in range(8):
            zbuf[i, pl.ds(k * 16, 16)] = jnp.zeros((16,), _f32)
            obuf[i, pl.ds(k * 16, 16)] = jnp.ones((16,), _f32)
        return c

    lax.fori_loop(0, 128, fill, 0)
    _zero_tile_slice(zbuf, acc, sid)
    plsc.subcore_barrier()

    base = cid * (_EROWS // 2) + sid * (_EROWS // 2 // _NS)

    def blk(b, c):
        pltpu.sync_copy(col_hbm.at[pl.ds(base + b * 8, 8)], cibuf)
        for j in range(8):
            pltpu.sync_copy(obuf.at[pl.ds(0, _EW)], acc.at[cibuf.at[j]],
                            add=True)
        return c

    lax.fori_loop(0, _EROWS // 2 // _NS // 8, blk, 0)
    plsc.subcore_barrier()
    _copy_out(acc, o_hbm, cid, sid)


def _sc_deg(col2d):
    k = pl.kernel(
        _deg_body,
        out_type=jax.ShapeDtypeStruct((2 * _NP, 128), _f32),
        mesh=_sc_mesh(),
        scratch_types=[
            pltpu.VMEM((8, _EW), jnp.int32),
            pltpu.VMEM((128, 128), _f32),
            pltpu.VMEM((128, 128), _f32),
            pltpu.VMEM_SHARED((_NP, 128), _f32),
        ],
    )
    return k(col2d)


def _edge_loop(tab, row_hbm, col_hbm, ribuf, cibuf, rbuf0, rbuf1, acc,
               sem0, sem1, base, nblk, col_base=None):
    if col_base is None:
        col_base = base
    bufs = (rbuf0.at[pl.ds(0, _EW)], rbuf1.at[pl.ds(0, _EW)])
    sems = (sem0, sem1)

    def blk(b, c):
        pltpu.sync_copy(row_hbm.at[pl.ds(base + b * 8, 8)], ribuf)
        pltpu.sync_copy(col_hbm.at[pl.ds(col_base + b * 8, 8)], cibuf)
        handles = [pltpu.async_copy(tab.at[ribuf.at[0]], bufs[0], sems[0])]
        for j in range(8):
            handles[j].wait()
            if j < 7:
                handles.append(pltpu.async_copy(tab.at[ribuf.at[j + 1]],
                                                bufs[(j + 1) % 2],
                                                sems[(j + 1) % 2]))
            pltpu.sync_copy(bufs[j % 2], acc.at[cibuf.at[j]], add=True)
        return c

    lax.fori_loop(0, nblk, blk, 0)


def _zero_rbuf(rbuf):
    def fill(i, c):
        for k in range(8):
            rbuf[i, pl.ds(k * 16, 16)] = jnp.zeros((16,), _f32)
        return c

    lax.fori_loop(0, 128, fill, 0)


def _aggA_body(tab_hbm, row_hbm, col_hbm, o_hbm,
               ribuf, cibuf, rbuf, rbuf1, acc, sem, sem1):
    cid = lax.axis_index("c")
    sid = lax.axis_index("s")
    _zero_rbuf(rbuf)
    _zero_tile_slice(rbuf, acc, sid)
    plsc.subcore_barrier()
    base = cid * (_EROWS // 2) + sid * (_EROWS // 2 // _NS)
    _edge_loop(tab_hbm, row_hbm, col_hbm, ribuf, cibuf, rbuf, rbuf1, acc,
               sem, sem1, base, _EROWS // 2 // _NS // 8)
    plsc.subcore_barrier()
    _copy_out(acc, o_hbm, cid, sid)


def _aggB_body(tab_hbm, row_hbm, col_hbm, o_hbm,
               ribuf, cibuf, rbuf, rbuf1, acc, sem, sem1):
    cid = lax.axis_index("c")
    sid = lax.axis_index("s")
    _zero_rbuf(rbuf)
    _zero_tile_slice(rbuf, acc, sid)
    plsc.subcore_barrier()
    base = cid * _EROWS + sid * (_EROWS // _NS)
    _edge_loop(tab_hbm, row_hbm, col_hbm, ribuf, cibuf, rbuf, rbuf1, acc,
               sem, sem1, base, _EROWS // _NS // 8,
               col_base=sid * (_EROWS // _NS))
    plsc.subcore_barrier()
    _copy_out(acc, o_hbm, cid, sid)


def _agg_scratch():
    return [
        pltpu.VMEM((8, _EW), jnp.int32),
        pltpu.VMEM((8, _EW), jnp.int32),
        pltpu.VMEM((128, 128), _f32),
        pltpu.VMEM((128, 128), _f32),
        pltpu.VMEM_SHARED((_NP, 128), _f32),
        pltpu.SemaphoreType.DMA,
        pltpu.SemaphoreType.DMA,
    ]


def _sc_aggA(tab, row2d, col2d):
    k = pl.kernel(
        _aggA_body,
        out_type=jax.ShapeDtypeStruct((2 * _NP, 128), _f32),
        mesh=_sc_mesh(),
        scratch_types=_agg_scratch(),
    )
    return k(tab, row2d, col2d)


def _sc_aggB(tab, rowB, col2d):
    k = pl.kernel(
        _aggB_body,
        out_type=jax.ShapeDtypeStruct((2 * _NP, 128), _f32),
        mesh=_sc_mesh(),
        scratch_types=_agg_scratch(),
    )
    return k(tab, rowB, col2d)


def _pre_body(x_ref, wb_ref, wc_ref, bc_ref, braw_ref, w_ref):
    braw_ref[...] = jnp.dot(x_ref[...], wb_ref[...], preferred_element_type=_f32)
    w_ref[...] = jnp.dot(x_ref[...], wc_ref[...], preferred_element_type=_f32) + bc_ref[...]


def _pre(x, Wb, Wc, bc):
    fin = x.shape[1]
    return pl.pallas_call(
        _pre_body,
        grid=(_G,),
        in_specs=[
            pl.BlockSpec((_R, fin), lambda i: (i, 0)),
            pl.BlockSpec((fin, 128), lambda i: (0, 0)),
            pl.BlockSpec((fin, 32), lambda i: (0, 0)),
            pl.BlockSpec((1, 32), lambda i: (0, 0)),
        ],
        out_specs=[
            pl.BlockSpec((_R, 128), lambda i: (i, 0)),
            pl.BlockSpec((_R, 32), lambda i: (i, 0)),
        ],
        out_shape=[
            jax.ShapeDtypeStruct((_N, 128), _f32),
            jax.ShapeDtypeStruct((_N, 32), _f32),
        ],
    )(x, Wb, Wc, bc)


def _scale1_body(braw_ref, p0_ref, p1_ref, bs_ref, dis_ref):
    deg = 1.0 + p0_ref[:, 0:1] + p1_ref[:, 0:1]
    dis = jax.lax.rsqrt(deg)
    dis_ref[...] = dis
    bs_ref[...] = braw_ref[...] * dis


def _scale1(braw, p0, p1):
    return pl.pallas_call(
        _scale1_body,
        grid=(_G,),
        in_specs=[
            pl.BlockSpec((_R, 128), lambda i: (i, 0)),
            pl.BlockSpec((_R, 128), lambda i: (i, 0)),
            pl.BlockSpec((_R, 128), lambda i: (i + _H2, 0)),
        ],
        out_specs=[
            pl.BlockSpec((_R, 128), lambda i: (i, 0)),
            pl.BlockSpec((_R, 1), lambda i: (i, 0)),
        ],
        out_shape=[
            jax.ShapeDtypeStruct((_N, 128), _f32),
            jax.ShapeDtypeStruct((_N, 1), _f32),
        ],
    )(braw, p0, p1)


def _combine_math(e0, e1, bs, dis, w, br):
    t = dis * (e0 + e1 + bs)
    parts = []
    for hh in range(8):
        acc = w[:, hh * 4:hh * 4 + 1] * t[:, 0:32]
        for b in range(1, 4):
            acc = acc + w[:, hh * 4 + b:hh * 4 + b + 1] * t[:, b * 32:(b + 1) * 32]
        parts.append(acc)
    return jnp.concatenate(parts, axis=1) + br


def _cd2_body(e0_ref, e1_ref, bs_ref, dis_ref, w_ref, br_ref,
              wb2_ref, wc2_ref, bc2_ref, bs2_ref, w2_ref):
    h1 = jnp.maximum(
        _combine_math(e0_ref[...], e1_ref[...], bs_ref[...], dis_ref[...],
                      w_ref[...], br_ref[...]), 0.0)
    b2 = jnp.dot(h1, wb2_ref[...], preferred_element_type=_f32)
    bs2_ref[...] = b2 * dis_ref[...]
    w2_ref[...] = jnp.dot(h1, wc2_ref[...], preferred_element_type=_f32) + bc2_ref[...]


def _cd2(e0, e1, bs, dis, w, br, Wb2, Wc2, bc2):
    return pl.pallas_call(
        _cd2_body,
        grid=(_G,),
        in_specs=[
            pl.BlockSpec((_R, 128), lambda i: (i, 0)),
            pl.BlockSpec((_R, 128), lambda i: (i + _H2, 0)),
            pl.BlockSpec((_R, 128), lambda i: (i, 0)),
            pl.BlockSpec((_R, 1), lambda i: (i, 0)),
            pl.BlockSpec((_R, 32), lambda i: (i, 0)),
            pl.BlockSpec((1, 256), lambda i: (0, 0)),
            pl.BlockSpec((256, 128), lambda i: (0, 0)),
            pl.BlockSpec((256, 32), lambda i: (0, 0)),
            pl.BlockSpec((1, 32), lambda i: (0, 0)),
        ],
        out_specs=[
            pl.BlockSpec((_R, 128), lambda i: (i, 0)),
            pl.BlockSpec((_R, 32), lambda i: (i, 0)),
        ],
        out_shape=[
            jax.ShapeDtypeStruct((_N, 128), _f32),
            jax.ShapeDtypeStruct((_N, 32), _f32),
        ],
    )(e0, e1, bs, dis, w, br, Wb2, Wc2, bc2)


def _cw3_body(e0_ref, e1_ref, bs_ref, dis_ref, w_ref, br_ref,
              wc3_ref, bc3_ref, hs_ref, w3_ref):
    h2 = jnp.maximum(
        _combine_math(e0_ref[...], e1_ref[...], bs_ref[...], dis_ref[...],
                      w_ref[...], br_ref[...]), 0.0)
    hs_ref[...] = h2 * dis_ref[...]
    w3_ref[...] = jnp.dot(h2, wc3_ref[...], preferred_element_type=_f32) + bc3_ref[...]


def _cw3(e0, e1, bs, dis, w, br, Wc3, bc3):
    return pl.pallas_call(
        _cw3_body,
        grid=(_G,),
        in_specs=[
            pl.BlockSpec((_R, 128), lambda i: (i, 0)),
            pl.BlockSpec((_R, 128), lambda i: (i + _H2, 0)),
            pl.BlockSpec((_R, 128), lambda i: (i, 0)),
            pl.BlockSpec((_R, 1), lambda i: (i, 0)),
            pl.BlockSpec((_R, 32), lambda i: (i, 0)),
            pl.BlockSpec((1, 256), lambda i: (0, 0)),
            pl.BlockSpec((256, 4), lambda i: (0, 0)),
            pl.BlockSpec((1, 4), lambda i: (0, 0)),
        ],
        out_specs=[
            pl.BlockSpec((_R, 256), lambda i: (i, 0)),
            pl.BlockSpec((_R, 4), lambda i: (i, 0)),
        ],
        out_shape=[
            jax.ShapeDtypeStruct((_N, 256), _f32),
            jax.ShapeDtypeStruct((_N, 4), _f32),
        ],
    )(e0, e1, bs, dis, w, br, Wc3, bc3)


def _final_body(f0_ref, f1_ref, hs_ref, w3_ref, dis_ref, wb_ref,
                b3_ref, o_ref):
    aggH = dis_ref[...] * (jnp.concatenate([f0_ref[...], f1_ref[...]], axis=1)
                           + hs_ref[...])
    aggB = jnp.dot(aggH, wb_ref[...], preferred_element_type=_f32)
    w3 = w3_ref[...]
    out = w3[:, 0:1] * aggB[:, 0:128]
    for b in range(1, 4):
        out = out + w3[:, b:b + 1] * aggB[:, b * 128:(b + 1) * 128]
    o_ref[...] = out + b3_ref[...]


def _final(f0, f1, hs, w3, dis, Wb3, b3):
    return pl.pallas_call(
        _final_body,
        grid=(_G,),
        in_specs=[
            pl.BlockSpec((_R, 128), lambda i: (i, 0)),
            pl.BlockSpec((_R, 128), lambda i: (i + _H2, 0)),
            pl.BlockSpec((_R, 256), lambda i: (i, 0)),
            pl.BlockSpec((_R, 4), lambda i: (i, 0)),
            pl.BlockSpec((_R, 1), lambda i: (i, 0)),
            pl.BlockSpec((256, 512), lambda i: (0, 0)),
            pl.BlockSpec((1, 128), lambda i: (0, 0)),
        ],
        out_specs=pl.BlockSpec((_R, 128), lambda i: (i, 0)),
        out_shape=jax.ShapeDtypeStruct((_N, 128), _f32),
    )(f0, f1, hs, w3, dis, Wb3, b3)


def kernel(x, edge_index, edge_type, Wb1, Wc1, bc1, b1,
           Wb2, Wc2, bc2, b2, Wb3, Wc3, bc3, b3):
    row2d = edge_index[0].reshape(_EROWS, _EW)
    col2d = edge_index[1].reshape(_EROWS, _EW)

    d = _sc_deg(col2d)
    braw, w1 = _pre(x, Wb1, Wc1, bc1.reshape(1, -1))
    bs1, dis = _scale1(braw, d, d)

    e = _sc_aggA(bs1, row2d, col2d)
    bs2, w2 = _cd2(e, e, bs1, dis, w1, b1.reshape(1, -1),
                   Wb2, Wc2, bc2.reshape(1, -1))

    e = _sc_aggA(bs2, row2d, col2d)
    h2s, w3 = _cw3(e, e, bs2, dis, w2, b2.reshape(1, -1),
                   Wc3, bc3.reshape(1, -1))

    tab3 = jnp.concatenate([h2s[:, :128], h2s[:, 128:]], axis=0)
    rowB = jnp.concatenate([row2d, row2d + _N], axis=0)
    f = _sc_aggB(tab3, rowB, col2d)
    return _final(f, f, h2s, w3, dis, Wb3, b3.reshape(1, -1))

# --- scband reference (transcript-rebuilt; emitter-appended) ---
"""Pipeline reference for scband-eg-47545287966772 (READ-ONLY COPY).

The authoritative reference and input builder live on the scoring server;
editing this copy changes nothing except your own understanding.
"""

import jax, jax.numpy as jnp
import numpy as np

N = 10000
E = 320000
IN, HID, OUT = 128, 256, 128


def setup_inputs(seed: int = 0):
    key = jax.random.key(seed)
    ks = jax.random.split(key, 16)
    inp = {}
    inp["x"] = jax.random.normal(ks[0], (N, IN), dtype=jnp.float32)
    inp["edge_index"] = jax.random.randint(ks[1], (2, E), 0, N, dtype=jnp.int32)
    inp["edge_type"] = jax.random.randint(ks[2], (E,), 0, 5, dtype=jnp.int32)
    # EGConv defaults: num_heads=8, num_bases=4, aggregators=['symnorm'] (A=1), add_self_loops=True
    # layer 1: in=IN, out=HID, H=8, B=4
    inp["Wb1"] = 0.05 * jax.random.normal(ks[3], (IN, (HID // 8) * 4), dtype=jnp.float32)
    inp["Wc1"] = 0.05 * jax.random.normal(ks[4], (IN, 8 * 4 * 1), dtype=jnp.float32)
    inp["bc1"] = jnp.zeros((8 * 4 * 1,), dtype=jnp.float32)
    inp["b1"] = jnp.zeros((HID,), dtype=jnp.float32)
    # layer 2: in=HID, out=HID, H=8, B=4
    inp["Wb2"] = 0.05 * jax.random.normal(ks[5], (HID, (HID // 8) * 4), dtype=jnp.float32)
    inp["Wc2"] = 0.05 * jax.random.normal(ks[6], (HID, 8 * 4 * 1), dtype=jnp.float32)
    inp["bc2"] = jnp.zeros((8 * 4 * 1,), dtype=jnp.float32)
    inp["b2"] = jnp.zeros((HID,), dtype=jnp.float32)
    # layer 3: in=HID, out=OUT, H=1, B=4
    inp["Wb3"] = 0.05 * jax.random.normal(ks[7], (HID, (OUT // 1) * 4), dtype=jnp.float32)
    inp["Wc3"] = 0.05 * jax.random.normal(ks[8], (HID, 1 * 4 * 1), dtype=jnp.float32)
    inp["bc3"] = jnp.zeros((1 * 4 * 1,), dtype=jnp.float32)
    inp["b3"] = jnp.zeros((OUT,), dtype=jnp.float32)
    return inp


def _gcn_norm(edge_index, n):
    # symmetric GCN normalization with self-loops (EGConv 'symnorm' aggregator)
    row, col = edge_index[0], edge_index[1]
    loop = jnp.arange(n, dtype=row.dtype)
    row = jnp.concatenate([row, loop])
    col = jnp.concatenate([col, loop])
    deg = jnp.zeros((n,), jnp.float32).at[col].add(1.0)
    dis = jnp.where(deg > 0, jax.lax.rsqrt(deg), 0.0)
    w = dis[row] * dis[col]
    return row, col, w


def _egconv(x, row, col, w, Wb, Wc, bc, b, H, B, Fout):
    n = x.shape[0]
    bases = x @ Wb                      # [N, B*(Fout//H)]
    weightings = x @ Wc + bc            # [N, H*B*A], A=1
    msg = bases[row] * w[:, None]       # gather + edge weight
    agg = jnp.zeros((n, bases.shape[1]), x.dtype).at[col].add(msg)  # scatter-add
    weightings = weightings.reshape(n, H, B)       # A=1
    agg = agg.reshape(n, B, Fout // H)
    out = jnp.einsum('nhb,nbf->nhf', weightings, agg).reshape(n, Fout)
    return out + b


def reference(x, edge_index, edge_type, Wb1, Wc1, bc1, b1, Wb2, Wc2, bc2, b2, Wb3, Wc3, bc3, b3):
    # edge_type is accepted by the torch forward but unused by EGConv
    n = x.shape[0]
    row, col, w = _gcn_norm(edge_index, n)
    h = _egconv(x, row, col, w, Wb1, Wc1, bc1, b1, 8, 4, HID)
    h = jax.nn.relu(h)  # dropout is identity in eval mode
    h = _egconv(h, row, col, w, Wb2, Wc2, bc2, b2, 8, 4, HID)
    h = jax.nn.relu(h)
    h = _egconv(h, row, col, w, Wb3, Wc3, bc3, b3, 1, 4, OUT)
    return h

if __name__ == "__main__":
    import jax
    _d = setup_inputs()
    print(jax.jit(kernel)(*tuple(_d.values())))

</pallas_src>

<mosaic_0001>
#map = affine_map<(d0, d1) -> (0, 0)>
module attributes {stable_mosaic.version = 14 : i64} {
  func.func @_deg_body(%arg0: i32, %arg1: i32, %arg2: memref<2560x125xi32, #tpu.memory_space<hbm>>, %arg3: memref<20480x128xf32, #tpu.memory_space<hbm>>, %arg4: memref<8x125xi32, #tpu.memory_space<vmem>>, %arg5: memref<128x128xf32, #tpu.memory_space<vmem>>, %arg6: memref<128x128xf32, #tpu.memory_space<vmem>>, %arg7: memref<10240x128xf32, #tpu.memory_space<vmem_shared>>) attributes {dimension_semantics = [#tpu.dimension_semantics<core_parallel>, #tpu.dimension_semantics<subcore_parallel>], iteration_bounds = array<i64: 2, 16>, scalar_prefetch = 0 : i64, scratch_operands = 4 : i64, tpu.core_type = #tpu.core_type<sc_vector_subcore>, window_params = [{transform_indices = #map}, {transform_indices = #map}]} {
    %scan3A = arith.constant 0 : i32
    %scan3A_0 = arith.constant 0 : i32
    %scan3A_1 = arith.constant 128 : i32
    %scan3A_2 = arith.addi %scan3A_0, %scan3A_1 : i32
    %scan3A_3 = arith.constant 1 : i32
    scf.for %scan3A_42 = %scan3A_0 to %scan3A_2 step %scan3A_3  : i32 {
      %broadcast_in_dim3A = arith.constant 0.000000e+00 : f32
      %broadcast_in_dim3A_43 = vector.broadcast %broadcast_in_dim3A : f32 to vector<16xf32>
      %swap3A = arith.index_cast %scan3A_42 : i32 to index
      %swap3A_44 = arith.constant 0 : index
      %swap3A_45 = tpu.vector_load %arg5[%swap3A, %swap3A_44] {strides = array<i32>} : memref<128x128xf32, #tpu.memory_space<vmem>>, vector<1x16xf32>,
      %swap3A_46 = vector.shape_cast %swap3A_45 : vector<1x16xf32> to vector<16xf32>
      %swap3A_47 = vector.shape_cast %broadcast_in_dim3A_43 : vector<16xf32> to vector<1x16xf32>
      tpu.vector_store %arg5[%swap3A, %swap3A_44], %swap3A_47 {strides = array<i32>} : memref<128x128xf32, #tpu.memory_space<vmem>>, vector<1x16xf32>,
      %broadcast_in_dim3A_48 = arith.constant 1.000000e+00 : f32
      %broadcast_in_dim3A_49 = vector.broadcast %broadcast_in_dim3A_48 : f32 to vector<16xf32>
      %swap3A_50 = arith.index_cast %scan3A_42 : i32 to index
      %swap3A_51 = arith.constant 0 : index
      %swap3A_52 = tpu.vector_load %arg6[%swap3A_50, %swap3A_51] {strides = array<i32>} : memref<128x128xf32, #tpu.memory_space<vmem>>, vector<1x16xf32>,
      %swap3A_53 = vector.shape_cast %swap3A_52 : vector<1x16xf32> to vector<16xf32>
      %swap3A_54 = vector.shape_cast %broadcast_in_dim3A_49 : vector<16xf32> to vector<1x16xf32>
      tpu.vector_store %arg6[%swap3A_50, %swap3A_51], %swap3A_54 {strides = array<i32>} : memref<128x128xf32, #tpu.memory_space<vmem>>, vector<1x16xf32>,
      %broadcast_in_dim3A_55 = arith.constant 0.000000e+00 : f32
      %broadcast_in_dim3A_56 = vector.broadcast %broadcast_in_dim3A_55 : f32 to vector<16xf32>
      %swap3A_57 = arith.index_cast %scan3A_42 : i32 to index
      %swap3A_58 = arith.constant 16 : index
      %swap3A_59 = tpu.vector_load %arg5[%swap3A_57, %swap3A_58] {strides = array<i32>} : memref<128x128xf32, #tpu.memory_space<vmem>>, vector<1x16xf32>,
      %swap3A_60 = vector.shape_cast %swap3A_59 : vector<1x16xf32> to vector<16xf32>
      %swap3A_61 = vector.shape_cast %broadcast_in_dim3A_56 : vector<16xf32> to vector<1x16xf32>
      tpu.vector_store %arg5[%swap3A_57, %swap3A_58], %swap3A_61 {strides = array<i32>} : memref<128x128xf32, #tpu.memory_space<vmem>>, vector<1x16xf32>,
      %broadcast_in_dim3A_62 = arith.constant 1.000000e+00 : f32
      %broadcast_in_dim3A_63 = vector.broadcast %broadcast_in_dim3A_62 : f32 to vector<16xf32>
      %swap3A_64 = arith.index_cast %scan3A_42 : i32 to index
      %swap3A_65 = arith.constant 16 : index
      %swap3A_66 = tpu.vector_load %arg6[%swap3A_64, %swap3A_65] {strides = array<i32>} : memref<128x128xf32, #tpu.memory_space<vmem>>, vector<1x16xf32>,
      %swap3A_67 = vector.shape_cast %swap3A_66 : vector<1x16xf32> to vector<16xf32>
      %swap3A_68 = vector.shape_cast %broadcast_in_dim3A_63 : vector<16xf32> to vector<1x16xf32>
      tpu.vector_store %arg6[%swap3A_64, %swap3A_65], %swap3A_68 {strides = array<i32>} : memref<128x128xf32, #tpu.memory_space<vmem>>, vector<1x16xf32>,
      %broadcast_in_dim3A_69 = arith.constant 0.000000e+00 : f32
      %broadcast_in_dim3A_70 = vector.broadcast %broadcast_in_dim3A_69 : f32 to vector<16xf32>
      %swap3A_71 = arith.index_cast %scan3A_42 : i32 to index
      %swap3A_72 = arith.constant 32 : index
      %swap3A_73 = tpu.vector_load %arg5[%swap3A_71, %swap3A_72] {strides = array<i32>} : memref<128x128xf32, #tpu.memory_space<vmem>>, vector<1x16xf32>,
      %swap3A_74 = vector.shape_cast %swap3A_73 : vector<1x16xf32> to vector<16xf32>
      %swap3A_75 = vector.shape_cast %broadcast_in_dim3A_70 : vector<16xf32> to vector<1x16xf32>
      tpu.vector_store %arg5[%swap3A_71, %swap3A_72], %swap3A_75 {strides = array<i32>} : memref<128x128xf32, #tpu.memory_space<vmem>>, vector<1x16xf32>,
      %broadcast_in_dim3A_76 = arith.constant 1.000000e+00 : f32
      %broadcast_in_dim3A_77 = vector.broadcast %broadcast_in_dim3A_76 : f32 to vector<16xf32>
      %swap3A_78 = arith.index_cast %scan3A_42 : i32 to index
      %swap3A_79 = arith.constant 32 : index
      %swap3A_80 = tpu.vector_load %arg6[%swap3A_78, %swap3A_79] {strides = array<i32>} : memref<128x128xf32, #tpu.memory_space<vmem>>, vector<1x16xf32>,
      %swap3A_81 = vector.shape_cast %swap3A_80 : vector<1x16xf32> to vector<16xf32>
      %swap3A_82 = vector.shape_cast %broadcast_in_dim3A_77 : vector<16xf32> to vector<1x16xf32>
      tpu.vector_store %arg6[%swap3A_78, %swap3A_79], %swap3A_82 {strides = array<i32>} : memref<128x128xf32, #tpu.memory_space<vmem>>, vector<1x16xf32>,
      %broadcast_in_dim3A_83 = arith.constant 0.000000e+00 : f32
      %broadcast_in_dim3A_84 = vector.broadcast %broadcast_in_dim3A_83 : f32 to vector<16xf32>
      %swap3A_85 = arith.index_cast %scan3A_42 : i32 to index
      %swap3A_86 = arith.constant 48 : index
      %swap3A_87 = tpu.vector_load %arg5[%swap3A_85, %swap3A_86] {strides = array<i32>} : memref<128x128xf32, #tpu.memory_space<vmem>>, vector<1x16xf32>,
      %swap3A_88 = vector.shape_cast %swap3A_87 : vector<1x16xf32> to vector<16xf32>
      %swap3A_89 = vector.shape_cast %broadcast_in_dim3A_84 : vector<16xf32> to vector<1x16xf32>
      tpu.vector_store %arg5[%swap3A_85, %swap3A_86], %swap3A_89 {strides = array<i32>} : memref<128x128xf32, #tpu.memory_space<vmem>>, vector<1x16xf32>,
      %broadcast_in_dim3A_90 = arith.constant 1.000000e+00 : f32
      %broadcast_in_dim3A_91 = vector.broadcast %broadcast_in_dim3A_90 : f32 to vector<16xf32>
      %swap3A_92 = arith.index_cast %scan3A_42 : i32 to index
      %swap3A_93 = arith.constant 48 : index
      %swap3A_94 = tpu.vector_load %arg6[%swap3A_92, %swap3A_93] {strides = array<i32>} : memref<128x128xf32, #tpu.memory_space<vmem>>, vector<1x16xf32>,
      %swap3A_95 = vector.shape_cast %swap3A_94 : vector<1x16xf32> to vector<16xf32>
      %swap3A_96 = vector.shape_cast %broadcast_in_dim3A_91 : vector<16xf32> to vector<1x16xf32>
      tpu.vector_store %arg6[%swap3A_92, %swap3A_93], %swap3A_96 {strides = array<i32>} : memref<128x128xf32, #tpu.memory_space<vmem>>, vector<1x16xf32>,
      %broadcast_in_dim3A_97 = arith.constant 0.000000e+00 : f32
      %broadcast_in_dim3A_98 = vector.broadcast %broadcast_in_dim3A_97 : f32 to vector<16xf32>
      %swap3A_99 = arith.index_cast %scan3A_42 : i32 to index
      %swap3A_100 = arith.constant 64 : index
      %swap3A_101 = tpu.vector_load %arg5[%swap3A_99, %swap3A_100] {strides = array<i32>} : memref<128x128xf32, #tpu.memory_space<vmem>>, vector<1x16xf32>,
      %swap3A_102 = vector.shape_cast %swap3A_101 : vector<1x16xf32> to vector<16xf32>
      %swap3A_103 = vector.shape_cast %broadcast_in_dim3A_98 : vector<16xf32> to vector<1x16xf32>
      tpu.vector_store %arg5[%swap3A_99, %swap3A_100], %swap3A_103 {strides = array<i32>} : memref<128x128xf32, #tpu.memory_space<vmem>>, vector<1x16xf32>,
      %broadcast_in_dim3A_104 = arith.constant 1.000000e+00 : f32
      %broadcast_in_dim3A_105 = vector.broadcast %broadcast_in_dim3A_104 : f32 to vector<16xf32>
      %swap3A_106 = arith.index_cast %scan3A_42 : i32 to index
      %swap3A_107 = arith.constant 64 : index
      %swap3A_108 = tpu.vector_load %arg6[%swap3A_106, %swap3A_107] {strides = array<i32>} : memref<128x128xf32, #tpu.memory_space<vmem>>, vector<1x16xf32>,
      %swap3A_109 = vector.shape_cast %swap3A_108 : vector<1x16xf32> to vector<16xf32>
      %swap3A_110 = vector.shape_cast %broadcast_in_dim3A_105 : vector<16xf32> to vector<1x16xf32>
      tpu.vector_store %arg6[%swap3A_106, %swap3A_107], %swap3A_110 {strides = array<i32>} : memref<128x128xf32, #tpu.memory_space<vmem>>, vector<1x16xf32>,
      %broadcast_in_dim3A_111 = arith.constant 0.000000e+00 : f32
      %broadcast_in_dim3A_112 = vector.broadcast %broadcast_in_dim3A_111 : f32 to vector<16xf32>
      %swap3A_113 = arith.index_cast %scan3A_42 : i32 to index
      %swap3A_114 = arith.constant 80 : index
      %swap3A_115 = tpu.vector_load %arg5[%swap3A_113, %swap3A_114] {strides = array<i32>} : memref<128x128xf32, #tpu.memory_space<vmem>>, vector<1x16xf32>,
      %swap3A_116 = vector.shape_cast %swap3A_115 : vector<1x16xf32> to vector<16xf32>
      %swap3A_117 = vector.shape_cast %broadcast_in_dim3A_112 : vector<16xf32> to vector<1x16xf32>
      tpu.vector_store %arg5[%swap3A_113, %swap3A_114], %swap3A_117 {strides = array<i32>} : memref<128x128xf32, #tpu.memory_space<vmem>>, vector<1x16xf32>,
      %broadcast_in_dim3A_118 = arith.constant 1.000000e+00 : f32
      %broadcast_in_dim3A_119 = vector.broadcast %broadcast_in_dim3A_118 : f32 to vector<16xf32>
      %swap3A_120 = arith.index_cast %scan3A_42 : i32 to index
      %swap3A_121 = arith.constant 80 : index
      %swap3A_122 = tpu.vector_load %arg6[%swap3A_120, %swap3A_121] {strides = array<i32>} : memref<128x128xf32, #tpu.memory_space<vmem>>, vector<1x16xf32>,
      %swap3A_123 = vector.shape_cast %swap3A_122 : vector<1x16xf32> to vector<16xf32>
      %swap3A_124 = vector.shape_cast %broadcast_in_dim3A_119 : vector<16xf32> to vector<1x16xf32>
      tpu.vector_store %arg6[%swap3A_120, %swap3A_121], %swap3A_124 {strides = array<i32>} : memref<128x128xf32, #tpu.memory_space<vmem>>, vector<1x16xf32>,
      %broadcast_in_dim3A_125 = arith.constant 0.000000e+00 : f32
      %broadcast_in_dim3A_126 = vector.broadcast %broadcast_in_dim3A_125 : f32 to vector<16xf32>
      %swap3A_127 = arith.index_cast %scan3A_42 : i32 to index
      %swap3A_128 = arith.constant 96 : index
      %swap3A_129 = tpu.vector_load %arg5[%swap3A_127, %swap3A_128] {strides = array<i32>} : memref<128x128xf32, #tpu.memory_space<vmem>>, vector<1x16xf32>,
      %swap3A_130 = vector.shape_cast %swap3A_129 : vector<1x16xf32> to vector<16xf32>
      %swap3A_131 = vector.shape_cast %broadcast_in_dim3A_126 : vector<16xf32> to vector<1x16xf32>
      tpu.vector_store %arg5[%swap3A_127, %swap3A_128], %swap3A_131 {strides = array<i32>} : memref<128x128xf32, #tpu.memory_space<vmem>>, vector<1x16xf32>,
      %broadcast_in_dim3A_132 = arith.constant 1.000000e+00 : f32
      %broadcast_in_dim3A_133 = vector.broadcast %broadcast_in_dim3A_132 : f32 to vector<16xf32>
      %swap3A_134 = arith.index_cast %scan3A_42 : i32 to index
      %swap3A_135 = arith.constant 96 : index
      %swap3A_136 = tpu.vector_load %arg6[%swap3A_134, %swap3A_135] {strides = array<i32>} : memref<128x128xf32, #tpu.memory_space<vmem>>, vector<1x16xf32>,
      %swap3A_137 = vector.shape_cast %swap3A_136 : vector<1x16xf32> to vector<16xf32>
      %swap3A_138 = vector.shape_cast %broadcast_in_dim3A_133 : vector<16xf32> to vector<1x16xf32>
      tpu.vector_store %arg6[%swap3A_134, %swap3A_135], %swap3A_138 {strides = array<i32>} : memref<128x128xf32, #tpu.memory_space<vmem>>, vector<1x16xf32>,
      %broadcast_in_dim3A_139 = arith.constant 0.000000e+00 : f32
      %broadcast_in_dim3A_140 = vector.broadcast %broadcast_in_dim3A_139 : f32 to vector<16xf32>
      %swap3A_141 = arith.index_cast %scan3A_42 : i32 to index
      %swap3A_142 = arith.constant 112 : index
      %swap3A_143 = tpu.vector_load %arg5[%swap3A_141, %swap3A_142] {strides = array<i32>} : memref<128x128xf32, #tpu.memory_space<vmem>>, vector<1x16xf32>,
      %swap3A_144 = vector.shape_cast %swap3A_143 : vector<1x16xf32> to vector<16xf32>
      %swap3A_145 = vector.shape_cast %broadcast_in_dim3A_140 : vector<16xf32> to vector<1x16xf32>
      tpu.vector_store %arg5[%swap3A_141, %swap3A_142], %swap3A_145 {strides = array<i32>} : memref<128x128xf32, #tpu.memory_space<vmem>>, vector<1x16xf32>,
      %broadcast_in_dim3A_146 = arith.constant 1.000000e+00 : f32
      %broadcast_in_dim3A_147 = vector.broadcast %broadcast_in_dim3A_146 : f32 to vector<16xf32>
      %swap3A_148 = arith.index_cast %scan3A_42 : i32 to index
      %swap3A_149 = arith.constant 112 : index
      %swap3A_150 = tpu.vector_load %arg6[%swap3A_148, %swap3A_149] {strides = array<i32>} : memref<128x128xf32, #tpu.memory_space<vmem>>, vector<1x16xf32>,
      %swap3A_151 = vector.shape_cast %swap3A_150 : vector<1x16xf32> to vector<16xf32>
      %swap3A_152 = vector.shape_cast %broadcast_in_dim3A_147 : vector<16xf32> to vector<1x16xf32>
      tpu.vector_store %arg6[%swap3A_148, %swap3A_149], %swap3A_152 {strides = array<i32>} : memref<128x128xf32, #tpu.memory_space<vmem>>, vector<1x16xf32>,
    }
    %scan3A_4 = arith.constant 128 : i32
    %mul3A = arith.constant 640 : i32
    %mul3A_5 = arith.muli %arg1, %mul3A : i32
    %add3A = arith.constant 0 : i32
    %add3A_6 = arith.addi %mul3A_5, %add3A : i32
    "tpu.region"() ({
      %run_scoped3A = tpu.sem_alloc : memref<!tpu.dma_semaphore, #tpu.memory_space<semaphore_mem>>
      %dma_start3A = arith.constant 0 : i32
      %dma_start3A_42 = tpu.memref_slice %arg7[%add3A_6, %dma_start3A] : memref<10240x128xf32, #tpu.memory_space<vmem_shared>> -> memref<128x128xf32, #tpu.memory_space<vmem_shared>>
      %dma_start3A_43 = arith.constant 0 : i32
      %dma_start3A_44 = tpu.memref_slice %arg7[%add3A_6, %dma_start3A_43] : memref<10240x128xf32, #tpu.memory_space<vmem_shared>> -> memref<128x128xf32, #tpu.memory_space<vmem_shared>>
      tpu.enqueue_dma source(%arg5 : memref<128x128xf32, #tpu.memory_space<vmem>>) target(%dma_start3A_44 : memref<128x128xf32, #tpu.memory_space<vmem_shared>>) target_semaphore(%run_scoped3A : memref<!tpu.dma_semaphore, #tpu.memory_space<semaphore_mem>>)
      %dma_wait3A = arith.constant 0 : i32
      %dma_wait3A_45 = tpu.memref_slice %arg7[%add3A_6, %dma_wait3A] : memref<10240x128xf32, #tpu.memory_space<vmem_shared>> -> memref<128x128xf32, #tpu.memory_space<vmem_shared>>
      %dma_wait3A_46 = arith.constant 0 : i32
      %dma_wait3A_47 = tpu.memref_slice %arg7[%add3A_6, %dma_wait3A_46] : memref<10240x128xf32, #tpu.memory_space<vmem_shared>> -> memref<128x128xf32, #tpu.memory_space<vmem_shared>>
      tpu.wait_dma2 semaphore(%run_scoped3A : memref<!tpu.dma_semaphore, #tpu.memory_space<semaphore_mem>>) src(%arg5 : memref<128x128xf32, #tpu.memory_space<vmem>>) dst(%dma_wait3A_47 : memref<128x128xf32, #tpu.memory_space<vmem_shared>>)
      tpu.yield
    }) : () -> ()
    %mul3A_7 = arith.constant 640 : i32
    %mul3A_8 = arith.muli %arg1, %mul3A_7 : i32
    %add3A_9 = arith.constant 128 : i32
    %add3A_10 = arith.addi %mul3A_8, %add3A_9 : i32
    "tpu.region"() ({
      %run_scoped3A = tpu.sem_alloc : memref<!tpu.dma_semaphore, #tpu.memory_space<semaphore_mem>>
      %dma_start3A = arith.constant 0 : i32
      %dma_start3A_42 = tpu.memref_slice %arg7[%add3A_10, %dma_start3A] : memref<10240x128xf32, #tpu.memory_space<vmem_shared>> -> memref<128x128xf32, #tpu.memory_space<vmem_shared>>
      %dma_start3A_43 = arith.constant 0 : i32
      %dma_start3A_44 = tpu.memref_slice %arg7[%add3A_10, %dma_start3A_43] : memref<10240x128xf32, #tpu.memory_space<vmem_shared>> -> memref<128x128xf32, #tpu.memory_space<vmem_shared>>
      tpu.enqueue_dma source(%arg5 : memref<128x128xf32, #tpu.memory_space<vmem>>) target(%dma_start3A_44 : memref<128x128xf32, #tpu.memory_space<vmem_shared>>) target_semaphore(%run_scoped3A : memref<!tpu.dma_semaphore, #tpu.memory_space<semaphore_mem>>)
      %dma_wait3A = arith.constant 0 : i32
      %dma_wait3A_45 = tpu.memref_slice %arg7[%add3A_10, %dma_wait3A] : memref<10240x128xf32, #tpu.memory_space<vmem_shared>> -> memref<128x128xf32, #tpu.memory_space<vmem_shared>>
      %dma_wait3A_46 = arith.constant 0 : i32
      %dma_wait3A_47 = tpu.memref_slice %arg7[%add3A_10, %dma_wait3A_46] : memref<10240x128xf32, #tpu.memory_space<vmem_shared>> -> memref<128x128xf32, #tpu.memory_space<vmem_shared>>
      tpu.wait_dma2 semaphore(%run_scoped3A : memref<!tpu.dma_semaphore, #tpu.memory_space<semaphore_mem>>) src(%arg5 : memref<128x128xf32, #tpu.memory_space<vmem>>) dst(%dma_wait3A_47 : memref<128x128xf32, #tpu.memory_space<vmem_shared>>)
      tpu.yield
    }) : () -> ()
    %mul3A_11 = arith.constant 640 : i32
    %mul3A_12 = arith.muli %arg1, %mul3A_11 : i32
    %add3A_13 = arith.constant 256 : i32
    %add3A_14 = arith.addi %mul3A_12, %add3A_13 : i32
    "tpu.region"() ({
      %run_scoped3A = tpu.sem_alloc : memref<!tpu.dma_semaphore, #tpu.memory_space<semaphore_mem>>
      %dma_start3A = arith.constant 0 : i32
      %dma_start3A_42 = tpu.memref_slice %arg7[%add3A_14, %dma_start3A] : memref<10240x128xf32, #tpu.memory_space<vmem_shared>> -> memref<128x128xf32, #tpu.memory_space<vmem_shared>>
      %dma_start3A_43 = arith.constant 0 : i32
      %dma_start3A_44 = tpu.memref_slice %arg7[%add3A_14, %dma_start3A_43] : memref<10240x128xf32, #tpu.memory_space<vmem_shared>> -> memref<128x128xf32, #tpu.memory_space<vmem_shared>>
      tpu.enqueue_dma source(%arg5 : memref<128x128xf32, #tpu.memory_space<vmem>>) target(%dma_start3A_44 : memref<128x128xf32, #tpu.memory_space<vmem_shared>>) target_semaphore(%run_scoped3A : memref<!tpu.dma_semaphore, #tpu.memory_space<semaphore_mem>>)
      %dma_wait3A = arith.constant 0 : i32
      %dma_wait3A_45 = tpu.memref_slice %arg7[%add3A_14, %dma_wait3A] : memref<10240x128xf32, #tpu.memory_space<vmem_shared>> -> memref<128x128xf32, #tpu.memory_space<vmem_shared>>
      %dma_wait3A_46 = arith.constant 0 : i32
      %dma_wait3A_47 = tpu.memref_slice %arg7[%add3A_14, %dma_wait3A_46] : memref<10240x128xf32, #tpu.memory_space<vmem_shared>> -> memref<128x128xf32, #tpu.memory_space<vmem_shared>>
      tpu.wait_dma2 semaphore(%run_scoped3A : memref<!tpu.dma_semaphore, #tpu.memory_space<semaphore_mem>>) src(%arg5 : memref<128x128xf32, #tpu.memory_space<vmem>>) dst(%dma_wait3A_47 : memref<128x128xf32, #tpu.memory_space<vmem_shared>>)
      tpu.yield
    }) : () -> ()
    %mul3A_15 = arith.constant 640 : i32
    %mul3A_16 = arith.muli %arg1, %mul3A_15 : i32
    %add3A_17 = arith.constant 384 : i32
    %add3A_18 = arith.addi %mul3A_16, %add3A_17 : i32
    "tpu.region"() ({
      %run_scoped3A = tpu.sem_alloc : memref<!tpu.dma_semaphore, #tpu.memory_space<semaphore_mem>>
      %dma_start3A = arith.constant 0 : i32
      %dma_start3A_42 = tpu.memref_slice %arg7[%add3A_18, %dma_start3A] : memref<10240x128xf32, #tpu.memory_space<vmem_shared>> -> memref<128x128xf32, #tpu.memory_space<vmem_shared>>
      %dma_start3A_43 = arith.constant 0 : i32
      %dma_start3A_44 = tpu.memref_slice %arg7[%add3A_18, %dma_start3A_43] : memref<10240x128xf32, #tpu.memory_space<vmem_shared>> -> memref<128x128xf32, #tpu.memory_space<vmem_shared>>
      tpu.enqueue_dma source(%arg5 : memref<128x128xf32, #tpu.memory_space<vmem>>) target(%dma_start3A_44 : memref<128x128xf32, #tpu.memory_space<vmem_shared>>) target_semaphore(%run_scoped3A : memref<!tpu.dma_semaphore, #tpu.memory_space<semaphore_mem>>)
      %dma_wait3A = arith.constant 0 : i32
      %dma_wait3A_45 = tpu.memref_slice %arg7[%add3A_18, %dma_wait3A] : memref<10240x128xf32, #tpu.memory_space<vmem_shared>> -> memref<128x128xf32, #tpu.memory_space<vmem_shared>>
      %dma_wait3A_46 = arith.constant 0 : i32
      %dma_wait3A_47 = tpu.memref_slice %arg7[%add3A_18, %dma_wait3A_46] : memref<10240x128xf32, #tpu.memory_space<vmem_shared>> -> memref<128x128xf32, #tpu.memory_space<vmem_shared>>
      tpu.wait_dma2 semaphore(%run_scoped3A : memref<!tpu.dma_semaphore, #tpu.memory_space<semaphore_mem>>) src(%arg5 : memref<128x128xf32, #tpu.memory_space<vmem>>) dst(%dma_wait3A_47 : memref<128x128xf32, #tpu.memory_space<vmem_shared>>)
      tpu.yield
    }) : () -> ()
    %mul3A_19 = arith.constant 640 : i32
    %mul3A_20 = arith.muli %arg1, %mul3A_19 : i32
    %add3A_21 = arith.constant 512 : i32
    %add3A_22 = arith.addi %mul3A_20, %add3A_21 : i32
    "tpu.region"() ({
      %run_scoped3A = tpu.sem_alloc : memref<!tpu.dma_semaphore, #tpu.memory_space<semaphore_mem>>
      %dma_start3A = arith.constant 0 : i32
      %dma_start3A_42 = tpu.memref_slice %arg7[%add3A_22, %dma_start3A] : memref<10240x128xf32, #tpu.memory_space<vmem_shared>> -> memref<128x128xf32, #tpu.memory_space<vmem_shared>>
      %dma_start3A_43 = arith.constant 0 : i32
      %dma_start3A_44 = tpu.memref_slice %arg7[%add3A_22, %dma_start3A_43] : memref<10240x128xf32, #tpu.memory_space<vmem_shared>> -> memref<128x128xf32, #tpu.memory_space<vmem_shared>>
      tpu.enqueue_dma source(%arg5 : memref<128x128xf32, #tpu.memory_space<vmem>>) target(%dma_start3A_44 : memref<128x128xf32, #tpu.memory_space<vmem_shared>>) target_semaphore(%run_scoped3A : memref<!tpu.dma_semaphore, #tpu.memory_space<semaphore_mem>>)
      %dma_wait3A = arith.constant 0 : i32
      %dma_wait3A_45 = tpu.memref_slice %arg7[%add3A_22, %dma_wait3A] : memref<10240x128xf32, #tpu.memory_space<vmem_shared>> -> memref<128x128xf32, #tpu.memory_space<vmem_shared>>
      %dma_wait3A_46 = arith.constant 0 : i32
      %dma_wait3A_47 = tpu.memref_slice %arg7[%add3A_22, %dma_wait3A_46] : memref<10240x128xf32, #tpu.memory_space<vmem_shared>> -> memref<128x128xf32, #tpu.memory_space<vmem_shared>>
      tpu.wait_dma2 semaphore(%run_scoped3A : memref<!tpu.dma_semaphore, #tpu.memory_space<semaphore_mem>>) src(%arg5 : memref<128x128xf32, #tpu.memory_space<vmem>>) dst(%dma_wait3A_47 : memref<128x128xf32, #tpu.memory_space<vmem_shared>>)
      tpu.yield
    }) : () -> ()
    %barrier3A = arith.constant 0 : index
    tpu.barrier barrier_id(%barrier3A)
    %mul3A_23 = arith.constant 1280 : i32
    %mul3A_24 = arith.muli %arg0, %mul3A_23 : i32
    %mul3A_25 = arith.constant 80 : i32
    %mul3A_26 = arith.muli %arg1, %mul3A_25 : i32
    %add3A_27 = arith.addi %mul3A_24, %mul3A_26 : i32
    %scan3A_28 = arith.constant 0 : i32
    %scan3A_29 = arith.constant 0 : i32
    %scan3A_30 = arith.constant 10 : i32
    %scan3A_31 = arith.addi %scan3A_29, %scan3A_30 : i32
    %scan3A_32 = arith.constant 1 : i32
    scf.for %scan3A_42 = %scan3A_29 to %scan3A_31 step %scan3A_32  : i32 {
      %mul3A_43 = arith.constant 8 : i32
      %mul3A_44 = arith.muli %scan3A_42, %mul3A_43 : i32
      %add3A_45 = arith.addi %add3A_27, %mul3A_44 : i32
      "tpu.region"() ({
        %run_scoped3A_53 = tpu.sem_alloc : memref<!tpu.dma_semaphore, #tpu.memory_space<semaphore_mem>>
        %dma_start3A = arith.constant 0 : i32
        %dma_start3A_54 = tpu.memref_slice %arg2[%add3A_45, %dma_start3A] : memref<2560x125xi32, #tpu.memory_space<hbm>> -> memref<8x125xi32, #tpu.memory_space<hbm>>
        %dma_start3A_55 = arith.constant 0 : i32
        %dma_start3A_56 = tpu.memref_slice %arg2[%add3A_45, %dma_start3A_55] : memref<2560x125xi32, #tpu.memory_space<hbm>> -> memref<8x125xi32, #tpu.memory_space<hbm>>
        tpu.enqueue_dma source(%dma_start3A_56 : memref<8x125xi32, #tpu.memory_space<hbm>>) target(%arg4 : memref<8x125xi32, #tpu.memory_space<vmem>>) target_semaphore(%run_scoped3A_53 : memref<!tpu.dma_semaphore, #tpu.memory_space<semaphore_mem>>)
        %dma_wait3A = arith.constant 0 : i32
        %dma_wait3A_57 = tpu.memref_slice %arg2[%add3A_45, %dma_wait3A] : memref<2560x125xi32, #tpu.memory_space<hbm>> -> memref<8x125xi32, #tpu.memory_space<hbm>>
        %dma_wait3A_58 = arith.constant 0 : i32
        %dma_wait3A_59 = tpu.memref_slice %arg2[%add3A_45, %dma_wait3A_58] : memref<2560x125xi32, #tpu.memory_space<hbm>> -> memref<8x125xi32, #tpu.memory_space<hbm>>
        tpu.wait_dma2 semaphore(%run_scoped3A_53 : memref<!tpu.dma_semaphore, #tpu.memory_space<semaphore_mem>>) src(%dma_wait3A_59 : memref<8x125xi32, #tpu.memory_space<hbm>>) dst(%arg4 : memref<8x125xi32, #tpu.memory_space<vmem>>)
        tpu.yield
      }) : () -> ()
      %run_scoped3A = arith.constant 0 : i32
      "tpu.region"() ({
        %run_scoped3A_53 = tpu.sem_alloc : memref<!tpu.dma_semaphore, #tpu.memory_space<semaphore_mem>>
        %dma_start3A = arith.constant 0 : i32
        %dma_start3A_54 = arith.constant 0 : i32
        %dma_start3A_55 = tpu.memref_slice %arg6[%dma_start3A, %dma_start3A_54] : memref<128x128xf32, #tpu.memory_space<vmem>> -> memref<125x128xf32, #tpu.memory_space<vmem>>
        %dma_start3A_56 = arith.constant 0 : i32
        %dma_start3A_57 = tpu.memref_slice %arg4[%run_scoped3A, %dma_start3A_56] : memref<8x125xi32, #tpu.memory_space<vmem>> -> memref<1x125xi32, #tpu.memory_space<vmem>>
        %dma_start3A_58 = tpu.memref_squeeze %dma_start3A_57 : memref<1x125xi32, #tpu.memory_space<vmem>> -> memref<125xi32, #tpu.memory_space<vmem>>
        %dma_start3A_59 = arith.constant 0 : i32
        %dma_start3A_60 = arith.constant 0 : i32
        %dma_start3A_61 = tpu.memref_slice %arg7[%dma_start3A_59, %dma_start3A_60] : memref<10240x128xf32, #tpu.memory_space<vmem_shared>> -> memref<10240x128xf32, #tpu.memory_space<vmem_shared>>
        tpu.enqueue_indirect_dma source(%dma_start3A_55 : memref<125x128xf32, #tpu.memory_space<vmem>>) target(%dma_start3A_61 : memref<10240x128xf32, #tpu.memory_space<vmem_shared>>) offsets(%dma_start3A_58 : memref<125xi32, #tpu.memory_space<vmem>>) semaphore(%run_scoped3A_53 : memref<!tpu.dma_semaphore, #tpu.memory_space<semaphore_mem>>) {add = true}
        %dma_wait3A = arith.constant 0 : i32
        %dma_wait3A_62 = arith.constant 0 : i32
        %dma_wait3A_63 = tpu.memref_slice %arg6[%dma_wait3A, %dma_wait3A_62] : memref<128x128xf32, #tpu.memory_space<vmem>> -> memref<125x128xf32, #tpu.memory_space<vmem>>
        %dma_wait3A_64 = arith.constant 0 : i32
        %dma_wait3A_65 = tpu.memref_slice %arg4[%run_scoped3A, %dma_wait3A_64] : memref<8x125xi32, #tpu.memory_space<vmem>> -> memref<1x125xi32, #tpu.memory_space<vmem>>
        %dma_wait3A_66 = tpu.memref_squeeze %dma_wait3A_65 : memref<1x125xi32, #tpu.memory_space<vmem>> -> memref<125xi32, #tpu.memory_space<vmem>>
        %dma_wait3A_67 = arith.constant 0 : i32
        %dma_wait3A_68 = arith.constant 0 : i32
        %dma_wait3A_69 = tpu.memref_slice %arg7[%dma_wait3A_67, %dma_wait3A_68] : memref<10240x128xf32, #tpu.memory_space<vmem_shared>> -> memref<10240x128xf32, #tpu.memory_space<vmem_shared>>
        tpu.wait_indirect_dma semaphore(%run_scoped3A_53 : memref<!tpu.dma_semaphore, #tpu.memory_space<semaphore_mem>>) src(%dma_wait3A_63 : memref<125x128xf32, #tpu.memory_space<vmem>>) dst(%dma_wait3A_69 : memref<10240x128xf32, #tpu.memory_space<vmem_shared>>)
        tpu.yield
      }) : () -> ()
      %run_scoped3A_46 = arith.constant 1 : i32
      "tpu.region"() ({
        %run_scoped3A_53 = tpu.sem_alloc : memref<!tpu.dma_semaphore, #tpu.memory_space<semaphore_mem>>
        %dma_start3A = arith.constant 0 : i32
        %dma_start3A_54 = arith.constant 0 : i32
        %dma_start3A_55 = tpu.memref_slice %arg6[%dma_start3A, %dma_start3A_54] : memref<128x128xf32, #tpu.memory_space<vmem>> -> memref<125x128xf32, #tpu.memory_space<vmem>>
        %dma_start3A_56 = arith.constant 0 : i32
        %dma_start3A_57 = tpu.memref_slice %arg4[%run_scoped3A_46, %dma_start3A_56] : memref<8x125xi32, #tpu.memory_space<vmem>> -> memref<1x125xi32, #tpu.memory_space<vmem>>
        %dma_start3A_58 = tpu.memref_squeeze %dma_start3A_57 : memref<1x125xi32, #tpu.memory_space<vmem>> -> memref<125xi32, #tpu.memory_space<vmem>>
        %dma_start3A_59 = arith.constant 0 : i32
        %dma_start3A_60 = arith.constant 0 : i32
        %dma_start3A_61 = tpu.memref_slice %arg7[%dma_start3A_59, %dma_start3A_60] : memref<10240x128xf32, #tpu.memory_space<vmem_shared>> -> memref<10240x128xf32, #tpu.memory_space<vmem_shared>>
        tpu.enqueue_indirect_dma source(%dma_start3A_55 : memref<125x128xf32, #tpu.memory_space<vmem>>) target(%dma_start3A_61 : memref<10240x128xf32, #tpu.memory_space<vmem_shared>>) offsets(%dma_start3A_58 : memref<125xi32, #tpu.memory_space<vmem>>) semaphore(%run_scoped3A_53 : memref<!tpu.dma_semaphore, #tpu.memory_space<semaphore_mem>>) {add = true}
        %dma_wait3A = arith.constant 0 : i32
        %dma_wait3A_62 = arith.constant 0 : i32
        %dma_wait3A_63 = tpu.memref_slice %arg6[%dma_wait3A, %dma_wait3A_62] : memref<128x128xf32, #tpu.memory_space<vmem>> -> memref<125x128xf32, #tpu.memory_space<vmem>>
        %dma_wait3A_64 = arith.constant 0 : i32
        %dma_wait3A_65 = tpu.memref_slice %arg4[%run_scoped3A_46, %dma_wait3A_64] : memref<8x125xi32, #tpu.memory_space<vmem>> -> memref<1x125xi32, #tpu.memory_space<vmem>>
        %dma_wait3A_66 = tpu.memref_squeeze %dma_wait3A_65 : memref<1x125xi32, #tpu.memory_space<vmem>> -> memref<125xi32, #tpu.memory_space<vmem>>
        %dma_wait3A_67 = arith.constant 0 : i32
        %dma_wait3A_68 = arith.constant 0 : i32
        %dma_wait3A_69 = tpu.memref_slice %arg7[%dma_wait3A_67, %dma_wait3A_68] : memref<10240x128xf32, #tpu.memory_space<vmem_shared>> -> memref<10240x128xf32, #tpu.memory_space<vmem_shared>>
        tpu.wait_indirect_dma semaphore(%run_scoped3A_53 : memref<!tpu.dma_semaphore, #tpu.memory_space<semaphore_mem>>) src(%dma_wait3A_63 : memref<125x128xf32, #tpu.memory_space<vmem>>) dst(%dma_wait3A_69 : memref<10240x128xf32, #tpu.memory_space<vmem_shared>>)
        tpu.yield
      }) : () -> ()
      %run_scoped3A_47 = arith.constant 2 : i32
      "tpu.region"() ({
        %run_scoped3A_53 = tpu.sem_alloc : memref<!tpu.dma_semaphore, #tpu.memory_space<semaphore_mem>>
        %dma_start3A = arith.constant 0 : i32
        %dma_start3A_54 = arith.constant 0 : i32
        %dma_start3A_55 = tpu.memref_slice %arg6[%dma_start3A, %dma_start3A_54] : memref<128x128xf32, #tpu.memory_space<vmem>> -> memref<125x128xf32, #tpu.memory_space<vmem>>
        %dma_start3A_56 = arith.constant 0 : i32
        %dma_start3A_57 = tpu.memref_slice %arg4[%run_scoped3A_47, %dma_start3A_56] : memref<8x125xi32, #tpu.memory_space<vmem>> -> memref<1x125xi32, #tpu.memory_space<vmem>>
        %dma_start3A_58 = tpu.memref_squeeze %dma_start3A_57 : memref<1x125xi32, #tpu.memory_space<vmem>> -> memref<125xi32, #tpu.memory_space<vmem>>
        %dma_start3A_59 = arith.constant 0 : i32
        %dma_start3A_60 = arith.constant 0 : i32
        %dma_start3A_61 = tpu.memref_slice %arg7[%dma_start3A_59, %dma_start3A_60] : memref<10240x128xf32, #tpu.memory_space<vmem_shared>> -> memref<10240x128xf32, #tpu.memory_space<vmem_shared>>
        tpu.enqueue_indirect_dma source(%dma_start3A_55 : memref<125x128xf32, #tpu.memory_space<vmem>>) target(%dma_start3A_61 : memref<10240x128xf32, #tpu.memory_space<vmem_shared>>) offsets(%dma_start3A_58 : memref<125xi32, #tpu.memory_space<vmem>>) semaphore(%run_scoped3A_53 : memref<!tpu.dma_semaphore, #tpu.memory_space<semaphore_mem>>) {add = true}
        %dma_wait3A = arith.constant 0 : i32
        %dma_wait3A_62 = arith.constant 0 : i32
        %dma_wait3A_63 = tpu.memref_slice %arg6[%dma_wait3A, %dma_wait3A_62] : memref<128x128xf32, #tpu.memory_space<vmem>> -> memref<125x128xf32, #tpu.memory_space<vmem>>
        %dma_wait3A_64 = arith.constant 0 : i32
        %dma_wait3A_65 = tpu.memref_slice %arg4[%run_scoped3A_47, %dma_wait3A_64] : memref<8x125xi32, #tpu.memory_space<vmem>> -> memref<1x125xi32, #tpu.memory_space<vmem>>
        %dma_wait3A_66 = tpu.memref_squeeze %dma_wait3A_65 : memref<1x125xi32, #tpu.memory_space<vmem>> -> memref<125xi32, #tpu.memory_space<vmem>>
        %dma_wait3A_67 = arith.constant 0 : i32
        %dma_wait3A_68 = arith.constant 0 : i32
        %dma_wait3A_69 = tpu.memref_slice %arg7[%dma_wait3A_67, %dma_wait3A_68] : memref<10240x128xf32, #tpu.memory_space<vmem_shared>> -> memref<10240x128xf32, #tpu.memory_space<vmem_shared>>
        tpu.wait_indirect_dma semaphore(%run_scoped3A_53 : memref<!tpu.dma_semaphore, #tpu.memory_space<semaphore_mem>>) src(%dma_wait3A_63 : memref<125x128xf32, #tpu.memory_space<vmem>>) dst(%dma_wait3A_69 : memref<10240x128xf32, #tpu.memory_space<vmem_shared>>)
        tpu.yield
      }) : () -> ()
      %run_scoped3A_48 = arith.constant 3 : i32
      "tpu.region"() ({
        %run_scoped3A_53 = tpu.sem_alloc : memref<!tpu.dma_semaphore, #tpu.memory_space<semaphore_mem>>
        %dma_start3A = arith.constant 0 : i32
        %dma_start3A_54 = arith.constant 0 : i32
        %dma_start3A_55 = tpu.memref_slice %arg6[%dma_start3A, %dma_start3A_54] : memref<128x128xf32, #tpu.memory_space<vmem>> -> memref<125x128xf32, #tpu.memory_space<vmem>>
        %dma_start3A_56 = arith.constant 0 : i32
        %dma_start3A_57 = tpu.memref_slice %arg4[%run_scoped3A_48, %dma_start3A_56] : memref<8x125xi32, #tpu.memory_space<vmem>> -> memref<1x125xi32, #tpu.memory_space<vmem>>
        %dma_start3A_58 = tpu.memref_squeeze %dma_start3A_57 : memref<1x125xi32, #tpu.memory_space<vmem>> -> memref<125xi32, #tpu.memory_space<vmem>>
        %dma_start3A_59 = arith.constant 0 : i32
        %dma_start3A_60 = arith.constant 0 : i32
        %dma_start3A_61 = tpu.memref_slice %arg7[%dma_start3A_59, %dma_start3A_60] : memref<10240x128xf32, #tpu.memory_space<vmem_shared>> -> memref<10240x128xf32, #tpu.memory_space<vmem_shared>>
        tpu.enqueue_indirect_dma source(%dma_start3A_55 : memref<125x128xf32, #tpu.memory_space<vmem>>) target(%dma_start3A_61 : memref<10240x128xf32, #tpu.memory_space<vmem_shared>>) offsets(%dma_start3A_58 : memref<125xi32, #tpu.memory_space<vmem>>) semaphore(%run_scoped3A_53 : memref<!tpu.dma_semaphore, #tpu.memory_space<semaphore_mem>>) {add = true}
        %dma_wait3A = arith.constant 0 : i32
        %dma_wait3A_62 = arith.constant 0 : i32
        %dma_wait3A_63 = tpu.memref_slice %arg6[%dma_wait3A, %dma_wait3A_62] : memref<128x128xf32, #tpu.memory_space<vmem>> -> memref<125x128xf32, #tpu.memory_space<vmem>>
        %dma_wait3A_64 = arith.constant 0 : i32
        %dma_wait3A_65 = tpu.memref_slice %arg4[%run_scoped3A_48, %dma_wait3A_64] : memref<8x125xi32, #tpu.memory_space<vmem>> -> memref<1x125xi32, #tpu.memory_space<vmem>>
        %dma_wait3A_66 = tpu.memref_squeeze %dma_wait3A_65 : memref<1x125xi32, #tpu.memory_space<vmem>> -> memref<125xi32, #tpu.memory_space<vmem>>
        %dma_wait3A_67 = arith.constant 0 : i32
        %dma_wait3A_68 = arith.constant 0 : i32
        %dma_wait3A_69 = tpu.memref_slice %arg7[%dma_wait3A_67, %dma_wait3A_68] : memref<10240x128xf32, #tpu.memory_space<vmem_shared>> -> memref<10240x128xf32, #tpu.memory_space<vmem_shared>>
        tpu.wait_indirect_dma semaphore(%run_scoped3A_53 : memref<!tpu.dma_semaphore, #tpu.memory_space<semaphore_mem>>) src(%dma_wait3A_63 : memref<125x128xf32, #tpu.memory_space<vmem>>) dst(%dma_wait3A_69 : memref<10240x128xf32, #tpu.memory_space<vmem_shared>>)
        tpu.yield
      }) : () -> ()
      %run_scoped3A_49 = arith.constant 4 : i32
      "tpu.region"() ({
        %run_scoped3A_53 = tpu.sem_alloc : memref<!tpu.dma_semaphore, #tpu.memory_space<semaphore_mem>>
        %dma_start3A = arith.constant 0 : i32
        %dma_start3A_54 = arith.constant 0 : i32
        %dma_start3A_55 = tpu.memref_slice %arg6[%dma_start3A, %dma_start3A_54] : memref<128x128xf32, #tpu.memory_space<vmem>> -> memref<125x128xf32, #tpu.memory_space<vmem>>
        %dma_start3A_56 = arith.constant 0 : i32
        %dma_start3A_57 = tpu.memref_slice %arg4[%run_scoped3A_49, %dma_start3A_56] : memref<8x125xi32, #tpu.memory_space<vmem>> -> memref<1x125xi32, #tpu.memory_space<vmem>>
        %dma_start3A_58 = tpu.memref_squeeze %dma_start3A_57 : memref<1x125xi32, #tpu.memory_space<vmem>> -> memref<125xi32, #tpu.memory_space<vmem>>
        %dma_start3A_59 = arith.constant 0 : i32
        %dma_start3A_60 = arith.constant 0 : i32
        %dma_start3A_61 = tpu.memref_slice %arg7[%dma_start3A_59, %dma_start3A_60] : memref<10240x128xf32, #tpu.memory_space<vmem_shared>> -> memref<10240x128xf32, #tpu.memory_space<vmem_shared>>
        tpu.enqueue_indirect_dma source(%dma_start3A_55 : memref<125x128xf32, #tpu.memory_space<vmem>>) target(%dma_start3A_61 : memref<10240x128xf32, #tpu.memory_space<vmem_shared>>) offsets(%dma_start3A_58 : memref<125xi32, #tpu.memory_space<vmem>>) semaphore(%run_scoped3A_53 : memref<!tpu.dma_semaphore, #tpu.memory_space<semaphore_mem>>) {add = true}
        %dma_wait3A = arith.constant 0 : i32
        %dma_wait3A_62 = arith.constant 0 : i32
        %dma_wait3A_63 = tpu.memref_slice %arg6[%dma_wait3A, %dma_wait3A_62] : memref<128x128xf32, #tpu.memory_space<vmem>> -> memref<125x128xf32, #tpu.memory_space<vmem>>
        %dma_wait3A_64 = arith.constant 0 : i32
        %dma_wait3A_65 = tpu.memref_slice %arg4[%run_scoped3A_49, %dma_wait3A_64] : memref<8x125xi32, #tpu.memory_space<vmem>> -> memref<1x125xi32, #tpu.memory_space<vmem>>
        %dma_wait3A_66 = tpu.memref_squeeze %dma_wait3A_65 : memref<1x125xi32, #tpu.memory_space<vmem>> -> memref<125xi32, #tpu.memory_space<vmem>>
        %dma_wait3A_67 = arith.constant 0 : i32
        %dma_wait3A_68 = arith.constant 0 : i32
        %dma_wait3A_69 = tpu.memref_slice %arg7[%dma_wait3A_67, %dma_wait3A_68] : memref<10240x128xf32, #tpu.memory_space<vmem_shared>> -> memref<10240x128xf32, #tpu.memory_space<vmem_shared>>
        tpu.wait_indirect_dma semaphore(%run_scoped3A_53 : memref<!tpu.dma_semaphore, #tpu.memory_space<semaphore_mem>>) src(%dma_wait3A_63 : memref<125x128xf32, #tpu.memory_space<vmem>>) dst(%dma_wait3A_69 : memref<10240x128xf32, #tpu.memory_space<vmem_shared>>)
        tpu.yield
      }) : () -> ()
      %run_scoped3A_50 = arith.constant 5 : i32
      "tpu.region"() ({
        %run_scoped3A_53 = tpu.sem_alloc : memref<!tpu.dma_semaphore, #tpu.memory_space<semaphore_mem>>
        %dma_start3A = arith.constant 0 : i32
        %dma_start3A_54 = arith.constant 0 : i32
        %dma_start3A_55 = tpu.memref_slice %arg6[%dma_start3A, %dma_start3A_54] : memref<128x128xf32, #tpu.memory_space<vmem>> -> memref<125x128xf32, #tpu.memory_space<vmem>>
        %dma_start3A_56 = arith.constant 0 : i32
        %dma_start3A_57 = tpu.memref_slice %arg4[%run_scoped3A_50, %dma_start3A_56] : memref<8x125xi32, #tpu.memory_space<vmem>> -> memref<1x125xi32, #tpu.memory_space<vmem>>
        %dma_start3A_58 = tpu.memref_squeeze %dma_start3A_57 : memref<1x125xi32, #tpu.memory_space<vmem>> -> memref<125xi32, #tpu.memory_space<vmem>>
        %dma_start3A_59 = arith.constant 0 : i32
        %dma_start3A_60 = arith.constant 0 : i32
        %dma_start3A_61 = tpu.memref_slice %arg7[%dma_start3A_59, %dma_start3A_60] : memref<10240x128xf32, #tpu.memory_space<vmem_shared>> -> memref<10240x128xf32, #tpu.memory_space<vmem_shared>>
        tpu.enqueue_indirect_dma source(%dma_start3A_55 : memref<125x128xf32, #tpu.memory_space<vmem>>) target(%dma_start3A_61 : memref<10240x128xf32, #tpu.memory_space<vmem_shared>>) offsets(%dma_start3A_58 : memref<125xi32, #tpu.memory_space<vmem>>) semaphore(%run_scoped3A_53 : memref<!tpu.dma_semaphore, #tpu.memory_space<semaphore_mem>>) {add = true}
        %dma_wait3A = arith.constant 0 : i32
        %dma_wait3A_62 = arith.constant 0 : i32
        %dma_wait3A_63 = tpu.memref_slice %arg6[%dma_wait3A, %dma_wait3A_62] : memref<128x128xf32, #tpu.memory_space<vmem>> -> memref<125x128xf32, #tpu.memory_space<vmem>>
        %dma_wait3A_64 = arith.constant 0 : i32
        %dma_wait3A_65 = tpu.memref_slice %arg4[%run_scoped3A_50, %dma_wait3A_64] : memref<8x125xi32, #tpu.memory_space<vmem>> -> memref<1x125xi32, #tpu.memory_space<vmem>>
        %dma_wait3A_66 = tpu.memref_squeeze %dma_wait3A_65 : memref<1x125xi32, #tpu.memory_space<vmem>> -> memref<125xi32, #tpu.memory_space<vmem>>
        %dma_wait3A_67 = arith.constant 0 : i32
        %dma_wait3A_68 = arith.constant 0 : i32
        %dma_wait3A_69 = tpu.memref_slice %arg7[%dma_wait3A_67, %dma_wait3A_68] : memref<10240x128xf32, #tpu.memory_space<vmem_shared>> -> memref<10240x128xf32, #tpu.memory_space<vmem_shared>>
        tpu.wait_indirect_dma semaphore(%run_scoped3A_53 : memref<!tpu.dma_semaphore, #tpu.memory_space<semaphore_mem>>) src(%dma_wait3A_63 : memref<125x128xf32, #tpu.memory_space<vmem>>) dst(%dma_wait3A_69 : memref<10240x128xf32, #tpu.memory_space<vmem_shared>>)
        tpu.yield
      }) : () -> ()
      %run_scoped3A_51 = arith.constant 6 : i32
      "tpu.region"() ({
        %run_scoped3A_53 = tpu.sem_alloc : memref<!tpu.dma_semaphore, #tpu.memory_space<semaphore_mem>>
        %dma_start3A = arith.constant 0 : i32
        %dma_start3A_54 = arith.constant 0 : i32
        %dma_start3A_55 = tpu.memref_slice %arg6[%dma_start3A, %dma_start3A_54] : memref<128x128xf32, #tpu.memory_space<vmem>> -> memref<125x128xf32, #tpu.memory_space<vmem>>
        %dma_start3A_56 = arith.constant 0 : i32
        %dma_start3A_57 = tpu.memref_slice %arg4[%run_scoped3A_51, %dma_start3A_56] : memref<8x125xi32, #tpu.memory_space<vmem>> -> memref<1x125xi32, #tpu.memory_space<vmem>>
        %dma_start3A_58 = tpu.memref_squeeze %dma_start3A_57 : memref<1x125xi32, #tpu.memory_space<vmem>> -> memref<125xi32, #tpu.memory_space<vmem>>
        %dma_start3A_59 = arith.constant 0 : i32
        %dma_start3A_60 = arith.constant 0 : i32
        %dma_start3A_61 = tpu.memref_slice %arg7[%dma_start3A_59, %dma_start3A_60] : memref<10240x128xf32, #tpu.memory_space<vmem_shared>> -> memref<10240x128xf32, #tpu.memory_space<vmem_shared>>
        tpu.enqueue_indirect_dma source(%dma_start3A_55 : memref<125x128xf32, #tpu.memory_space<vmem>>) target(%dma_start3A_61 : memref<10240x128xf32, #tpu.memory_space<vmem_shared>>) offsets(%dma_start3A_58 : memref<125xi32, #tpu.memory_space<vmem>>) semaphore(%run_scoped3A_53 : memref<!tpu.dma_semaphore, #tpu.memory_space<semaphore_mem>>) {add = true}
        %dma_wait3A = arith.constant 0 : i32
        %dma_wait3A_62 = arith.constant 0 : i32
        %dma_wait3A_63 = tpu.memref_slice %arg6[%dma_wait3A, %dma_wait3A_62] : memref<128x128xf32, #tpu.memory_space<vmem>> -> memref<125x128xf32, #tpu.memory_space<vmem>>
        %dma_wait3A_64 = arith.constant 0 : i32
        %dma_wait3A_65 = tpu.memref_slice %arg4[%run_scoped3A_51, %dma_wait3A_64] : memref<8x125xi32, #tpu.memory_space<vmem>> -> memref<1x125xi32, #tpu.memory_space<vmem>>
        %dma_wait3A_66 = tpu.memref_squeeze %dma_wait3A_65 : memref<1x125xi32, #tpu.memory_space<vmem>> -> memref<125xi32, #tpu.memory_space<vmem>>
        %dma_wait3A_67 = arith.constant 0 : i32
        %dma_wait3A_68 = arith.constant 0 : i32
        %dma_wait3A_69 = tpu.memref_slice %arg7[%dma_wait3A_67, %dma_wait3A_68] : memref<10240x128xf32, #tpu.memory_space<vmem_shared>> -> memref<10240x128xf32, #tpu.memory_space<vmem_shared>>
        tpu.wait_indirect_dma semaphore(%run_scoped3A_53 : memref<!tpu.dma_semaphore, #tpu.memory_space<semaphore_mem>>) src(%dma_wait3A_63 : memref<125x128xf32, #tpu.memory_space<vmem>>) dst(%dma_wait3A_69 : memref<10240x128xf32, #tpu.memory_space<vmem_shared>>)
        tpu.yield
      }) : () -> ()
      %run_scoped3A_52 = arith.constant 7 : i32
      "tpu.region"() ({
        %run_scoped3A_53 = tpu.sem_alloc : memref<!tpu.dma_semaphore, #tpu.memory_space<semaphore_mem>>
        %dma_start3A = arith.constant 0 : i32
        %dma_start3A_54 = arith.constant 0 : i32
        %dma_start3A_55 = tpu.memref_slice %arg6[%dma_start3A, %dma_start3A_54] : memref<128x128xf32, #tpu.memory_space<vmem>> -> memref<125x128xf32, #tpu.memory_space<vmem>>
        %dma_start3A_56 = arith.constant 0 : i32
        %dma_start3A_57 = tpu.memref_slice %arg4[%run_scoped3A_52, %dma_start3A_56] : memref<8x125xi32, #tpu.memory_space<vmem>> -> memref<1x125xi32, #tpu.memory_space<vmem>>
        %dma_start3A_58 = tpu.memref_squeeze %dma_start3A_57 : memref<1x125xi32, #tpu.memory_space<vmem>> -> memref<125xi32, #tpu.memory_space<vmem>>
        %dma_start3A_59 = arith.constant 0 : i32
        %dma_start3A_60 = arith.constant 0 : i32
        %dma_start3A_61 = tpu.memref_slice %arg7[%dma_start3A_59, %dma_start3A_60] : memref<10240x128xf32, #tpu.memory_space<vmem_shared>> -> memref<10240x128xf32, #tpu.memory_space<vmem_shared>>
        tpu.enqueue_indirect_dma source(%dma_start3A_55 : memref<125x128xf32, #tpu.memory_space<vmem>>) target(%dma_start3A_61 : memref<10240x128xf32, #tpu.memory_space<vmem_shared>>) offsets(%dma_start3A_58 : memref<125xi32, #tpu.memory_space<vmem>>) semaphore(%run_scoped3A_53 : memref<!tpu.dma_semaphore, #tpu.memory_space<semaphore_mem>>) {add = true}
        %dma_wait3A = arith.constant 0 : i32
        %dma_wait3A_62 = arith.constant 0 : i32
        %dma_wait3A_63 = tpu.memref_slice %arg6[%dma_wait3A, %dma_wait3A_62] : memref<128x128xf32, #tpu.memory_space<vmem>> -> memref<125x128xf32, #tpu.memory_space<vmem>>
        %dma_wait3A_64 = arith.constant 0 : i32
        %dma_wait3A_65 = tpu.memref_slice %arg4[%run_scoped3A_52, %dma_wait3A_64] : memref<8x125xi32, #tpu.memory_space<vmem>> -> memref<1x125xi32, #tpu.memory_space<vmem>>
        %dma_wait3A_66 = tpu.memref_squeeze %dma_wait3A_65 : memref<1x125xi32, #tpu.memory_space<vmem>> -> memref<125xi32, #tpu.memory_space<vmem>>
        %dma_wait3A_67 = arith.constant 0 : i32
        %dma_wait3A_68 = arith.constant 0 : i32
        %dma_wait3A_69 = tpu.memref_slice %arg7[%dma_wait3A_67, %dma_wait3A_68] : memref<10240x128xf32, #tpu.memory_space<vmem_shared>> -> memref<10240x128xf32, #tpu.memory_space<vmem_shared>>
        tpu.wait_indirect_dma semaphore(%run_scoped3A_53 : memref<!tpu.dma_semaphore, #tpu.memory_space<semaphore_mem>>) src(%dma_wait3A_63 : memref<125x128xf32, #tpu.memory_space<vmem>>) dst(%dma_wait3A_69 : memref<10240x128xf32, #tpu.memory_space<vmem_shared>>)
        tpu.yield
      }) : () -> ()
    }
    %scan3A_33 = arith.constant 10 : i32
    %barrier3A_34 = arith.constant 0 : index
    tpu.barrier barrier_id(%barrier3A_34)
    %mul3A_35 = arith.constant 640 : i32
    %mul3A_36 = arith.muli %arg1, %mul3A_35 : i32
    %mul3A_37 = arith.constant 10240 : i32
    %mul3A_38 = arith.muli %arg0, %mul3A_37 : i32
    %mul3A_39 = arith.constant 640 : i32
    %mul3A_40 = arith.muli %arg1, %mul3A_39 : i32
    %add3A_41 = arith.addi %mul3A_38, %mul3A_40 : i32
    "tpu.region"() ({
      %run_scoped3A = tpu.sem_alloc : memref<!tpu.dma_semaphore, #tpu.memory_space<semaphore_mem>>
      %dma_start3A = arith.constant 0 : i32
      %dma_start3A_42 = tpu.memref_slice %arg3[%add3A_41, %dma_start3A] : memref<20480x128xf32, #tpu.memory_space<hbm>> -> memref<640x128xf32, #tpu.memory_space<hbm>>
      %dma_start3A_43 = arith.constant 0 : i32
      %dma_start3A_44 = tpu.memref_slice %arg7[%mul3A_36, %dma_start3A_43] : memref<10240x128xf32, #tpu.memory_space<vmem_shared>> -> memref<640x128xf32, #tpu.memory_space<vmem_shared>>
      tpu.enqueue_dma source(%dma_start3A_44 : memref<640x128xf32, #tpu.memory_space<vmem_shared>>) target(%dma_start3A_42 : memref<640x128xf32, #tpu.memory_space<hbm>>) target_semaphore(%run_scoped3A : memref<!tpu.dma_semaphore, #tpu.memory_space<semaphore_mem>>)
      %dma_wait3A = arith.constant 0 : i32
      %dma_wait3A_45 = tpu.memref_slice %arg3[%add3A_41, %dma_wait3A] : memref<20480x128xf32, #tpu.memory_space<hbm>> -> memref<640x128xf32, #tpu.memory_space<hbm>>
      %dma_wait3A_46 = arith.constant 0 : i32
      %dma_wait3A_47 = tpu.memref_slice %arg7[%mul3A_36, %dma_wait3A_46] : memref<10240x128xf32, #tpu.memory_space<vmem_shared>> -> memref<640x128xf32, #tpu.memory_space<vmem_shared>>
      tpu.wait_dma2 semaphore(%run_scoped3A : memref<!tpu.dma_semaphore, #tpu.memory_space<semaphore_mem>>) src(%dma_wait3A_47 : memref<640x128xf32, #tpu.memory_space<vmem_shared>>) dst(%dma_wait3A_45 : memref<640x128xf32, #tpu.memory_space<hbm>>)
      tpu.yield
    }) : () -> ()
    return
  }
}

#map = affine_map<(d0, d1) -> (0, 0)>
module attributes {stable_mosaic.version = 14 : i64} {
  func.func @_aggA_body(%arg0: i32, %arg1: i32, %arg2: memref<10000x128xf32, #tpu.memory_space<hbm>>, %arg3: memref<2560x125xi32, #tpu.memory_space<hbm>>, %arg4: memref<2560x125xi32, #tpu.memory_space<hbm>>, %arg5: memref<20480x128xf32, #tpu.memory_space<hbm>>, %arg6: memref<8x125xi32, #tpu.memory_space<vmem>>, %arg7: memref<8x125xi32, #tpu.memory_space<vmem>>, %arg8: memref<128x128xf32, #tpu.memory_space<vmem>>, %arg9: memref<128x128xf32, #tpu.memory_space<vmem>>, %arg10: memref<10240x128xf32, #tpu.memory_space<vmem_shared>>, %arg11: memref<!tpu.dma_semaphore, #tpu.memory_space<semaphore_mem>>, %arg12: memref<!tpu.dma_semaphore, #tpu.memory_space<semaphore_mem>>) attributes {dimension_semantics = [#tpu.dimension_semantics<core_parallel>, #tpu.dimension_semantics<subcore_parallel>], iteration_bounds = array<i64: 2, 16>, scalar_prefetch = 0 : i64, scratch_operands = 7 : i64, tpu.core_type = #tpu.core_type<sc_vector_subcore>, window_params = [{transform_indices = #map}, {transform_indices = #map}, {transform_indices = #map}, {transform_indices = #map}]} {
    %scan3A = arith.constant 0 : i32
    %scan3A_0 = arith.constant 0 : i32
    %scan3A_1 = arith.constant 128 : i32
    %scan3A_2 = arith.addi %scan3A_0, %scan3A_1 : i32
    %scan3A_3 = arith.constant 1 : i32
    scf.for %scan3A_42 = %scan3A_0 to %scan3A_2 step %scan3A_3  : i32 {
      %broadcast_in_dim3A = arith.constant 0.000000e+00 : f32
      %broadcast_in_dim3A_43 = vector.broadcast %broadcast_in_dim3A : f32 to vector<16xf32>
      %swap3A = arith.index_cast %scan3A_42 : i32 to index
      %swap3A_44 = arith.constant 0 : index
      %swap3A_45 = tpu.vector_load %arg8[%swap3A, %swap3A_44] {strides = array<i32>} : memref<128x128xf32, #tpu.memory_space<vmem>>, vector<1x16xf32>,
      %swap3A_46 = vector.shape_cast %swap3A_45 : vector<1x16xf32> to vector<16xf32>
      %swap3A_47 = vector.shape_cast %broadcast_in_dim3A_43 : vector<16xf32> to vector<1x16xf32>
      tpu.vector_store %arg8[%swap3A, %swap3A_44], %swap3A_47 {strides = array<i32>} : memref<128x128xf32, #tpu.memory_space<vmem>>, vector<1x16xf32>,
      %broadcast_in_dim3A_48 = arith.constant 0.000000e+00 : f32
      %broadcast_in_dim3A_49 = vector.broadcast %broadcast_in_dim3A_48 : f32 to vector<16xf32>
      %swap3A_50 = arith.index_cast %scan3A_42 : i32 to index
      %swap3A_51 = arith.constant 16 : index
      %swap3A_52 = tpu.vector_load %arg8[%swap3A_50, %swap3A_51] {strides = array<i32>} : memref<128x128xf32, #tpu.memory_space<vmem>>, vector<1x16xf32>,
      %swap3A_53 = vector.shape_cast %swap3A_52 : vector<1x16xf32> to vector<16xf32>
      %swap3A_54 = vector.shape_cast %broadcast_in_dim3A_49 : vector<16xf32> to vector<1x16xf32>
      tpu.vector_store %arg8[%swap3A_50, %swap3A_51], %swap3A_54 {strides = array<i32>} : memref<128x128xf32, #tpu.memory_space<vmem>>, vector<1x16xf32>,
      %broadcast_in_dim3A_55 = arith.constant 0.000000e+00 : f32
      %broadcast_in_dim3A_56 = vector.broadcast %broadcast_in_dim3A_55 : f32 to vector<16xf32>
      %swap3A_57 = arith.index_cast %scan3A_42 : i32 to index
      %swap3A_58 = arith.constant 32 : index
      %swap3A_59 = tpu.vector_load %arg8[%swap3A_57, %swap3A_58] {strides = array<i32>} : memref<128x128xf32, #tpu.memory_space<vmem>>, vector<1x16xf32>,
      %swap3A_60 = vector.shape_cast %swap3A_59 : vector<1x16xf32> to vector<16xf32>
      %swap3A_61 = vector.shape_cast %broadcast_in_dim3A_56 : vector<16xf32> to vector<1x16xf32>
      tpu.vector_store %arg8[%swap3A_57, %swap3A_58], %swap3A_61 {strides = array<i32>} : memref<128x128xf32, #tpu.memory_space<vmem>>, vector<1x16xf32>,
      %broadcast_in_dim3A_62 = arith.constant 0.000000e+00 : f32
      %broadcast_in_dim3A_63 = vector.broadcast %broadcast_in_dim3A_62 : f32 to vector<16xf32>
      %swap3A_64 = arith.index_cast %scan3A_42 : i32 to index
      %swap3A_65 = arith.constant 48 : index
      %swap3A_66 = tpu.vector_load %arg8[%swap3A_64, %swap3A_65] {strides = array<i32>} : memref<128x128xf32, #tpu.memory_space<vmem>>, vector<1x16xf32>,
      %swap3A_67 = vector.shape_cast %swap3A_66 : vector<1x16xf32> to vector<16xf32>
      %swap3A_68 = vector.shape_cast %broadcast_in_dim3A_63 : vector<16xf32> to vector<1x16xf32>
      tpu.vector_store %arg8[%swap3A_64, %swap3A_65], %swap3A_68 {strides = array<i32>} : memref<128x128xf32, #tpu.memory_space<vmem>>, vector<1x16xf32>,
      %broadcast_in_dim3A_69 = arith.constant 0.000000e+00 : f32
      %broadcast_in_dim3A_70 = vector.broadcast %broadcast_in_dim3A_69 : f32 to vector<16xf32>
      %swap3A_71 = arith.index_cast %scan3A_42 : i32 to index
      %swap3A_72 = arith.constant 64 : index
      %swap3A_73 = tpu.vector_load %arg8[%swap3A_71, %swap3A_72] {strides = array<i32>} : memref<128x128xf32, #tpu.memory_space<vmem>>, vector<1x16xf32>,
      %swap3A_74 = vector.shape_cast %swap3A_73 : vector<1x16xf32> to vector<16xf32>
      %swap3A_75 = vector.shape_cast %broadcast_in_dim3A_70 : vector<16xf32> to vector<1x16xf32>
      tpu.vector_store %arg8[%swap3A_71, %swap3A_72], %swap3A_75 {strides = array<i32>} : memref<128x128xf32, #tpu.memory_space<vmem>>, vector<1x16xf32>,
      %broadcast_in_dim3A_76 = arith.constant 0.000000e+00 : f32
      %broadcast_in_dim3A_77 = vector.broadcast %broadcast_in_dim3A_76 : f32 to vector<16xf32>
      %swap3A_78 = arith.index_cast %scan3A_42 : i32 to index
      %swap3A_79 = arith.constant 80 : index
      %swap3A_80 = tpu.vector_load %arg8[%swap3A_78, %swap3A_79] {strides = array<i32>} : memref<128x128xf32, #tpu.memory_space<vmem>>, vector<1x16xf32>,
      %swap3A_81 = vector.shape_cast %swap3A_80 : vector<1x16xf32> to vector<16xf32>
      %swap3A_82 = vector.shape_cast %broadcast_in_dim3A_77 : vector<16xf32> to vector<1x16xf32>
      tpu.vector_store %arg8[%swap3A_78, %swap3A_79], %swap3A_82 {strides = array<i32>} : memref<128x128xf32, #tpu.memory_space<vmem>>, vector<1x16xf32>,
      %broadcast_in_dim3A_83 = arith.constant 0.000000e+00 : f32
      %broadcast_in_dim3A_84 = vector.broadcast %broadcast_in_dim3A_83 : f32 to vector<16xf32>
      %swap3A_85 = arith.index_cast %scan3A_42 : i32 to index
      %swap3A_86 = arith.constant 96 : index
      %swap3A_87 = tpu.vector_load %arg8[%swap3A_85, %swap3A_86] {strides = array<i32>} : memref<128x128xf32, #tpu.memory_space<vmem>>, vector<1x16xf32>,
      %swap3A_88 = vector.shape_cast %swap3A_87 : vector<1x16xf32> to vector<16xf32>
      %swap3A_89 = vector.shape_cast %broadcast_in_dim3A_84 : vector<16xf32> to vector<1x16xf32>
      tpu.vector_store %arg8[%swap3A_85, %swap3A_86], %swap3A_89 {strides = array<i32>} : memref<128x128xf32, #tpu.memory_space<vmem>>, vector<1x16xf32>,
      %broadcast_in_dim3A_90 = arith.constant 0.000000e+00 : f32
      %broadcast_in_dim3A_91 = vector.broadcast %broadcast_in_dim3A_90 : f32 to vector<16xf32>
      %swap3A_92 = arith.index_cast %scan3A_42 : i32 to index
      %swap3A_93 = arith.constant 112 : index
      %swap3A_94 = tpu.vector_load %arg8[%swap3A_92, %swap3A_93] {strides = array<i32>} : memref<128x128xf32, #tpu.memory_space<vmem>>, vector<1x16xf32>,
      %swap3A_95 = vector.shape_cast %swap3A_94 : vector<1x16xf32> to vector<16xf32>
      %swap3A_96 = vector.shape_cast %broadcast_in_dim3A_91 : vector<16xf32> to vector<1x16xf32>
      tpu.vector_store %arg8[%swap3A_92, %swap3A_93], %swap3A_96 {strides = array<i32>} : memref<128x128xf32, #tpu.memory_space<vmem>>, vector<1x16xf32>,
    }
    %scan3A_4 = arith.constant 128 : i32
    %mul3A = arith.constant 640 : i32
    %mul3A_5 = arith.muli %arg1, %mul3A : i32
    %add3A = arith.constant 0 : i32
    %add3A_6 = arith.addi %mul3A_5, %add3A : i32
    "tpu.region"() ({
      %run_scoped3A = tpu.sem_alloc : memref<!tpu.dma_semaphore, #tpu.memory_space<semaphore_mem>>
      %dma_start3A = arith.constant 0 : i32
      %dma_start3A_42 = tpu.memref_slice %arg10[%add3A_6, %dma_start3A] : memref<10240x128xf32, #tpu.memory_space<vmem_shared>> -> memref<128x128xf32, #tpu.memory_space<vmem_shared>>
      %dma_start3A_43 = arith.constant 0 : i32
      %dma_start3A_44 = tpu.memref_slice %arg10[%add3A_6, %dma_start3A_43] : memref<10240x128xf32, #tpu.memory_space<vmem_shared>> -> memref<128x128xf32, #tpu.memory_space<vmem_shared>>
      tpu.enqueue_dma source(%arg8 : memref<128x128xf32, #tpu.memory_space<vmem>>) target(%dma_start3A_44 : memref<128x128xf32, #tpu.memory_space<vmem_shared>>) target_semaphore(%run_scoped3A : memref<!tpu.dma_semaphore, #tpu.memory_space<semaphore_mem>>)
      %dma_wait3A = arith.constant 0 : i32
      %dma_wait3A_45 = tpu.memref_slice %arg10[%add3A_6, %dma_wait3A] : memref<10240x128xf32, #tpu.memory_space<vmem_shared>> -> memref<128x128xf32, #tpu.memory_space<vmem_shared>>
      %dma_wait3A_46 = arith.constant 0 : i32
      %dma_wait3A_47 = tpu.memref_slice %arg10[%add3A_6, %dma_wait3A_46] : memref<10240x128xf32, #tpu.memory_space<vmem_shared>> -> memref<128x128xf32, #tpu.memory_space<vmem_shared>>
      tpu.wait_dma2 semaphore(%run_scoped3A : memref<!tpu.dma_semaphore, #tpu.memory_space<semaphore_mem>>) src(%arg8 : memref<128x128xf32, #tpu.memory_space<vmem>>) dst(%dma_wait3A_47 : memref<128x128xf32, #tpu.memory_space<vmem_shared>>)
      tpu.yield
    }) : () -> ()
    %mul3A_7 = arith.constant 640 : i32
    %mul3A_8 = arith.muli %arg1, %mul3A_7 : i32
    %add3A_9 = arith.constant 128 : i32
    %add3A_10 = arith.addi %mul3A_8, %add3A_9 : i32
    "tpu.region"() ({
      %run_scoped3A = tpu.sem_alloc : memref<!tpu.dma_semaphore, #tpu.memory_space<semaphore_mem>>
      %dma_start3A = arith.constant 0 : i32
      %dma_start3A_42 = tpu.memref_slice %arg10[%add3A_10, %dma_start3A] : memref<10240x128xf32, #tpu.memory_space<vmem_shared>> -> memref<128x128xf32, #tpu.memory_space<vmem_shared>>
      %dma_start3A_43 = arith.constant 0 : i32
      %dma_start3A_44 = tpu.memref_slice %arg10[%add3A_10, %dma_start3A_43] : memref<10240x128xf32, #tpu.memory_space<vmem_shared>> -> memref<128x128xf32, #tpu.memory_space<vmem_shared>>
      tpu.enqueue_dma source(%arg8 : memref<128x128xf32, #tpu.memory_space<vmem>>) target(%dma_start3A_44 : memref<128x128xf32, #tpu.memory_space<vmem_shared>>) target_semaphore(%run_scoped3A : memref<!tpu.dma_semaphore, #tpu.memory_space<semaphore_mem>>)
      %dma_wait3A = arith.constant 0 : i32
      %dma_wait3A_45 = tpu.memref_slice %arg10[%add3A_10, %dma_wait3A] : memref<10240x128xf32, #tpu.memory_space<vmem_shared>> -> memref<128x128xf32, #tpu.memory_space<vmem_shared>>
      %dma_wait3A_46 = arith.constant 0 : i32
      %dma_wait3A_47 = tpu.memref_slice %arg10[%add3A_10, %dma_wait3A_46] : memref<10240x128xf32, #tpu.memory_space<vmem_shared>> -> memref<128x128xf32, #tpu.memory_space<vmem_shared>>
      tpu.wait_dma2 semaphore(%run_scoped3A : memref<!tpu.dma_semaphore, #tpu.memory_space<semaphore_mem>>) src(%arg8 : memref<128x128xf32, #tpu.memory_space<vmem>>) dst(%dma_wait3A_47 : memref<128x128xf32, #tpu.memory_space<vmem_shared>>)
      tpu.yield
    }) : () -> ()
    %mul3A_11 = arith.constant 640 : i32
    %mul3A_12 = arith.muli %arg1, %mul3A_11 : i32
    %add3A_13 = arith.constant 256 : i32
    %add3A_14 = arith.addi %mul3A_12, %add3A_13 : i32
    "tpu.region"() ({
      %run_scoped3A = tpu.sem_alloc : memref<!tpu.dma_semaphore, #tpu.memory_space<semaphore_mem>>
      %dma_start3A = arith.constant 0 : i32
      %dma_start3A_42 = tpu.memref_slice %arg10[%add3A_14, %dma_start3A] : memref<10240x128xf32, #tpu.memory_space<vmem_shared>> -> memref<128x128xf32, #tpu.memory_space<vmem_shared>>
      %dma_start3A_43 = arith.constant 0 : i32
      %dma_start3A_44 = tpu.memref_slice %arg10[%add3A_14, %dma_start3A_43] : memref<10240x128xf32, #tpu.memory_space<vmem_shared>> -> memref<128x128xf32, #tpu.memory_space<vmem_shared>>
      tpu.enqueue_dma source(%arg8 : memref<128x128xf32, #tpu.memory_space<vmem>>) target(%dma_start3A_44 : memref<128x128xf32, #tpu.memory_space<vmem_shared>>) target_semaphore(%run_scoped3A : memref<!tpu.dma_semaphore, #tpu.memory_space<semaphore_mem>>)
      %dma_wait3A = arith.constant 0 : i32
      %dma_wait3A_45 = tpu.memref_slice %arg10[%add3A_14, %dma_wait3A] : memref<10240x128xf32, #tpu.memory_space<vmem_shared>> -> memref<128x128xf32, #tpu.memory_space<vmem_shared>>
      %dma_wait3A_46 = arith.constant 0 : i32
      %dma_wait3A_47 = tpu.memref_slice %arg10[%add3A_14, %dma_wait3A_46] : memref<10240x128xf32, #tpu.memory_space<vmem_shared>> -> memref<128x128xf32, #tpu.memory_space<vmem_shared>>
      tpu.wait_dma2 semaphore(%run_scoped3A : memref<!tpu.dma_semaphore, #tpu.memory_space<semaphore_mem>>) src(%arg8 : memref<128x128xf32, #tpu.memory_space<vmem>>) dst(%dma_wait3A_47 : memref<128x128xf32, #tpu.memory_space<vmem_shared>>)
      tpu.yield
    }) : () -> ()
    %mul3A_15 = arith.constant 640 : i32
    %mul3A_16 = arith.muli %arg1, %mul3A_15 : i32
    %add3A_17 = arith.constant 384 : i32
    %add3A_18 = arith.addi %mul3A_16, %add3A_17 : i32
    "tpu.region"() ({
      %run_scoped3A = tpu.sem_alloc : memref<!tpu.dma_semaphore, #tpu.memory_space<semaphore_mem>>
      %dma_start3A = arith.constant 0 : i32
      %dma_start3A_42 = tpu.memref_slice %arg10[%add3A_18, %dma_start3A] : memref<10240x128xf32, #tpu.memory_space<vmem_shared>> -> memref<128x128xf32, #tpu.memory_space<vmem_shared>>
      %dma_start3A_43 = arith.constant 0 : i32
      %dma_start3A_44 = tpu.memref_slice %arg10[%add3A_18, %dma_start3A_43] : memref<10240x128xf32, #tpu.memory_space<vmem_shared>> -> memref<128x128xf32, #tpu.memory_space<vmem_shared>>
      tpu.enqueue_dma source(%arg8 : memref<128x128xf32, #tpu.memory_space<vmem>>) target(%dma_start3A_44 : memref<128x128xf32, #tpu.memory_space<vmem_shared>>) target_semaphore(%run_scoped3A : memref<!tpu.dma_semaphore, #tpu.memory_space<semaphore_mem>>)
      %dma_wait3A = arith.constant 0 : i32
      %dma_wait3A_45 = tpu.memref_slice %arg10[%add3A_18, %dma_wait3A] : memref<10240x128xf32, #tpu.memory_space<vmem_shared>> -> memref<128x128xf32, #tpu.memory_space<vmem_shared>>
      %dma_wait3A_46 = arith.constant 0 : i32
      %dma_wait3A_47 = tpu.memref_slice %arg10[%add3A_18, %dma_wait3A_46] : memref<10240x128xf32, #tpu.memory_space<vmem_shared>> -> memref<128x128xf32, #tpu.memory_space<vmem_shared>>
      tpu.wait_dma2 semaphore(%run_scoped3A : memref<!tpu.dma_semaphore, #tpu.memory_space<semaphore_mem>>) src(%arg8 : memref<128x128xf32, #tpu.memory_space<vmem>>) dst(%dma_wait3A_47 : memref<128x128xf32, #tpu.memory_space<vmem_shared>>)
      tpu.yield
    }) : () -> ()
    %mul3A_19 = arith.constant 640 : i32
    %mul3A_20 = arith.muli %arg1, %mul3A_19 : i32
    %add3A_21 = arith.constant 512 : i32
    %add3A_22 = arith.addi %mul3A_20, %add3A_21 : i32
    "tpu.region"() ({
      %run_scoped3A = tpu.sem_alloc : memref<!tpu.dma_semaphore, #tpu.memory_space<semaphore_mem>>
      %dma_start3A = arith.constant 0 : i32
      %dma_start3A_42 = tpu.memref_slice %arg10[%add3A_22, %dma_start3A] : memref<10240x128xf32, #tpu.memory_space<vmem_shared>> -> memref<128x128xf32, #tpu.memory_space<vmem_shared>>
      %dma_start3A_43 = arith.constant 0 : i32
      %dma_start3A_44 = tpu.memref_slice %arg10[%add3A_22, %dma_start3A_43] : memref<10240x128xf32, #tpu.memory_space<vmem_shared>> -> memref<128x128xf32, #tpu.memory_space<vmem_shared>>
      tpu.enqueue_dma source(%arg8 : memref<128x128xf32, #tpu.memory_space<vmem>>) target(%dma_start3A_44 : memref<128x128xf32, #tpu.memory_space<vmem_shared>>) target_semaphore(%run_scoped3A : memref<!tpu.dma_semaphore, #tpu.memory_space<semaphore_mem>>)
      %dma_wait3A = arith.constant 0 : i32
      %dma_wait3A_45 = tpu.memref_slice %arg10[%add3A_22, %dma_wait3A] : memref<10240x128xf32, #tpu.memory_space<vmem_shared>> -> memref<128x128xf32, #tpu.memory_space<vmem_shared>>
      %dma_wait3A_46 = arith.constant 0 : i32
      %dma_wait3A_47 = tpu.memref_slice %arg10[%add3A_22, %dma_wait3A_46] : memref<10240x128xf32, #tpu.memory_space<vmem_shared>> -> memref<128x128xf32, #tpu.memory_space<vmem_shared>>
      tpu.wait_dma2 semaphore(%run_scoped3A : memref<!tpu.dma_semaphore, #tpu.memory_space<semaphore_mem>>) src(%arg8 : memref<128x128xf32, #tpu.memory_space<vmem>>) dst(%dma_wait3A_47 : memref<128x128xf32, #tpu.memory_space<vmem_shared>>)
      tpu.yield
    }) : () -> ()
    %barrier3A = arith.constant 0 : index
    tpu.barrier barrier_id(%barrier3A)
    %mul3A_23 = arith.constant 1280 : i32
    %mul3A_24 = arith.muli %arg0, %mul3A_23 : i32
    %mul3A_25 = arith.constant 80 : i32
    %mul3A_26 = arith.muli %arg1, %mul3A_25 : i32
    %add3A_27 = arith.addi %mul3A_24, %mul3A_26 : i32
    %scan3A_28 = arith.constant 0 : i32
    %scan3A_29 = arith.constant 0 : i32
    %scan3A_30 = arith.constant 10 : i32
    %scan3A_31 = arith.addi %scan3A_29, %scan3A_30 : i32
    %scan3A_32 = arith.constant 1 : i32
    scf.for %scan3A_42 = %scan3A_29 to %scan3A_31 step %scan3A_32  : i32 {
      %mul3A_43 = arith.constant 8 : i32
      %mul3A_44 = arith.muli %scan3A_42, %mul3A_43 : i32
      %add3A_45 = arith.addi %add3A_27, %mul3A_44 : i32
      "tpu.region"() ({
        %run_scoped3A_214 = tpu.sem_alloc : memref<!tpu.dma_semaphore, #tpu.memory_space<semaphore_mem>>
        %dma_start3A_215 = arith.constant 0 : i32
        %dma_start3A_216 = tpu.memref_slice %arg3[%add3A_45, %dma_start3A_215] : memref<2560x125xi32, #tpu.memory_space<hbm>> -> memref<8x125xi32, #tpu.memory_space<hbm>>
        %dma_start3A_217 = arith.constant 0 : i32
        %dma_start3A_218 = tpu.memref_slice %arg3[%add3A_45, %dma_start3A_217] : memref<2560x125xi32, #tpu.memory_space<hbm>> -> memref<8x125xi32, #tpu.memory_space<hbm>>
        tpu.enqueue_dma source(%dma_start3A_218 : memref<8x125xi32, #tpu.memory_space<hbm>>) target(%arg6 : memref<8x125xi32, #tpu.memory_space<vmem>>) target_semaphore(%run_scoped3A_214 : memref<!tpu.dma_semaphore, #tpu.memory_space<semaphore_mem>>)
        %dma_wait3A_219 = arith.constant 0 : i32
        %dma_wait3A_220 = tpu.memref_slice %arg3[%add3A_45, %dma_wait3A_219] : memref<2560x125xi32, #tpu.memory_space<hbm>> -> memref<8x125xi32, #tpu.memory_space<hbm>>
        %dma_wait3A_221 = arith.constant 0 : i32
        %dma_wait3A_222 = tpu.memref_slice %arg3[%add3A_45, %dma_wait3A_221] : memref<2560x125xi32, #tpu.memory_space<hbm>> -> memref<8x125xi32, #tpu.memory_space<hbm>>
        tpu.wait_dma2 semaphore(%run_scoped3A_214 : memref<!tpu.dma_semaphore, #tpu.memory_space<semaphore_mem>>) src(%dma_wait3A_222 : memref<8x125xi32, #tpu.memory_space<hbm>>) dst(%arg6 : memref<8x125xi32, #tpu.memory_space<vmem>>)
        tpu.yield
      }) : () -> ()
      %mul3A_46 = arith.constant 8 : i32
      %mul3A_47 = arith.muli %scan3A_42, %mul3A_46 : i32
      %add3A_48 = arith.addi %add3A_27, %mul3A_47 : i32
      "tpu.region"() ({
        %run_scoped3A_214 = tpu.sem_alloc : memref<!tpu.dma_semaphore, #tpu.memory_space<semaphore_mem>>
        %dma_start3A_215 = arith.constant 0 : i32
        %dma_start3A_216 = tpu.memref_slice %arg4[%add3A_48, %dma_start3A_215] : memref<2560x125xi32, #tpu.memory_space<hbm>> -> memref<8x125xi32, #tpu.memory_space<hbm>>
        %dma_start3A_217 = arith.constant 0 : i32
        %dma_start3A_218 = tpu.memref_slice %arg4[%add3A_48, %dma_start3A_217] : memref<2560x125xi32, #tpu.memory_space<hbm>> -> memref<8x125xi32, #tpu.memory_space<hbm>>
        tpu.enqueue_dma source(%dma_start3A_218 : memref<8x125xi32, #tpu.memory_space<hbm>>) target(%arg7 : memref<8x125xi32, #tpu.memory_space<vmem>>) target_semaphore(%run_scoped3A_214 : memref<!tpu.dma_semaphore, #tpu.memory_space<semaphore_mem>>)
        %dma_wait3A_219 = arith.constant 0 : i32
        %dma_wait3A_220 = tpu.memref_slice %arg4[%add3A_48, %dma_wait3A_219] : memref<2560x125xi32, #tpu.memory_space<hbm>> -> memref<8x125xi32, #tpu.memory_space<hbm>>
        %dma_wait3A_221 = arith.constant 0 : i32
        %dma_wait3A_222 = tpu.memref_slice %arg4[%add3A_48, %dma_wait3A_221] : memref<2560x125xi32, #tpu.memory_space<hbm>> -> memref<8x125xi32, #tpu.memory_space<hbm>>
        tpu.wait_dma2 semaphore(%run_scoped3A_214 : memref<!tpu.dma_semaphore, #tpu.memory_space<semaphore_mem>>) src(%dma_wait3A_222 : memref<8x125xi32, #tpu.memory_space<hbm>>) dst(%arg7 : memref<8x125xi32, #tpu.memory_space<vmem>>)
        tpu.yield
      }) : () -> ()
      %dma_start3A = arith.constant 0 : i32
      %dma_start3A_49 = arith.constant 0 : i32
      %dma_start3A_50 = arith.constant 0 : i32
      %dma_start3A_51 = tpu.memref_slice %arg8[%dma_start3A_49, %dma_start3A_50] : memref<128x128xf32, #tpu.memory_space<vmem>> -> memref<125x128xf32, #tpu.memory_space<vmem>>
      %dma_start3A_52 = arith.constant 0 : i32
      %dma_start3A_53 = tpu.memref_slice %arg6[%dma_start3A, %dma_start3A_52] : memref<8x125xi32, #tpu.memory_space<vmem>> -> memref<1x125xi32, #tpu.memory_space<vmem>>
      %dma_start3A_54 = tpu.memref_squeeze %dma_start3A_53 : memref<1x125xi32, #tpu.memory_space<vmem>> -> memref<125xi32, #tpu.memory_space<vmem>>
      %dma_start3A_55 = arith.constant 0 : i32
      %dma_start3A_56 = arith.constant 0 : i32
      %dma_start3A_57 = tpu.memref_slice %arg2[%dma_start3A_55, %dma_start3A_56] : memref<10000x128xf32, #tpu.memory_space<hbm>> -> memref<10000x128xf32, #tpu.memory_space<hbm>>
      tpu.enqueue_indirect_dma source(%dma_start3A_57 : memref<10000x128xf32, #tpu.memory_space<hbm>>) target(%dma_start3A_51 : memref<125x128xf32, #tpu.memory_space<vmem>>) offsets(%dma_start3A_54 : memref<125xi32, #tpu.memory_space<vmem>>) semaphore(%arg11 : memref<!tpu.dma_semaphore, #tpu.memory_space<semaphore_mem>>)
      %dma_wait3A = arith.constant 0 : i32
      %dma_wait3A_58 = arith.constant 0 : i32
      %dma_wait3A_59 = arith.constant 0 : i32
      %dma_wait3A_60 = tpu.memref_slice %arg8[%dma_wait3A_58, %dma_wait3A_59] : memref<128x128xf32, #tpu.memory_space<vmem>> -> memref<125x128xf32, #tpu.memory_space<vmem>>
      %dma_wait3A_61 = arith.constant 0 : i32
      %dma_wait3A_62 = tpu.memref_slice %arg6[%dma_wait3A, %dma_wait3A_61] : memref<8x125xi32, #tpu.memory_space<vmem>> -> memref<1x125xi32, #tpu.memory_space<vmem>>
      %dma_wait3A_63 = tpu.memref_squeeze %dma_wait3A_62 : memref<1x125xi32, #tpu.memory_space<vmem>> -> memref<125xi32, #tpu.memory_space<vmem>>
      %dma_wait3A_64 = arith.constant 0 : i32
      %dma_wait3A_65 = arith.constant 0 : i32
      %dma_wait3A_66 = tpu.memref_slice %arg2[%dma_wait3A_64, %dma_wait3A_65] : memref<10000x128xf32, #tpu.memory_space<hbm>> -> memref<10000x128xf32, #tpu.memory_space<hbm>>
      tpu.wait_indirect_dma semaphore(%arg11 : memref<!tpu.dma_semaphore, #tpu.memory_space<semaphore_mem>>) src(%dma_wait3A_66 : memref<10000x128xf32, #tpu.memory_space<hbm>>) dst(%dma_wait3A_60 : memref<125x128xf32, #tpu.memory_space<vmem>>)
      %dma_start3A_67 = arith.constant 1 : i32
      %dma_start3A_68 = arith.constant 0 : i32
      %dma_start3A_69 = arith.constant 0 : i32
      %dma_start3A_70 = tpu.memref_slice %arg9[%dma_start3A_68, %dma_start3A_69] : memref<128x128xf32, #tpu.memory_space<vmem>> -> memref<125x128xf32, #tpu.memory_space<vmem>>
      %dma_start3A_71 = arith.constant 0 : i32
      %dma_start3A_72 = tpu.memref_slice %arg6[%dma_start3A_67, %dma_start3A_71] : memref<8x125xi32, #tpu.memory_space<vmem>> -> memref<1x125xi32, #tpu.memory_space<vmem>>
      %dma_start3A_73 = tpu.memref_squeeze %dma_start3A_72 : memref<1x125xi32, #tpu.memory_space<vmem>> -> memref<125xi32, #tpu.memory_space<vmem>>
      %dma_start3A_74 = arith.constant 0 : i32
      %dma_start3A_75 = arith.constant 0 : i32
      %dma_start3A_76 = tpu.memref_slice %arg2[%dma_start3A_74, %dma_start3A_75] : memref<10000x128xf32, #tpu.memory_space<hbm>> -> memref<10000x128xf32, #tpu.memory_space<hbm>>
      tpu.enqueue_indirect_dma source(%dma_start3A_76 : memref<10000x128xf32, #tpu.memory_space<hbm>>) target(%dma_start3A_70 : memref<125x128xf32, #tpu.memory_space<vmem>>) offsets(%dma_start3A_73 : memref<125xi32, #tpu.memory_space<vmem>>) semaphore(%arg12 : memref<!tpu.dma_semaphore, #tpu.memory_space<semaphore_mem>>)
      %run_scoped3A = arith.constant 0 : i32
      "tpu.region"() ({
        %run_scoped3A_214 = tpu.sem_alloc : memref<!tpu.dma_semaphore, #tpu.memory_space<semaphore_mem>>
        %dma_start3A_215 = arith.constant 0 : i32
        %dma_start3A_216 = arith.constant 0 : i32
        %dma_start3A_217 = tpu.memref_slice %arg8[%dma_start3A_215, %dma_start3A_216] : memref<128x128xf32, #tpu.memory_space<vmem>> -> memref<125x128xf32, #tpu.memory_space<vmem>>
        %dma_start3A_218 = arith.constant 0 : i32
        %dma_start3A_219 = tpu.memref_slice %arg7[%run_scoped3A, %dma_start3A_218] : memref<8x125xi32, #tpu.memory_space<vmem>> -> memref<1x125xi32, #tpu.memory_space<vmem>>
        %dma_start3A_220 = tpu.memref_squeeze %dma_start3A_219 : memref<1x125xi32, #tpu.memory_space<vmem>> -> memref<125xi32, #tpu.memory_space<vmem>>
        %dma_start3A_221 = arith.constant 0 : i32
        %dma_start3A_222 = arith.constant 0 : i32
        %dma_start3A_223 = tpu.memref_slice %arg10[%dma_start3A_221, %dma_start3A_222] : memref<10240x128xf32, #tpu.memory_space<vmem_shared>> -> memref<10240x128xf32, #tpu.memory_space<vmem_shared>>
        tpu.enqueue_indirect_dma source(%dma_start3A_217 : memref<125x128xf32, #tpu.memory_space<vmem>>) target(%dma_start3A_223 : memref<10240x128xf32, #tpu.memory_space<vmem_shared>>) offsets(%dma_start3A_220 : memref<125xi32, #tpu.memory_space<vmem>>) semaphore(%run_scoped3A_214 : memref<!tpu.dma_semaphore, #tpu.memory_space<semaphore_mem>>) {add = true}
        %dma_wait3A_224 = arith.constant 0 : i32
        %dma_wait3A_225 = arith.constant 0 : i32
        %dma_wait3A_226 = tpu.memref_slice %arg8[%dma_wait3A_224, %dma_wait3A_225] : memref<128x128xf32, #tpu.memory_space<vmem>> -> memref<125x128xf32, #tpu.memory_space<vmem>>
        %dma_wait3A_227 = arith.constant 0 : i32
        %dma_wait3A_228 = tpu.memref_slice %arg7[%run_scoped3A, %dma_wait3A_227] : memref<8x125xi32, #tpu.memory_space<vmem>> -> memref<1x125xi32, #tpu.memory_space<vmem>>
        %dma_wait3A_229 = tpu.memref_squeeze %dma_wait3A_228 : memref<1x125xi32, #tpu.memory_space<vmem>> -> memref<125xi32, #tpu.memory_space<vmem>>
        %dma_wait3A_230 = arith.constant 0 : i32
        %dma_wait3A_231 = arith.constant 0 : i32
        %dma_wait3A_232 = tpu.memref_slice %arg10[%dma_wait3A_230, %dma_wait3A_231] : memref<10240x128xf32, #tpu.memory_space<vmem_shared>> -> memref<10240x128xf32, #tpu.memory_space<vmem_shared>>
        tpu.wait_indirect_dma semaphore(%run_scoped3A_214 : memref<!tpu.dma_semaphore, #tpu.memory_space<semaphore_mem>>) src(%dma_wait3A_226 : memref<125x128xf32, #tpu.memory_space<vmem>>) dst(%dma_wait3A_232 : memref<10240x128xf32, #tpu.memory_space<vmem_shared>>)
        tpu.yield
      }) : () -> ()
      %dma_wait3A_77 = arith.constant 1 : i32
      %dma_wait3A_78 = arith.constant 0 : i32
      %dma_wait3A_79 = arith.constant 0 : i32
      %dma_wait3A_80 = tpu.memref_slice %arg9[%dma_wait3A_78, %dma_wait3A_79] : memref<128x128xf32, #tpu.memory_space<vmem>> -> memref<125x128xf32, #tpu.memory_space<vmem>>
      %dma_wait3A_81 = arith.constant 0 : i32
      %dma_wait3A_82 = tpu.memref_slice %arg6[%dma_wait3A_77, %dma_wait3A_81] : memref<8x125xi32, #tpu.memory_space<vmem>> -> memref<1x125xi32, #tpu.memory_space<vmem>>
      %dma_wait3A_83 = tpu.memref_squeeze %dma_wait3A_82 : memref<1x125xi32, #tpu.memory_space<vmem>> -> memref<125xi32, #tpu.memory_space<vmem>>
      %dma_wait3A_84 = arith.constant 0 : i32
      %dma_wait3A_85 = arith.constant 0 : i32
      %dma_wait3A_86 = tpu.memref_slice %arg2[%dma_wait3A_84, %dma_wait3A_85] : memref<10000x128xf32, #tpu.memory_space<hbm>> -> memref<10000x128xf32, #tpu.memory_space<hbm>>
      tpu.wait_indirect_dma semaphore(%arg12 : memref<!tpu.dma_semaphore, #tpu.memory_space<semaphore_mem>>) src(%dma_wait3A_86 : memref<10000x128xf32, #tpu.memory_space<hbm>>) dst(%dma_wait3A_80 : memref<125x128xf32, #tpu.memory_space<vmem>>)
      %dma_start3A_87 = arith.constant 2 : i32
      %dma_start3A_88 = arith.constant 0 : i32
      %dma_start3A_89 = arith.constant 0 : i32
      %dma_start3A_90 = tpu.memref_slice %arg8[%dma_start3A_88, %dma_start3A_89] : memref<128x128xf32, #tpu.memory_space<vmem>> -> memref<125x128xf32, #tpu.memory_space<vmem>>
      %dma_start3A_91 = arith.constant 0 : i32
      %dma_start3A_92 = tpu.memref_slice %arg6[%dma_start3A_87, %dma_start3A_91] : memref<8x125xi32, #tpu.memory_space<vmem>> -> memref<1x125xi32, #tpu.memory_space<vmem>>
      %dma_start3A_93 = tpu.memref_squeeze %dma_start3A_92 : memref<1x125xi32, #tpu.memory_space<vmem>> -> memref<125xi32, #tpu.memory_space<vmem>>
      %dma_start3A_94 = arith.constant 0 : i32
      %dma_start3A_95 = arith.constant 0 : i32
      %dma_start3A_96 = tpu.memref_slice %arg2[%dma_start3A_94, %dma_start3A_95] : memref<10000x128xf32, #tpu.memory_space<hbm>> -> memref<10000x128xf32, #tpu.memory_space<hbm>>
      tpu.enqueue_indirect_dma source(%dma_start3A_96 : memref<10000x128xf32, #tpu.memory_space<hbm>>) target(%dma_start3A_90 : memref<125x128xf32, #tpu.memory_space<vmem>>) offsets(%dma_start3A_93 : memref<125xi32, #tpu.memory_space<vmem>>) semaphore(%arg11 : memref<!tpu.dma_semaphore, #tpu.memory_space<semaphore_mem>>)
      %run_scoped3A_97 = arith.constant 1 : i32
      "tpu.region"() ({
        %run_scoped3A_214 = tpu.sem_alloc : memref<!tpu.dma_semaphore, #tpu.memory_space<semaphore_mem>>
        %dma_start3A_215 = arith.constant 0 : i32
        %dma_start3A_216 = arith.constant 0 : i32
        %dma_start3A_217 = tpu.memref_slice %arg9[%dma_start3A_215, %dma_start3A_216] : memref<128x128xf32, #tpu.memory_space<vmem>> -> memref<125x128xf32, #tpu.memory_space<vmem>>
        %dma_start3A_218 = arith.constant 0 : i32
        %dma_start3A_219 = tpu.memref_slice %arg7[%run_scoped3A_97, %dma_start3A_218] : memref<8x125xi32, #tpu.memory_space<vmem>> -> memref<1x125xi32, #tpu.memory_space<vmem>>
        %dma_start3A_220 = tpu.memref_squeeze %dma_start3A_219 : memref<1x125xi32, #tpu.memory_space<vmem>> -> memref<125xi32, #tpu.memory_space<vmem>>
        %dma_start3A_221 = arith.constant 0 : i32
        %dma_start3A_222 = arith.constant 0 : i32
        %dma_start3A_223 = tpu.memref_slice %arg10[%dma_start3A_221, %dma_start3A_222] : memref<10240x128xf32, #tpu.memory_space<vmem_shared>> -> memref<10240x128xf32, #tpu.memory_space<vmem_shared>>
        tpu.enqueue_indirect_dma source(%dma_start3A_217 : memref<125x128xf32, #tpu.memory_space<vmem>>) target(%dma_start3A_223 : memref<10240x128xf32, #tpu.memory_space<vmem_shared>>) offsets(%dma_start3A_220 : memref<125xi32, #tpu.memory_space<vmem>>) semaphore(%run_scoped3A_214 : memref<!tpu.dma_semaphore, #tpu.memory_space<semaphore_mem>>) {add = true}
        %dma_wait3A_224 = arith.constant 0 : i32
        %dma_wait3A_225 = arith.constant 0 : i32
        %dma_wait3A_226 = tpu.memref_slice %arg9[%dma_wait3A_224, %dma_wait3A_225] : memref<128x128xf32, #tpu.memory_space<vmem>> -> memref<125x128xf32, #tpu.memory_space<vmem>>
        %dma_wait3A_227 = arith.constant 0 : i32
        %dma_wait3A_228 = tpu.memref_slice %arg7[%run_scoped3A_97, %dma_wait3A_227] : memref<8x125xi32, #tpu.memory_space<vmem>> -> memref<1x125xi32, #tpu.memory_space<vmem>>
        %dma_wait3A_229 = tpu.memref_squeeze %dma_wait3A_228 : memref<1x125xi32, #tpu.memory_space<vmem>> -> memref<125xi32, #tpu.memory_space<vmem>>
        %dma_wait3A_230 = arith.constant 0 : i32
        %dma_wait3A_231 = arith.constant 0 : i32
        %dma_wait3A_232 = tpu.memref_slice %arg10[%dma_wait3A_230, %dma_wait3A_231] : memref<10240x128xf32, #tpu.memory_space<vmem_shared>> -> memref<10240x128xf32, #tpu.memory_space<vmem_shared>>
        tpu.wait_indirect_dma semaphore(%run_scoped3A_214 : memref<!tpu.dma_semaphore, #tpu.memory_space<semaphore_mem>>) src(%dma_wait3A_226 : memref<125x128xf32, #tpu.memory_space<vmem>>) dst(%dma_wait3A_232 : memref<10240x128xf32, #tpu.memory_space<vmem_shared>>)
        tpu.yield
      }) : () -> ()
      %dma_wait3A_98 = arith.constant 2 : i32
      %dma_wait3A_99 = arith.constant 0 : i32
      %dma_wait3A_100 = arith.constant 0 : i32
      %dma_wait3A_101 = tpu.memref_slice %arg8[%dma_wait3A_99, %dma_wait3A_100] : memref<128x128xf32, #tpu.memory_space<vmem>> -> memref<125x128xf32, #tpu.memory_space<vmem>>
      %dma_wait3A_102 = arith.constant 0 : i32
      %dma_wait3A_103 = tpu.memref_slice %arg6[%dma_wait3A_98, %dma_wait3A_102] : memref<8x125xi32, #tpu.memory_space<vmem>> -> memref<1x125xi32, #tpu.memory_space<vmem>>
      %dma_wait3A_104 = tpu.memref_squeeze %dma_wait3A_103 : memref<1x125xi32, #tpu.memory_space<vmem>> -> memref<125xi32, #tpu.memory_space<vmem>>
      %dma_wait3A_105 = arith.constant 0 : i32
      %dma_wait3A_106 = arith.constant 0 : i32
      %dma_wait3A_107 = tpu.memref_slice %arg2[%dma_wait3A_105, %dma_wait3A_106] : memref<10000x128xf32, #tpu.memory_space<hbm>> -> memref<10000x128xf32, #tpu.memory_space<hbm>>
      tpu.wait_indirect_dma semaphore(%arg11 : memref<!tpu.dma_semaphore, #tpu.memory_space<semaphore_mem>>) src(%dma_wait3A_107 : memref<10000x128xf32, #tpu.memory_space<hbm>>) dst(%dma_wait3A_101 : memref<125x128xf32, #tpu.memory_space<vmem>>)
      %dma_start3A_108 = arith.constant 3 : i32
      %dma_start3A_109 = arith.constant 0 : i32
      %dma_start3A_110 = arith.constant 0 : i32
      %dma_start3A_111 = tpu.memref_slice %arg9[%dma_start3A_109, %dma_start3A_110] : memref<128x128xf32, #tpu.memory_space<vmem>> -> memref<125x128xf32, #tpu.memory_space<vmem>>
      %dma_start3A_112 = arith.constant 0 : i32
      %dma_start3A_113 = tpu.memref_slice %arg6[%dma_start3A_108, %dma_start3A_112] : memref<8x125xi32, #tpu.memory_space<vmem>> -> memref<1x125xi32, #tpu.memory_space<vmem>>
      %dma_start3A_114 = tpu.memref_squeeze %dma_start3A_113 : memref<1x125xi32, #tpu.memory_space<vmem>> -> memref<125xi32, #tpu.memory_space<vmem>>
      %dma_start3A_115 = arith.constant 0 : i32
      %dma_start3A_116 = arith.constant 0 : i32
      %dma_start3A_117 = tpu.memref_slice %arg2[%dma_start3A_115, %dma_start3A_116] : memref<10000x128xf32, #tpu.memory_space<hbm>> -> memref<10000x128xf32, #tpu.memory_space<hbm>>
      tpu.enqueue_indirect_dma source(%dma_start3A_117 : memref<10000x128xf32, #tpu.memory_space<hbm>>) target(%dma_start3A_111 : memref<125x128xf32, #tpu.memory_space<vmem>>) offsets(%dma_start3A_114 : memref<125xi32, #tpu.memory_space<vmem>>) semaphore(%arg12 : memref<!tpu.dma_semaphore, #tpu.memory_space<semaphore_mem>>)
      %run_scoped3A_118 = arith.constant 2 : i32
      "tpu.region"() ({
        %run_scoped3A_214 = tpu.sem_alloc : memref<!tpu.dma_semaphore, #tpu.memory_space<semaphore_mem>>
        %dma_start3A_215 = arith.constant 0 : i32
        %dma_start3A_216 = arith.constant 0 : i32
        %dma_start3A_217 = tpu.memref_slice %arg8[%dma_start3A_215, %dma_start3A_216] : memref<128x128xf32, #tpu.memory_space<vmem>> -> memref<125x128xf32, #tpu.memory_space<vmem>>
        %dma_start3A_218 = arith.constant 0 : i32
        %dma_start3A_219 = tpu.memref_slice %arg7[%run_scoped3A_118, %dma_start3A_218] : memref<8x125xi32, #tpu.memory_space<vmem>> -> memref<1x125xi32, #tpu.memory_space<vmem>>
        %dma_start3A_220 = tpu.memref_squeeze %dma_start3A_219 : memref<1x125xi32, #tpu.memory_space<vmem>> -> memref<125xi32, #tpu.memory_space<vmem>>
        %dma_start3A_221 = arith.constant 0 : i32
        %dma_start3A_222 = arith.constant 0 : i32
        %dma_start3A_223 = tpu.memref_slice %arg10[%dma_start3A_221, %dma_start3A_222] : memref<10240x128xf32, #tpu.memory_space<vmem_shared>> -> memref<10240x128xf32, #tpu.memory_space<vmem_shared>>
        tpu.enqueue_indirect_dma source(%dma_start3A_217 : memref<125x128xf32, #tpu.memory_space<vmem>>) target(%dma_start3A_223 : memref<10240x128xf32, #tpu.memory_space<vmem_shared>>) offsets(%dma_start3A_220 : memref<125xi32, #tpu.memory_space<vmem>>) semaphore(%run_scoped3A_214 : memref<!tpu.dma_semaphore, #tpu.memory_space<semaphore_mem>>) {add = true}
        %dma_wait3A_224 = arith.constant 0 : i32
        %dma_wait3A_225 = arith.constant 0 : i32
        %dma_wait3A_226 = tpu.memref_slice %arg8[%dma_wait3A_224, %dma_wait3A_225] : memref<128x128xf32, #tpu.memory_space<vmem>> -> memref<125x128xf32, #tpu.memory_space<vmem>>
        %dma_wait3A_227 = arith.constant 0 : i32
        %dma_wait3A_228 = tpu.memref_slice %arg7[%run_scoped3A_118, %dma_wait3A_227] : memref<8x125xi32, #tpu.memory_space<vmem>> -> memref<1x125xi32, #tpu.memory_space<vmem>>
        %dma_wait3A_229 = tpu.memref_squeeze %dma_wait3A_228 : memref<1x125xi32, #tpu.memory_space<vmem>> -> memref<125xi32, #tpu.memory_space<vmem>>
        %dma_wait3A_230 = arith.constant 0 : i32
        %dma_wait3A_231 = arith.constant 0 : i32
        %dma_wait3A_232 = tpu.memref_slice %arg10[%dma_wait3A_230, %dma_wait3A_231] : memref<10240x128xf32, #tpu.memory_space<vmem_shared>> -> memref<10240x128xf32, #tpu.memory_space<vmem_shared>>
        tpu.wait_indirect_dma semaphore(%run_scoped3A_214 : memref<!tpu.dma_semaphore, #tpu.memory_space<semaphore_mem>>) src(%dma_wait3A_226 : memref<125x128xf32, #tpu.memory_space<vmem>>) dst(%dma_wait3A_232 : memref<10240x128xf32, #tpu.memory_space<vmem_shared>>)
        tpu.yield
      }) : () -> ()
      %dma_wait3A_119 = arith.constant 3 : i32
      %dma_wait3A_120 = arith.constant 0 : i32
      %dma_wait3A_121 = arith.constant 0 : i32
      %dma_wait3A_122 = tpu.memref_slice %arg9[%dma_wait3A_120, %dma_wait3A_121] : memref<128x128xf32, #tpu.memory_space<vmem>> -> memref<125x128xf32, #tpu.memory_space<vmem>>
      %dma_wait3A_123 = arith.constant 0 : i32
      %dma_wait3A_124 = tpu.memref_slice %arg6[%dma_wait3A_119, %dma_wait3A_123] : memref<8x125xi32, #tpu.memory_space<vmem>> -> memref<1x125xi32, #tpu.memory_space<vmem>>
      %dma_wait3A_125 = tpu.memref_squeeze %dma_wait3A_124 : memref<1x125xi32, #tpu.memory_space<vmem>> -> memref<125xi32, #tpu.memory_space<vmem>>
      %dma_wait3A_126 = arith.constant 0 : i32
      %dma_wait3A_127 = arith.constant 0 : i32
      %dma_wait3A_128 = tpu.memref_slice %arg2[%dma_wait3A_126, %dma_wait3A_127] : memref<10000x128xf32, #tpu.memory_space<hbm>> -> memref<10000x128xf32, #tpu.memory_space<hbm>>
      tpu.wait_indirect_dma semaphore(%arg12 : memref<!tpu.dma_semaphore, #tpu.memory_space<semaphore_mem>>) src(%dma_wait3A_128 : memref<10000x128xf32, #tpu.memory_space<hbm>>) dst(%dma_wait3A_122 : memref<125x128xf32, #tpu.memory_space<vmem>>)
      %dma_start3A_129 = arith.constant 4 : i32
      %dma_start3A_130 = arith.constant 0 : i32
      %dma_start3A_131 = arith.constant 0 : i32
      %dma_start3A_132 = tpu.memref_slice %arg8[%dma_start3A_130, %dma_start3A_131] : memref<128x128xf32, #tpu.memory_space<vmem>> -> memref<125x128xf32, #tpu.memory_space<vmem>>
      %dma_start3A_133 = arith.constant 0 : i32
      %dma_start3A_134 = tpu.memref_slice %arg6[%dma_start3A_129, %dma_start3A_133] : memref<8x125xi32, #tpu.memory_space<vmem>> -> memref<1x125xi32, #tpu.memory_space<vmem>>
      %dma_start3A_135 = tpu.memref_squeeze %dma_start3A_134 : memref<1x125xi32, #tpu.memory_space<vmem>> -> memref<125xi32, #tpu.memory_space<vmem>>
      %dma_start3A_136 = arith.constant 0 : i32
      %dma_start3A_137 = arith.constant 0 : i32
      %dma_start3A_138 = tpu.memref_slice %arg2[%dma_start3A_136, %dma_start3A_137] : memref<10000x128xf32, #tpu.memory_space<hbm>> -> memref<10000x128xf32, #tpu.memory_space<hbm>>
      tpu.enqueue_indirect_dma source(%dma_start3A_138 : memref<10000x128xf32, #tpu.memory_space<hbm>>) target(%dma_start3A_132 : memref<125x128xf32, #tpu.memory_space<vmem>>) offsets(%dma_start3A_135 : memref<125xi32, #tpu.memory_space<vmem>>) semaphore(%arg11 : memref<!tpu.dma_semaphore, #tpu.memory_space<semaphore_mem>>)
      %run_scoped3A_139 = arith.constant 3 : i32
      "tpu.region"() ({
        %run_scoped3A_214 = tpu.sem_alloc : memref<!tpu.dma_semaphore, #tpu.memory_space<semaphore_mem>>
        %dma_start3A_215 = arith.constant 0 : i32
        %dma_start3A_216 = arith.constant 0 : i32
        %dma_start3A_217 = tpu.memref_slice %arg9[%dma_start3A_215, %dma_start3A_216] : memref<128x128xf32, #tpu.memory_space<vmem>> -> memref<125x128xf32, #tpu.memory_space<vmem>>
        %dma_start3A_218 = arith.constant 0 : i32
        %dma_start3A_219 = tpu.memref_slice %arg7[%run_scoped3A_139, %dma_start3A_218] : memref<8x125xi32, #tpu.memory_space<vmem>> -> memref<1x125xi32, #tpu.memory_space<vmem>>
        %dma_start3A_220 = tpu.memref_squeeze %dma_start3A_219 : memref<1x125xi32, #tpu.memory_space<vmem>> -> memref<125xi32, #tpu.memory_space<vmem>>
        %dma_start3A_221 = arith.constant 0 : i32
        %dma_start3A_222 = arith.constant 0 : i32
        %dma_start3A_223 = tpu.memref_slice %arg10[%dma_start3A_221, %dma_start3A_222] : memref<10240x128xf32, #tpu.memory_space<vmem_shared>> -> memref<10240x128xf32, #tpu.memory_space<vmem_shared>>
        tpu.enqueue_indirect_dma source(%dma_start3A_217 : memref<125x128xf32, #tpu.memory_space<vmem>>) target(%dma_start3A_223 : memref<10240x128xf32, #tpu.memory_space<vmem_shared>>) offsets(%dma_start3A_220 : memref<125xi32, #tpu.memory_space<vmem>>) semaphore(%run_scoped3A_214 : memref<!tpu.dma_semaphore, #tpu.memory_space<semaphore_mem>>) {add = true}
        %dma_wait3A_224 = arith.constant 0 : i32
        %dma_wait3A_225 = arith.constant 0 : i32
        %dma_wait3A_226 = tpu.memref_slice %arg9[%dma_wait3A_224, %dma_wait3A_225] : memref<128x128xf32, #tpu.memory_space<vmem>> -> memref<125x128xf32, #tpu.memory_space<vmem>>
        %dma_wait3A_227 = arith.constant 0 : i32
        %dma_wait3A_228 = tpu.memref_slice %arg7[%run_scoped3A_139, %dma_wait3A_227] : memref<8x125xi32, #tpu.memory_space<vmem>> -> memref<1x125xi32, #tpu.memory_space<vmem>>
        %dma_wait3A_229 = tpu.memref_squeeze %dma_wait3A_228 : memref<1x125xi32, #tpu.memory_space<vmem>> -> memref<125xi32, #tpu.memory_space<vmem>>
        %dma_wait3A_230 = arith.constant 0 : i32
        %dma_wait3A_231 = arith.constant 0 : i32
        %dma_wait3A_232 = tpu.memref_slice %arg10[%dma_wait3A_230, %dma_wait3A_231] : memref<10240x128xf32, #tpu.memory_space<vmem_shared>> -> memref<10240x128xf32, #tpu.memory_space<vmem_shared>>
        tpu.wait_indirect_dma semaphore(%run_scoped3A_214 : memref<!tpu.dma_semaphore, #tpu.memory_space<semaphore_mem>>) src(%dma_wait3A_226 : memref<125x128xf32, #tpu.memory_space<vmem>>) dst(%dma_wait3A_232 : memref<10240x128xf32, #tpu.memory_space<vmem_shared>>)
        tpu.yield
      }) : () -> ()
      %dma_wait3A_140 = arith.constant 4 : i32
      %dma_wait3A_141 = arith.constant 0 : i32
      %dma_wait3A_142 = arith.constant 0 : i32
      %dma_wait3A_143 = tpu.memref_slice %arg8[%dma_wait3A_141, %dma_wait3A_142] : memref<128x128xf32, #tpu.memory_space<vmem>> -> memref<125x128xf32, #tpu.memory_space<vmem>>
      %dma_wait3A_144 = arith.constant 0 : i32
      %dma_wait3A_145 = tpu.memref_slice %arg6[%dma_wait3A_140, %dma_wait3A_144] : memref<8x125xi32, #tpu.memory_space<vmem>> -> memref<1x125xi32, #tpu.memory_space<vmem>>
      %dma_wait3A_146 = tpu.memref_squeeze %dma_wait3A_145 : memref<1x125xi32, #tpu.memory_space<vmem>> -> memref<125xi32, #tpu.memory_space<vmem>>
      %dma_wait3A_147 = arith.constant 0 : i32
      %dma_wait3A_148 = arith.constant 0 : i32
      %dma_wait3A_149 = tpu.memref_slice %arg2[%dma_wait3A_147, %dma_wait3A_148] : memref<10000x128xf32, #tpu.memory_space<hbm>> -> memref<10000x128xf32, #tpu.memory_space<hbm>>
      tpu.wait_indirect_dma semaphore(%arg11 : memref<!tpu.dma_semaphore, #tpu.memory_space<semaphore_mem>>) src(%dma_wait3A_149 : memref<10000x128xf32, #tpu.memory_space<hbm>>) dst(%dma_wait3A_143 : memref<125x128xf32, #tpu.memory_space<vmem>>)
      %dma_start3A_150 = arith.constant 5 : i32
      %dma_start3A_151 = arith.constant 0 : i32
      %dma_start3A_152 = arith.constant 0 : i32
      %dma_start3A_153 = tpu.memref_slice %arg9[%dma_start3A_151, %dma_start3A_152] : memref<128x128xf32, #tpu.memory_space<vmem>> -> memref<125x128xf32, #tpu.memory_space<vmem>>
      %dma_start3A_154 = arith.constant 0 : i32
      %dma_start3A_155 = tpu.memref_slice %arg6[%dma_start3A_150, %dma_start3A_154] : memref<8x125xi32, #tpu.memory_space<vmem>> -> memref<1x125xi32, #tpu.memory_space<vmem>>
      %dma_start3A_156 = tpu.memref_squeeze %dma_start3A_155 : memref<1x125xi32, #tpu.memory_space<vmem>> -> memref<125xi32, #tpu.memory_space<vmem>>
      %dma_start3A_157 = arith.constant 0 : i32
      %dma_start3A_158 = arith.constant 0 : i32
      %dma_start3A_159 = tpu.memref_slice %arg2[%dma_start3A_157, %dma_start3A_158] : memref<10000x128xf32, #tpu.memory_space<hbm>> -> memref<10000x128xf32, #tpu.memory_space<hbm>>
      tpu.enqueue_indirect_dma source(%dma_start3A_159 : memref<10000x128xf32, #tpu.memory_space<hbm>>) target(%dma_start3A_153 : memref<125x128xf32, #tpu.memory_space<vmem>>) offsets(%dma_start3A_156 : memref<125xi32, #tpu.memory_space<vmem>>) semaphore(%arg12 : memref<!tpu.dma_semaphore, #tpu.memory_space<semaphore_mem>>)
      %run_scoped3A_160 = arith.constant 4 : i32
      "tpu.region"() ({
        %run_scoped3A_214 = tpu.sem_alloc : memref<!tpu.dma_semaphore, #tpu.memory_space<semaphore_mem>>
        %dma_start3A_215 = arith.constant 0 : i32
        %dma_start3A_216 = arith.constant 0 : i32
        %dma_start3A_217 = tpu.memref_slice %arg8[%dma_start3A_215, %dma_start3A_216] : memref<128x128xf32, #tpu.memory_space<vmem>> -> memref<125x128xf32, #tpu.memory_space<vmem>>
        %dma_start3A_218 = arith.constant 0 : i32
        %dma_start3A_219 = tpu.memref_slice %arg7[%run_scoped3A_160, %dma_start3A_218] : memref<8x125xi32, #tpu.memory_space<vmem>> -> memref<1x125xi32, #tpu.memory_space<vmem>>
        %dma_start3A_220 = tpu.memref_squeeze %dma_start3A_219 : memref<1x125xi32, #tpu.memory_space<vmem>> -> memref<125xi32, #tpu.memory_space<vmem>>
        %dma_start3A_221 = arith.constant 0 : i32
        %dma_start3A_222 = arith.constant 0 : i32
        %dma_start3A_223 = tpu.memref_slice %arg10[%dma_start3A_221, %dma_start3A_222] : memref<10240x128xf32, #tpu.memory_space<vmem_shared>> -> memref<10240x128xf32, #tpu.memory_space<vmem_shared>>
        tpu.enqueue_indirect_dma source(%dma_start3A_217 : memref<125x128xf32, #tpu.memory_space<vmem>>) target(%dma_start3A_223 : memref<10240x128xf32, #tpu.memory_space<vmem_shared>>) offsets(%dma_start3A_220 : memref<125xi32, #tpu.memory_space<vmem>>) semaphore(%run_scoped3A_214 : memref<!tpu.dma_semaphore, #tpu.memory_space<semaphore_mem>>) {add = true}
        %dma_wait3A_224 = arith.constant 0 : i32
        %dma_wait3A_225 = arith.constant 0 : i32
        %dma_wait3A_226 = tpu.memref_slice %arg8[%dma_wait3A_224, %dma_wait3A_225] : memref<128x128xf32, #tpu.memory_space<vmem>> -> memref<125x128xf32, #tpu.memory_space<vmem>>
        %dma_wait3A_227 = arith.constant 0 : i32
        %dma_wait3A_228 = tpu.memref_slice %arg7[%run_scoped3A_160, %dma_wait3A_227] : memref<8x125xi32, #tpu.memory_space<vmem>> -> memref<1x125xi32, #tpu.memory_space<vmem>>
        %dma_wait3A_229 = tpu.memref_squeeze %dma_wait3A_228 : memref<1x125xi32, #tpu.memory_space<vmem>> -> memref<125xi32, #tpu.memory_space<vmem>>
        %dma_wait3A_230 = arith.constant 0 : i32
        %dma_wait3A_231 = arith.constant 0 : i32
        %dma_wait3A_232 = tpu.memref_slice %arg10[%dma_wait3A_230, %dma_wait3A_231] : memref<10240x128xf32, #tpu.memory_space<vmem_shared>> -> memref<10240x128xf32, #tpu.memory_space<vmem_shared>>
        tpu.wait_indirect_dma semaphore(%run_scoped3A_214 : memref<!tpu.dma_semaphore, #tpu.memory_space<semaphore_mem>>) src(%dma_wait3A_226 : memref<125x128xf32, #tpu.memory_space<vmem>>) dst(%dma_wait3A_232 : memref<10240x128xf32, #tpu.memory_space<vmem_shared>>)
        tpu.yield
      }) : () -> ()
      %dma_wait3A_161 = arith.constant 5 : i32
      %dma_wait3A_162 = arith.constant 0 : i32
      %dma_wait3A_163 = arith.constant 0 : i32
      %dma_wait3A_164 = tpu.memref_slice %arg9[%dma_wait3A_162, %dma_wait3A_163] : memref<128x128xf32, #tpu.memory_space<vmem>> -> memref<125x128xf32, #tpu.memory_space<vmem>>
      %dma_wait3A_165 = arith.constant 0 : i32
      %dma_wait3A_166 = tpu.memref_slice %arg6[%dma_wait3A_161, %dma_wait3A_165] : memref<8x125xi32, #tpu.memory_space<vmem>> -> memref<1x125xi32, #tpu.memory_space<vmem>>
      %dma_wait3A_167 = tpu.memref_squeeze %dma_wait3A_166 : memref<1x125xi32, #tpu.memory_space<vmem>> -> memref<125xi32, #tpu.memory_space<vmem>>
      %dma_wait3A_168 = arith.constant 0 : i32
      %dma_wait3A_169 = arith.constant 0 : i32
      %dma_wait3A_170 = tpu.memref_slice %arg2[%dma_wait3A_168, %dma_wait3A_169] : memref<10000x128xf32, #tpu.memory_space<hbm>> -> memref<10000x128xf32, #tpu.memory_space<hbm>>
      tpu.wait_indirect_dma semaphore(%arg12 : memref<!tpu.dma_semaphore, #tpu.memory_space<semaphore_mem>>) src(%dma_wait3A_170 : memref<10000x128xf32, #tpu.memory_space<hbm>>) dst(%dma_wait3A_164 : memref<125x128xf32, #tpu.memory_space<vmem>>)
      %dma_start3A_171 = arith.constant 6 : i32
      %dma_start3A_172 = arith.constant 0 : i32
      %dma_start3A_173 = arith.constant 0 : i32
      %dma_start3A_174 = tpu.memref_slice %arg8[%dma_start3A_172, %dma_start3A_173] : memref<128x128xf32, #tpu.memory_space<vmem>> -> memref<125x128xf32, #tpu.memory_space<vmem>>
      %dma_start3A_175 = arith.constant 0 : i32
      %dma_start3A_176 = tpu.memref_slice %arg6[%dma_start3A_171, %dma_start3A_175] : memref<8x125xi32, #tpu.memory_space<vmem>> -> memref<1x125xi32, #tpu.memory_space<vmem>>
      %dma_start3A_177 = tpu.memref_squeeze %dma_start3A_176 : memref<1x125xi32, #tpu.memory_space<vmem>> -> memref<125xi32, #tpu.memory_space<vmem>>
      %dma_start3A_178 = arith.constant 0 : i32
      %dma_start3A_179 = arith.constant 0 : i32
      %dma_start3A_180 = tpu.memref_slice %arg2[%dma_start3A_178, %dma_start3A_179] : memref<10000x128xf32, #tpu.memory_space<hbm>> -> memref<10000x128xf32, #tpu.memory_space<hbm>>
      tpu.enqueue_indirect_dma source(%dma_start3A_180 : memref<10000x128xf32, #tpu.memory_space<hbm>>) target(%dma_start3A_174 : memref<125x128xf32, #tpu.memory_space<vmem>>) offsets(%dma_start3A_177 : memref<125xi32, #tpu.memory_space<vmem>>) semaphore(%arg11 : memref<!tpu.dma_semaphore, #tpu.memory_space<semaphore_mem>>)
      %run_scoped3A_181 = arith.constant 5 : i32
      "tpu.region"() ({
        %run_scoped3A_214 = tpu.sem_alloc : memref<!tpu.dma_semaphore, #tpu.memory_space<semaphore_mem>>
        %dma_start3A_215 = arith.constant 0 : i32
        %dma_start3A_216 = arith.constant 0 : i32
        %dma_start3A_217 = tpu.memref_slice %arg9[%dma_start3A_215, %dma_start3A_216] : memref<128x128xf32, #tpu.memory_space<vmem>> -> memref<125x128xf32, #tpu.memory_space<vmem>>
        %dma_start3A_218 = arith.constant 0 : i32
        %dma_start3A_219 = tpu.memref_slice %arg7[%run_scoped3A_181, %dma_start3A_218] : memref<8x125xi32, #tpu.memory_space<vmem>> -> memref<1x125xi32, #tpu.memory_space<vmem>>
        %dma_start3A_220 = tpu.memref_squeeze %dma_start3A_219 : memref<1x125xi32, #tpu.memory_space<vmem>> -> memref<125xi32, #tpu.memory_space<vmem>>
        %dma_start3A_221 = arith.constant 0 : i32
        %dma_start3A_222 = arith.constant 0 : i32
        %dma_start3A_223 = tpu.memref_slice %arg10[%dma_start3A_221, %dma_start3A_222] : memref<10240x128xf32, #tpu.memory_space<vmem_shared>> -> memref<10240x128xf32, #tpu.memory_space<vmem_shared>>
        tpu.enqueue_indirect_dma source(%dma_start3A_217 : memref<125x128xf32, #tpu.memory_space<vmem>>) target(%dma_start3A_223 : memref<10240x128xf32, #tpu.memory_space<vmem_shared>>) offsets(%dma_start3A_220 : memref<125xi32, #tpu.memory_space<vmem>>) semaphore(%run_scoped3A_214 : memref<!tpu.dma_semaphore, #tpu.memory_space<semaphore_mem>>) {add = true}
        %dma_wait3A_224 = arith.constant 0 : i32
        %dma_wait3A_225 = arith.constant 0 : i32
        %dma_wait3A_226 = tpu.memref_slice %arg9[%dma_wait3A_224, %dma_wait3A_225] : memref<128x128xf32, #tpu.memory_space<vmem>> -> memref<125x128xf32, #tpu.memory_space<vmem>>
        %dma_wait3A_227 = arith.constant 0 : i32
        %dma_wait3A_228 = tpu.memref_slice %arg7[%run_scoped3A_181, %dma_wait3A_227] : memref<8x125xi32, #tpu.memory_space<vmem>> -> memref<1x125xi32, #tpu.memory_space<vmem>>
        %dma_wait3A_229 = tpu.memref_squeeze %dma_wait3A_228 : memref<1x125xi32, #tpu.memory_space<vmem>> -> memref<125xi32, #tpu.memory_space<vmem>>
        %dma_wait3A_230 = arith.constant 0 : i32
        %dma_wait3A_231 = arith.constant 0 : i32
        %dma_wait3A_232 = tpu.memref_slice %arg10[%dma_wait3A_230, %dma_wait3A_231] : memref<10240x128xf32, #tpu.memory_space<vmem_shared>> -> memref<10240x128xf32, #tpu.memory_space<vmem_shared>>
        tpu.wait_indirect_dma semaphore(%run_scoped3A_214 : memref<!tpu.dma_semaphore, #tpu.memory_space<semaphore_mem>>) src(%dma_wait3A_226 : memref<125x128xf32, #tpu.memory_space<vmem>>) dst(%dma_wait3A_232 : memref<10240x128xf32, #tpu.memory_space<vmem_shared>>)
        tpu.yield
      }) : () -> ()
      %dma_wait3A_182 = arith.constant 6 : i32
      %dma_wait3A_183 = arith.constant 0 : i32
      %dma_wait3A_184 = arith.constant 0 : i32
      %dma_wait3A_185 = tpu.memref_slice %arg8[%dma_wait3A_183, %dma_wait3A_184] : memref<128x128xf32, #tpu.memory_space<vmem>> -> memref<125x128xf32, #tpu.memory_space<vmem>>
      %dma_wait3A_186 = arith.constant 0 : i32
      %dma_wait3A_187 = tpu.memref_slice %arg6[%dma_wait3A_182, %dma_wait3A_186] : memref<8x125xi32, #tpu.memory_space<vmem>> -> memref<1x125xi32, #tpu.memory_space<vmem>>
      %dma_wait3A_188 = tpu.memref_squeeze %dma_wait3A_187 : memref<1x125xi32, #tpu.memory_space<vmem>> -> memref<125xi32, #tpu.memory_space<vmem>>
      %dma_wait3A_189 = arith.constant 0 : i32
      %dma_wait3A_190 = arith.constant 0 : i32
      %dma_wait3A_191 = tpu.memref_slice %arg2[%dma_wait3A_189, %dma_wait3A_190] : memref<10000x128xf32, #tpu.memory_space<hbm>> -> memref<10000x128xf32, #tpu.memory_space<hbm>>
      tpu.wait_indirect_dma semaphore(%arg11 : memref<!tpu.dma_semaphore, #tpu.memory_space<semaphore_mem>>) src(%dma_wait3A_191 : memref<10000x128xf32, #tpu.memory_space<hbm>>) dst(%dma_wait3A_185 : memref<125x128xf32, #tpu.memory_space<vmem>>)
      %dma_start3A_192 = arith.constant 7 : i32
      %dma_start3A_193 = arith.constant 0 : i32
      %dma_start3A_194 = arith.constant 0 : i32
      %dma_start3A_195 = tpu.memref_slice %arg9[%dma_start3A_193, %dma_start3A_194] : memref<128x128xf32, #tpu.memory_space<vmem>> -> memref<125x128xf32, #tpu.memory_space<vmem>>
      %dma_start3A_196 = arith.constant 0 : i32
      %dma_start3A_197 = tpu.memref_slice %arg6[%dma_start3A_192, %dma_start3A_196] : memref<8x125xi32, #tpu.memory_space<vmem>> -> memref<1x125xi32, #tpu.memory_space<vmem>>
      %dma_start3A_198 = tpu.memref_squeeze %dma_start3A_197 : memref<1x125xi32, #tpu.memory_space<vmem>> -> memref<125xi32, #tpu.memory_space<vmem>>
      %dma_start3A_199 = arith.constant 0 : i32
      %dma_start3A_200 = arith.constant 0 : i32
      %dma_start3A_201 = tpu.memref_slice %arg2[%dma_start3A_199, %dma_start3A_200] : memref<10000x128xf32, #tpu.memory_space<hbm>> -> memref<10000x128xf32, #tpu.memory_space<hbm>>
      tpu.enqueue_indirect_dma source(%dma_start3A_201 : memref<10000x128xf32, #tpu.memory_space<hbm>>) target(%dma_start3A_195 : memref<125x128xf32, #tpu.memory_space<vmem>>) offsets(%dma_start3A_198 : memref<125xi32, #tpu.memory_space<vmem>>) semaphore(%arg12 : memref<!tpu.dma_semaphore, #tpu.memory_space<semaphore_mem>>)
      %run_scoped3A_202 = arith.constant 6 : i32
      "tpu.region"() ({
        %run_scoped3A_214 = tpu.sem_alloc : memref<!tpu.dma_semaphore, #tpu.memory_space<semaphore_mem>>
        %dma_start3A_215 = arith.constant 0 : i32
        %dma_start3A_216 = arith.constant 0 : i32
        %dma_start3A_217 = tpu.memref_slice %arg8[%dma_start3A_215, %dma_start3A_216] : memref<128x128xf32, #tpu.memory_space<vmem>> -> memref<125x128xf32, #tpu.memory_space<vmem>>
        %dma_start3A_218 = arith.constant 0 : i32
        %dma_start3A_219 = tpu.memref_slice %arg7[%run_scoped3A_202, %dma_start3A_218] : memref<8x125xi32, #tpu.memory_space<vmem>> -> memref<1x125xi32, #tpu.memory_space<vmem>>
        %dma_start3A_220 = tpu.memref_squeeze %dma_start3A_219 : memref<1x125xi32, #tpu.memory_space<vmem>> -> memref<125xi32, #tpu.memory_space<vmem>>
        %dma_start3A_221 = arith.constant 0 : i32
        %dma_start3A_222 = arith.constant 0 : i32
        %dma_start3A_223 = tpu.memref_slice %arg10[%dma_start3A_221, %dma_start3A_222] : memref<10240x128xf32, #tpu.memory_space<vmem_shared>> -> memref<10240x128xf32, #tpu.memory_space<vmem_shared>>
        tpu.enqueue_indirect_dma source(%dma_start3A_217 : memref<125x128xf32, #tpu.memory_space<vmem>>) target(%dma_start3A_223 : memref<10240x128xf32, #tpu.memory_space<vmem_shared>>) offsets(%dma_start3A_220 : memref<125xi32, #tpu.memory_space<vmem>>) semaphore(%run_scoped3A_214 : memref<!tpu.dma_semaphore, #tpu.memory_space<semaphore_mem>>) {add = true}
        %dma_wait3A_224 = arith.constant 0 : i32
        %dma_wait3A_225 = arith.constant 0 : i32
        %dma_wait3A_226 = tpu.memref_slice %arg8[%dma_wait3A_224, %dma_wait3A_225] : memref<128x128xf32, #tpu.memory_space<vmem>> -> memref<125x128xf32, #tpu.memory_space<vmem>>
        %dma_wait3A_227 = arith.constant 0 : i32
        %dma_wait3A_228 = tpu.memref_slice %arg7[%run_scoped3A_202, %dma_wait3A_227] : memref<8x125xi32, #tpu.memory_space<vmem>> -> memref<1x125xi32, #tpu.memory_space<vmem>>
        %dma_wait3A_229 = tpu.memref_squeeze %dma_wait3A_228 : memref<1x125xi32, #tpu.memory_space<vmem>> -> memref<125xi32, #tpu.memory_space<vmem>>
        %dma_wait3A_230 = arith.constant 0 : i32
        %dma_wait3A_231 = arith.constant 0 : i32
        %dma_wait3A_232 = tpu.memref_slice %arg10[%dma_wait3A_230, %dma_wait3A_231] : memref<10240x128xf32, #tpu.memory_space<vmem_shared>> -> memref<10240x128xf32, #tpu.memory_space<vmem_shared>>
        tpu.wait_indirect_dma semaphore(%run_scoped3A_214 : memref<!tpu.dma_semaphore, #tpu.memory_space<semaphore_mem>>) src(%dma_wait3A_226 : memref<125x128xf32, #tpu.memory_space<vmem>>) dst(%dma_wait3A_232 : memref<10240x128xf32, #tpu.memory_space<vmem_shared>>)
        tpu.yield
      }) : () -> ()
      %dma_wait3A_203 = arith.constant 7 : i32
      %dma_wait3A_204 = arith.constant 0 : i32
      %dma_wait3A_205 = arith.constant 0 : i32
      %dma_wait3A_206 = tpu.memref_slice %arg9[%dma_wait3A_204, %dma_wait3A_205] : memref<128x128xf32, #tpu.memory_space<vmem>> -> memref<125x128xf32, #tpu.memory_space<vmem>>
      %dma_wait3A_207 = arith.constant 0 : i32
      %dma_wait3A_208 = tpu.memref_slice %arg6[%dma_wait3A_203, %dma_wait3A_207] : memref<8x125xi32, #tpu.memory_space<vmem>> -> memref<1x125xi32, #tpu.memory_space<vmem>>
      %dma_wait3A_209 = tpu.memref_squeeze %dma_wait3A_208 : memref<1x125xi32, #tpu.memory_space<vmem>> -> memref<125xi32, #tpu.memory_space<vmem>>
      %dma_wait3A_210 = arith.constant 0 : i32
      %dma_wait3A_211 = arith.constant 0 : i32
      %dma_wait3A_212 = tpu.memref_slice %arg2[%dma_wait3A_210, %dma_wait3A_211] : memref<10000x128xf32, #tpu.memory_space<hbm>> -> memref<10000x128xf32, #tpu.memory_space<hbm>>
      tpu.wait_indirect_dma semaphore(%arg12 : memref<!tpu.dma_semaphore, #tpu.memory_space<semaphore_mem>>) src(%dma_wait3A_212 : memref<10000x128xf32, #tpu.memory_space<hbm>>) dst(%dma_wait3A_206 : memref<125x128xf32, #tpu.memory_space<vmem>>)
      %run_scoped3A_213 = arith.constant 7 : i32
      "tpu.region"() ({
        %run_scoped3A_214 = tpu.sem_alloc : memref<!tpu.dma_semaphore, #tpu.memory_space<semaphore_mem>>
        %dma_start3A_215 = arith.constant 0 : i32
        %dma_start3A_216 = arith.constant 0 : i32
        %dma_start3A_217 = tpu.memref_slice %arg9[%dma_start3A_215, %dma_start3A_216] : memref<128x128xf32, #tpu.memory_space<vmem>> -> memref<125x128xf32, #tpu.memory_space<vmem>>
        %dma_start3A_218 = arith.constant 0 : i32
        %dma_start3A_219 = tpu.memref_slice %arg7[%run_scoped3A_213, %dma_start3A_218] : memref<8x125xi32, #tpu.memory_space<vmem>> -> memref<1x125xi32, #tpu.memory_space<vmem>>
        %dma_start3A_220 = tpu.memref_squeeze %dma_start3A_219 : memref<1x125xi32, #tpu.memory_space<vmem>> -> memref<125xi32, #tpu.memory_space<vmem>>
        %dma_start3A_221 = arith.constant 0 : i32
        %dma_start3A_222 = arith.constant 0 : i32
        %dma_start3A_223 = tpu.memref_slice %arg10[%dma_start3A_221, %dma_start3A_222] : memref<10240x128xf32, #tpu.memory_space<vmem_shared>> -> memref<10240x128xf32, #tpu.memory_space<vmem_shared>>
        tpu.enqueue_indirect_dma source(%dma_start3A_217 : memref<125x128xf32, #tpu.memory_space<vmem>>) target(%dma_start3A_223 : memref<10240x128xf32, #tpu.memory_space<vmem_shared>>) offsets(%dma_start3A_220 : memref<125xi32, #tpu.memory_space<vmem>>) semaphore(%run_scoped3A_214 : memref<!tpu.dma_semaphore, #tpu.memory_space<semaphore_mem>>) {add = true}
        %dma_wait3A_224 = arith.constant 0 : i32
        %dma_wait3A_225 = arith.constant 0 : i32
        %dma_wait3A_226 = tpu.memref_slice %arg9[%dma_wait3A_224, %dma_wait3A_225] : memref<128x128xf32, #tpu.memory_space<vmem>> -> memref<125x128xf32, #tpu.memory_space<vmem>>
        %dma_wait3A_227 = arith.constant 0 : i32
        %dma_wait3A_228 = tpu.memref_slice %arg7[%run_scoped3A_213, %dma_wait3A_227] : memref<8x125xi32, #tpu.memory_space<vmem>> -> memref<1x125xi32, #tpu.memory_space<vmem>>
        %dma_wait3A_229 = tpu.memref_squeeze %dma_wait3A_228 : memref<1x125xi32, #tpu.memory_space<vmem>> -> memref<125xi32, #tpu.memory_space<vmem>>
        %dma_wait3A_230 = arith.constant 0 : i32
        %dma_wait3A_231 = arith.constant 0 : i32
        %dma_wait3A_232 = tpu.memref_slice %arg10[%dma_wait3A_230, %dma_wait3A_231] : memref<10240x128xf32, #tpu.memory_space<vmem_shared>> -> memref<10240x128xf32, #tpu.memory_space<vmem_shared>>
        tpu.wait_indirect_dma semaphore(%run_scoped3A_214 : memref<!tpu.dma_semaphore, #tpu.memory_space<semaphore_mem>>) src(%dma_wait3A_226 : memref<125x128xf32, #tpu.memory_space<vmem>>) dst(%dma_wait3A_232 : memref<10240x128xf32, #tpu.memory_space<vmem_shared>>)
        tpu.yield
      }) : () -> ()
    }
    %scan3A_33 = arith.constant 10 : i32
    %barrier3A_34 = arith.constant 0 : index
    tpu.barrier barrier_id(%barrier3A_34)
    %mul3A_35 = arith.constant 640 : i32
    %mul3A_36 = arith.muli %arg1, %mul3A_35 : i32
    %mul3A_37 = arith.constant 10240 : i32
    %mul3A_38 = arith.muli %arg0, %mul3A_37 : i32
    %mul3A_39 = arith.constant 640 : i32
    %mul3A_40 = arith.muli %arg1, %mul3A_39 : i32
    %add3A_41 = arith.addi %mul3A_38, %mul3A_40 : i32
    "tpu.region"() ({
      %run_scoped3A = tpu.sem_alloc : memref<!tpu.dma_semaphore, #tpu.memory_space<semaphore_mem>>
      %dma_start3A = arith.constant 0 : i32
      %dma_start3A_42 = tpu.memref_slice %arg5[%add3A_41, %dma_start3A] : memref<20480x128xf32, #tpu.memory_space<hbm>> -> memref<640x128xf32, #tpu.memory_space<hbm>>
      %dma_start3A_43 = arith.constant 0 : i32
      %dma_start3A_44 = tpu.memref_slice %arg10[%mul3A_36, %dma_start3A_43] : memref<10240x128xf32, #tpu.memory_space<vmem_shared>> -> memref<640x128xf32, #tpu.memory_space<vmem_shared>>
      tpu.enqueue_dma source(%dma_start3A_44 : memref<640x128xf32, #tpu.memory_space<vmem_shared>>) target(%dma_start3A_42 : memref<640x128xf32, #tpu.memory_space<hbm>>) target_semaphore(%run_scoped3A : memref<!tpu.dma_semaphore, #tpu.memory_space<semaphore_mem>>)
      %dma_wait3A = arith.constant 0 : i32
      %dma_wait3A_45 = tpu.memref_slice %arg5[%add3A_41, %dma_wait3A] : memref<20480x128xf32, #tpu.memory_space<hbm>> -> memref<640x128xf32, #tpu.memory_space<hbm>>
      %dma_wait3A_46 = arith.constant 0 : i32
      %dma_wait3A_47 = tpu.memref_slice %arg10[%mul3A_36, %dma_wait3A_46] : memref<10240x128xf32, #tpu.memory_space<vmem_shared>> -> memref<640x128xf32, #tpu.memory_space<vmem_shared>>
      tpu.wait_dma2 semaphore(%run_scoped3A : memref<!tpu.dma_semaphore, #tpu.memory_space<semaphore_mem>>) src(%dma_wait3A_47 : memref<640x128xf32, #tpu.memory_space<vmem_shared>>) dst(%dma_wait3A_45 : memref<640x128xf32, #tpu.memory_space<hbm>>)
      tpu.yield
    }) : () -> ()
    return
  }
}

#map = affine_map<(d0, d1) -> (0, 0)>
module attributes {stable_mosaic.version = 14 : i64} {
  func.func @_aggA_body(%arg0: i32, %arg1: i32, %arg2: memref<10000x128xf32, #tpu.memory_space<hbm>>, %arg3: memref<2560x125xi32, #tpu.memory_space<hbm>>, %arg4: memref<2560x125xi32, #tpu.memory_space<hbm>>, %arg5: memref<20480x128xf32, #tpu.memory_space<hbm>>, %arg6: memref<8x125xi32, #tpu.memory_space<vmem>>, %arg7: memref<8x125xi32, #tpu.memory_space<vmem>>, %arg8: memref<128x128xf32, #tpu.memory_space<vmem>>, %arg9: memref<128x128xf32, #tpu.memory_space<vmem>>, %arg10: memref<10240x128xf32, #tpu.memory_space<vmem_shared>>, %arg11: memref<!tpu.dma_semaphore, #tpu.memory_space<semaphore_mem>>, %arg12: memref<!tpu.dma_semaphore, #tpu.memory_space<semaphore_mem>>) attributes {dimension_semantics = [#tpu.dimension_semantics<core_parallel>, #tpu.dimension_semantics<subcore_parallel>], iteration_bounds = array<i64: 2, 16>, scalar_prefetch = 0 : i64, scratch_operands = 7 : i64, tpu.core_type = #tpu.core_type<sc_vector_subcore>, window_params = [{transform_indices = #map}, {transform_indices = #map}, {transform_indices = #map}, {transform_indices = #map}]} {
    %scan3A = arith.constant 0 : i32
    %scan3A_0 = arith.constant 0 : i32
    %scan3A_1 = arith.constant 128 : i32
    %scan3A_2 = arith.addi %scan3A_0, %scan3A_1 : i32
    %scan3A_3 = arith.constant 1 : i32
    scf.for %scan3A_42 = %scan3A_0 to %scan3A_2 step %scan3A_3  : i32 {
      %broadcast_in_dim3A = arith.constant 0.000000e+00 : f32
      %broadcast_in_dim3A_43 = vector.broadcast %broadcast_in_dim3A : f32 to vector<16xf32>
      %swap3A = arith.index_cast %scan3A_42 : i32 to index
      %swap3A_44 = arith.constant 0 : index
      %swap3A_45 = tpu.vector_load %arg8[%swap3A, %swap3A_44] {strides = array<i32>} : memref<128x128xf32, #tpu.memory_space<vmem>>, vector<1x16xf32>,
      %swap3A_46 = vector.shape_cast %swap3A_45 : vector<1x16xf32> to vector<16xf32>
      %swap3A_47 = vector.shape_cast %broadcast_in_dim3A_43 : vector<16xf32> to vector<1x16xf32>
      tpu.vector_store %arg8[%swap3A, %swap3A_44], %swap3A_47 {strides = array<i32>} : memref<128x128xf32, #tpu.memory_space<vmem>>, vector<1x16xf32>,
      %broadcast_in_dim3A_48 = arith.constant 0.000000e+00 : f32
      %broadcast_in_dim3A_49 = vector.broadcast %broadcast_in_dim3A_48 : f32 to vector<16xf32>
      %swap3A_50 = arith.index_cast %scan3A_42 : i32 to index
      %swap3A_51 = arith.constant 16 : index
      %swap3A_52 = tpu.vector_load %arg8[%swap3A_50, %swap3A_51] {strides = array<i32>} : memref<128x128xf32, #tpu.memory_space<vmem>>, vector<1x16xf32>,
      %swap3A_53 = vector.shape_cast %swap3A_52 : vector<1x16xf32> to vector<16xf32>
      %swap3A_54 = vector.shape_cast %broadcast_in_dim3A_49 : vector<16xf32> to vector<1x16xf32>
      tpu.vector_store %arg8[%swap3A_50, %swap3A_51], %swap3A_54 {strides = array<i32>} : memref<128x128xf32, #tpu.memory_space<vmem>>, vector<1x16xf32>,
      %broadcast_in_dim3A_55 = arith.constant 0.000000e+00 : f32
      %broadcast_in_dim3A_56 = vector.broadcast %broadcast_in_dim3A_55 : f32 to vector<16xf32>
      %swap3A_57 = arith.index_cast %scan3A_42 : i32 to index
      %swap3A_58 = arith.constant 32 : index
      %swap3A_59 = tpu.vector_load %arg8[%swap3A_57, %swap3A_58] {strides = array<i32>} : memref<128x128xf32, #tpu.memory_space<vmem>>, vector<1x16xf32>,
      %swap3A_60 = vector.shape_cast %swap3A_59 : vector<1x16xf32> to vector<16xf32>
      %swap3A_61 = vector.shape_cast %broadcast_in_dim3A_56 : vector<16xf32> to vector<1x16xf32>
      tpu.vector_store %arg8[%swap3A_57, %swap3A_58], %swap3A_61 {strides = array<i32>} : memref<128x128xf32, #tpu.memory_space<vmem>>, vector<1x16xf32>,
      %broadcast_in_dim3A_62 = arith.constant 0.000000e+00 : f32
      %broadcast_in_dim3A_63 = vector.broadcast %broadcast_in_dim3A_62 : f32 to vector<16xf32>
      %swap3A_64 = arith.index_cast %scan3A_42 : i32 to index
      %swap3A_65 = arith.constant 48 : index
      %swap3A_66 = tpu.vector_load %arg8[%swap3A_64, %swap3A_65] {strides = array<i32>} : memref<128x128xf32, #tpu.memory_space<vmem>>, vector<1x16xf32>,
      %swap3A_67 = vector.shape_cast %swap3A_66 : vector<1x16xf32> to vector<16xf32>
      %swap3A_68 = vector.shape_cast %broadcast_in_dim3A_63 : vector<16xf32> to vector<1x16xf32>
      tpu.vector_store %arg8[%swap3A_64, %swap3A_65], %swap3A_68 {strides = array<i32>} : memref<128x128xf32, #tpu.memory_space<vmem>>, vector<1x16xf32>,
      %broadcast_in_dim3A_69 = arith.constant 0.000000e+00 : f32
      %broadcast_in_dim3A_70 = vector.broadcast %broadcast_in_dim3A_69 : f32 to vector<16xf32>
      %swap3A_71 = arith.index_cast %scan3A_42 : i32 to index
      %swap3A_72 = arith.constant 64 : index
      %swap3A_73 = tpu.vector_load %arg8[%swap3A_71, %swap3A_72] {strides = array<i32>} : memref<128x128xf32, #tpu.memory_space<vmem>>, vector<1x16xf32>,
      %swap3A_74 = vector.shape_cast %swap3A_73 : vector<1x16xf32> to vector<16xf32>
      %swap3A_75 = vector.shape_cast %broadcast_in_dim3A_70 : vector<16xf32> to vector<1x16xf32>
      tpu.vector_store %arg8[%swap3A_71, %swap3A_72], %swap3A_75 {strides = array<i32>} : memref<128x128xf32, #tpu.memory_space<vmem>>, vector<1x16xf32>,
      %broadcast_in_dim3A_76 = arith.constant 0.000000e+00 : f32
      %broadcast_in_dim3A_77 = vector.broadcast %broadcast_in_dim3A_76 : f32 to vector<16xf32>
      %swap3A_78 = arith.index_cast %scan3A_42 : i32 to index
      %swap3A_79 = arith.constant 80 : index
      %swap3A_80 = tpu.vector_load %arg8[%swap3A_78, %swap3A_79] {strides = array<i32>} : memref<128x128xf32, #tpu.memory_space<vmem>>, vector<1x16xf32>,
      %swap3A_81 = vector.shape_cast %swap3A_80 : vector<1x16xf32> to vector<16xf32>
      %swap3A_82 = vector.shape_cast %broadcast_in_dim3A_77 : vector<16xf32> to vector<1x16xf32>
      tpu.vector_store %arg8[%swap3A_78, %swap3A_79], %swap3A_82 {strides = array<i32>} : memref<128x128xf32, #tpu.memory_space<vmem>>, vector<1x16xf32>,
      %broadcast_in_dim3A_83 = arith.constant 0.000000e+00 : f32
      %broadcast_in_dim3A_84 = vector.broadcast %broadcast_in_dim3A_83 : f32 to vector<16xf32>
      %swap3A_85 = arith.index_cast %scan3A_42 : i32 to index
      %swap3A_86 = arith.constant 96 : index
      %swap3A_87 = tpu.vector_load %arg8[%swap3A_85, %swap3A_86] {strides = array<i32>} : memref<128x128xf32, #tpu.memory_space<vmem>>, vector<1x16xf32>,
      %swap3A_88 = vector.shape_cast %swap3A_87 : vector<1x16xf32> to vector<16xf32>
      %swap3A_89 = vector.shape_cast %broadcast_in_dim3A_84 : vector<16xf32> to vector<1x16xf32>
      tpu.vector_store %arg8[%swap3A_85, %swap3A_86], %swap3A_89 {strides = array<i32>} : memref<128x128xf32, #tpu.memory_space<vmem>>, vector<1x16xf32>,
      %broadcast_in_dim3A_90 = arith.constant 0.000000e+00 : f32
      %broadcast_in_dim3A_91 = vector.broadcast %broadcast_in_dim3A_90 : f32 to vector<16xf32>
      %swap3A_92 = arith.index_cast %scan3A_42 : i32 to index
      %swap3A_93 = arith.constant 112 : index
      %swap3A_94 = tpu.vector_load %arg8[%swap3A_92, %swap3A_93] {strides = array<i32>} : memref<128x128xf32, #tpu.memory_space<vmem>>, vector<1x16xf32>,
      %swap3A_95 = vector.shape_cast %swap3A_94 : vector<1x16xf32> to vector<16xf32>
      %swap3A_96 = vector.shape_cast %broadcast_in_dim3A_91 : vector<16xf32> to vector<1x16xf32>
      tpu.vector_store %arg8[%swap3A_92, %swap3A_93], %swap3A_96 {strides = array<i32>} : memref<128x128xf32, #tpu.memory_space<vmem>>, vector<1x16xf32>,
    }
    %scan3A_4 = arith.constant 128 : i32
    %mul3A = arith.constant 640 : i32
    %mul3A_5 = arith.muli %arg1, %mul3A : i32
    %add3A = arith.constant 0 : i32
    %add3A_6 = arith.addi %mul3A_5, %add3A : i32
    "tpu.region"() ({
      %run_scoped3A = tpu.sem_alloc : memref<!tpu.dma_semaphore, #tpu.memory_space<semaphore_mem>>
      %dma_start3A = arith.constant 0 : i32
      %dma_start3A_42 = tpu.memref_slice %arg10[%add3A_6, %dma_start3A] : memref<10240x128xf32, #tpu.memory_space<vmem_shared>> -> memref<128x128xf32, #tpu.memory_space<vmem_shared>>
      %dma_start3A_43 = arith.constant 0 : i32
      %dma_start3A_44 = tpu.memref_slice %arg10[%add3A_6, %dma_start3A_43] : memref<10240x128xf32, #tpu.memory_space<vmem_shared>> -> memref<128x128xf32, #tpu.memory_space<vmem_shared>>
      tpu.enqueue_dma source(%arg8 : memref<128x128xf32, #tpu.memory_space<vmem>>) target(%dma_start3A_44 : memref<128x128xf32, #tpu.memory_space<vmem_shared>>) target_semaphore(%run_scoped3A : memref<!tpu.dma_semaphore, #tpu.memory_space<semaphore_mem>>)
      %dma_wait3A = arith.constant 0 : i32
      %dma_wait3A_45 = tpu.memref_slice %arg10[%add3A_6, %dma_wait3A] : memref<10240x128xf32, #tpu.memory_space<vmem_shared>> -> memref<128x128xf32, #tpu.memory_space<vmem_shared>>
      %dma_wait3A_46 = arith.constant 0 : i32
      %dma_wait3A_47 = tpu.memref_slice %arg10[%add3A_6, %dma_wait3A_46] : memref<10240x128xf32, #tpu.memory_space<vmem_shared>> -> memref<128x128xf32, #tpu.memory_space<vmem_shared>>
      tpu.wait_dma2 semaphore(%run_scoped3A : memref<!tpu.dma_semaphore, #tpu.memory_space<semaphore_mem>>) src(%arg8 : memref<128x128xf32, #tpu.memory_space<vmem>>) dst(%dma_wait3A_47 : memref<128x128xf32, #tpu.memory_space<vmem_shared>>)
      tpu.yield
    }) : () -> ()
    %mul3A_7 = arith.constant 640 : i32
    %mul3A_8 = arith.muli %arg1, %mul3A_7 : i32
    %add3A_9 = arith.constant 128 : i32
    %add3A_10 = arith.addi %mul3A_8, %add3A_9 : i32
    "tpu.region"() ({
      %run_scoped3A = tpu.sem_alloc : memref<!tpu.dma_semaphore, #tpu.memory_space<semaphore_mem>>
      %dma_start3A = arith.constant 0 : i32
      %dma_start3A_42 = tpu.memref_slice %arg10[%add3A_10, %dma_start3A] : memref<10240x128xf32, #tpu.memory_space<vmem_shared>> -> memref<128x128xf32, #tpu.memory_space<vmem_shared>>
      %dma_start3A_43 = arith.constant 0 : i32
      %dma_start3A_44 = tpu.memref_slice %arg10[%add3A_10, %dma_start3A_43] : memref<10240x128xf32, #tpu.memory_space<vmem_shared>> -> memref<128x128xf32, #tpu.memory_space<vmem_shared>>
      tpu.enqueue_dma source(%arg8 : memref<128x128xf32, #tpu.memory_space<vmem>>) target(%dma_start3A_44 : memref<128x128xf32, #tpu.memory_space<vmem_shared>>) target_semaphore(%run_scoped3A : memref<!tpu.dma_semaphore, #tpu.memory_space<semaphore_mem>>)
      %dma_wait3A = arith.constant 0 : i32
      %dma_wait3A_45 = tpu.memref_slice %arg10[%add3A_10, %dma_wait3A] : memref<10240x128xf32, #tpu.memory_space<vmem_shared>> -> memref<128x128xf32, #tpu.memory_space<vmem_shared>>
      %dma_wait3A_46 = arith.constant 0 : i32
      %dma_wait3A_47 = tpu.memref_slice %arg10[%add3A_10, %dma_wait3A_46] : memref<10240x128xf32, #tpu.memory_space<vmem_shared>> -> memref<128x128xf32, #tpu.memory_space<vmem_shared>>
      tpu.wait_dma2 semaphore(%run_scoped3A : memref<!tpu.dma_semaphore, #tpu.memory_space<semaphore_mem>>) src(%arg8 : memref<128x128xf32, #tpu.memory_space<vmem>>) dst(%dma_wait3A_47 : memref<128x128xf32, #tpu.memory_space<vmem_shared>>)
      tpu.yield
    }) : () -> ()
    %mul3A_11 = arith.constant 640 : i32
    %mul3A_12 = arith.muli %arg1, %mul3A_11 : i32
    %add3A_13 = arith.constant 256 : i32
    %add3A_14 = arith.addi %mul3A_12, %add3A_13 : i32
    "tpu.region"() ({
      %run_scoped3A = tpu.sem_alloc : memref<!tpu.dma_semaphore, #tpu.memory_space<semaphore_mem>>
      %dma_start3A = arith.constant 0 : i32
      %dma_start3A_42 = tpu.memref_slice %arg10[%add3A_14, %dma_start3A] : memref<10240x128xf32, #tpu.memory_space<vmem_shared>> -> memref<128x128xf32, #tpu.memory_space<vmem_shared>>
      %dma_start3A_43 = arith.constant 0 : i32
      %dma_start3A_44 = tpu.memref_slice %arg10[%add3A_14, %dma_start3A_43] : memref<10240x128xf32, #tpu.memory_space<vmem_shared>> -> memref<128x128xf32, #tpu.memory_space<vmem_shared>>
      tpu.enqueue_dma source(%arg8 : memref<128x128xf32, #tpu.memory_space<vmem>>) target(%dma_start3A_44 : memref<128x128xf32, #tpu.memory_space<vmem_shared>>) target_semaphore(%run_scoped3A : memref<!tpu.dma_semaphore, #tpu.memory_space<semaphore_mem>>)
      %dma_wait3A = arith.constant 0 : i32
      %dma_wait3A_45 = tpu.memref_slice %arg10[%add3A_14, %dma_wait3A] : memref<10240x128xf32, #tpu.memory_space<vmem_shared>> -> memref<128x128xf32, #tpu.memory_space<vmem_shared>>
      %dma_wait3A_46 = arith.constant 0 : i32
      %dma_wait3A_47 = tpu.memref_slice %arg10[%add3A_14, %dma_wait3A_46] : memref<10240x128xf32, #tpu.memory_space<vmem_shared>> -> memref<128x128xf32, #tpu.memory_space<vmem_shared>>
      tpu.wait_dma2 semaphore(%run_scoped3A : memref<!tpu.dma_semaphore, #tpu.memory_space<semaphore_mem>>) src(%arg8 : memref<128x128xf32, #tpu.memory_space<vmem>>) dst(%dma_wait3A_47 : memref<128x128xf32, #tpu.memory_space<vmem_shared>>)
      tpu.yield
    }) : () -> ()
    %mul3A_15 = arith.constant 640 : i32
    %mul3A_16 = arith.muli %arg1, %mul3A_15 : i32
    %add3A_17 = arith.constant 384 : i32
    %add3A_18 = arith.addi %mul3A_16, %add3A_17 : i32
    "tpu.region"() ({
      %run_scoped3A = tpu.sem_alloc : memref<!tpu.dma_semaphore, #tpu.memory_space<semaphore_mem>>
      %dma_start3A = arith.constant 0 : i32
      %dma_start3A_42 = tpu.memref_slice %arg10[%add3A_18, %dma_start3A] : memref<10240x128xf32, #tpu.memory_space<vmem_shared>> -> memref<128x128xf32, #tpu.memory_space<vmem_shared>>
      %dma_start3A_43 = arith.constant 0 : i32
      %dma_start3A_44 = tpu.memref_slice %arg10[%add3A_18, %dma_start3A_43] : memref<10240x128xf32, #tpu.memory_space<vmem_shared>> -> memref<128x128xf32, #tpu.memory_space<vmem_shared>>
      tpu.enqueue_dma source(%arg8 : memref<128x128xf32, #tpu.memory_space<vmem>>) target(%dma_start3A_44 : memref<128x128xf32, #tpu.memory_space<vmem_shared>>) target_semaphore(%run_scoped3A : memref<!tpu.dma_semaphore, #tpu.memory_space<semaphore_mem>>)
      %dma_wait3A = arith.constant 0 : i32
      %dma_wait3A_45 = tpu.memref_slice %arg10[%add3A_18, %dma_wait3A] : memref<10240x128xf32, #tpu.memory_space<vmem_shared>> -> memref<128x128xf32, #tpu.memory_space<vmem_shared>>
      %dma_wait3A_46 = arith.constant 0 : i32
      %dma_wait3A_47 = tpu.memref_slice %arg10[%add3A_18, %dma_wait3A_46] : memref<10240x128xf32, #tpu.memory_space<vmem_shared>> -> memref<128x128xf32, #tpu.memory_space<vmem_shared>>
      tpu.wait_dma2 semaphore(%run_scoped3A : memref<!tpu.dma_semaphore, #tpu.memory_space<semaphore_mem>>) src(%arg8 : memref<128x128xf32, #tpu.memory_space<vmem>>) dst(%dma_wait3A_47 : memref<128x128xf32, #tpu.memory_space<vmem_shared>>)
      tpu.yield
    }) : () -> ()
    %mul3A_19 = arith.constant 640 : i32
    %mul3A_20 = arith.muli %arg1, %mul3A_19 : i32
    %add3A_21 = arith.constant 512 : i32
    %add3A_22 = arith.addi %mul3A_20, %add3A_21 : i32
    "tpu.region"() ({
      %run_scoped3A = tpu.sem_alloc : memref<!tpu.dma_semaphore, #tpu.memory_space<semaphore_mem>>
      %dma_start3A = arith.constant 0 : i32
      %dma_start3A_42 = tpu.memref_slice %arg10[%add3A_22, %dma_start3A] : memref<10240x128xf32, #tpu.memory_space<vmem_shared>> -> memref<128x128xf32, #tpu.memory_space<vmem_shared>>
      %dma_start3A_43 = arith.constant 0 : i32
      %dma_start3A_44 = tpu.memref_slice %arg10[%add3A_22, %dma_start3A_43] : memref<10240x128xf32, #tpu.memory_space<vmem_shared>> -> memref<128x128xf32, #tpu.memory_space<vmem_shared>>
      tpu.enqueue_dma source(%arg8 : memref<128x128xf32, #tpu.memory_space<vmem>>) target(%dma_start3A_44 : memref<128x128xf32, #tpu.memory_space<vmem_shared>>) target_semaphore(%run_scoped3A : memref<!tpu.dma_semaphore, #tpu.memory_space<semaphore_mem>>)
      %dma_wait3A = arith.constant 0 : i32
      %dma_wait3A_45 = tpu.memref_slice %arg10[%add3A_22, %dma_wait3A] : memref<10240x128xf32, #tpu.memory_space<vmem_shared>> -> memref<128x128xf32, #tpu.memory_space<vmem_shared>>
      %dma_wait3A_46 = arith.constant 0 : i32
      %dma_wait3A_47 = tpu.memref_slice %arg10[%add3A_22, %dma_wait3A_46] : memref<10240x128xf32, #tpu.memory_space<vmem_shared>> -> memref<128x128xf32, #tpu.memory_space<vmem_shared>>
      tpu.wait_dma2 semaphore(%run_scoped3A : memref<!tpu.dma_semaphore, #tpu.memory_space<semaphore_mem>>) src(%arg8 : memref<128x128xf32, #tpu.memory_space<vmem>>) dst(%dma_wait3A_47 : memref<128x128xf32, #tpu.memory_space<vmem_shared>>)
      tpu.yield
    }) : () -> ()
    %barrier3A = arith.constant 0 : index
    tpu.barrier barrier_id(%barrier3A)
    %mul3A_23 = arith.constant 1280 : i32
    %mul3A_24 = arith.muli %arg0, %mul3A_23 : i32
    %mul3A_25 = arith.constant 80 : i32
    %mul3A_26 = arith.muli %arg1, %mul3A_25 : i32
    %add3A_27 = arith.addi %mul3A_24, %mul3A_26 : i32
    %scan3A_28 = arith.constant 0 : i32
    %scan3A_29 = arith.constant 0 : i32
    %scan3A_30 = arith.constant 10 : i32
    %scan3A_31 = arith.addi %scan3A_29, %scan3A_30 : i32
    %scan3A_32 = arith.constant 1 : i32
    scf.for %scan3A_42 = %scan3A_29 to %scan3A_31 step %scan3A_32  : i32 {
      %mul3A_43 = arith.constant 8 : i32
      %mul3A_44 = arith.muli %scan3A_42, %mul3A_43 : i32
      %add3A_45 = arith.addi %add3A_27, %mul3A_44 : i32
      "tpu.region"() ({
        %run_scoped3A_214 = tpu.sem_alloc : memref<!tpu.dma_semaphore, #tpu.memory_space<semaphore_mem>>
        %dma_start3A_215 = arith.constant 0 : i32
        %dma_start3A_216 = tpu.memref_slice %arg3[%add3A_45, %dma_start3A_215] : memref<2560x125xi32, #tpu.memory_space<hbm>> -> memref<8x125xi32, #tpu.memory_space<hbm>>
        %dma_start3A_217 = arith.constant 0 : i32
        %dma_start3A_218 = tpu.memref_slice %arg3[%add3A_45, %dma_start3A_217] : memref<2560x125xi32, #tpu.memory_space<hbm>> -> memref<8x125xi32, #tpu.memory_space<hbm>>
        tpu.enqueue_dma source(%dma_start3A_218 : memref<8x125xi32, #tpu.memory_space<hbm>>) target(%arg6 : memref<8x125xi32, #tpu.memory_space<vmem>>) target_semaphore(%run_scoped3A_214 : memref<!tpu.dma_semaphore, #tpu.memory_space<semaphore_mem>>)
        %dma_wait3A_219 = arith.constant 0 : i32
        %dma_wait3A_220 = tpu.memref_slice %arg3[%add3A_45, %dma_wait3A_219] : memref<2560x125xi32, #tpu.memory_space<hbm>> -> memref<8x125xi32, #tpu.memory_space<hbm>>
        %dma_wait3A_221 = arith.constant 0 : i32
        %dma_wait3A_222 = tpu.memref_slice %arg3[%add3A_45, %dma_wait3A_221] : memref<2560x125xi32, #tpu.memory_space<hbm>> -> memref<8x125xi32, #tpu.memory_space<hbm>>
        tpu.wait_dma2 semaphore(%run_scoped3A_214 : memref<!tpu.dma_semaphore, #tpu.memory_space<semaphore_mem>>) src(%dma_wait3A_222 : memref<8x125xi32, #tpu.memory_space<hbm>>) dst(%arg6 : memref<8x125xi32, #tpu.memory_space<vmem>>)
        tpu.yield
      }) : () -> ()
      %mul3A_46 = arith.constant 8 : i32
      %mul3A_47 = arith.muli %scan3A_42, %mul3A_46 : i32
      %add3A_48 = arith.addi %add3A_27, %mul3A_47 : i32
      "tpu.region"() ({
        %run_scoped3A_214 = tpu.sem_alloc : memref<!tpu.dma_semaphore, #tpu.memory_space<semaphore_mem>>
        %dma_start3A_215 = arith.constant 0 : i32
        %dma_start3A_216 = tpu.memref_slice %arg4[%add3A_48, %dma_start3A_215] : memref<2560x125xi32, #tpu.memory_space<hbm>> -> memref<8x125xi32, #tpu.memory_space<hbm>>
        %dma_start3A_217 = arith.constant 0 : i32
        %dma_start3A_218 = tpu.memref_slice %arg4[%add3A_48, %dma_start3A_217] : memref<2560x125xi32, #tpu.memory_space<hbm>> -> memref<8x125xi32, #tpu.memory_space<hbm>>
        tpu.enqueue_dma source(%dma_start3A_218 : memref<8x125xi32, #tpu.memory_space<hbm>>) target(%arg7 : memref<8x125xi32, #tpu.memory_space<vmem>>) target_semaphore(%run_scoped3A_214 : memref<!tpu.dma_semaphore, #tpu.memory_space<semaphore_mem>>)
        %dma_wait3A_219 = arith.constant 0 : i32
        %dma_wait3A_220 = tpu.memref_slice %arg4[%add3A_48, %dma_wait3A_219] : memref<2560x125xi32, #tpu.memory_space<hbm>> -> memref<8x125xi32, #tpu.memory_space<hbm>>
        %dma_wait3A_221 = arith.constant 0 : i32
        %dma_wait3A_222 = tpu.memref_slice %arg4[%add3A_48, %dma_wait3A_221] : memref<2560x125xi32, #tpu.memory_space<hbm>> -> memref<8x125xi32, #tpu.memory_space<hbm>>
        tpu.wait_dma2 semaphore(%run_scoped3A_214 : memref<!tpu.dma_semaphore, #tpu.memory_space<semaphore_mem>>) src(%dma_wait3A_222 : memref<8x125xi32, #tpu.memory_space<hbm>>) dst(%arg7 : memref<8x125xi32, #tpu.memory_space<vmem>>)
        tpu.yield
      }) : () -> ()
      %dma_start3A = arith.constant 0 : i32
      %dma_start3A_49 = arith.constant 0 : i32
      %dma_start3A_50 = arith.constant 0 : i32
      %dma_start3A_51 = tpu.memref_slice %arg8[%dma_start3A_49, %dma_start3A_50] : memref<128x128xf32, #tpu.memory_space<vmem>> -> memref<125x128xf32, #tpu.memory_space<vmem>>
      %dma_start3A_52 = arith.constant 0 : i32
      %dma_start3A_53 = tpu.memref_slice %arg6[%dma_start3A, %dma_start3A_52] : memref<8x125xi32, #tpu.memory_space<vmem>> -> memref<1x125xi32, #tpu.memory_space<vmem>>
      %dma_start3A_54 = tpu.memref_squeeze %dma_start3A_53 : memref<1x125xi32, #tpu.memory_space<vmem>> -> memref<125xi32, #tpu.memory_space<vmem>>
      %dma_start3A_55 = arith.constant 0 : i32
      %dma_start3A_56 = arith.constant 0 : i32
      %dma_start3A_57 = tpu.memref_slice %arg2[%dma_start3A_55, %dma_start3A_56] : memref<10000x128xf32, #tpu.memory_space<hbm>> -> memref<10000x128xf32, #tpu.memory_space<hbm>>
      tpu.enqueue_indirect_dma source(%dma_start3A_57 : memref<10000x128xf32, #tpu.memory_space<hbm>>) target(%dma_start3A_51 : memref<125x128xf32, #tpu.memory_space<vmem>>) offsets(%dma_start3A_54 : memref<125xi32, #tpu.memory_space<vmem>>) semaphore(%arg11 : memref<!tpu.dma_semaphore, #tpu.memory_space<semaphore_mem>>)
      %dma_wait3A = arith.constant 0 : i32
      %dma_wait3A_58 = arith.constant 0 : i32
      %dma_wait3A_59 = arith.constant 0 : i32
      %dma_wait3A_60 = tpu.memref_slice %arg8[%dma_wait3A_58, %dma_wait3A_59] : memref<128x128xf32, #tpu.memory_space<vmem>> -> memref<125x128xf32, #tpu.memory_space<vmem>>
      %dma_wait3A_61 = arith.constant 0 : i32
      %dma_wait3A_62 = tpu.memref_slice %arg6[%dma_wait3A, %dma_wait3A_61] : memref<8x125xi32, #tpu.memory_space<vmem>> -> memref<1x125xi32, #tpu.memory_space<vmem>>
      %dma_wait3A_63 = tpu.memref_squeeze %dma_wait3A_62 : memref<1x125xi32, #tpu.memory_space<vmem>> -> memref<125xi32, #tpu.memory_space<vmem>>
      %dma_wait3A_64 = arith.constant 0 : i32
      %dma_wait3A_65 = arith.constant 0 : i32
      %dma_wait3A_66 = tpu.memref_slice %arg2[%dma_wait3A_64, %dma_wait3A_65] : memref<10000x128xf32, #tpu.memory_space<hbm>> -> memref<10000x128xf32, #tpu.memory_space<hbm>>
      tpu.wait_indirect_dma semaphore(%arg11 : memref<!tpu.dma_semaphore, #tpu.memory_space<semaphore_mem>>) src(%dma_wait3A_66 : memref<10000x128xf32, #tpu.memory_space<hbm>>) dst(%dma_wait3A_60 : memref<125x128xf32, #tpu.memory_space<vmem>>)
      %dma_start3A_67 = arith.constant 1 : i32
      %dma_start3A_68 = arith.constant 0 : i32
      %dma_start3A_69 = arith.constant 0 : i32
      %dma_start3A_70 = tpu.memref_slice %arg9[%dma_start3A_68, %dma_start3A_69] : memref<128x128xf32, #tpu.memory_space<vmem>> -> memref<125x128xf32, #tpu.memory_space<vmem>>
      %dma_start3A_71 = arith.constant 0 : i32
      %dma_start3A_72 = tpu.memref_slice %arg6[%dma_start3A_67, %dma_start3A_71] : memref<8x125xi32, #tpu.memory_space<vmem>> -> memref<1x125xi32, #tpu.memory_space<vmem>>
      %dma_start3A_73 = tpu.memref_squeeze %dma_start3A_72 : memref<1x125xi32, #tpu.memory_space<vmem>> -> memref<125xi32, #tpu.memory_space<vmem>>
      %dma_start3A_74 = arith.constant 0 : i32
      %dma_start3A_75 = arith.constant 0 : i32
      %dma_start3A_76 = tpu.memref_slice %arg2[%dma_start3A_74, %dma_start3A_75] : memref<10000x128xf32, #tpu.memory_space<hbm>> -> memref<10000x128xf32, #tpu.memory_space<hbm>>
      tpu.enqueue_indirect_dma source(%dma_start3A_76 : memref<10000x128xf32, #tpu.memory_space<hbm>>) target(%dma_start3A_70 : memref<125x128xf32, #tpu.memory_space<vmem>>) offsets(%dma_start3A_73 : memref<125xi32, #tpu.memory_space<vmem>>) semaphore(%arg12 : memref<!tpu.dma_semaphore, #tpu.memory_space<semaphore_mem>>)
      %run_scoped3A = arith.constant 0 : i32
      "tpu.region"() ({
        %run_scoped3A_214 = tpu.sem_alloc : memref<!tpu.dma_semaphore, #tpu.memory_space<semaphore_mem>>
        %dma_start3A_215 = arith.constant 0 : i32
        %dma_start3A_216 = arith.constant 0 : i32
        %dma_start3A_217 = tpu.memref_slice %arg8[%dma_start3A_215, %dma_start3A_216] : memref<128x128xf32, #tpu.memory_space<vmem>> -> memref<125x128xf32, #tpu.memory_space<vmem>>
        %dma_start3A_218 = arith.constant 0 : i32
        %dma_start3A_219 = tpu.memref_slice %arg7[%run_scoped3A, %dma_start3A_218] : memref<8x125xi32, #tpu.memory_space<vmem>> -> memref<1x125xi32, #tpu.memory_space<vmem>>
        %dma_start3A_220 = tpu.memref_squeeze %dma_start3A_219 : memref<1x125xi32, #tpu.memory_space<vmem>> -> memref<125xi32, #tpu.memory_space<vmem>>
        %dma_start3A_221 = arith.constant 0 : i32
        %dma_start3A_222 = arith.constant 0 : i32
        %dma_start3A_223 = tpu.memref_slice %arg10[%dma_start3A_221, %dma_start3A_222] : memref<10240x128xf32, #tpu.memory_space<vmem_shared>> -> memref<10240x128xf32, #tpu.memory_space<vmem_shared>>
        tpu.enqueue_indirect_dma source(%dma_start3A_217 : memref<125x128xf32, #tpu.memory_space<vmem>>) target(%dma_start3A_223 : memref<10240x128xf32, #tpu.memory_space<vmem_shared>>) offsets(%dma_start3A_220 : memref<125xi32, #tpu.memory_space<vmem>>) semaphore(%run_scoped3A_214 : memref<!tpu.dma_semaphore, #tpu.memory_space<semaphore_mem>>) {add = true}
        %dma_wait3A_224 = arith.constant 0 : i32
        %dma_wait3A_225 = arith.constant 0 : i32
        %dma_wait3A_226 = tpu.memref_slice %arg8[%dma_wait3A_224, %dma_wait3A_225] : memref<128x128xf32, #tpu.memory_space<vmem>> -> memref<125x128xf32, #tpu.memory_space<vmem>>
        %dma_wait3A_227 = arith.constant 0 : i32
        %dma_wait3A_228 = tpu.memref_slice %arg7[%run_scoped3A, %dma_wait3A_227] : memref<8x125xi32, #tpu.memory_space<vmem>> -> memref<1x125xi32, #tpu.memory_space<vmem>>
        %dma_wait3A_229 = tpu.memref_squeeze %dma_wait3A_228 : memref<1x125xi32, #tpu.memory_space<vmem>> -> memref<125xi32, #tpu.memory_space<vmem>>
        %dma_wait3A_230 = arith.constant 0 : i32
        %dma_wait3A_231 = arith.constant 0 : i32
        %dma_wait3A_232 = tpu.memref_slice %arg10[%dma_wait3A_230, %dma_wait3A_231] : memref<10240x128xf32, #tpu.memory_space<vmem_shared>> -> memref<10240x128xf32, #tpu.memory_space<vmem_shared>>
        tpu.wait_indirect_dma semaphore(%run_scoped3A_214 : memref<!tpu.dma_semaphore, #tpu.memory_space<semaphore_mem>>) src(%dma_wait3A_226 : memref<125x128xf32, #tpu.memory_space<vmem>>) dst(%dma_wait3A_232 : memref<10240x128xf32, #tpu.memory_space<vmem_shared>>)
        tpu.yield
      }) : () -> ()
      %dma_wait3A_77 = arith.constant 1 : i32
      %dma_wait3A_78 = arith.constant 0 : i32
      %dma_wait3A_79 = arith.constant 0 : i32
      %dma_wait3A_80 = tpu.memref_slice %arg9[%dma_wait3A_78, %dma_wait3A_79] : memref<128x128xf32, #tpu.memory_space<vmem>> -> memref<125x128xf32, #tpu.memory_space<vmem>>
      %dma_wait3A_81 = arith.constant 0 : i32
      %dma_wait3A_82 = tpu.memref_slice %arg6[%dma_wait3A_77, %dma_wait3A_81] : memref<8x125xi32, #tpu.memory_space<vmem>> -> memref<1x125xi32, #tpu.memory_space<vmem>>
      %dma_wait3A_83 = tpu.memref_squeeze %dma_wait3A_82 : memref<1x125xi32, #tpu.memory_space<vmem>> -> memref<125xi32, #tpu.memory_space<vmem>>
      %dma_wait3A_84 = arith.constant 0 : i32
      %dma_wait3A_85 = arith.constant 0 : i32
      %dma_wait3A_86 = tpu.memref_slice %arg2[%dma_wait3A_84, %dma_wait3A_85] : memref<10000x128xf32, #tpu.memory_space<hbm>> -> memref<10000x128xf32, #tpu.memory_space<hbm>>
      tpu.wait_indirect_dma semaphore(%arg12 : memref<!tpu.dma_semaphore, #tpu.memory_space<semaphore_mem>>) src(%dma_wait3A_86 : memref<10000x128xf32, #tpu.memory_space<hbm>>) dst(%dma_wait3A_80 : memref<125x128xf32, #tpu.memory_space<vmem>>)
      %dma_start3A_87 = arith.constant 2 : i32
      %dma_start3A_88 = arith.constant 0 : i32
      %dma_start3A_89 = arith.constant 0 : i32
      %dma_start3A_90 = tpu.memref_slice %arg8[%dma_start3A_88, %dma_start3A_89] : memref<128x128xf32, #tpu.memory_space<vmem>> -> memref<125x128xf32, #tpu.memory_space<vmem>>
      %dma_start3A_91 = arith.constant 0 : i32
      %dma_start3A_92 = tpu.memref_slice %arg6[%dma_start3A_87, %dma_start3A_91] : memref<8x125xi32, #tpu.memory_space<vmem>> -> memref<1x125xi32, #tpu.memory_space<vmem>>
      %dma_start3A_93 = tpu.memref_squeeze %dma_start3A_92 : memref<1x125xi32, #tpu.memory_space<vmem>> -> memref<125xi32, #tpu.memory_space<vmem>>
      %dma_start3A_94 = arith.constant 0 : i32
      %dma_start3A_95 = arith.constant 0 : i32
      %dma_start3A_96 = tpu.memref_slice %arg2[%dma_start3A_94, %dma_start3A_95] : memref<10000x128xf32, #tpu.memory_space<hbm>> -> memref<10000x128xf32, #tpu.memory_space<hbm>>
      tpu.enqueue_indirect_dma source(%dma_start3A_96 : memref<10000x128xf32, #tpu.memory_space<hbm>>) target(%dma_start3A_90 : memref<125x128xf32, #tpu.memory_space<vmem>>) offsets(%dma_start3A_93 : memref<125xi32, #tpu.memory_space<vmem>>) semaphore(%arg11 : memref<!tpu.dma_semaphore, #tpu.memory_space<semaphore_mem>>)
      %run_scoped3A_97 = arith.constant 1 : i32
      "tpu.region"() ({
        %run_scoped3A_214 = tpu.sem_alloc : memref<!tpu.dma_semaphore, #tpu.memory_space<semaphore_mem>>
        %dma_start3A_215 = arith.constant 0 : i32
        %dma_start3A_216 = arith.constant 0 : i32
        %dma_start3A_217 = tpu.memref_slice %arg9[%dma_start3A_215, %dma_start3A_216] : memref<128x128xf32, #tpu.memory_space<vmem>> -> memref<125x128xf32, #tpu.memory_space<vmem>>
        %dma_start3A_218 = arith.constant 0 : i32
        %dma_start3A_219 = tpu.memref_slice %arg7[%run_scoped3A_97, %dma_start3A_218] : memref<8x125xi32, #tpu.memory_space<vmem>> -> memref<1x125xi32, #tpu.memory_space<vmem>>
        %dma_start3A_220 = tpu.memref_squeeze %dma_start3A_219 : memref<1x125xi32, #tpu.memory_space<vmem>> -> memref<125xi32, #tpu.memory_space<vmem>>
        %dma_start3A_221 = arith.constant 0 : i32
        %dma_start3A_222 = arith.constant 0 : i32
        %dma_start3A_223 = tpu.memref_slice %arg10[%dma_start3A_221, %dma_start3A_222] : memref<10240x128xf32, #tpu.memory_space<vmem_shared>> -> memref<10240x128xf32, #tpu.memory_space<vmem_shared>>
        tpu.enqueue_indirect_dma source(%dma_start3A_217 : memref<125x128xf32, #tpu.memory_space<vmem>>) target(%dma_start3A_223 : memref<10240x128xf32, #tpu.memory_space<vmem_shared>>) offsets(%dma_start3A_220 : memref<125xi32, #tpu.memory_space<vmem>>) semaphore(%run_scoped3A_214 : memref<!tpu.dma_semaphore, #tpu.memory_space<semaphore_mem>>) {add = true}
        %dma_wait3A_224 = arith.constant 0 : i32
        %dma_wait3A_225 = arith.constant 0 : i32
        %dma_wait3A_226 = tpu.memref_slice %arg9[%dma_wait3A_224, %dma_wait3A_225] : memref<128x128xf32, #tpu.memory_space<vmem>> -> memref<125x128xf32, #tpu.memory_space<vmem>>
        %dma_wait3A_227 = arith.constant 0 : i32
        %dma_wait3A_228 = tpu.memref_slice %arg7[%run_scoped3A_97, %dma_wait3A_227] : memref<8x125xi32, #tpu.memory_space<vmem>> -> memref<1x125xi32, #tpu.memory_space<vmem>>
        %dma_wait3A_229 = tpu.memref_squeeze %dma_wait3A_228 : memref<1x125xi32, #tpu.memory_space<vmem>> -> memref<125xi32, #tpu.memory_space<vmem>>
        %dma_wait3A_230 = arith.constant 0 : i32
        %dma_wait3A_231 = arith.constant 0 : i32
        %dma_wait3A_232 = tpu.memref_slice %arg10[%dma_wait3A_230, %dma_wait3A_231] : memref<10240x128xf32, #tpu.memory_space<vmem_shared>> -> memref<10240x128xf32, #tpu.memory_space<vmem_shared>>
        tpu.wait_indirect_dma semaphore(%run_scoped3A_214 : memref<!tpu.dma_semaphore, #tpu.memory_space<semaphore_mem>>) src(%dma_wait3A_226 : memref<125x128xf32, #tpu.memory_space<vmem>>) dst(%dma_wait3A_232 : memref<10240x128xf32, #tpu.memory_space<vmem_shared>>)
        tpu.yield
      }) : () -> ()
      %dma_wait3A_98 = arith.constant 2 : i32
      %dma_wait3A_99 = arith.constant 0 : i32
      %dma_wait3A_100 = arith.constant 0 : i32
      %dma_wait3A_101 = tpu.memref_slice %arg8[%dma_wait3A_99, %dma_wait3A_100] : memref<128x128xf32, #tpu.memory_space<vmem>> -> memref<125x128xf32, #tpu.memory_space<vmem>>
      %dma_wait3A_102 = arith.constant 0 : i32
      %dma_wait3A_103 = tpu.memref_slice %arg6[%dma_wait3A_98, %dma_wait3A_102] : memref<8x125xi32, #tpu.memory_space<vmem>> -> memref<1x125xi32, #tpu.memory_space<vmem>>
      %dma_wait3A_104 = tpu.memref_squeeze %dma_wait3A_103 : memref<1x125xi32, #tpu.memory_space<vmem>> -> memref<125xi32, #tpu.memory_space<vmem>>
      %dma_wait3A_105 = arith.constant 0 : i32
      %dma_wait3A_106 = arith.constant 0 : i32
      %dma_wait3A_107 = tpu.memref_slice %arg2[%dma_wait3A_105, %dma_wait3A_106] : memref<10000x128xf32, #tpu.memory_space<hbm>> -> memref<10000x128xf32, #tpu.memory_space<hbm>>
      tpu.wait_indirect_dma semaphore(%arg11 : memref<!tpu.dma_semaphore, #tpu.memory_space<semaphore_mem>>) src(%dma_wait3A_107 : memref<10000x128xf32, #tpu.memory_space<hbm>>) dst(%dma_wait3A_101 : memref<125x128xf32, #tpu.memory_space<vmem>>)
      %dma_start3A_108 = arith.constant 3 : i32
      %dma_start3A_109 = arith.constant 0 : i32
      %dma_start3A_110 = arith.constant 0 : i32
      %dma_start3A_111 = tpu.memref_slice %arg9[%dma_start3A_109, %dma_start3A_110] : memref<128x128xf32, #tpu.memory_space<vmem>> -> memref<125x128xf32, #tpu.memory_space<vmem>>
      %dma_start3A_112 = arith.constant 0 : i32
      %dma_start3A_113 = tpu.memref_slice %arg6[%dma_start3A_108, %dma_start3A_112] : memref<8x125xi32, #tpu.memory_space<vmem>> -> memref<1x125xi32, #tpu.memory_space<vmem>>
      %dma_start3A_114 = tpu.memref_squeeze %dma_start3A_113 : memref<1x125xi32, #tpu.memory_space<vmem>> -> memref<125xi32, #tpu.memory_space<vmem>>
      %dma_start3A_115 = arith.constant 0 : i32
      %dma_start3A_116 = arith.constant 0 : i32
      %dma_start3A_117 = tpu.memref_slice %arg2[%dma_start3A_115, %dma_start3A_116] : memref<10000x128xf32, #tpu.memory_space<hbm>> -> memref<10000x128xf32, #tpu.memory_space<hbm>>
      tpu.enqueue_indirect_dma source(%dma_start3A_117 : memref<10000x128xf32, #tpu.memory_space<hbm>>) target(%dma_start3A_111 : memref<125x128xf32, #tpu.memory_space<vmem>>) offsets(%dma_start3A_114 : memref<125xi32, #tpu.memory_space<vmem>>) semaphore(%arg12 : memref<!tpu.dma_semaphore, #tpu.memory_space<semaphore_mem>>)
      %run_scoped3A_118 = arith.constant 2 : i32
      "tpu.region"() ({
        %run_scoped3A_214 = tpu.sem_alloc : memref<!tpu.dma_semaphore, #tpu.memory_space<semaphore_mem>>
        %dma_start3A_215 = arith.constant 0 : i32
        %dma_start3A_216 = arith.constant 0 : i32
        %dma_start3A_217 = tpu.memref_slice %arg8[%dma_start3A_215, %dma_start3A_216] : memref<128x128xf32, #tpu.memory_space<vmem>> -> memref<125x128xf32, #tpu.memory_space<vmem>>
        %dma_start3A_218 = arith.constant 0 : i32
        %dma_start3A_219 = tpu.memref_slice %arg7[%run_scoped3A_118, %dma_start3A_218] : memref<8x125xi32, #tpu.memory_space<vmem>> -> memref<1x125xi32, #tpu.memory_space<vmem>>
        %dma_start3A_220 = tpu.memref_squeeze %dma_start3A_219 : memref<1x125xi32, #tpu.memory_space<vmem>> -> memref<125xi32, #tpu.memory_space<vmem>>
        %dma_start3A_221 = arith.constant 0 : i32
        %dma_start3A_222 = arith.constant 0 : i32
        %dma_start3A_223 = tpu.memref_slice %arg10[%dma_start3A_221, %dma_start3A_222] : memref<10240x128xf32, #tpu.memory_space<vmem_shared>> -> memref<10240x128xf32, #tpu.memory_space<vmem_shared>>
        tpu.enqueue_indirect_dma source(%dma_start3A_217 : memref<125x128xf32, #tpu.memory_space<vmem>>) target(%dma_start3A_223 : memref<10240x128xf32, #tpu.memory_space<vmem_shared>>) offsets(%dma_start3A_220 : memref<125xi32, #tpu.memory_space<vmem>>) semaphore(%run_scoped3A_214 : memref<!tpu.dma_semaphore, #tpu.memory_space<semaphore_mem>>) {add = true}
        %dma_wait3A_224 = arith.constant 0 : i32
        %dma_wait3A_225 = arith.constant 0 : i32
        %dma_wait3A_226 = tpu.memref_slice %arg8[%dma_wait3A_224, %dma_wait3A_225] : memref<128x128xf32, #tpu.memory_space<vmem>> -> memref<125x128xf32, #tpu.memory_space<vmem>>
        %dma_wait3A_227 = arith.constant 0 : i32
        %dma_wait3A_228 = tpu.memref_slice %arg7[%run_scoped3A_118, %dma_wait3A_227] : memref<8x125xi32, #tpu.memory_space<vmem>> -> memref<1x125xi32, #tpu.memory_space<vmem>>
        %dma_wait3A_229 = tpu.memref_squeeze %dma_wait3A_228 : memref<1x125xi32, #tpu.memory_space<vmem>> -> memref<125xi32, #tpu.memory_space<vmem>>
        %dma_wait3A_230 = arith.constant 0 : i32
        %dma_wait3A_231 = arith.constant 0 : i32
        %dma_wait3A_232 = tpu.memref_slice %arg10[%dma_wait3A_230, %dma_wait3A_231] : memref<10240x128xf32, #tpu.memory_space<vmem_shared>> -> memref<10240x128xf32, #tpu.memory_space<vmem_shared>>
        tpu.wait_indirect_dma semaphore(%run_scoped3A_214 : memref<!tpu.dma_semaphore, #tpu.memory_space<semaphore_mem>>) src(%dma_wait3A_226 : memref<125x128xf32, #tpu.memory_space<vmem>>) dst(%dma_wait3A_232 : memref<10240x128xf32, #tpu.memory_space<vmem_shared>>)
        tpu.yield
      }) : () -> ()
      %dma_wait3A_119 = arith.constant 3 : i32
      %dma_wait3A_120 = arith.constant 0 : i32
      %dma_wait3A_121 = arith.constant 0 : i32
      %dma_wait3A_122 = tpu.memref_slice %arg9[%dma_wait3A_120, %dma_wait3A_121] : memref<128x128xf32, #tpu.memory_space<vmem>> -> memref<125x128xf32, #tpu.memory_space<vmem>>
      %dma_wait3A_123 = arith.constant 0 : i32
      %dma_wait3A_124 = tpu.memref_slice %arg6[%dma_wait3A_119, %dma_wait3A_123] : memref<8x125xi32, #tpu.memory_space<vmem>> -> memref<1x125xi32, #tpu.memory_space<vmem>>
      %dma_wait3A_125 = tpu.memref_squeeze %dma_wait3A_124 : memref<1x125xi32, #tpu.memory_space<vmem>> -> memref<125xi32, #tpu.memory_space<vmem>>
      %dma_wait3A_126 = arith.constant 0 : i32
      %dma_wait3A_127 = arith.constant 0 : i32
      %dma_wait3A_128 = tpu.memref_slice %arg2[%dma_wait3A_126, %dma_wait3A_127] : memref<10000x128xf32, #tpu.memory_space<hbm>> -> memref<10000x128xf32, #tpu.memory_space<hbm>>
      tpu.wait_indirect_dma semaphore(%arg12 : memref<!tpu.dma_semaphore, #tpu.memory_space<semaphore_mem>>) src(%dma_wait3A_128 : memref<10000x128xf32, #tpu.memory_space<hbm>>) dst(%dma_wait3A_122 : memref<125x128xf32, #tpu.memory_space<vmem>>)
      %dma_start3A_129 = arith.constant 4 : i32
      %dma_start3A_130 = arith.constant 0 : i32
      %dma_start3A_131 = arith.constant 0 : i32
      %dma_start3A_132 = tpu.memref_slice %arg8[%dma_start3A_130, %dma_start3A_131] : memref<128x128xf32, #tpu.memory_space<vmem>> -> memref<125x128xf32, #tpu.memory_space<vmem>>
      %dma_start3A_133 = arith.constant 0 : i32
      %dma_start3A_134 = tpu.memref_slice %arg6[%dma_start3A_129, %dma_start3A_133] : memref<8x125xi32, #tpu.memory_space<vmem>> -> memref<1x125xi32, #tpu.memory_space<vmem>>
      %dma_start3A_135 = tpu.memref_squeeze %dma_start3A_134 : memref<1x125xi32, #tpu.memory_space<vmem>> -> memref<125xi32, #tpu.memory_space<vmem>>
      %dma_start3A_136 = arith.constant 0 : i32
      %dma_start3A_137 = arith.constant 0 : i32
      %dma_start3A_138 = tpu.memref_slice %arg2[%dma_start3A_136, %dma_start3A_137] : memref<10000x128xf32, #tpu.memory_space<hbm>> -> memref<10000x128xf32, #tpu.memory_space<hbm>>
      tpu.enqueue_indirect_dma source(%dma_start3A_138 : memref<10000x128xf32, #tpu.memory_space<hbm>>) target(%dma_start3A_132 : memref<125x128xf32, #tpu.memory_space<vmem>>) offsets(%dma_start3A_135 : memref<125xi32, #tpu.memory_space<vmem>>) semaphore(%arg11 : memref<!tpu.dma_semaphore, #tpu.memory_space<semaphore_mem>>)
      %run_scoped3A_139 = arith.constant 3 : i32
      "tpu.region"() ({
        %run_scoped3A_214 = tpu.sem_alloc : memref<!tpu.dma_semaphore, #tpu.memory_space<semaphore_mem>>
        %dma_start3A_215 = arith.constant 0 : i32
        %dma_start3A_216 = arith.constant 0 : i32
        %dma_start3A_217 = tpu.memref_slice %arg9[%dma_start3A_215, %dma_start3A_216] : memref<128x128xf32, #tpu.memory_space<vmem>> -> memref<125x128xf32, #tpu.memory_space<vmem>>
        %dma_start3A_218 = arith.constant 0 : i32
        %dma_start3A_219 = tpu.memref_slice %arg7[%run_scoped3A_139, %dma_start3A_218] : memref<8x125xi32, #tpu.memory_space<vmem>> -> memref<1x125xi32, #tpu.memory_space<vmem>>
        %dma_start3A_220 = tpu.memref_squeeze %dma_start3A_219 : memref<1x125xi32, #tpu.memory_space<vmem>> -> memref<125xi32, #tpu.memory_space<vmem>>
        %dma_start3A_221 = arith.constant 0 : i32
        %dma_start3A_222 = arith.constant 0 : i32
        %dma_start3A_223 = tpu.memref_slice %arg10[%dma_start3A_221, %dma_start3A_222] : memref<10240x128xf32, #tpu.memory_space<vmem_shared>> -> memref<10240x128xf32, #tpu.memory_space<vmem_shared>>
        tpu.enqueue_indirect_dma source(%dma_start3A_217 : memref<125x128xf32, #tpu.memory_space<vmem>>) target(%dma_start3A_223 : memref<10240x128xf32, #tpu.memory_space<vmem_shared>>) offsets(%dma_start3A_220 : memref<125xi32, #tpu.memory_space<vmem>>) semaphore(%run_scoped3A_214 : memref<!tpu.dma_semaphore, #tpu.memory_space<semaphore_mem>>) {add = true}
        %dma_wait3A_224 = arith.constant 0 : i32
        %dma_wait3A_225 = arith.constant 0 : i32
        %dma_wait3A_226 = tpu.memref_slice %arg9[%dma_wait3A_224, %dma_wait3A_225] : memref<128x128xf32, #tpu.memory_space<vmem>> -> memref<125x128xf32, #tpu.memory_space<vmem>>
        %dma_wait3A_227 = arith.constant 0 : i32
        %dma_wait3A_228 = tpu.memref_slice %arg7[%run_scoped3A_139, %dma_wait3A_227] : memref<8x125xi32, #tpu.memory_space<vmem>> -> memref<1x125xi32, #tpu.memory_space<vmem>>
        %dma_wait3A_229 = tpu.memref_squeeze %dma_wait3A_228 : memref<1x125xi32, #tpu.memory_space<vmem>> -> memref<125xi32, #tpu.memory_space<vmem>>
        %dma_wait3A_230 = arith.constant 0 : i32
        %dma_wait3A_231 = arith.constant 0 : i32
        %dma_wait3A_232 = tpu.memref_slice %arg10[%dma_wait3A_230, %dma_wait3A_231] : memref<10240x128xf32, #tpu.memory_space<vmem_shared>> -> memref<10240x128xf32, #tpu.memory_space<vmem_shared>>
        tpu.wait_indirect_dma semaphore(%run_scoped3A_214 : memref<!tpu.dma_semaphore, #tpu.memory_space<semaphore_mem>>) src(%dma_wait3A_226 : memref<125x128xf32, #tpu.memory_space<vmem>>) dst(%dma_wait3A_232 : memref<10240x128xf32, #tpu.memory_space<vmem_shared>>)
        tpu.yield
      }) : () -> ()
      %dma_wait3A_140 = arith.constant 4 : i32
      %dma_wait3A_141 = arith.constant 0 : i32
      %dma_wait3A_142 = arith.constant 0 : i32
      %dma_wait3A_143 = tpu.memref_slice %arg8[%dma_wait3A_141, %dma_wait3A_142] : memref<128x128xf32, #tpu.memory_space<vmem>> -> memref<125x128xf32, #tpu.memory_space<vmem>>
      %dma_wait3A_144 = arith.constant 0 : i32
      %dma_wait3A_145 = tpu.memref_slice %arg6[%dma_wait3A_140, %dma_wait3A_144] : memref<8x125xi32, #tpu.memory_space<vmem>> -> memref<1x125xi32, #tpu.memory_space<vmem>>
      %dma_wait3A_146 = tpu.memref_squeeze %dma_wait3A_145 : memref<1x125xi32, #tpu.memory_space<vmem>> -> memref<125xi32, #tpu.memory_space<vmem>>
      %dma_wait3A_147 = arith.constant 0 : i32
      %dma_wait3A_148 = arith.constant 0 : i32
      %dma_wait3A_149 = tpu.memref_slice %arg2[%dma_wait3A_147, %dma_wait3A_148] : memref<10000x128xf32, #tpu.memory_space<hbm>> -> memref<10000x128xf32, #tpu.memory_space<hbm>>
      tpu.wait_indirect_dma semaphore(%arg11 : memref<!tpu.dma_semaphore, #tpu.memory_space<semaphore_mem>>) src(%dma_wait3A_149 : memref<10000x128xf32, #tpu.memory_space<hbm>>) dst(%dma_wait3A_143 : memref<125x128xf32, #tpu.memory_space<vmem>>)
      %dma_start3A_150 = arith.constant 5 : i32
      %dma_start3A_151 = arith.constant 0 : i32
      %dma_start3A_152 = arith.constant 0 : i32
      %dma_start3A_153 = tpu.memref_slice %arg9[%dma_start3A_151, %dma_start3A_152] : memref<128x128xf32, #tpu.memory_space<vmem>> -> memref<125x128xf32, #tpu.memory_space<vmem>>
      %dma_start3A_154 = arith.constant 0 : i32
      %dma_start3A_155 = tpu.memref_slice %arg6[%dma_start3A_150, %dma_start3A_154] : memref<8x125xi32, #tpu.memory_space<vmem>> -> memref<1x125xi32, #tpu.memory_space<vmem>>
      %dma_start3A_156 = tpu.memref_squeeze %dma_start3A_155 : memref<1x125xi32, #tpu.memory_space<vmem>> -> memref<125xi32, #tpu.memory_space<vmem>>
      %dma_start3A_157 = arith.constant 0 : i32
      %dma_start3A_158 = arith.constant 0 : i32
      %dma_start3A_159 = tpu.memref_slice %arg2[%dma_start3A_157, %dma_start3A_158] : memref<10000x128xf32, #tpu.memory_space<hbm>> -> memref<10000x128xf32, #tpu.memory_space<hbm>>
      tpu.enqueue_indirect_dma source(%dma_start3A_159 : memref<10000x128xf32, #tpu.memory_space<hbm>>) target(%dma_start3A_153 : memref<125x128xf32, #tpu.memory_space<vmem>>) offsets(%dma_start3A_156 : memref<125xi32, #tpu.memory_space<vmem>>) semaphore(%arg12 : memref<!tpu.dma_semaphore, #tpu.memory_space<semaphore_mem>>)
      %run_scoped3A_160 = arith.constant 4 : i32
      "tpu.region"() ({
        %run_scoped3A_214 = tpu.sem_alloc : memref<!tpu.dma_semaphore, #tpu.memory_space<semaphore_mem>>
        %dma_start3A_215 = arith.constant 0 : i32
        %dma_start3A_216 = arith.constant 0 : i32
        %dma_start3A_217 = tpu.memref_slice %arg8[%dma_start3A_215, %dma_start3A_216] : memref<128x128xf32, #tpu.memory_space<vmem>> -> memref<125x128xf32, #tpu.memory_space<vmem>>
        %dma_start3A_218 = arith.constant 0 : i32
        %dma_start3A_219 = tpu.memref_slice %arg7[%run_scoped3A_160, %dma_start3A_218] : memref<8x125xi32, #tpu.memory_space<vmem>> -> memref<1x125xi32, #tpu.memory_space<vmem>>
        %dma_start3A_220 = tpu.memref_squeeze %dma_start3A_219 : memref<1x125xi32, #tpu.memory_space<vmem>> -> memref<125xi32, #tpu.memory_space<vmem>>
        %dma_start3A_221 = arith.constant 0 : i32
        %dma_start3A_222 = arith.constant 0 : i32
        %dma_start3A_223 = tpu.memref_slice %arg10[%dma_start3A_221, %dma_start3A_222] : memref<10240x128xf32, #tpu.memory_space<vmem_shared>> -> memref<10240x128xf32, #tpu.memory_space<vmem_shared>>
        tpu.enqueue_indirect_dma source(%dma_start3A_217 : memref<125x128xf32, #tpu.memory_space<vmem>>) target(%dma_start3A_223 : memref<10240x128xf32, #tpu.memory_space<vmem_shared>>) offsets(%dma_start3A_220 : memref<125xi32, #tpu.memory_space<vmem>>) semaphore(%run_scoped3A_214 : memref<!tpu.dma_semaphore, #tpu.memory_space<semaphore_mem>>) {add = true}
        %dma_wait3A_224 = arith.constant 0 : i32
        %dma_wait3A_225 = arith.constant 0 : i32
        %dma_wait3A_226 = tpu.memref_slice %arg8[%dma_wait3A_224, %dma_wait3A_225] : memref<128x128xf32, #tpu.memory_space<vmem>> -> memref<125x128xf32, #tpu.memory_space<vmem>>
        %dma_wait3A_227 = arith.constant 0 : i32
        %dma_wait3A_228 = tpu.memref_slice %arg7[%run_scoped3A_160, %dma_wait3A_227] : memref<8x125xi32, #tpu.memory_space<vmem>> -> memref<1x125xi32, #tpu.memory_space<vmem>>
        %dma_wait3A_229 = tpu.memref_squeeze %dma_wait3A_228 : memref<1x125xi32, #tpu.memory_space<vmem>> -> memref<125xi32, #tpu.memory_space<vmem>>
        %dma_wait3A_230 = arith.constant 0 : i32
        %dma_wait3A_231 = arith.constant 0 : i32
        %dma_wait3A_232 = tpu.memref_slice %arg10[%dma_wait3A_230, %dma_wait3A_231] : memref<10240x128xf32, #tpu.memory_space<vmem_shared>> -> memref<10240x128xf32, #tpu.memory_space<vmem_shared>>
        tpu.wait_indirect_dma semaphore(%run_scoped3A_214 : memref<!tpu.dma_semaphore, #tpu.memory_space<semaphore_mem>>) src(%dma_wait3A_226 : memref<125x128xf32, #tpu.memory_space<vmem>>) dst(%dma_wait3A_232 : memref<10240x128xf32, #tpu.memory_space<vmem_shared>>)
        tpu.yield
      }) : () -> ()
      %dma_wait3A_161 = arith.constant 5 : i32
      %dma_wait3A_162 = arith.constant 0 : i32
      %dma_wait3A_163 = arith.constant 0 : i32
      %dma_wait3A_164 = tpu.memref_slice %arg9[%dma_wait3A_162, %dma_wait3A_163] : memref<128x128xf32, #tpu.memory_space<vmem>> -> memref<125x128xf32, #tpu.memory_space<vmem>>
      %dma_wait3A_165 = arith.constant 0 : i32
      %dma_wait3A_166 = tpu.memref_slice %arg6[%dma_wait3A_161, %dma_wait3A_165] : memref<8x125xi32, #tpu.memory_space<vmem>> -> memref<1x125xi32, #tpu.memory_space<vmem>>
      %dma_wait3A_167 = tpu.memref_squeeze %dma_wait3A_166 : memref<1x125xi32, #tpu.memory_space<vmem>> -> memref<125xi32, #tpu.memory_space<vmem>>
      %dma_wait3A_168 = arith.constant 0 : i32
      %dma_wait3A_169 = arith.constant 0 : i32
      %dma_wait3A_170 = tpu.memref_slice %arg2[%dma_wait3A_168, %dma_wait3A_169] : memref<10000x128xf32, #tpu.memory_space<hbm>> -> memref<10000x128xf32, #tpu.memory_space<hbm>>
      tpu.wait_indirect_dma semaphore(%arg12 : memref<!tpu.dma_semaphore, #tpu.memory_space<semaphore_mem>>) src(%dma_wait3A_170 : memref<10000x128xf32, #tpu.memory_space<hbm>>) dst(%dma_wait3A_164 : memref<125x128xf32, #tpu.memory_space<vmem>>)
      %dma_start3A_171 = arith.constant 6 : i32
      %dma_start3A_172 = arith.constant 0 : i32
      %dma_start3A_173 = arith.constant 0 : i32
      %dma_start3A_174 = tpu.memref_slice %arg8[%dma_start3A_172, %dma_start3A_173] : memref<128x128xf32, #tpu.memory_space<vmem>> -> memref<125x128xf32, #tpu.memory_space<vmem>>
      %dma_start3A_175 = arith.constant 0 : i32
      %dma_start3A_176 = tpu.memref_slice %arg6[%dma_start3A_171, %dma_start3A_175] : memref<8x125xi32, #tpu.memory_space<vmem>> -> memref<1x125xi32, #tpu.memory_space<vmem>>
      %dma_start3A_177 = tpu.memref_squeeze %dma_start3A_176 : memref<1x125xi32, #tpu.memory_space<vmem>> -> memref<125xi32, #tpu.memory_space<vmem>>
      %dma_start3A_178 = arith.constant 0 : i32
      %dma_start3A_179 = arith.constant 0 : i32
      %dma_start3A_180 = tpu.memref_slice %arg2[%dma_start3A_178, %dma_start3A_179] : memref<10000x128xf32, #tpu.memory_space<hbm>> -> memref<10000x128xf32, #tpu.memory_space<hbm>>
      tpu.enqueue_indirect_dma source(%dma_start3A_180 : memref<10000x128xf32, #tpu.memory_space<hbm>>) target(%dma_start3A_174 : memref<125x128xf32, #tpu.memory_space<vmem>>) offsets(%dma_start3A_177 : memref<125xi32, #tpu.memory_space<vmem>>) semaphore(%arg11 : memref<!tpu.dma_semaphore, #tpu.memory_space<semaphore_mem>>)
      %run_scoped3A_181 = arith.constant 5 : i32
      "tpu.region"() ({
        %run_scoped3A_214 = tpu.sem_alloc : memref<!tpu.dma_semaphore, #tpu.memory_space<semaphore_mem>>
        %dma_start3A_215 = arith.constant 0 : i32
        %dma_start3A_216 = arith.constant 0 : i32
        %dma_start3A_217 = tpu.memref_slice %arg9[%dma_start3A_215, %dma_start3A_216] : memref<128x128xf32, #tpu.memory_space<vmem>> -> memref<125x128xf32, #tpu.memory_space<vmem>>
        %dma_start3A_218 = arith.constant 0 : i32
        %dma_start3A_219 = tpu.memref_slice %arg7[%run_scoped3A_181, %dma_start3A_218] : memref<8x125xi32, #tpu.memory_space<vmem>> -> memref<1x125xi32, #tpu.memory_space<vmem>>
        %dma_start3A_220 = tpu.memref_squeeze %dma_start3A_219 : memref<1x125xi32, #tpu.memory_space<vmem>> -> memref<125xi32, #tpu.memory_space<vmem>>
        %dma_start3A_221 = arith.constant 0 : i32
        %dma_start3A_222 = arith.constant 0 : i32
        %dma_start3A_223 = tpu.memref_slice %arg10[%dma_start3A_221, %dma_start3A_222] : memref<10240x128xf32, #tpu.memory_space<vmem_shared>> -> memref<10240x128xf32, #tpu.memory_space<vmem_shared>>
        tpu.enqueue_indirect_dma source(%dma_start3A_217 : memref<125x128xf32, #tpu.memory_space<vmem>>) target(%dma_start3A_223 : memref<10240x128xf32, #tpu.memory_space<vmem_shared>>) offsets(%dma_start3A_220 : memref<125xi32, #tpu.memory_space<vmem>>) semaphore(%run_scoped3A_214 : memref<!tpu.dma_semaphore, #tpu.memory_space<semaphore_mem>>) {add = true}
        %dma_wait3A_224 = arith.constant 0 : i32
        %dma_wait3A_225 = arith.constant 0 : i32
        %dma_wait3A_226 = tpu.memref_slice %arg9[%dma_wait3A_224, %dma_wait3A_225] : memref<128x128xf32, #tpu.memory_space<vmem>> -> memref<125x128xf32, #tpu.memory_space<vmem>>
        %dma_wait3A_227 = arith.constant 0 : i32
        %dma_wait3A_228 = tpu.memref_slice %arg7[%run_scoped3A_181, %dma_wait3A_227] : memref<8x125xi32, #tpu.memory_space<vmem>> -> memref<1x125xi32, #tpu.memory_space<vmem>>
        %dma_wait3A_229 = tpu.memref_squeeze %dma_wait3A_228 : memref<1x125xi32, #tpu.memory_space<vmem>> -> memref<125xi32, #tpu.memory_space<vmem>>
        %dma_wait3A_230 = arith.constant 0 : i32
        %dma_wait3A_231 = arith.constant 0 : i32
        %dma_wait3A_232 = tpu.memref_slice %arg10[%dma_wait3A_230, %dma_wait3A_231] : memref<10240x128xf32, #tpu.memory_space<vmem_shared>> -> memref<10240x128xf32, #tpu.memory_space<vmem_shared>>
        tpu.wait_indirect_dma semaphore(%run_scoped3A_214 : memref<!tpu.dma_semaphore, #tpu.memory_space<semaphore_mem>>) src(%dma_wait3A_226 : memref<125x128xf32, #tpu.memory_space<vmem>>) dst(%dma_wait3A_232 : memref<10240x128xf32, #tpu.memory_space<vmem_shared>>)
        tpu.yield
      }) : () -> ()
      %dma_wait3A_182 = arith.constant 6 : i32
      %dma_wait3A_183 = arith.constant 0 : i32
      %dma_wait3A_184 = arith.constant 0 : i32
      %dma_wait3A_185 = tpu.memref_slice %arg8[%dma_wait3A_183, %dma_wait3A_184] : memref<128x128xf32, #tpu.memory_space<vmem>> -> memref<125x128xf32, #tpu.memory_space<vmem>>
      %dma_wait3A_186 = arith.constant 0 : i32
      %dma_wait3A_187 = tpu.memref_slice %arg6[%dma_wait3A_182, %dma_wait3A_186] : memref<8x125xi32, #tpu.memory_space<vmem>> -> memref<1x125xi32, #tpu.memory_space<vmem>>
      %dma_wait3A_188 = tpu.memref_squeeze %dma_wait3A_187 : memref<1x125xi32, #tpu.memory_space<vmem>> -> memref<125xi32, #tpu.memory_space<vmem>>
      %dma_wait3A_189 = arith.constant 0 : i32
      %dma_wait3A_190 = arith.constant 0 : i32
      %dma_wait3A_191 = tpu.memref_slice %arg2[%dma_wait3A_189, %dma_wait3A_190] : memref<10000x128xf32, #tpu.memory_space<hbm>> -> memref<10000x128xf32, #tpu.memory_space<hbm>>
      tpu.wait_indirect_dma semaphore(%arg11 : memref<!tpu.dma_semaphore, #tpu.memory_space<semaphore_mem>>) src(%dma_wait3A_191 : memref<10000x128xf32, #tpu.memory_space<hbm>>) dst(%dma_wait3A_185 : memref<125x128xf32, #tpu.memory_space<vmem>>)
      %dma_start3A_192 = arith.constant 7 : i32
      %dma_start3A_193 = arith.constant 0 : i32
      %dma_start3A_194 = arith.constant 0 : i32
      %dma_start3A_195 = tpu.memref_slice %arg9[%dma_start3A_193, %dma_start3A_194] : memref<128x128xf32, #tpu.memory_space<vmem>> -> memref<125x128xf32, #tpu.memory_space<vmem>>
      %dma_start3A_196 = arith.constant 0 : i32
      %dma_start3A_197 = tpu.memref_slice %arg6[%dma_start3A_192, %dma_start3A_196] : memref<8x125xi32, #tpu.memory_space<vmem>> -> memref<1x125xi32, #tpu.memory_space<vmem>>
      %dma_start3A_198 = tpu.memref_squeeze %dma_start3A_197 : memref<1x125xi32, #tpu.memory_space<vmem>> -> memref<125xi32, #tpu.memory_space<vmem>>
      %dma_start3A_199 = arith.constant 0 : i32
      %dma_start3A_200 = arith.constant 0 : i32
      %dma_start3A_201 = tpu.memref_slice %arg2[%dma_start3A_199, %dma_start3A_200] : memref<10000x128xf32, #tpu.memory_space<hbm>> -> memref<10000x128xf32, #tpu.memory_space<hbm>>
      tpu.enqueue_indirect_dma source(%dma_start3A_201 : memref<10000x128xf32, #tpu.memory_space<hbm>>) target(%dma_start3A_195 : memref<125x128xf32, #tpu.memory_space<vmem>>) offsets(%dma_start3A_198 : memref<125xi32, #tpu.memory_space<vmem>>) semaphore(%arg12 : memref<!tpu.dma_semaphore, #tpu.memory_space<semaphore_mem>>)
      %run_scoped3A_202 = arith.constant 6 : i32
      "tpu.region"() ({
        %run_scoped3A_214 = tpu.sem_alloc : memref<!tpu.dma_semaphore, #tpu.memory_space<semaphore_mem>>
        %dma_start3A_215 = arith.constant 0 : i32
        %dma_start3A_216 = arith.constant 0 : i32
        %dma_start3A_217 = tpu.memref_slice %arg8[%dma_start3A_215, %dma_start3A_216] : memref<128x128xf32, #tpu.memory_space<vmem>> -> memref<125x128xf32, #tpu.memory_space<vmem>>
        %dma_start3A_218 = arith.constant 0 : i32
        %dma_start3A_219 = tpu.memref_slice %arg7[%run_scoped3A_202, %dma_start3A_218] : memref<8x125xi32, #tpu.memory_space<vmem>> -> memref<1x125xi32, #tpu.memory_space<vmem>>
        %dma_start3A_220 = tpu.memref_squeeze %dma_start3A_219 : memref<1x125xi32, #tpu.memory_space<vmem>> -> memref<125xi32, #tpu.memory_space<vmem>>
        %dma_start3A_221 = arith.constant 0 : i32
        %dma_start3A_222 = arith.constant 0 : i32
        %dma_start3A_223 = tpu.memref_slice %arg10[%dma_start3A_221, %dma_start3A_222] : memref<10240x128xf32, #tpu.memory_space<vmem_shared>> -> memref<10240x128xf32, #tpu.memory_space<vmem_shared>>
        tpu.enqueue_indirect_dma source(%dma_start3A_217 : memref<125x128xf32, #tpu.memory_space<vmem>>) target(%dma_start3A_223 : memref<10240x128xf32, #tpu.memory_space<vmem_shared>>) offsets(%dma_start3A_220 : memref<125xi32, #tpu.memory_space<vmem>>) semaphore(%run_scoped3A_214 : memref<!tpu.dma_semaphore, #tpu.memory_space<semaphore_mem>>) {add = true}
        %dma_wait3A_224 = arith.constant 0 : i32
        %dma_wait3A_225 = arith.constant 0 : i32
        %dma_wait3A_226 = tpu.memref_slice %arg8[%dma_wait3A_224, %dma_wait3A_225] : memref<128x128xf32, #tpu.memory_space<vmem>> -> memref<125x128xf32, #tpu.memory_space<vmem>>
        %dma_wait3A_227 = arith.constant 0 : i32
        %dma_wait3A_228 = tpu.memref_slice %arg7[%run_scoped3A_202, %dma_wait3A_227] : memref<8x125xi32, #tpu.memory_space<vmem>> -> memref<1x125xi32, #tpu.memory_space<vmem>>
        %dma_wait3A_229 = tpu.memref_squeeze %dma_wait3A_228 : memref<1x125xi32, #tpu.memory_space<vmem>> -> memref<125xi32, #tpu.memory_space<vmem>>
        %dma_wait3A_230 = arith.constant 0 : i32
        %dma_wait3A_231 = arith.constant 0 : i32
        %dma_wait3A_232 = tpu.memref_slice %arg10[%dma_wait3A_230, %dma_wait3A_231] : memref<10240x128xf32, #tpu.memory_space<vmem_shared>> -> memref<10240x128xf32, #tpu.memory_space<vmem_shared>>
        tpu.wait_indirect_dma semaphore(%run_scoped3A_214 : memref<!tpu.dma_semaphore, #tpu.memory_space<semaphore_mem>>) src(%dma_wait3A_226 : memref<125x128xf32, #tpu.memory_space<vmem>>) dst(%dma_wait3A_232 : memref<10240x128xf32, #tpu.memory_space<vmem_shared>>)
        tpu.yield
      }) : () -> ()
      %dma_wait3A_203 = arith.constant 7 : i32
      %dma_wait3A_204 = arith.constant 0 : i32
      %dma_wait3A_205 = arith.constant 0 : i32
      %dma_wait3A_206 = tpu.memref_slice %arg9[%dma_wait3A_204, %dma_wait3A_205] : memref<128x128xf32, #tpu.memory_space<vmem>> -> memref<125x128xf32, #tpu.memory_space<vmem>>
      %dma_wait3A_207 = arith.constant 0 : i32
      %dma_wait3A_208 = tpu.memref_slice %arg6[%dma_wait3A_203, %dma_wait3A_207] : memref<8x125xi32, #tpu.memory_space<vmem>> -> memref<1x125xi32, #tpu.memory_space<vmem>>
      %dma_wait3A_209 = tpu.memref_squeeze %dma_wait3A_208 : memref<1x125xi32, #tpu.memory_space<vmem>> -> memref<125xi32, #tpu.memory_space<vmem>>
      %dma_wait3A_210 = arith.constant 0 : i32
      %dma_wait3A_211 = arith.constant 0 : i32
      %dma_wait3A_212 = tpu.memref_slice %arg2[%dma_wait3A_210, %dma_wait3A_211] : memref<10000x128xf32, #tpu.memory_space<hbm>> -> memref<10000x128xf32, #tpu.memory_space<hbm>>
      tpu.wait_indirect_dma semaphore(%arg12 : memref<!tpu.dma_semaphore, #tpu.memory_space<semaphore_mem>>) src(%dma_wait3A_212 : memref<10000x128xf32, #tpu.memory_space<hbm>>) dst(%dma_wait3A_206 : memref<125x128xf32, #tpu.memory_space<vmem>>)
      %run_scoped3A_213 = arith.constant 7 : i32
      "tpu.region"() ({
        %run_scoped3A_214 = tpu.sem_alloc : memref<!tpu.dma_semaphore, #tpu.memory_space<semaphore_mem>>
        %dma_start3A_215 = arith.constant 0 : i32
        %dma_start3A_216 = arith.constant 0 : i32
        %dma_start3A_217 = tpu.memref_slice %arg9[%dma_start3A_215, %dma_start3A_216] : memref<128x128xf32, #tpu.memory_space<vmem>> -> memref<125x128xf32, #tpu.memory_space<vmem>>
        %dma_start3A_218 = arith.constant 0 : i32
        %dma_start3A_219 = tpu.memref_slice %arg7[%run_scoped3A_213, %dma_start3A_218] : memref<8x125xi32, #tpu.memory_space<vmem>> -> memref<1x125xi32, #tpu.memory_space<vmem>>
        %dma_start3A_220 = tpu.memref_squeeze %dma_start3A_219 : memref<1x125xi32, #tpu.memory_space<vmem>> -> memref<125xi32, #tpu.memory_space<vmem>>
        %dma_start3A_221 = arith.constant 0 : i32
        %dma_start3A_222 = arith.constant 0 : i32
        %dma_start3A_223 = tpu.memref_slice %arg10[%dma_start3A_221, %dma_start3A_222] : memref<10240x128xf32, #tpu.memory_space<vmem_shared>> -> memref<10240x128xf32, #tpu.memory_space<vmem_shared>>
        tpu.enqueue_indirect_dma source(%dma_start3A_217 : memref<125x128xf32, #tpu.memory_space<vmem>>) target(%dma_start3A_223 : memref<10240x128xf32, #tpu.memory_space<vmem_shared>>) offsets(%dma_start3A_220 : memref<125xi32, #tpu.memory_space<vmem>>) semaphore(%run_scoped3A_214 : memref<!tpu.dma_semaphore, #tpu.memory_space<semaphore_mem>>) {add = true}
        %dma_wait3A_224 = arith.constant 0 : i32
        %dma_wait3A_225 = arith.constant 0 : i32
        %dma_wait3A_226 = tpu.memref_slice %arg9[%dma_wait3A_224, %dma_wait3A_225] : memref<128x128xf32, #tpu.memory_space<vmem>> -> memref<125x128xf32, #tpu.memory_space<vmem>>
        %dma_wait3A_227 = arith.constant 0 : i32
        %dma_wait3A_228 = tpu.memref_slice %arg7[%run_scoped3A_213, %dma_wait3A_227] : memref<8x125xi32, #tpu.memory_space<vmem>> -> memref<1x125xi32, #tpu.memory_space<vmem>>
        %dma_wait3A_229 = tpu.memref_squeeze %dma_wait3A_228 : memref<1x125xi32, #tpu.memory_space<vmem>> -> memref<125xi32, #tpu.memory_space<vmem>>
        %dma_wait3A_230 = arith.constant 0 : i32
        %dma_wait3A_231 = arith.constant 0 : i32
        %dma_wait3A_232 = tpu.memref_slice %arg10[%dma_wait3A_230, %dma_wait3A_231] : memref<10240x128xf32, #tpu.memory_space<vmem_shared>> -> memref<10240x128xf32, #tpu.memory_space<vmem_shared>>
        tpu.wait_indirect_dma semaphore(%run_scoped3A_214 : memref<!tpu.dma_semaphore, #tpu.memory_space<semaphore_mem>>) src(%dma_wait3A_226 : memref<125x128xf32, #tpu.memory_space<vmem>>) dst(%dma_wait3A_232 : memref<10240x128xf32, #tpu.memory_space<vmem_shared>>)
        tpu.yield
      }) : () -> ()
    }
    %scan3A_33 = arith.constant 10 : i32
    %barrier3A_34 = arith.constant 0 : index
    tpu.barrier barrier_id(%barrier3A_34)
    %mul3A_35 = arith.constant 640 : i32
    %mul3A_36 = arith.muli %arg1, %mul3A_35 : i32
    %mul3A_37 = arith.constant 10240 : i32
    %mul3A_38 = arith.muli %arg0, %mul3A_37 : i32
    %mul3A_39 = arith.constant 640 : i32
    %mul3A_40 = arith.muli %arg1, %mul3A_39 : i32
    %add3A_41 = arith.addi %mul3A_38, %mul3A_40 : i32
    "tpu.region"() ({
      %run_scoped3A = tpu.sem_alloc : memref<!tpu.dma_semaphore, #tpu.memory_space<semaphore_mem>>
      %dma_start3A = arith.constant 0 : i32
      %dma_start3A_42 = tpu.memref_slice %arg5[%add3A_41, %dma_start3A] : memref<20480x128xf32, #tpu.memory_space<hbm>> -> memref<640x128xf32, #tpu.memory_space<hbm>>
      %dma_start3A_43 = arith.constant 0 : i32
      %dma_start3A_44 = tpu.memref_slice %arg10[%mul3A_36, %dma_start3A_43] : memref<10240x128xf32, #tpu.memory_space<vmem_shared>> -> memref<640x128xf32, #tpu.memory_space<vmem_shared>>
      tpu.enqueue_dma source(%dma_start3A_44 : memref<640x128xf32, #tpu.memory_space<vmem_shared>>) target(%dma_start3A_42 : memref<640x128xf32, #tpu.memory_space<hbm>>) target_semaphore(%run_scoped3A : memref<!tpu.dma_semaphore, #tpu.memory_space<semaphore_mem>>)
      %dma_wait3A = arith.constant 0 : i32
      %dma_wait3A_45 = tpu.memref_slice %arg5[%add3A_41, %dma_wait3A] : memref<20480x128xf32, #tpu.memory_space<hbm>> -> memref<640x128xf32, #tpu.memory_space<hbm>>
      %dma_wait3A_46 = arith.constant 0 : i32
      %dma_wait3A_47 = tpu.memref_slice %arg10[%mul3A_36, %dma_wait3A_46] : memref<10240x128xf32, #tpu.memory_space<vmem_shared>> -> memref<640x128xf32, #tpu.memory_space<vmem_shared>>
      tpu.wait_dma2 semaphore(%run_scoped3A : memref<!tpu.dma_semaphore, #tpu.memory_space<semaphore_mem>>) src(%dma_wait3A_47 : memref<640x128xf32, #tpu.memory_space<vmem_shared>>) dst(%dma_wait3A_45 : memref<640x128xf32, #tpu.memory_space<hbm>>)
      tpu.yield
    }) : () -> ()
    return
  }
}

#map = affine_map<(d0, d1) -> (0, 0)>
module attributes {stable_mosaic.version = 14 : i64} {
  func.func @_aggB_body(%arg0: i32, %arg1: i32, %arg2: memref<20000x128xf32, #tpu.memory_space<hbm>>, %arg3: memref<5120x125xi32, #tpu.memory_space<hbm>>, %arg4: memref<2560x125xi32, #tpu.memory_space<hbm>>, %arg5: memref<20480x128xf32, #tpu.memory_space<hbm>>, %arg6: memref<8x125xi32, #tpu.memory_space<vmem>>, %arg7: memref<8x125xi32, #tpu.memory_space<vmem>>, %arg8: memref<128x128xf32, #tpu.memory_space<vmem>>, %arg9: memref<128x128xf32, #tpu.memory_space<vmem>>, %arg10: memref<10240x128xf32, #tpu.memory_space<vmem_shared>>, %arg11: memref<!tpu.dma_semaphore, #tpu.memory_space<semaphore_mem>>, %arg12: memref<!tpu.dma_semaphore, #tpu.memory_space<semaphore_mem>>) attributes {dimension_semantics = [#tpu.dimension_semantics<core_parallel>, #tpu.dimension_semantics<subcore_parallel>], iteration_bounds = array<i64: 2, 16>, scalar_prefetch = 0 : i64, scratch_operands = 7 : i64, tpu.core_type = #tpu.core_type<sc_vector_subcore>, window_params = [{transform_indices = #map}, {transform_indices = #map}, {transform_indices = #map}, {transform_indices = #map}]} {
    %scan3A = arith.constant 0 : i32
    %scan3A_0 = arith.constant 0 : i32
    %scan3A_1 = arith.constant 128 : i32
    %scan3A_2 = arith.addi %scan3A_0, %scan3A_1 : i32
    %scan3A_3 = arith.constant 1 : i32
    scf.for %scan3A_44 = %scan3A_0 to %scan3A_2 step %scan3A_3  : i32 {
      %broadcast_in_dim3A = arith.constant 0.000000e+00 : f32
      %broadcast_in_dim3A_45 = vector.broadcast %broadcast_in_dim3A : f32 to vector<16xf32>
      %swap3A = arith.index_cast %scan3A_44 : i32 to index
      %swap3A_46 = arith.constant 0 : index
      %swap3A_47 = tpu.vector_load %arg8[%swap3A, %swap3A_46] {strides = array<i32>} : memref<128x128xf32, #tpu.memory_space<vmem>>, vector<1x16xf32>,
      %swap3A_48 = vector.shape_cast %swap3A_47 : vector<1x16xf32> to vector<16xf32>
      %swap3A_49 = vector.shape_cast %broadcast_in_dim3A_45 : vector<16xf32> to vector<1x16xf32>
      tpu.vector_store %arg8[%swap3A, %swap3A_46], %swap3A_49 {strides = array<i32>} : memref<128x128xf32, #tpu.memory_space<vmem>>, vector<1x16xf32>,
      %broadcast_in_dim3A_50 = arith.constant 0.000000e+00 : f32
      %broadcast_in_dim3A_51 = vector.broadcast %broadcast_in_dim3A_50 : f32 to vector<16xf32>
      %swap3A_52 = arith.index_cast %scan3A_44 : i32 to index
      %swap3A_53 = arith.constant 16 : index
      %swap3A_54 = tpu.vector_load %arg8[%swap3A_52, %swap3A_53] {strides = array<i32>} : memref<128x128xf32, #tpu.memory_space<vmem>>, vector<1x16xf32>,
      %swap3A_55 = vector.shape_cast %swap3A_54 : vector<1x16xf32> to vector<16xf32>
      %swap3A_56 = vector.shape_cast %broadcast_in_dim3A_51 : vector<16xf32> to vector<1x16xf32>
      tpu.vector_store %arg8[%swap3A_52, %swap3A_53], %swap3A_56 {strides = array<i32>} : memref<128x128xf32, #tpu.memory_space<vmem>>, vector<1x16xf32>,
      %broadcast_in_dim3A_57 = arith.constant 0.000000e+00 : f32
      %broadcast_in_dim3A_58 = vector.broadcast %broadcast_in_dim3A_57 : f32 to vector<16xf32>
      %swap3A_59 = arith.index_cast %scan3A_44 : i32 to index
      %swap3A_60 = arith.constant 32 : index
      %swap3A_61 = tpu.vector_load %arg8[%swap3A_59, %swap3A_60] {strides = array<i32>} : memref<128x128xf32, #tpu.memory_space<vmem>>, vector<1x16xf32>,
      %swap3A_62 = vector.shape_cast %swap3A_61 : vector<1x16xf32> to vector<16xf32>
      %swap3A_63 = vector.shape_cast %broadcast_in_dim3A_58 : vector<16xf32> to vector<1x16xf32>
      tpu.vector_store %arg8[%swap3A_59, %swap3A_60], %swap3A_63 {strides = array<i32>} : memref<128x128xf32, #tpu.memory_space<vmem>>, vector<1x16xf32>,
      %broadcast_in_dim3A_64 = arith.constant 0.000000e+00 : f32
      %broadcast_in_dim3A_65 = vector.broadcast %broadcast_in_dim3A_64 : f32 to vector<16xf32>
      %swap3A_66 = arith.index_cast %scan3A_44 : i32 to index
      %swap3A_67 = arith.constant 48 : index
      %swap3A_68 = tpu.vector_load %arg8[%swap3A_66, %swap3A_67] {strides = array<i32>} : memref<128x128xf32, #tpu.memory_space<vmem>>, vector<1x16xf32>,
      %swap3A_69 = vector.shape_cast %swap3A_68 : vector<1x16xf32> to vector<16xf32>
      %swap3A_70 = vector.shape_cast %broadcast_in_dim3A_65 : vector<16xf32> to vector<1x16xf32>
      tpu.vector_store %arg8[%swap3A_66, %swap3A_67], %swap3A_70 {strides = array<i32>} : memref<128x128xf32, #tpu.memory_space<vmem>>, vector<1x16xf32>,
      %broadcast_in_dim3A_71 = arith.constant 0.000000e+00 : f32
      %broadcast_in_dim3A_72 = vector.broadcast %broadcast_in_dim3A_71 : f32 to vector<16xf32>
      %swap3A_73 = arith.index_cast %scan3A_44 : i32 to index
      %swap3A_74 = arith.constant 64 : index
      %swap3A_75 = tpu.vector_load %arg8[%swap3A_73, %swap3A_74] {strides = array<i32>} : memref<128x128xf32, #tpu.memory_space<vmem>>, vector<1x16xf32>,
      %swap3A_76 = vector.shape_cast %swap3A_75 : vector<1x16xf32> to vector<16xf32>
      %swap3A_77 = vector.shape_cast %broadcast_in_dim3A_72 : vector<16xf32> to vector<1x16xf32>
      tpu.vector_store %arg8[%swap3A_73, %swap3A_74], %swap3A_77 {strides = array<i32>} : memref<128x128xf32, #tpu.memory_space<vmem>>, vector<1x16xf32>,
      %broadcast_in_dim3A_78 = arith.constant 0.000000e+00 : f32
      %broadcast_in_dim3A_79 = vector.broadcast %broadcast_in_dim3A_78 : f32 to vector<16xf32>
      %swap3A_80 = arith.index_cast %scan3A_44 : i32 to index
      %swap3A_81 = arith.constant 80 : index
      %swap3A_82 = tpu.vector_load %arg8[%swap3A_80, %swap3A_81] {strides = array<i32>} : memref<128x128xf32, #tpu.memory_space<vmem>>, vector<1x16xf32>,
      %swap3A_83 = vector.shape_cast %swap3A_82 : vector<1x16xf32> to vector<16xf32>
      %swap3A_84 = vector.shape_cast %broadcast_in_dim3A_79 : vector<16xf32> to vector<1x16xf32>
      tpu.vector_store %arg8[%swap3A_80, %swap3A_81], %swap3A_84 {strides = array<i32>} : memref<128x128xf32, #tpu.memory_space<vmem>>, vector<1x16xf32>,
      %broadcast_in_dim3A_85 = arith.constant 0.000000e+00 : f32
      %broadcast_in_dim3A_86 = vector.broadcast %broadcast_in_dim3A_85 : f32 to vector<16xf32>
      %swap3A_87 = arith.index_cast %scan3A_44 : i32 to index
      %swap3A_88 = arith.constant 96 : index
      %swap3A_89 = tpu.vector_load %arg8[%swap3A_87, %swap3A_88] {strides = array<i32>} : memref<128x128xf32, #tpu.memory_space<vmem>>, vector<1x16xf32>,
      %swap3A_90 = vector.shape_cast %swap3A_89 : vector<1x16xf32> to vector<16xf32>
      %swap3A_91 = vector.shape_cast %broadcast_in_dim3A_86 : vector<16xf32> to vector<1x16xf32>
      tpu.vector_store %arg8[%swap3A_87, %swap3A_88], %swap3A_91 {strides = array<i32>} : memref<128x128xf32, #tpu.memory_space<vmem>>, vector<1x16xf32>,
      %broadcast_in_dim3A_92 = arith.constant 0.000000e+00 : f32
      %broadcast_in_dim3A_93 = vector.broadcast %broadcast_in_dim3A_92 : f32 to vector<16xf32>
      %swap3A_94 = arith.index_cast %scan3A_44 : i32 to index
      %swap3A_95 = arith.constant 112 : index
      %swap3A_96 = tpu.vector_load %arg8[%swap3A_94, %swap3A_95] {strides = array<i32>} : memref<128x128xf32, #tpu.memory_space<vmem>>, vector<1x16xf32>,
      %swap3A_97 = vector.shape_cast %swap3A_96 : vector<1x16xf32> to vector<16xf32>
      %swap3A_98 = vector.shape_cast %broadcast_in_dim3A_93 : vector<16xf32> to vector<1x16xf32>
      tpu.vector_store %arg8[%swap3A_94, %swap3A_95], %swap3A_98 {strides = array<i32>} : memref<128x128xf32, #tpu.memory_space<vmem>>, vector<1x16xf32>,
    }
    %scan3A_4 = arith.constant 128 : i32
    %mul3A = arith.constant 640 : i32
    %mul3A_5 = arith.muli %arg1, %mul3A : i32
    %add3A = arith.constant 0 : i32
    %add3A_6 = arith.addi %mul3A_5, %add3A : i32
    "tpu.region"() ({
      %run_scoped3A = tpu.sem_alloc : memref<!tpu.dma_semaphore, #tpu.memory_space<semaphore_mem>>
      %dma_start3A = arith.constant 0 : i32
      %dma_start3A_44 = tpu.memref_slice %arg10[%add3A_6, %dma_start3A] : memref<10240x128xf32, #tpu.memory_space<vmem_shared>> -> memref<128x128xf32, #tpu.memory_space<vmem_shared>>
      %dma_start3A_45 = arith.constant 0 : i32
      %dma_start3A_46 = tpu.memref_slice %arg10[%add3A_6, %dma_start3A_45] : memref<10240x128xf32, #tpu.memory_space<vmem_shared>> -> memref<128x128xf32, #tpu.memory_space<vmem_shared>>
      tpu.enqueue_dma source(%arg8 : memref<128x128xf32, #tpu.memory_space<vmem>>) target(%dma_start3A_46 : memref<128x128xf32, #tpu.memory_space<vmem_shared>>) target_semaphore(%run_scoped3A : memref<!tpu.dma_semaphore, #tpu.memory_space<semaphore_mem>>)
      %dma_wait3A = arith.constant 0 : i32
      %dma_wait3A_47 = tpu.memref_slice %arg10[%add3A_6, %dma_wait3A] : memref<10240x128xf32, #tpu.memory_space<vmem_shared>> -> memref<128x128xf32, #tpu.memory_space<vmem_shared>>
      %dma_wait3A_48 = arith.constant 0 : i32
      %dma_wait3A_49 = tpu.memref_slice %arg10[%add3A_6, %dma_wait3A_48] : memref<10240x128xf32, #tpu.memory_space<vmem_shared>> -> memref<128x128xf32, #tpu.memory_space<vmem_shared>>
      tpu.wait_dma2 semaphore(%run_scoped3A : memref<!tpu.dma_semaphore, #tpu.memory_space<semaphore_mem>>) src(%arg8 : memref<128x128xf32, #tpu.memory_space<vmem>>) dst(%dma_wait3A_49 : memref<128x128xf32, #tpu.memory_space<vmem_shared>>)
      tpu.yield
    }) : () -> ()
    %mul3A_7 = arith.constant 640 : i32
    %mul3A_8 = arith.muli %arg1, %mul3A_7 : i32
    %add3A_9 = arith.constant 128 : i32
    %add3A_10 = arith.addi %mul3A_8, %add3A_9 : i32
    "tpu.region"() ({
      %run_scoped3A = tpu.sem_alloc : memref<!tpu.dma_semaphore, #tpu.memory_space<semaphore_mem>>
      %dma_start3A = arith.constant 0 : i32
      %dma_start3A_44 = tpu.memref_slice %arg10[%add3A_10, %dma_start3A] : memref<10240x128xf32, #tpu.memory_space<vmem_shared>> -> memref<128x128xf32, #tpu.memory_space<vmem_shared>>
      %dma_start3A_45 = arith.constant 0 : i32
      %dma_start3A_46 = tpu.memref_slice %arg10[%add3A_10, %dma_start3A_45] : memref<10240x128xf32, #tpu.memory_space<vmem_shared>> -> memref<128x128xf32, #tpu.memory_space<vmem_shared>>
      tpu.enqueue_dma source(%arg8 : memref<128x128xf32, #tpu.memory_space<vmem>>) target(%dma_start3A_46 : memref<128x128xf32, #tpu.memory_space<vmem_shared>>) target_semaphore(%run_scoped3A : memref<!tpu.dma_semaphore, #tpu.memory_space<semaphore_mem>>)
      %dma_wait3A = arith.constant 0 : i32
      %dma_wait3A_47 = tpu.memref_slice %arg10[%add3A_10, %dma_wait3A] : memref<10240x128xf32, #tpu.memory_space<vmem_shared>> -> memref<128x128xf32, #tpu.memory_space<vmem_shared>>
      %dma_wait3A_48 = arith.constant 0 : i32
      %dma_wait3A_49 = tpu.memref_slice %arg10[%add3A_10, %dma_wait3A_48] : memref<10240x128xf32, #tpu.memory_space<vmem_shared>> -> memref<128x128xf32, #tpu.memory_space<vmem_shared>>
      tpu.wait_dma2 semaphore(%run_scoped3A : memref<!tpu.dma_semaphore, #tpu.memory_space<semaphore_mem>>) src(%arg8 : memref<128x128xf32, #tpu.memory_space<vmem>>) dst(%dma_wait3A_49 : memref<128x128xf32, #tpu.memory_space<vmem_shared>>)
      tpu.yield
    }) : () -> ()
    %mul3A_11 = arith.constant 640 : i32
    %mul3A_12 = arith.muli %arg1, %mul3A_11 : i32
    %add3A_13 = arith.constant 256 : i32
    %add3A_14 = arith.addi %mul3A_12, %add3A_13 : i32
    "tpu.region"() ({
      %run_scoped3A = tpu.sem_alloc : memref<!tpu.dma_semaphore, #tpu.memory_space<semaphore_mem>>
      %dma_start3A = arith.constant 0 : i32
      %dma_start3A_44 = tpu.memref_slice %arg10[%add3A_14, %dma_start3A] : memref<10240x128xf32, #tpu.memory_space<vmem_shared>> -> memref<128x128xf32, #tpu.memory_space<vmem_shared>>
      %dma_start3A_45 = arith.constant 0 : i32
      %dma_start3A_46 = tpu.memref_slice %arg10[%add3A_14, %dma_start3A_45] : memref<10240x128xf32, #tpu.memory_space<vmem_shared>> -> memref<128x128xf32, #tpu.memory_space<vmem_shared>>
      tpu.enqueue_dma source(%arg8 : memref<128x128xf32, #tpu.memory_space<vmem>>) target(%dma_start3A_46 : memref<128x128xf32, #tpu.memory_space<vmem_shared>>) target_semaphore(%run_scoped3A : memref<!tpu.dma_semaphore, #tpu.memory_space<semaphore_mem>>)
      %dma_wait3A = arith.constant 0 : i32
      %dma_wait3A_47 = tpu.memref_slice %arg10[%add3A_14, %dma_wait3A] : memref<10240x128xf32, #tpu.memory_space<vmem_shared>> -> memref<128x128xf32, #tpu.memory_space<vmem_shared>>
      %dma_wait3A_48 = arith.constant 0 : i32
      %dma_wait3A_49 = tpu.memref_slice %arg10[%add3A_14, %dma_wait3A_48] : memref<10240x128xf32, #tpu.memory_space<vmem_shared>> -> memref<128x128xf32, #tpu.memory_space<vmem_shared>>
      tpu.wait_dma2 semaphore(%run_scoped3A : memref<!tpu.dma_semaphore, #tpu.memory_space<semaphore_mem>>) src(%arg8 : memref<128x128xf32, #tpu.memory_space<vmem>>) dst(%dma_wait3A_49 : memref<128x128xf32, #tpu.memory_space<vmem_shared>>)
      tpu.yield
    }) : () -> ()
    %mul3A_15 = arith.constant 640 : i32
    %mul3A_16 = arith.muli %arg1, %mul3A_15 : i32
    %add3A_17 = arith.constant 384 : i32
    %add3A_18 = arith.addi %mul3A_16, %add3A_17 : i32
    "tpu.region"() ({
      %run_scoped3A = tpu.sem_alloc : memref<!tpu.dma_semaphore, #tpu.memory_space<semaphore_mem>>
      %dma_start3A = arith.constant 0 : i32
      %dma_start3A_44 = tpu.memref_slice %arg10[%add3A_18, %dma_start3A] : memref<10240x128xf32, #tpu.memory_space<vmem_shared>> -> memref<128x128xf32, #tpu.memory_space<vmem_shared>>
      %dma_start3A_45 = arith.constant 0 : i32
      %dma_start3A_46 = tpu.memref_slice %arg10[%add3A_18, %dma_start3A_45] : memref<10240x128xf32, #tpu.memory_space<vmem_shared>> -> memref<128x128xf32, #tpu.memory_space<vmem_shared>>
      tpu.enqueue_dma source(%arg8 : memref<128x128xf32, #tpu.memory_space<vmem>>) target(%dma_start3A_46 : memref<128x128xf32, #tpu.memory_space<vmem_shared>>) target_semaphore(%run_scoped3A : memref<!tpu.dma_semaphore, #tpu.memory_space<semaphore_mem>>)
      %dma_wait3A = arith.constant 0 : i32
      %dma_wait3A_47 = tpu.memref_slice %arg10[%add3A_18, %dma_wait3A] : memref<10240x128xf32, #tpu.memory_space<vmem_shared>> -> memref<128x128xf32, #tpu.memory_space<vmem_shared>>
      %dma_wait3A_48 = arith.constant 0 : i32
      %dma_wait3A_49 = tpu.memref_slice %arg10[%add3A_18, %dma_wait3A_48] : memref<10240x128xf32, #tpu.memory_space<vmem_shared>> -> memref<128x128xf32, #tpu.memory_space<vmem_shared>>
      tpu.wait_dma2 semaphore(%run_scoped3A : memref<!tpu.dma_semaphore, #tpu.memory_space<semaphore_mem>>) src(%arg8 : memref<128x128xf32, #tpu.memory_space<vmem>>) dst(%dma_wait3A_49 : memref<128x128xf32, #tpu.memory_space<vmem_shared>>)
      tpu.yield
    }) : () -> ()
    %mul3A_19 = arith.constant 640 : i32
    %mul3A_20 = arith.muli %arg1, %mul3A_19 : i32
    %add3A_21 = arith.constant 512 : i32
    %add3A_22 = arith.addi %mul3A_20, %add3A_21 : i32
    "tpu.region"() ({
      %run_scoped3A = tpu.sem_alloc : memref<!tpu.dma_semaphore, #tpu.memory_space<semaphore_mem>>
      %dma_start3A = arith.constant 0 : i32
      %dma_start3A_44 = tpu.memref_slice %arg10[%add3A_22, %dma_start3A] : memref<10240x128xf32, #tpu.memory_space<vmem_shared>> -> memref<128x128xf32, #tpu.memory_space<vmem_shared>>
      %dma_start3A_45 = arith.constant 0 : i32
      %dma_start3A_46 = tpu.memref_slice %arg10[%add3A_22, %dma_start3A_45] : memref<10240x128xf32, #tpu.memory_space<vmem_shared>> -> memref<128x128xf32, #tpu.memory_space<vmem_shared>>
      tpu.enqueue_dma source(%arg8 : memref<128x128xf32, #tpu.memory_space<vmem>>) target(%dma_start3A_46 : memref<128x128xf32, #tpu.memory_space<vmem_shared>>) target_semaphore(%run_scoped3A : memref<!tpu.dma_semaphore, #tpu.memory_space<semaphore_mem>>)
      %dma_wait3A = arith.constant 0 : i32
      %dma_wait3A_47 = tpu.memref_slice %arg10[%add3A_22, %dma_wait3A] : memref<10240x128xf32, #tpu.memory_space<vmem_shared>> -> memref<128x128xf32, #tpu.memory_space<vmem_shared>>
      %dma_wait3A_48 = arith.constant 0 : i32
      %dma_wait3A_49 = tpu.memref_slice %arg10[%add3A_22, %dma_wait3A_48] : memref<10240x128xf32, #tpu.memory_space<vmem_shared>> -> memref<128x128xf32, #tpu.memory_space<vmem_shared>>
      tpu.wait_dma2 semaphore(%run_scoped3A : memref<!tpu.dma_semaphore, #tpu.memory_space<semaphore_mem>>) src(%arg8 : memref<128x128xf32, #tpu.memory_space<vmem>>) dst(%dma_wait3A_49 : memref<128x128xf32, #tpu.memory_space<vmem_shared>>)
      tpu.yield
    }) : () -> ()
    %barrier3A = arith.constant 0 : index
    tpu.barrier barrier_id(%barrier3A)
    %mul3A_23 = arith.constant 2560 : i32
    %mul3A_24 = arith.muli %arg0, %mul3A_23 : i32
    %mul3A_25 = arith.constant 160 : i32
    %mul3A_26 = arith.muli %arg1, %mul3A_25 : i32
    %add3A_27 = arith.addi %mul3A_24, %mul3A_26 : i32
    %mul3A_28 = arith.constant 160 : i32
    %mul3A_29 = arith.muli %arg1, %mul3A_28 : i32
    %scan3A_30 = arith.constant 0 : i32
    %scan3A_31 = arith.constant 0 : i32
    %scan3A_32 = arith.constant 20 : i32
    %scan3A_33 = arith.addi %scan3A_31, %scan3A_32 : i32
    %scan3A_34 = arith.constant 1 : i32
    scf.for %scan3A_44 = %scan3A_31 to %scan3A_33 step %scan3A_34  : i32 {
      %mul3A_45 = arith.constant 8 : i32
      %mul3A_46 = arith.muli %scan3A_44, %mul3A_45 : i32
      %add3A_47 = arith.addi %add3A_27, %mul3A_46 : i32
      "tpu.region"() ({
        %run_scoped3A_216 = tpu.sem_alloc : memref<!tpu.dma_semaphore, #tpu.memory_space<semaphore_mem>>
        %dma_start3A_217 = arith.constant 0 : i32
        %dma_start3A_218 = tpu.memref_slice %arg3[%add3A_47, %dma_start3A_217] : memref<5120x125xi32, #tpu.memory_space<hbm>> -> memref<8x125xi32, #tpu.memory_space<hbm>>
        %dma_start3A_219 = arith.constant 0 : i32
        %dma_start3A_220 = tpu.memref_slice %arg3[%add3A_47, %dma_start3A_219] : memref<5120x125xi32, #tpu.memory_space<hbm>> -> memref<8x125xi32, #tpu.memory_space<hbm>>
        tpu.enqueue_dma source(%dma_start3A_220 : memref<8x125xi32, #tpu.memory_space<hbm>>) target(%arg6 : memref<8x125xi32, #tpu.memory_space<vmem>>) target_semaphore(%run_scoped3A_216 : memref<!tpu.dma_semaphore, #tpu.memory_space<semaphore_mem>>)
        %dma_wait3A_221 = arith.constant 0 : i32
        %dma_wait3A_222 = tpu.memref_slice %arg3[%add3A_47, %dma_wait3A_221] : memref<5120x125xi32, #tpu.memory_space<hbm>> -> memref<8x125xi32, #tpu.memory_space<hbm>>
        %dma_wait3A_223 = arith.constant 0 : i32
        %dma_wait3A_224 = tpu.memref_slice %arg3[%add3A_47, %dma_wait3A_223] : memref<5120x125xi32, #tpu.memory_space<hbm>> -> memref<8x125xi32, #tpu.memory_space<hbm>>
        tpu.wait_dma2 semaphore(%run_scoped3A_216 : memref<!tpu.dma_semaphore, #tpu.memory_space<semaphore_mem>>) src(%dma_wait3A_224 : memref<8x125xi32, #tpu.memory_space<hbm>>) dst(%arg6 : memref<8x125xi32, #tpu.memory_space<vmem>>)
        tpu.yield
      }) : () -> ()
      %mul3A_48 = arith.constant 8 : i32
      %mul3A_49 = arith.muli %scan3A_44, %mul3A_48 : i32
      %add3A_50 = arith.addi %mul3A_29, %mul3A_49 : i32
      "tpu.region"() ({
        %run_scoped3A_216 = tpu.sem_alloc : memref<!tpu.dma_semaphore, #tpu.memory_space<semaphore_mem>>
        %dma_start3A_217 = arith.constant 0 : i32
        %dma_start3A_218 = tpu.memref_slice %arg4[%add3A_50, %dma_start3A_217] : memref<2560x125xi32, #tpu.memory_space<hbm>> -> memref<8x125xi32, #tpu.memory_space<hbm>>
        %dma_start3A_219 = arith.constant 0 : i32
        %dma_start3A_220 = tpu.memref_slice %arg4[%add3A_50, %dma_start3A_219] : memref<2560x125xi32, #tpu.memory_space<hbm>> -> memref<8x125xi32, #tpu.memory_space<hbm>>
        tpu.enqueue_dma source(%dma_start3A_220 : memref<8x125xi32, #tpu.memory_space<hbm>>) target(%arg7 : memref<8x125xi32, #tpu.memory_space<vmem>>) target_semaphore(%run_scoped3A_216 : memref<!tpu.dma_semaphore, #tpu.memory_space<semaphore_mem>>)
        %dma_wait3A_221 = arith.constant 0 : i32
        %dma_wait3A_222 = tpu.memref_slice %arg4[%add3A_50, %dma_wait3A_221] : memref<2560x125xi32, #tpu.memory_space<hbm>> -> memref<8x125xi32, #tpu.memory_space<hbm>>
        %dma_wait3A_223 = arith.constant 0 : i32
        %dma_wait3A_224 = tpu.memref_slice %arg4[%add3A_50, %dma_wait3A_223] : memref<2560x125xi32, #tpu.memory_space<hbm>> -> memref<8x125xi32, #tpu.memory_space<hbm>>
        tpu.wait_dma2 semaphore(%run_scoped3A_216 : memref<!tpu.dma_semaphore, #tpu.memory_space<semaphore_mem>>) src(%dma_wait3A_224 : memref<8x125xi32, #tpu.memory_space<hbm>>) dst(%arg7 : memref<8x125xi32, #tpu.memory_space<vmem>>)
        tpu.yield
      }) : () -> ()
      %dma_start3A = arith.constant 0 : i32
      %dma_start3A_51 = arith.constant 0 : i32
      %dma_start3A_52 = arith.constant 0 : i32
      %dma_start3A_53 = tpu.memref_slice %arg8[%dma_start3A_51, %dma_start3A_52] : memref<128x128xf32, #tpu.memory_space<vmem>> -> memref<125x128xf32, #tpu.memory_space<vmem>>
      %dma_start3A_54 = arith.constant 0 : i32
      %dma_start3A_55 = tpu.memref_slice %arg6[%dma_start3A, %dma_start3A_54] : memref<8x125xi32, #tpu.memory_space<vmem>> -> memref<1x125xi32, #tpu.memory_space<vmem>>
      %dma_start3A_56 = tpu.memref_squeeze %dma_start3A_55 : memref<1x125xi32, #tpu.memory_space<vmem>> -> memref<125xi32, #tpu.memory_space<vmem>>
      %dma_start3A_57 = arith.constant 0 : i32
      %dma_start3A_58 = arith.constant 0 : i32
      %dma_start3A_59 = tpu.memref_slice %arg2[%dma_start3A_57, %dma_start3A_58] : memref<20000x128xf32, #tpu.memory_space<hbm>> -> memref<20000x128xf32, #tpu.memory_space<hbm>>
      tpu.enqueue_indirect_dma source(%dma_start3A_59 : memref<20000x128xf32, #tpu.memory_space<hbm>>) target(%dma_start3A_53 : memref<125x128xf32, #tpu.memory_space<vmem>>) offsets(%dma_start3A_56 : memref<125xi32, #tpu.memory_space<vmem>>) semaphore(%arg11 : memref<!tpu.dma_semaphore, #tpu.memory_space<semaphore_mem>>)
      %dma_wait3A = arith.constant 0 : i32
      %dma_wait3A_60 = arith.constant 0 : i32
      %dma_wait3A_61 = arith.constant 0 : i32
      %dma_wait3A_62 = tpu.memref_slice %arg8[%dma_wait3A_60, %dma_wait3A_61] : memref<128x128xf32, #tpu.memory_space<vmem>> -> memref<125x128xf32, #tpu.memory_space<vmem>>
      %dma_wait3A_63 = arith.constant 0 : i32
      %dma_wait3A_64 = tpu.memref_slice %arg6[%dma_wait3A, %dma_wait3A_63] : memref<8x125xi32, #tpu.memory_space<vmem>> -> memref<1x125xi32, #tpu.memory_space<vmem>>
      %dma_wait3A_65 = tpu.memref_squeeze %dma_wait3A_64 : memref<1x125xi32, #tpu.memory_space<vmem>> -> memref<125xi32, #tpu.memory_space<vmem>>
      %dma_wait3A_66 = arith.constant 0 : i32
      %dma_wait3A_67 = arith.constant 0 : i32
      %dma_wait3A_68 = tpu.memref_slice %arg2[%dma_wait3A_66, %dma_wait3A_67] : memref<20000x128xf32, #tpu.memory_space<hbm>> -> memref<20000x128xf32, #tpu.memory_space<hbm>>
      tpu.wait_indirect_dma semaphore(%arg11 : memref<!tpu.dma_semaphore, #tpu.memory_space<semaphore_mem>>) src(%dma_wait3A_68 : memref<20000x128xf32, #tpu.memory_space<hbm>>) dst(%dma_wait3A_62 : memref<125x128xf32, #tpu.memory_space<vmem>>)
      %dma_start3A_69 = arith.constant 1 : i32
      %dma_start3A_70 = arith.constant 0 : i32
      %dma_start3A_71 = arith.constant 0 : i32
      %dma_start3A_72 = tpu.memref_slice %arg9[%dma_start3A_70, %dma_start3A_71] : memref<128x128xf32, #tpu.memory_space<vmem>> -> memref<125x128xf32, #tpu.memory_space<vmem>>
      %dma_start3A_73 = arith.constant 0 : i32
      %dma_start3A_74 = tpu.memref_slice %arg6[%dma_start3A_69, %dma_start3A_73] : memref<8x125xi32, #tpu.memory_space<vmem>> -> memref<1x125xi32, #tpu.memory_space<vmem>>
      %dma_start3A_75 = tpu.memref_squeeze %dma_start3A_74 : memref<1x125xi32, #tpu.memory_space<vmem>> -> memref<125xi32, #tpu.memory_space<vmem>>
      %dma_start3A_76 = arith.constant 0 : i32
      %dma_start3A_77 = arith.constant 0 : i32
      %dma_start3A_78 = tpu.memref_slice %arg2[%dma_start3A_76, %dma_start3A_77] : memref<20000x128xf32, #tpu.memory_space<hbm>> -> memref<20000x128xf32, #tpu.memory_space<hbm>>
      tpu.enqueue_indirect_dma source(%dma_start3A_78 : memref<20000x128xf32, #tpu.memory_space<hbm>>) target(%dma_start3A_72 : memref<125x128xf32, #tpu.memory_space<vmem>>) offsets(%dma_start3A_75 : memref<125xi32, #tpu.memory_space<vmem>>) semaphore(%arg12 : memref<!tpu.dma_semaphore, #tpu.memory_space<semaphore_mem>>)
      %run_scoped3A = arith.constant 0 : i32
      "tpu.region"() ({
        %run_scoped3A_216 = tpu.sem_alloc : memref<!tpu.dma_semaphore, #tpu.memory_space<semaphore_mem>>
        %dma_start3A_217 = arith.constant 0 : i32
        %dma_start3A_218 = arith.constant 0 : i32
        %dma_start3A_219 = tpu.memref_slice %arg8[%dma_start3A_217, %dma_start3A_218] : memref<128x128xf32, #tpu.memory_space<vmem>> -> memref<125x128xf32, #tpu.memory_space<vmem>>
        %dma_start3A_220 = arith.constant 0 : i32
        %dma_start3A_221 = tpu.memref_slice %arg7[%run_scoped3A, %dma_start3A_220] : memref<8x125xi32, #tpu.memory_space<vmem>> -> memref<1x125xi32, #tpu.memory_space<vmem>>
        %dma_start3A_222 = tpu.memref_squeeze %dma_start3A_221 : memref<1x125xi32, #tpu.memory_space<vmem>> -> memref<125xi32, #tpu.memory_space<vmem>>
        %dma_start3A_223 = arith.constant 0 : i32
        %dma_start3A_224 = arith.constant 0 : i32
        %dma_start3A_225 = tpu.memref_slice %arg10[%dma_start3A_223, %dma_start3A_224] : memref<10240x128xf32, #tpu.memory_space<vmem_shared>> -> memref<10240x128xf32, #tpu.memory_space<vmem_shared>>
        tpu.enqueue_indirect_dma source(%dma_start3A_219 : memref<125x128xf32, #tpu.memory_space<vmem>>) target(%dma_start3A_225 : memref<10240x128xf32, #tpu.memory_space<vmem_shared>>) offsets(%dma_start3A_222 : memref<125xi32, #tpu.memory_space<vmem>>) semaphore(%run_scoped3A_216 : memref<!tpu.dma_semaphore, #tpu.memory_space<semaphore_mem>>) {add = true}
        %dma_wait3A_226 = arith.constant 0 : i32
        %dma_wait3A_227 = arith.constant 0 : i32
        %dma_wait3A_228 = tpu.memref_slice %arg8[%dma_wait3A_226, %dma_wait3A_227] : memref<128x128xf32, #tpu.memory_space<vmem>> -> memref<125x128xf32, #tpu.memory_space<vmem>>
        %dma_wait3A_229 = arith.constant 0 : i32
        %dma_wait3A_230 = tpu.memref_slice %arg7[%run_scoped3A, %dma_wait3A_229] : memref<8x125xi32, #tpu.memory_space<vmem>> -> memref<1x125xi32, #tpu.memory_space<vmem>>
        %dma_wait3A_231 = tpu.memref_squeeze %dma_wait3A_230 : memref<1x125xi32, #tpu.memory_space<vmem>> -> memref<125xi32, #tpu.memory_space<vmem>>
        %dma_wait3A_232 = arith.constant 0 : i32
        %dma_wait3A_233 = arith.constant 0 : i32
        %dma_wait3A_234 = tpu.memref_slice %arg10[%dma_wait3A_232, %dma_wait3A_233] : memref<10240x128xf32, #tpu.memory_space<vmem_shared>> -> memref<10240x128xf32, #tpu.memory_space<vmem_shared>>
        tpu.wait_indirect_dma semaphore(%run_scoped3A_216 : memref<!tpu.dma_semaphore, #tpu.memory_space<semaphore_mem>>) src(%dma_wait3A_228 : memref<125x128xf32, #tpu.memory_space<vmem>>) dst(%dma_wait3A_234 : memref<10240x128xf32, #tpu.memory_space<vmem_shared>>)
        tpu.yield
      }) : () -> ()
      %dma_wait3A_79 = arith.constant 1 : i32
      %dma_wait3A_80 = arith.constant 0 : i32
      %dma_wait3A_81 = arith.constant 0 : i32
      %dma_wait3A_82 = tpu.memref_slice %arg9[%dma_wait3A_80, %dma_wait3A_81] : memref<128x128xf32, #tpu.memory_space<vmem>> -> memref<125x128xf32, #tpu.memory_space<vmem>>
      %dma_wait3A_83 = arith.constant 0 : i32
      %dma_wait3A_84 = tpu.memref_slice %arg6[%dma_wait3A_79, %dma_wait3A_83] : memref<8x125xi32, #tpu.memory_space<vmem>> -> memref<1x125xi32, #tpu.memory_space<vmem>>
      %dma_wait3A_85 = tpu.memref_squeeze %dma_wait3A_84 : memref<1x125xi32, #tpu.memory_space<vmem>> -> memref<125xi32, #tpu.memory_space<vmem>>
      %dma_wait3A_86 = arith.constant 0 : i32
      %dma_wait3A_87 = arith.constant 0 : i32
      %dma_wait3A_88 = tpu.memref_slice %arg2[%dma_wait3A_86, %dma_wait3A_87] : memref<20000x128xf32, #tpu.memory_space<hbm>> -> memref<20000x128xf32, #tpu.memory_space<hbm>>
      tpu.wait_indirect_dma semaphore(%arg12 : memref<!tpu.dma_semaphore, #tpu.memory_space<semaphore_mem>>) src(%dma_wait3A_88 : memref<20000x128xf32, #tpu.memory_space<hbm>>) dst(%dma_wait3A_82 : memref<125x128xf32, #tpu.memory_space<vmem>>)
      %dma_start3A_89 = arith.constant 2 : i32
      %dma_start3A_90 = arith.constant 0 : i32
      %dma_start3A_91 = arith.constant 0 : i32
      %dma_start3A_92 = tpu.memref_slice %arg8[%dma_start3A_90, %dma_start3A_91] : memref<128x128xf32, #tpu.memory_space<vmem>> -> memref<125x128xf32, #tpu.memory_space<vmem>>
      %dma_start3A_93 = arith.constant 0 : i32
      %dma_start3A_94 = tpu.memref_slice %arg6[%dma_start3A_89, %dma_start3A_93] : memref<8x125xi32, #tpu.memory_space<vmem>> -> memref<1x125xi32, #tpu.memory_space<vmem>>
      %dma_start3A_95 = tpu.memref_squeeze %dma_start3A_94 : memref<1x125xi32, #tpu.memory_space<vmem>> -> memref<125xi32, #tpu.memory_space<vmem>>
      %dma_start3A_96 = arith.constant 0 : i32
      %dma_start3A_97 = arith.constant 0 : i32
      %dma_start3A_98 = tpu.memref_slice %arg2[%dma_start3A_96, %dma_start3A_97] : memref<20000x128xf32, #tpu.memory_space<hbm>> -> memref<20000x128xf32, #tpu.memory_space<hbm>>
      tpu.enqueue_indirect_dma source(%dma_start3A_98 : memref<20000x128xf32, #tpu.memory_space<hbm>>) target(%dma_start3A_92 : memref<125x128xf32, #tpu.memory_space<vmem>>) offsets(%dma_start3A_95 : memref<125xi32, #tpu.memory_space<vmem>>) semaphore(%arg11 : memref<!tpu.dma_semaphore, #tpu.memory_space<semaphore_mem>>)
      %run_scoped3A_99 = arith.constant 1 : i32
      "tpu.region"() ({
        %run_scoped3A_216 = tpu.sem_alloc : memref<!tpu.dma_semaphore, #tpu.memory_space<semaphore_mem>>
        %dma_start3A_217 = arith.constant 0 : i32
        %dma_start3A_218 = arith.constant 0 : i32
        %dma_start3A_219 = tpu.memref_slice %arg9[%dma_start3A_217, %dma_start3A_218] : memref<128x128xf32, #tpu.memory_space<vmem>> -> memref<125x128xf32, #tpu.memory_space<vmem>>
        %dma_start3A_220 = arith.constant 0 : i32
        %dma_start3A_221 = tpu.memref_slice %arg7[%run_scoped3A_99, %dma_start3A_220] : memref<8x125xi32, #tpu.memory_space<vmem>> -> memref<1x125xi32, #tpu.memory_space<vmem>>
        %dma_start3A_222 = tpu.memref_squeeze %dma_start3A_221 : memref<1x125xi32, #tpu.memory_space<vmem>> -> memref<125xi32, #tpu.memory_space<vmem>>
        %dma_start3A_223 = arith.constant 0 : i32
        %dma_start3A_224 = arith.constant 0 : i32
        %dma_start3A_225 = tpu.memref_slice %arg10[%dma_start3A_223, %dma_start3A_224] : memref<10240x128xf32, #tpu.memory_space<vmem_shared>> -> memref<10240x128xf32, #tpu.memory_space<vmem_shared>>
        tpu.enqueue_indirect_dma source(%dma_start3A_219 : memref<125x128xf32, #tpu.memory_space<vmem>>) target(%dma_start3A_225 : memref<10240x128xf32, #tpu.memory_space<vmem_shared>>) offsets(%dma_start3A_222 : memref<125xi32, #tpu.memory_space<vmem>>) semaphore(%run_scoped3A_216 : memref<!tpu.dma_semaphore, #tpu.memory_space<semaphore_mem>>) {add = true}
        %dma_wait3A_226 = arith.constant 0 : i32
        %dma_wait3A_227 = arith.constant 0 : i32
        %dma_wait3A_228 = tpu.memref_slice %arg9[%dma_wait3A_226, %dma_wait3A_227] : memref<128x128xf32, #tpu.memory_space<vmem>> -> memref<125x128xf32, #tpu.memory_space<vmem>>
        %dma_wait3A_229 = arith.constant 0 : i32
        %dma_wait3A_230 = tpu.memref_slice %arg7[%run_scoped3A_99, %dma_wait3A_229] : memref<8x125xi32, #tpu.memory_space<vmem>> -> memref<1x125xi32, #tpu.memory_space<vmem>>
        %dma_wait3A_231 = tpu.memref_squeeze %dma_wait3A_230 : memref<1x125xi32, #tpu.memory_space<vmem>> -> memref<125xi32, #tpu.memory_space<vmem>>
        %dma_wait3A_232 = arith.constant 0 : i32
        %dma_wait3A_233 = arith.constant 0 : i32
        %dma_wait3A_234 = tpu.memref_slice %arg10[%dma_wait3A_232, %dma_wait3A_233] : memref<10240x128xf32, #tpu.memory_space<vmem_shared>> -> memref<10240x128xf32, #tpu.memory_space<vmem_shared>>
        tpu.wait_indirect_dma semaphore(%run_scoped3A_216 : memref<!tpu.dma_semaphore, #tpu.memory_space<semaphore_mem>>) src(%dma_wait3A_228 : memref<125x128xf32, #tpu.memory_space<vmem>>) dst(%dma_wait3A_234 : memref<10240x128xf32, #tpu.memory_space<vmem_shared>>)
        tpu.yield
      }) : () -> ()
      %dma_wait3A_100 = arith.constant 2 : i32
      %dma_wait3A_101 = arith.constant 0 : i32
      %dma_wait3A_102 = arith.constant 0 : i32
      %dma_wait3A_103 = tpu.memref_slice %arg8[%dma_wait3A_101, %dma_wait3A_102] : memref<128x128xf32, #tpu.memory_space<vmem>> -> memref<125x128xf32, #tpu.memory_space<vmem>>
      %dma_wait3A_104 = arith.constant 0 : i32
      %dma_wait3A_105 = tpu.memref_slice %arg6[%dma_wait3A_100, %dma_wait3A_104] : memref<8x125xi32, #tpu.memory_space<vmem>> -> memref<1x125xi32, #tpu.memory_space<vmem>>
      %dma_wait3A_106 = tpu.memref_squeeze %dma_wait3A_105 : memref<1x125xi32, #tpu.memory_space<vmem>> -> memref<125xi32, #tpu.memory_space<vmem>>
      %dma_wait3A_107 = arith.constant 0 : i32
      %dma_wait3A_108 = arith.constant 0 : i32
      %dma_wait3A_109 = tpu.memref_slice %arg2[%dma_wait3A_107, %dma_wait3A_108] : memref<20000x128xf32, #tpu.memory_space<hbm>> -> memref<20000x128xf32, #tpu.memory_space<hbm>>
      tpu.wait_indirect_dma semaphore(%arg11 : memref<!tpu.dma_semaphore, #tpu.memory_space<semaphore_mem>>) src(%dma_wait3A_109 : memref<20000x128xf32, #tpu.memory_space<hbm>>) dst(%dma_wait3A_103 : memref<125x128xf32, #tpu.memory_space<vmem>>)
      %dma_start3A_110 = arith.constant 3 : i32
      %dma_start3A_111 = arith.constant 0 : i32
      %dma_start3A_112 = arith.constant 0 : i32
      %dma_start3A_113 = tpu.memref_slice %arg9[%dma_start3A_111, %dma_start3A_112] : memref<128x128xf32, #tpu.memory_space<vmem>> -> memref<125x128xf32, #tpu.memory_space<vmem>>
      %dma_start3A_114 = arith.constant 0 : i32
      %dma_start3A_115 = tpu.memref_slice %arg6[%dma_start3A_110, %dma_start3A_114] : memref<8x125xi32, #tpu.memory_space<vmem>> -> memref<1x125xi32, #tpu.memory_space<vmem>>
      %dma_start3A_116 = tpu.memref_squeeze %dma_start3A_115 : memref<1x125xi32, #tpu.memory_space<vmem>> -> memref<125xi32, #tpu.memory_space<vmem>>
      %dma_start3A_117 = arith.constant 0 : i32
      %dma_start3A_118 = arith.constant 0 : i32
      %dma_start3A_119 = tpu.memref_slice %arg2[%dma_start3A_117, %dma_start3A_118] : memref<20000x128xf32, #tpu.memory_space<hbm>> -> memref<20000x128xf32, #tpu.memory_space<hbm>>
      tpu.enqueue_indirect_dma source(%dma_start3A_119 : memref<20000x128xf32, #tpu.memory_space<hbm>>) target(%dma_start3A_113 : memref<125x128xf32, #tpu.memory_space<vmem>>) offsets(%dma_start3A_116 : memref<125xi32, #tpu.memory_space<vmem>>) semaphore(%arg12 : memref<!tpu.dma_semaphore, #tpu.memory_space<semaphore_mem>>)
      %run_scoped3A_120 = arith.constant 2 : i32
      "tpu.region"() ({
        %run_scoped3A_216 = tpu.sem_alloc : memref<!tpu.dma_semaphore, #tpu.memory_space<semaphore_mem>>
        %dma_start3A_217 = arith.constant 0 : i32
        %dma_start3A_218 = arith.constant 0 : i32
        %dma_start3A_219 = tpu.memref_slice %arg8[%dma_start3A_217, %dma_start3A_218] : memref<128x128xf32, #tpu.memory_space<vmem>> -> memref<125x128xf32, #tpu.memory_space<vmem>>
        %dma_start3A_220 = arith.constant 0 : i32
        %dma_start3A_221 = tpu.memref_slice %arg7[%run_scoped3A_120, %dma_start3A_220] : memref<8x125xi32, #tpu.memory_space<vmem>> -> memref<1x125xi32, #tpu.memory_space<vmem>>
        %dma_start3A_222 = tpu.memref_squeeze %dma_start3A_221 : memref<1x125xi32, #tpu.memory_space<vmem>> -> memref<125xi32, #tpu.memory_space<vmem>>
        %dma_start3A_223 = arith.constant 0 : i32
        %dma_start3A_224 = arith.constant 0 : i32
        %dma_start3A_225 = tpu.memref_slice %arg10[%dma_start3A_223, %dma_start3A_224] : memref<10240x128xf32, #tpu.memory_space<vmem_shared>> -> memref<10240x128xf32, #tpu.memory_space<vmem_shared>>
        tpu.enqueue_indirect_dma source(%dma_start3A_219 : memref<125x128xf32, #tpu.memory_space<vmem>>) target(%dma_start3A_225 : memref<10240x128xf32, #tpu.memory_space<vmem_shared>>) offsets(%dma_start3A_222 : memref<125xi32, #tpu.memory_space<vmem>>) semaphore(%run_scoped3A_216 : memref<!tpu.dma_semaphore, #tpu.memory_space<semaphore_mem>>) {add = true}
        %dma_wait3A_226 = arith.constant 0 : i32
        %dma_wait3A_227 = arith.constant 0 : i32
        %dma_wait3A_228 = tpu.memref_slice %arg8[%dma_wait3A_226, %dma_wait3A_227] : memref<128x128xf32, #tpu.memory_space<vmem>> -> memref<125x128xf32, #tpu.memory_space<vmem>>
        %dma_wait3A_229 = arith.constant 0 : i32
        %dma_wait3A_230 = tpu.memref_slice %arg7[%run_scoped3A_120, %dma_wait3A_229] : memref<8x125xi32, #tpu.memory_space<vmem>> -> memref<1x125xi32, #tpu.memory_space<vmem>>
        %dma_wait3A_231 = tpu.memref_squeeze %dma_wait3A_230 : memref<1x125xi32, #tpu.memory_space<vmem>> -> memref<125xi32, #tpu.memory_space<vmem>>
        %dma_wait3A_232 = arith.constant 0 : i32
        %dma_wait3A_233 = arith.constant 0 : i32
        %dma_wait3A_234 = tpu.memref_slice %arg10[%dma_wait3A_232, %dma_wait3A_233] : memref<10240x128xf32, #tpu.memory_space<vmem_shared>> -> memref<10240x128xf32, #tpu.memory_space<vmem_shared>>
        tpu.wait_indirect_dma semaphore(%run_scoped3A_216 : memref<!tpu.dma_semaphore, #tpu.memory_space<semaphore_mem>>) src(%dma_wait3A_228 : memref<125x128xf32, #tpu.memory_space<vmem>>) dst(%dma_wait3A_234 : memref<10240x128xf32, #tpu.memory_space<vmem_shared>>)
        tpu.yield
      }) : () -> ()
      %dma_wait3A_121 = arith.constant 3 : i32
      %dma_wait3A_122 = arith.constant 0 : i32
      %dma_wait3A_123 = arith.constant 0 : i32
      %dma_wait3A_124 = tpu.memref_slice %arg9[%dma_wait3A_122, %dma_wait3A_123] : memref<128x128xf32, #tpu.memory_space<vmem>> -> memref<125x128xf32, #tpu.memory_space<vmem>>
      %dma_wait3A_125 = arith.constant 0 : i32
      %dma_wait3A_126 = tpu.memref_slice %arg6[%dma_wait3A_121, %dma_wait3A_125] : memref<8x125xi32, #tpu.memory_space<vmem>> -> memref<1x125xi32, #tpu.memory_space<vmem>>
      %dma_wait3A_127 = tpu.memref_squeeze %dma_wait3A_126 : memref<1x125xi32, #tpu.memory_space<vmem>> -> memref<125xi32, #tpu.memory_space<vmem>>
      %dma_wait3A_128 = arith.constant 0 : i32
      %dma_wait3A_129 = arith.constant 0 : i32
      %dma_wait3A_130 = tpu.memref_slice %arg2[%dma_wait3A_128, %dma_wait3A_129] : memref<20000x128xf32, #tpu.memory_space<hbm>> -> memref<20000x128xf32, #tpu.memory_space<hbm>>
      tpu.wait_indirect_dma semaphore(%arg12 : memref<!tpu.dma_semaphore, #tpu.memory_space<semaphore_mem>>) src(%dma_wait3A_130 : memref<20000x128xf32, #tpu.memory_space<hbm>>) dst(%dma_wait3A_124 : memref<125x128xf32, #tpu.memory_space<vmem>>)
      %dma_start3A_131 = arith.constant 4 : i32
      %dma_start3A_132 = arith.constant 0 : i32
      %dma_start3A_133 = arith.constant 0 : i32
      %dma_start3A_134 = tpu.memref_slice %arg8[%dma_start3A_132, %dma_start3A_133] : memref<128x128xf32, #tpu.memory_space<vmem>> -> memref<125x128xf32, #tpu.memory_space<vmem>>
      %dma_start3A_135 = arith.constant 0 : i32
      %dma_start3A_136 = tpu.memref_slice %arg6[%dma_start3A_131, %dma_start3A_135] : memref<8x125xi32, #tpu.memory_space<vmem>> -> memref<1x125xi32, #tpu.memory_space<vmem>>
      %dma_start3A_137 = tpu.memref_squeeze %dma_start3A_136 : memref<1x125xi32, #tpu.memory_space<vmem>> -> memref<125xi32, #tpu.memory_space<vmem>>
      %dma_start3A_138 = arith.constant 0 : i32
      %dma_start3A_139 = arith.constant 0 : i32
      %dma_start3A_140 = tpu.memref_slice %arg2[%dma_start3A_138, %dma_start3A_139] : memref<20000x128xf32, #tpu.memory_space<hbm>> -> memref<20000x128xf32, #tpu.memory_space<hbm>>
      tpu.enqueue_indirect_dma source(%dma_start3A_140 : memref<20000x128xf32, #tpu.memory_space<hbm>>) target(%dma_start3A_134 : memref<125x128xf32, #tpu.memory_space<vmem>>) offsets(%dma_start3A_137 : memref<125xi32, #tpu.memory_space<vmem>>) semaphore(%arg11 : memref<!tpu.dma_semaphore, #tpu.memory_space<semaphore_mem>>)
      %run_scoped3A_141 = arith.constant 3 : i32
      "tpu.region"() ({
        %run_scoped3A_216 = tpu.sem_alloc : memref<!tpu.dma_semaphore, #tpu.memory_space<semaphore_mem>>
        %dma_start3A_217 = arith.constant 0 : i32
        %dma_start3A_218 = arith.constant 0 : i32
        %dma_start3A_219 = tpu.memref_slice %arg9[%dma_start3A_217, %dma_start3A_218] : memref<128x128xf32, #tpu.memory_space<vmem>> -> memref<125x128xf32, #tpu.memory_space<vmem>>
        %dma_start3A_220 = arith.constant 0 : i32
        %dma_start3A_221 = tpu.memref_slice %arg7[%run_scoped3A_141, %dma_start3A_220] : memref<8x125xi32, #tpu.memory_space<vmem>> -> memref<1x125xi32, #tpu.memory_space<vmem>>
        %dma_start3A_222 = tpu.memref_squeeze %dma_start3A_221 : memref<1x125xi32, #tpu.memory_space<vmem>> -> memref<125xi32, #tpu.memory_space<vmem>>
        %dma_start3A_223 = arith.constant 0 : i32
        %dma_start3A_224 = arith.constant 0 : i32
        %dma_start3A_225 = tpu.memref_slice %arg10[%dma_start3A_223, %dma_start3A_224] : memref<10240x128xf32, #tpu.memory_space<vmem_shared>> -> memref<10240x128xf32, #tpu.memory_space<vmem_shared>>
        tpu.enqueue_indirect_dma source(%dma_start3A_219 : memref<125x128xf32, #tpu.memory_space<vmem>>) target(%dma_start3A_225 : memref<10240x128xf32, #tpu.memory_space<vmem_shared>>) offsets(%dma_start3A_222 : memref<125xi32, #tpu.memory_space<vmem>>) semaphore(%run_scoped3A_216 : memref<!tpu.dma_semaphore, #tpu.memory_space<semaphore_mem>>) {add = true}
        %dma_wait3A_226 = arith.constant 0 : i32
        %dma_wait3A_227 = arith.constant 0 : i32
        %dma_wait3A_228 = tpu.memref_slice %arg9[%dma_wait3A_226, %dma_wait3A_227] : memref<128x128xf32, #tpu.memory_space<vmem>> -> memref<125x128xf32, #tpu.memory_space<vmem>>
        %dma_wait3A_229 = arith.constant 0 : i32
        %dma_wait3A_230 = tpu.memref_slice %arg7[%run_scoped3A_141, %dma_wait3A_229] : memref<8x125xi32, #tpu.memory_space<vmem>> -> memref<1x125xi32, #tpu.memory_space<vmem>>
        %dma_wait3A_231 = tpu.memref_squeeze %dma_wait3A_230 : memref<1x125xi32, #tpu.memory_space<vmem>> -> memref<125xi32, #tpu.memory_space<vmem>>
        %dma_wait3A_232 = arith.constant 0 : i32
        %dma_wait3A_233 = arith.constant 0 : i32
        %dma_wait3A_234 = tpu.memref_slice %arg10[%dma_wait3A_232, %dma_wait3A_233] : memref<10240x128xf32, #tpu.memory_space<vmem_shared>> -> memref<10240x128xf32, #tpu.memory_space<vmem_shared>>
        tpu.wait_indirect_dma semaphore(%run_scoped3A_216 : memref<!tpu.dma_semaphore, #tpu.memory_space<semaphore_mem>>) src(%dma_wait3A_228 : memref<125x128xf32, #tpu.memory_space<vmem>>) dst(%dma_wait3A_234 : memref<10240x128xf32, #tpu.memory_space<vmem_shared>>)
        tpu.yield
      }) : () -> ()
      %dma_wait3A_142 = arith.constant 4 : i32
      %dma_wait3A_143 = arith.constant 0 : i32
      %dma_wait3A_144 = arith.constant 0 : i32
      %dma_wait3A_145 = tpu.memref_slice %arg8[%dma_wait3A_143, %dma_wait3A_144] : memref<128x128xf32, #tpu.memory_space<vmem>> -> memref<125x128xf32, #tpu.memory_space<vmem>>
      %dma_wait3A_146 = arith.constant 0 : i32
      %dma_wait3A_147 = tpu.memref_slice %arg6[%dma_wait3A_142, %dma_wait3A_146] : memref<8x125xi32, #tpu.memory_space<vmem>> -> memref<1x125xi32, #tpu.memory_space<vmem>>
      %dma_wait3A_148 = tpu.memref_squeeze %dma_wait3A_147 : memref<1x125xi32, #tpu.memory_space<vmem>> -> memref<125xi32, #tpu.memory_space<vmem>>
      %dma_wait3A_149 = arith.constant 0 : i32
      %dma_wait3A_150 = arith.constant 0 : i32
      %dma_wait3A_151 = tpu.memref_slice %arg2[%dma_wait3A_149, %dma_wait3A_150] : memref<20000x128xf32, #tpu.memory_space<hbm>> -> memref<20000x128xf32, #tpu.memory_space<hbm>>
      tpu.wait_indirect_dma semaphore(%arg11 : memref<!tpu.dma_semaphore, #tpu.memory_space<semaphore_mem>>) src(%dma_wait3A_151 : memref<20000x128xf32, #tpu.memory_space<hbm>>) dst(%dma_wait3A_145 : memref<125x128xf32, #tpu.memory_space<vmem>>)
      %dma_start3A_152 = arith.constant 5 : i32
      %dma_start3A_153 = arith.constant 0 : i32
      %dma_start3A_154 = arith.constant 0 : i32
      %dma_start3A_155 = tpu.memref_slice %arg9[%dma_start3A_153, %dma_start3A_154] : memref<128x128xf32, #tpu.memory_space<vmem>> -> memref<125x128xf32, #tpu.memory_space<vmem>>
      %dma_start3A_156 = arith.constant 0 : i32
      %dma_start3A_157 = tpu.memref_slice %arg6[%dma_start3A_152, %dma_start3A_156] : memref<8x125xi32, #tpu.memory_space<vmem>> -> memref<1x125xi32, #tpu.memory_space<vmem>>
      %dma_start3A_158 = tpu.memref_squeeze %dma_start3A_157 : memref<1x125xi32, #tpu.memory_space<vmem>> -> memref<125xi32, #tpu.memory_space<vmem>>
      %dma_start3A_159 = arith.constant 0 : i32
      %dma_start3A_160 = arith.constant 0 : i32
      %dma_start3A_161 = tpu.memref_slice %arg2[%dma_start3A_159, %dma_start3A_160] : memref<20000x128xf32, #tpu.memory_space<hbm>> -> memref<20000x128xf32, #tpu.memory_space<hbm>>
      tpu.enqueue_indirect_dma source(%dma_start3A_161 : memref<20000x128xf32, #tpu.memory_space<hbm>>) target(%dma_start3A_155 : memref<125x128xf32, #tpu.memory_space<vmem>>) offsets(%dma_start3A_158 : memref<125xi32, #tpu.memory_space<vmem>>) semaphore(%arg12 : memref<!tpu.dma_semaphore, #tpu.memory_space<semaphore_mem>>)
      %run_scoped3A_162 = arith.constant 4 : i32
      "tpu.region"() ({
        %run_scoped3A_216 = tpu.sem_alloc : memref<!tpu.dma_semaphore, #tpu.memory_space<semaphore_mem>>
        %dma_start3A_217 = arith.constant 0 : i32
        %dma_start3A_218 = arith.constant 0 : i32
        %dma_start3A_219 = tpu.memref_slice %arg8[%dma_start3A_217, %dma_start3A_218] : memref<128x128xf32, #tpu.memory_space<vmem>> -> memref<125x128xf32, #tpu.memory_space<vmem>>
        %dma_start3A_220 = arith.constant 0 : i32
        %dma_start3A_221 = tpu.memref_slice %arg7[%run_scoped3A_162, %dma_start3A_220] : memref<8x125xi32, #tpu.memory_space<vmem>> -> memref<1x125xi32, #tpu.memory_space<vmem>>
        %dma_start3A_222 = tpu.memref_squeeze %dma_start3A_221 : memref<1x125xi32, #tpu.memory_space<vmem>> -> memref<125xi32, #tpu.memory_space<vmem>>
        %dma_start3A_223 = arith.constant 0 : i32
        %dma_start3A_224 = arith.constant 0 : i32
        %dma_start3A_225 = tpu.memref_slice %arg10[%dma_start3A_223, %dma_start3A_224] : memref<10240x128xf32, #tpu.memory_space<vmem_shared>> -> memref<10240x128xf32, #tpu.memory_space<vmem_shared>>
        tpu.enqueue_indirect_dma source(%dma_start3A_219 : memref<125x128xf32, #tpu.memory_space<vmem>>) target(%dma_start3A_225 : memref<10240x128xf32, #tpu.memory_space<vmem_shared>>) offsets(%dma_start3A_222 : memref<125xi32, #tpu.memory_space<vmem>>) semaphore(%run_scoped3A_216 : memref<!tpu.dma_semaphore, #tpu.memory_space<semaphore_mem>>) {add = true}
        %dma_wait3A_226 = arith.constant 0 : i32
        %dma_wait3A_227 = arith.constant 0 : i32
        %dma_wait3A_228 = tpu.memref_slice %arg8[%dma_wait3A_226, %dma_wait3A_227] : memref<128x128xf32, #tpu.memory_space<vmem>> -> memref<125x128xf32, #tpu.memory_space<vmem>>
        %dma_wait3A_229 = arith.constant 0 : i32
        %dma_wait3A_230 = tpu.memref_slice %arg7[%run_scoped3A_162, %dma_wait3A_229] : memref<8x125xi32, #tpu.memory_space<vmem>> -> memref<1x125xi32, #tpu.memory_space<vmem>>
        %dma_wait3A_231 = tpu.memref_squeeze %dma_wait3A_230 : memref<1x125xi32, #tpu.memory_space<vmem>> -> memref<125xi32, #tpu.memory_space<vmem>>
        %dma_wait3A_232 = arith.constant 0 : i32
        %dma_wait3A_233 = arith.constant 0 : i32
        %dma_wait3A_234 = tpu.memref_slice %arg10[%dma_wait3A_232, %dma_wait3A_233] : memref<10240x128xf32, #tpu.memory_space<vmem_shared>> -> memref<10240x128xf32, #tpu.memory_space<vmem_shared>>
        tpu.wait_indirect_dma semaphore(%run_scoped3A_216 : memref<!tpu.dma_semaphore, #tpu.memory_space<semaphore_mem>>) src(%dma_wait3A_228 : memref<125x128xf32, #tpu.memory_space<vmem>>) dst(%dma_wait3A_234 : memref<10240x128xf32, #tpu.memory_space<vmem_shared>>)
        tpu.yield
      }) : () -> ()
      %dma_wait3A_163 = arith.constant 5 : i32
      %dma_wait3A_164 = arith.constant 0 : i32
      %dma_wait3A_165 = arith.constant 0 : i32
      %dma_wait3A_166 = tpu.memref_slice %arg9[%dma_wait3A_164, %dma_wait3A_165] : memref<128x128xf32, #tpu.memory_space<vmem>> -> memref<125x128xf32, #tpu.memory_space<vmem>>
      %dma_wait3A_167 = arith.constant 0 : i32
      %dma_wait3A_168 = tpu.memref_slice %arg6[%dma_wait3A_163, %dma_wait3A_167] : memref<8x125xi32, #tpu.memory_space<vmem>> -> memref<1x125xi32, #tpu.memory_space<vmem>>
      %dma_wait3A_169 = tpu.memref_squeeze %dma_wait3A_168 : memref<1x125xi32, #tpu.memory_space<vmem>> -> memref<125xi32, #tpu.memory_space<vmem>>
      %dma_wait3A_170 = arith.constant 0 : i32
      %dma_wait3A_171 = arith.constant 0 : i32
      %dma_wait3A_172 = tpu.memref_slice %arg2[%dma_wait3A_170, %dma_wait3A_171] : memref<20000x128xf32, #tpu.memory_space<hbm>> -> memref<20000x128xf32, #tpu.memory_space<hbm>>
      tpu.wait_indirect_dma semaphore(%arg12 : memref<!tpu.dma_semaphore, #tpu.memory_space<semaphore_mem>>) src(%dma_wait3A_172 : memref<20000x128xf32, #tpu.memory_space<hbm>>) dst(%dma_wait3A_166 : memref<125x128xf32, #tpu.memory_space<vmem>>)
      %dma_start3A_173 = arith.constant 6 : i32
      %dma_start3A_174 = arith.constant 0 : i32
      %dma_start3A_175 = arith.constant 0 : i32
      %dma_start3A_176 = tpu.memref_slice %arg8[%dma_start3A_174, %dma_start3A_175] : memref<128x128xf32, #tpu.memory_space<vmem>> -> memref<125x128xf32, #tpu.memory_space<vmem>>
      %dma_start3A_177 = arith.constant 0 : i32
      %dma_start3A_178 = tpu.memref_slice %arg6[%dma_start3A_173, %dma_start3A_177] : memref<8x125xi32, #tpu.memory_space<vmem>> -> memref<1x125xi32, #tpu.memory_space<vmem>>
      %dma_start3A_179 = tpu.memref_squeeze %dma_start3A_178 : memref<1x125xi32, #tpu.memory_space<vmem>> -> memref<125xi32, #tpu.memory_space<vmem>>
      %dma_start3A_180 = arith.constant 0 : i32
      %dma_start3A_181 = arith.constant 0 : i32
      %dma_start3A_182 = tpu.memref_slice %arg2[%dma_start3A_180, %dma_start3A_181] : memref<20000x128xf32, #tpu.memory_space<hbm>> -> memref<20000x128xf32, #tpu.memory_space<hbm>>
      tpu.enqueue_indirect_dma source(%dma_start3A_182 : memref<20000x128xf32, #tpu.memory_space<hbm>>) target(%dma_start3A_176 : memref<125x128xf32, #tpu.memory_space<vmem>>) offsets(%dma_start3A_179 : memref<125xi32, #tpu.memory_space<vmem>>) semaphore(%arg11 : memref<!tpu.dma_semaphore, #tpu.memory_space<semaphore_mem>>)
      %run_scoped3A_183 = arith.constant 5 : i32
      "tpu.region"() ({
        %run_scoped3A_216 = tpu.sem_alloc : memref<!tpu.dma_semaphore, #tpu.memory_space<semaphore_mem>>
        %dma_start3A_217 = arith.constant 0 : i32
        %dma_start3A_218 = arith.constant 0 : i32
        %dma_start3A_219 = tpu.memref_slice %arg9[%dma_start3A_217, %dma_start3A_218] : memref<128x128xf32, #tpu.memory_space<vmem>> -> memref<125x128xf32, #tpu.memory_space<vmem>>
        %dma_start3A_220 = arith.constant 0 : i32
        %dma_start3A_221 = tpu.memref_slice %arg7[%run_scoped3A_183, %dma_start3A_220] : memref<8x125xi32, #tpu.memory_space<vmem>> -> memref<1x125xi32, #tpu.memory_space<vmem>>
        %dma_start3A_222 = tpu.memref_squeeze %dma_start3A_221 : memref<1x125xi32, #tpu.memory_space<vmem>> -> memref<125xi32, #tpu.memory_space<vmem>>
        %dma_start3A_223 = arith.constant 0 : i32
        %dma_start3A_224 = arith.constant 0 : i32
        %dma_start3A_225 = tpu.memref_slice %arg10[%dma_start3A_223, %dma_start3A_224] : memref<10240x128xf32, #tpu.memory_space<vmem_shared>> -> memref<10240x128xf32, #tpu.memory_space<vmem_shared>>
        tpu.enqueue_indirect_dma source(%dma_start3A_219 : memref<125x128xf32, #tpu.memory_space<vmem>>) target(%dma_start3A_225 : memref<10240x128xf32, #tpu.memory_space<vmem_shared>>) offsets(%dma_start3A_222 : memref<125xi32, #tpu.memory_space<vmem>>) semaphore(%run_scoped3A_216 : memref<!tpu.dma_semaphore, #tpu.memory_space<semaphore_mem>>) {add = true}
        %dma_wait3A_226 = arith.constant 0 : i32
        %dma_wait3A_227 = arith.constant 0 : i32
        %dma_wait3A_228 = tpu.memref_slice %arg9[%dma_wait3A_226, %dma_wait3A_227] : memref<128x128xf32, #tpu.memory_space<vmem>> -> memref<125x128xf32, #tpu.memory_space<vmem>>
        %dma_wait3A_229 = arith.constant 0 : i32
        %dma_wait3A_230 = tpu.memref_slice %arg7[%run_scoped3A_183, %dma_wait3A_229] : memref<8x125xi32, #tpu.memory_space<vmem>> -> memref<1x125xi32, #tpu.memory_space<vmem>>
        %dma_wait3A_231 = tpu.memref_squeeze %dma_wait3A_230 : memref<1x125xi32, #tpu.memory_space<vmem>> -> memref<125xi32, #tpu.memory_space<vmem>>
        %dma_wait3A_232 = arith.constant 0 : i32
        %dma_wait3A_233 = arith.constant 0 : i32
        %dma_wait3A_234 = tpu.memref_slice %arg10[%dma_wait3A_232, %dma_wait3A_233] : memref<10240x128xf32, #tpu.memory_space<vmem_shared>> -> memref<10240x128xf32, #tpu.memory_space<vmem_shared>>
        tpu.wait_indirect_dma semaphore(%run_scoped3A_216 : memref<!tpu.dma_semaphore, #tpu.memory_space<semaphore_mem>>) src(%dma_wait3A_228 : memref<125x128xf32, #tpu.memory_space<vmem>>) dst(%dma_wait3A_234 : memref<10240x128xf32, #tpu.memory_space<vmem_shared>>)
        tpu.yield
      }) : () -> ()
      %dma_wait3A_184 = arith.constant 6 : i32
      %dma_wait3A_185 = arith.constant 0 : i32
      %dma_wait3A_186 = arith.constant 0 : i32
      %dma_wait3A_187 = tpu.memref_slice %arg8[%dma_wait3A_185, %dma_wait3A_186] : memref<128x128xf32, #tpu.memory_space<vmem>> -> memref<125x128xf32, #tpu.memory_space<vmem>>
      %dma_wait3A_188 = arith.constant 0 : i32
      %dma_wait3A_189 = tpu.memref_slice %arg6[%dma_wait3A_184, %dma_wait3A_188] : memref<8x125xi32, #tpu.memory_space<vmem>> -> memref<1x125xi32, #tpu.memory_space<vmem>>
      %dma_wait3A_190 = tpu.memref_squeeze %dma_wait3A_189 : memref<1x125xi32, #tpu.memory_space<vmem>> -> memref<125xi32, #tpu.memory_space<vmem>>
      %dma_wait3A_191 = arith.constant 0 : i32
      %dma_wait3A_192 = arith.constant 0 : i32
      %dma_wait3A_193 = tpu.memref_slice %arg2[%dma_wait3A_191, %dma_wait3A_192] : memref<20000x128xf32, #tpu.memory_space<hbm>> -> memref<20000x128xf32, #tpu.memory_space<hbm>>
      tpu.wait_indirect_dma semaphore(%arg11 : memref<!tpu.dma_semaphore, #tpu.memory_space<semaphore_mem>>) src(%dma_wait3A_193 : memref<20000x128xf32, #tpu.memory_space<hbm>>) dst(%dma_wait3A_187 : memref<125x128xf32, #tpu.memory_space<vmem>>)
      %dma_start3A_194 = arith.constant 7 : i32
      %dma_start3A_195 = arith.constant 0 : i32
      %dma_start3A_196 = arith.constant 0 : i32
      %dma_start3A_197 = tpu.memref_slice %arg9[%dma_start3A_195, %dma_start3A_196] : memref<128x128xf32, #tpu.memory_space<vmem>> -> memref<125x128xf32, #tpu.memory_space<vmem>>
      %dma_start3A_198 = arith.constant 0 : i32
      %dma_start3A_199 = tpu.memref_slice %arg6[%dma_start3A_194, %dma_start3A_198] : memref<8x125xi32, #tpu.memory_space<vmem>> -> memref<1x125xi32, #tpu.memory_space<vmem>>
      %dma_start3A_200 = tpu.memref_squeeze %dma_start3A_199 : memref<1x125xi32, #tpu.memory_space<vmem>> -> memref<125xi32, #tpu.memory_space<vmem>>
      %dma_start3A_201 = arith.constant 0 : i32
      %dma_start3A_202 = arith.constant 0 : i32
      %dma_start3A_203 = tpu.memref_slice %arg2[%dma_start3A_201, %dma_start3A_202] : memref<20000x128xf32, #tpu.memory_space<hbm>> -> memref<20000x128xf32, #tpu.memory_space<hbm>>
      tpu.enqueue_indirect_dma source(%dma_start3A_203 : memref<20000x128xf32, #tpu.memory_space<hbm>>) target(%dma_start3A_197 : memref<125x128xf32, #tpu.memory_space<vmem>>) offsets(%dma_start3A_200 : memref<125xi32, #tpu.memory_space<vmem>>) semaphore(%arg12 : memref<!tpu.dma_semaphore, #tpu.memory_space<semaphore_mem>>)
      %run_scoped3A_204 = arith.constant 6 : i32
      "tpu.region"() ({
        %run_scoped3A_216 = tpu.sem_alloc : memref<!tpu.dma_semaphore, #tpu.memory_space<semaphore_mem>>
        %dma_start3A_217 = arith.constant 0 : i32
        %dma_start3A_218 = arith.constant 0 : i32
        %dma_start3A_219 = tpu.memref_slice %arg8[%dma_start3A_217, %dma_start3A_218] : memref<128x128xf32, #tpu.memory_space<vmem>> -> memref<125x128xf32, #tpu.memory_space<vmem>>
        %dma_start3A_220 = arith.constant 0 : i32
        %dma_start3A_221 = tpu.memref_slice %arg7[%run_scoped3A_204, %dma_start3A_220] : memref<8x125xi32, #tpu.memory_space<vmem>> -> memref<1x125xi32, #tpu.memory_space<vmem>>
        %dma_start3A_222 = tpu.memref_squeeze %dma_start3A_221 : memref<1x125xi32, #tpu.memory_space<vmem>> -> memref<125xi32, #tpu.memory_space<vmem>>
        %dma_start3A_223 = arith.constant 0 : i32
        %dma_start3A_224 = arith.constant 0 : i32
        %dma_start3A_225 = tpu.memref_slice %arg10[%dma_start3A_223, %dma_start3A_224] : memref<10240x128xf32, #tpu.memory_space<vmem_shared>> -> memref<10240x128xf32, #tpu.memory_space<vmem_shared>>
        tpu.enqueue_indirect_dma source(%dma_start3A_219 : memref<125x128xf32, #tpu.memory_space<vmem>>) target(%dma_start3A_225 : memref<10240x128xf32, #tpu.memory_space<vmem_shared>>) offsets(%dma_start3A_222 : memref<125xi32, #tpu.memory_space<vmem>>) semaphore(%run_scoped3A_216 : memref<!tpu.dma_semaphore, #tpu.memory_space<semaphore_mem>>) {add = true}
        %dma_wait3A_226 = arith.constant 0 : i32
        %dma_wait3A_227 = arith.constant 0 : i32
        %dma_wait3A_228 = tpu.memref_slice %arg8[%dma_wait3A_226, %dma_wait3A_227] : memref<128x128xf32, #tpu.memory_space<vmem>> -> memref<125x128xf32, #tpu.memory_space<vmem>>
        %dma_wait3A_229 = arith.constant 0 : i32
        %dma_wait3A_230 = tpu.memref_slice %arg7[%run_scoped3A_204, %dma_wait3A_229] : memref<8x125xi32, #tpu.memory_space<vmem>> -> memref<1x125xi32, #tpu.memory_space<vmem>>
        %dma_wait3A_231 = tpu.memref_squeeze %dma_wait3A_230 : memref<1x125xi32, #tpu.memory_space<vmem>> -> memref<125xi32, #tpu.memory_space<vmem>>
        %dma_wait3A_232 = arith.constant 0 : i32
        %dma_wait3A_233 = arith.constant 0 : i32
        %dma_wait3A_234 = tpu.memref_slice %arg10[%dma_wait3A_232, %dma_wait3A_233] : memref<10240x128xf32, #tpu.memory_space<vmem_shared>> -> memref<10240x128xf32, #tpu.memory_space<vmem_shared>>
        tpu.wait_indirect_dma semaphore(%run_scoped3A_216 : memref<!tpu.dma_semaphore, #tpu.memory_space<semaphore_mem>>) src(%dma_wait3A_228 : memref<125x128xf32, #tpu.memory_space<vmem>>) dst(%dma_wait3A_234 : memref<10240x128xf32, #tpu.memory_space<vmem_shared>>)
        tpu.yield
      }) : () -> ()
      %dma_wait3A_205 = arith.constant 7 : i32
      %dma_wait3A_206 = arith.constant 0 : i32
      %dma_wait3A_207 = arith.constant 0 : i32
      %dma_wait3A_208 = tpu.memref_slice %arg9[%dma_wait3A_206, %dma_wait3A_207] : memref<128x128xf32, #tpu.memory_space<vmem>> -> memref<125x128xf32, #tpu.memory_space<vmem>>
      %dma_wait3A_209 = arith.constant 0 : i32
      %dma_wait3A_210 = tpu.memref_slice %arg6[%dma_wait3A_205, %dma_wait3A_209] : memref<8x125xi32, #tpu.memory_space<vmem>> -> memref<1x125xi32, #tpu.memory_space<vmem>>
      %dma_wait3A_211 = tpu.memref_squeeze %dma_wait3A_210 : memref<1x125xi32, #tpu.memory_space<vmem>> -> memref<125xi32, #tpu.memory_space<vmem>>
      %dma_wait3A_212 = arith.constant 0 : i32
      %dma_wait3A_213 = arith.constant 0 : i32
      %dma_wait3A_214 = tpu.memref_slice %arg2[%dma_wait3A_212, %dma_wait3A_213] : memref<20000x128xf32, #tpu.memory_space<hbm>> -> memref<20000x128xf32, #tpu.memory_space<hbm>>
      tpu.wait_indirect_dma semaphore(%arg12 : memref<!tpu.dma_semaphore, #tpu.memory_space<semaphore_mem>>) src(%dma_wait3A_214 : memref<20000x128xf32, #tpu.memory_space<hbm>>) dst(%dma_wait3A_208 : memref<125x128xf32, #tpu.memory_space<vmem>>)
      %run_scoped3A_215 = arith.constant 7 : i32
      "tpu.region"() ({
        %run_scoped3A_216 = tpu.sem_alloc : memref<!tpu.dma_semaphore, #tpu.memory_space<semaphore_mem>>
        %dma_start3A_217 = arith.constant 0 : i32
        %dma_start3A_218 = arith.constant 0 : i32
        %dma_start3A_219 = tpu.memref_slice %arg9[%dma_start3A_217, %dma_start3A_218] : memref<128x128xf32, #tpu.memory_space<vmem>> -> memref<125x128xf32, #tpu.memory_space<vmem>>
        %dma_start3A_220 = arith.constant 0 : i32
        %dma_start3A_221 = tpu.memref_slice %arg7[%run_scoped3A_215, %dma_start3A_220] : memref<8x125xi32, #tpu.memory_space<vmem>> -> memref<1x125xi32, #tpu.memory_space<vmem>>
        %dma_start3A_222 = tpu.memref_squeeze %dma_start3A_221 : memref<1x125xi32, #tpu.memory_space<vmem>> -> memref<125xi32, #tpu.memory_space<vmem>>
        %dma_start3A_223 = arith.constant 0 : i32
        %dma_start3A_224 = arith.constant 0 : i32
        %dma_start3A_225 = tpu.memref_slice %arg10[%dma_start3A_223, %dma_start3A_224] : memref<10240x128xf32, #tpu.memory_space<vmem_shared>> -> memref<10240x128xf32, #tpu.memory_space<vmem_shared>>
        tpu.enqueue_indirect_dma source(%dma_start3A_219 : memref<125x128xf32, #tpu.memory_space<vmem>>) target(%dma_start3A_225 : memref<10240x128xf32, #tpu.memory_space<vmem_shared>>) offsets(%dma_start3A_222 : memref<125xi32, #tpu.memory_space<vmem>>) semaphore(%run_scoped3A_216 : memref<!tpu.dma_semaphore, #tpu.memory_space<semaphore_mem>>) {add = true}
        %dma_wait3A_226 = arith.constant 0 : i32
        %dma_wait3A_227 = arith.constant 0 : i32
        %dma_wait3A_228 = tpu.memref_slice %arg9[%dma_wait3A_226, %dma_wait3A_227] : memref<128x128xf32, #tpu.memory_space<vmem>> -> memref<125x128xf32, #tpu.memory_space<vmem>>
        %dma_wait3A_229 = arith.constant 0 : i32
        %dma_wait3A_230 = tpu.memref_slice %arg7[%run_scoped3A_215, %dma_wait3A_229] : memref<8x125xi32, #tpu.memory_space<vmem>> -> memref<1x125xi32, #tpu.memory_space<vmem>>
        %dma_wait3A_231 = tpu.memref_squeeze %dma_wait3A_230 : memref<1x125xi32, #tpu.memory_space<vmem>> -> memref<125xi32, #tpu.memory_space<vmem>>
        %dma_wait3A_232 = arith.constant 0 : i32
        %dma_wait3A_233 = arith.constant 0 : i32
        %dma_wait3A_234 = tpu.memref_slice %arg10[%dma_wait3A_232, %dma_wait3A_233] : memref<10240x128xf32, #tpu.memory_space<vmem_shared>> -> memref<10240x128xf32, #tpu.memory_space<vmem_shared>>
        tpu.wait_indirect_dma semaphore(%run_scoped3A_216 : memref<!tpu.dma_semaphore, #tpu.memory_space<semaphore_mem>>) src(%dma_wait3A_228 : memref<125x128xf32, #tpu.memory_space<vmem>>) dst(%dma_wait3A_234 : memref<10240x128xf32, #tpu.memory_space<vmem_shared>>)
        tpu.yield
      }) : () -> ()
    }
    %scan3A_35 = arith.constant 20 : i32
    %barrier3A_36 = arith.constant 0 : index
    tpu.barrier barrier_id(%barrier3A_36)
    %mul3A_37 = arith.constant 640 : i32
    %mul3A_38 = arith.muli %arg1, %mul3A_37 : i32
    %mul3A_39 = arith.constant 10240 : i32
    %mul3A_40 = arith.muli %arg0, %mul3A_39 : i32
    %mul3A_41 = arith.constant 640 : i32
    %mul3A_42 = arith.muli %arg1, %mul3A_41 : i32
    %add3A_43 = arith.addi %mul3A_40, %mul3A_42 : i32
    "tpu.region"() ({
      %run_scoped3A = tpu.sem_alloc : memref<!tpu.dma_semaphore, #tpu.memory_space<semaphore_mem>>
      %dma_start3A = arith.constant 0 : i32
      %dma_start3A_44 = tpu.memref_slice %arg5[%add3A_43, %dma_start3A] : memref<20480x128xf32, #tpu.memory_space<hbm>> -> memref<640x128xf32, #tpu.memory_space<hbm>>
      %dma_start3A_45 = arith.constant 0 : i32
      %dma_start3A_46 = tpu.memref_slice %arg10[%mul3A_38, %dma_start3A_45] : memref<10240x128xf32, #tpu.memory_space<vmem_shared>> -> memref<640x128xf32, #tpu.memory_space<vmem_shared>>
      tpu.enqueue_dma source(%dma_start3A_46 : memref<640x128xf32, #tpu.memory_space<vmem_shared>>) target(%dma_start3A_44 : memref<640x128xf32, #tpu.memory_space<hbm>>) target_semaphore(%run_scoped3A : memref<!tpu.dma_semaphore, #tpu.memory_space<semaphore_mem>>)
      %dma_wait3A = arith.constant 0 : i32
      %dma_wait3A_47 = tpu.memref_slice %arg5[%add3A_43, %dma_wait3A] : memref<20480x128xf32, #tpu.memory_space<hbm>> -> memref<640x128xf32, #tpu.memory_space<hbm>>
      %dma_wait3A_48 = arith.constant 0 : i32
      %dma_wait3A_49 = tpu.memref_slice %arg10[%mul3A_38, %dma_wait3A_48] : memref<10240x128xf32, #tpu.memory_space<vmem_shared>> -> memref<640x128xf32, #tpu.memory_space<vmem_shared>>
      tpu.wait_dma2 semaphore(%run_scoped3A : memref<!tpu.dma_semaphore, #tpu.memory_space<semaphore_mem>>) src(%dma_wait3A_49 : memref<640x128xf32, #tpu.memory_space<vmem_shared>>) dst(%dma_wait3A_47 : memref<640x128xf32, #tpu.memory_space<hbm>>)
      tpu.yield
    }) : () -> ()
    return
  }
}

module attributes {stable_mosaic.version = 14 : i64} {
  func.func @_pre_body(%arg0: i32, %arg1: memref<1024x128xf32, #tpu.memory_space<vmem>>, %arg2: memref<128x128xf32, #tpu.memory_space<vmem>>, %arg3: memref<128x32xf32, #tpu.memory_space<vmem>>, %arg4: memref<1x32xf32, #tpu.memory_space<vmem>>, %arg5: memref<1024x128xf32, #tpu.memory_space<vmem>>, %arg6: memref<1024x32xf32, #tpu.memory_space<vmem>>) attributes {dimension_semantics = [#tpu.dimension_semantics<arbitrary>], iteration_bounds = array<i64: 10>, scalar_prefetch = 0 : i64, scratch_operands = 0 : i64, tpu.core_type = #tpu.core_type<tc>, window_params = [{transform_indices = @transform_0, window_bounds = array<i64: 1024, 128>}, {pipeline_mode = #tpu.pipeline_mode<synchronous>, transform_indices = @transform_1, window_bounds = array<i64: 128, 128>}, {pipeline_mode = #tpu.pipeline_mode<synchronous>, transform_indices = @transform_2, window_bounds = array<i64: 128, 32>}, {pipeline_mode = #tpu.pipeline_mode<synchronous>, transform_indices = @transform_3, window_bounds = array<i64: 1, 32>}, {transform_indices = @transform_4, window_bounds = array<i64: 1024, 128>}, {transform_indices = @transform_5, window_bounds = array<i64: 1024, 32>}]} {
    %get3A = arith.constant 0 : index
    %get3A_0 = arith.constant 0 : index
    %get3A_1 = vector.load %arg1[%get3A, %get3A_0] : memref<1024x128xf32, #tpu.memory_space<vmem>>, vector<1024x128xf32>
    %get3A_2 = arith.constant 0 : index
    %get3A_3 = arith.constant 0 : index
    %get3A_4 = vector.load %arg2[%get3A_2, %get3A_3] : memref<128x128xf32, #tpu.memory_space<vmem>>, vector<128x128xf32>
    %dot_general3A = arith.constant dense<0.000000e+00> : vector<1024x128xf32>
    %dot_general3A_5 = tpu.matmul %get3A_1, %get3A_4, %dot_general3A {dimension_numbers = #tpu.dot_dimension_numbers<[1], [0], [0], [1], [0, 0, 1, 1], [], []>, transpose_lhs_hint = false} : vector<1024x128xf32>, vector<128x128xf32>, vector<1024x128xf32> -> vector<1024x128xf32>
    %swap3A = arith.constant 0 : index
    %swap3A_6 = arith.constant 0 : index
    %swap3A_7 = vector.load %arg5[%swap3A, %swap3A_6] : memref<1024x128xf32, #tpu.memory_space<vmem>>, vector<1024x128xf32>
    tpu.vector_store %arg5[%swap3A, %swap3A_6], %dot_general3A_5 {strides = array<i32>} : memref<1024x128xf32, #tpu.memory_space<vmem>>, vector<1024x128xf32>,
    %get3A_8 = arith.constant 0 : index
    %get3A_9 = arith.constant 0 : index
    %get3A_10 = vector.load %arg1[%get3A_8, %get3A_9] : memref<1024x128xf32, #tpu.memory_space<vmem>>, vector<1024x128xf32>
    %get3A_11 = arith.constant 0 : index
    %get3A_12 = arith.constant 0 : index
    %get3A_13 = vector.load %arg3[%get3A_11, %get3A_12] : memref<128x32xf32, #tpu.memory_space<vmem>>, vector<128x32xf32>
    %dot_general3A_14 = arith.constant dense<0.000000e+00> : vector<1024x32xf32>
    %dot_general3A_15 = tpu.matmul %get3A_10, %get3A_13, %dot_general3A_14 {dimension_numbers = #tpu.dot_dimension_numbers<[1], [0], [0], [1], [0, 0, 1, 1], [], []>, transpose_lhs_hint = false} : vector<1024x128xf32>, vector<128x32xf32>, vector<1024x32xf32> -> vector<1024x32xf32>
    %get3A_16 = arith.constant 0 : index
    %get3A_17 = arith.constant 0 : index
    %get3A_18 = vector.load %arg4[%get3A_16, %get3A_17] : memref<1x32xf32, #tpu.memory_space<vmem>>, vector<1x32xf32>
    %add3A = vector.broadcast %get3A_18 : vector<1x32xf32> to vector<1024x32xf32>
    %add3A_19 = arith.addf %dot_general3A_15, %add3A : vector<1024x32xf32>
    %swap3A_20 = arith.constant 0 : index
    %swap3A_21 = arith.constant 0 : index
    %swap3A_22 = vector.load %arg6[%swap3A_20, %swap3A_21] : memref<1024x32xf32, #tpu.memory_space<vmem>>, vector<1024x32xf32>
    tpu.vector_store %arg6[%swap3A_20, %swap3A_21], %add3A_19 {strides = array<i32>} : memref<1024x32xf32, #tpu.memory_space<vmem>>, vector<1024x32xf32>,
    return
  }
  func.func @transform_0(%arg0: i32) -> (i32, i32) {
    %c0_i32 = arith.constant 0 : i32
    %c0_i32_0 = arith.constant 0 : i32
    return %arg0, %c0_i32 : i32, i32
  }
  func.func @transform_1(%arg0: i32) -> (i32, i32) {
    %c0_i32 = arith.constant 0 : i32
    %c0_i32_0 = arith.constant 0 : i32
    %c0_i32_1 = arith.constant 0 : i32
    return %c0_i32, %c0_i32_0 : i32, i32
  }
  func.func @transform_2(%arg0: i32) -> (i32, i32) {
    %c0_i32 = arith.constant 0 : i32
    %c0_i32_0 = arith.constant 0 : i32
    %c0_i32_1 = arith.constant 0 : i32
    return %c0_i32, %c0_i32_0 : i32, i32
  }
  func.func @transform_3(%arg0: i32) -> (i32, i32) {
    %c0_i32 = arith.constant 0 : i32
    %c0_i32_0 = arith.constant 0 : i32
    %c0_i32_1 = arith.constant 0 : i32
    return %c0_i32, %c0_i32_0 : i32, i32
  }
  func.func @transform_4(%arg0: i32) -> (i32, i32) {
    %c0_i32 = arith.constant 0 : i32
    %c0_i32_0 = arith.constant 0 : i32
    return %arg0, %c0_i32 : i32, i32
  }
  func.func @transform_5(%arg0: i32) -> (i32, i32) {
    %c0_i32 = arith.constant 0 : i32
    %c0_i32_0 = arith.constant 0 : i32
    return %arg0, %c0_i32 : i32, i32
  }
}

module attributes {stable_mosaic.version = 14 : i64} {
  func.func @_scale1_body(%arg0: i32, %arg1: memref<1024x128xf32, #tpu.memory_space<vmem>>, %arg2: memref<1024x128xf32, #tpu.memory_space<vmem>>, %arg3: memref<1024x128xf32, #tpu.memory_space<vmem>>, %arg4: memref<1024x128xf32, #tpu.memory_space<vmem>>, %arg5: memref<1024x1xf32, #tpu.memory_space<vmem>>) attributes {dimension_semantics = [#tpu.dimension_semantics<arbitrary>], iteration_bounds = array<i64: 10>, scalar_prefetch = 0 : i64, scratch_operands = 0 : i64, tpu.core_type = #tpu.core_type<tc>, window_params = [{transform_indices = @transform_0, window_bounds = array<i64: 1024, 128>}, {transform_indices = @transform_1, window_bounds = array<i64: 1024, 128>}, {transform_indices = @transform_2, window_bounds = array<i64: 1024, 128>}, {transform_indices = @transform_3, window_bounds = array<i64: 1024, 128>}, {transform_indices = @transform_4, window_bounds = array<i64: 1024, 1>}]} {
    %get3A = arith.constant 0 : index
    %get3A_0 = arith.constant 0 : index
    %get3A_1 = vector.load %arg2[%get3A, %get3A_0] : memref<1024x128xf32, #tpu.memory_space<vmem>>, vector<1024x1xf32>
    %add3A = arith.constant 1.000000e+00 : f32
    %add3A_2 = vector.broadcast %add3A : f32 to vector<1024x1xf32>
    %add3A_3 = arith.addf %add3A_2, %get3A_1 : vector<1024x1xf32>
    %get3A_4 = arith.constant 0 : index
    %get3A_5 = arith.constant 0 : index
    %get3A_6 = vector.load %arg3[%get3A_4, %get3A_5] : memref<1024x128xf32, #tpu.memory_space<vmem>>, vector<1024x1xf32>
    %add3A_7 = arith.addf %add3A_3, %get3A_6 : vector<1024x1xf32>
    %rsqrt3A = math.rsqrt %add3A_7 : vector<1024x1xf32>
    %swap3A = arith.constant 0 : index
    %swap3A_8 = arith.constant 0 : index
    %swap3A_9 = vector.load %arg5[%swap3A, %swap3A_8] : memref<1024x1xf32, #tpu.memory_space<vmem>>, vector<1024x1xf32>
    tpu.vector_store %arg5[%swap3A, %swap3A_8], %rsqrt3A {strides = array<i32>} : memref<1024x1xf32, #tpu.memory_space<vmem>>, vector<1024x1xf32>,
    %get3A_10 = arith.constant 0 : index
    %get3A_11 = arith.constant 0 : index
    %get3A_12 = vector.load %arg1[%get3A_10, %get3A_11] : memref<1024x128xf32, #tpu.memory_space<vmem>>, vector<1024x128xf32>
    %mul3A = vector.broadcast %rsqrt3A : vector<1024x1xf32> to vector<1024x128xf32>
    %mul3A_13 = arith.mulf %get3A_12, %mul3A : vector<1024x128xf32>
    %swap3A_14 = arith.constant 0 : index
    %swap3A_15 = arith.constant 0 : index
    %swap3A_16 = vector.load %arg4[%swap3A_14, %swap3A_15] : memref<1024x128xf32, #tpu.memory_space<vmem>>, vector<1024x128xf32>
    tpu.vector_store %arg4[%swap3A_14, %swap3A_15], %mul3A_13 {strides = array<i32>} : memref<1024x128xf32, #tpu.memory_space<vmem>>, vector<1024x128xf32>,
    return
  }
  func.func @transform_0(%arg0: i32) -> (i32, i32) {
    %c0_i32 = arith.constant 0 : i32
    %c0_i32_0 = arith.constant 0 : i32
    return %arg0, %c0_i32 : i32, i32
  }
  func.func @transform_1(%arg0: i32) -> (i32, i32) {
    %c0_i32 = arith.constant 0 : i32
    %c0_i32_0 = arith.constant 0 : i32
    return %arg0, %c0_i32 : i32, i32
  }
  func.func @transform_2(%arg0: i32) -> (i32, i32) {
    %add3A = arith.constant 10 : i32
    %add3A_0 = arith.addi %arg0, %add3A : i32
    %c0_i32 = arith.constant 0 : i32
    %c0_i32_1 = arith.constant 0 : i32
    return %add3A_0, %c0_i32 : i32, i32
  }
  func.func @transform_3(%arg0: i32) -> (i32, i32) {
    %c0_i32 = arith.constant 0 : i32
    %c0_i32_0 = arith.constant 0 : i32
    return %arg0, %c0_i32 : i32, i32
  }
  func.func @transform_4(%arg0: i32) -> (i32, i32) {
    %c0_i32 = arith.constant 0 : i32
    %c0_i32_0 = arith.constant 0 : i32
    return %arg0, %c0_i32 : i32, i32
  }
}

module attributes {stable_mosaic.version = 14 : i64} {
  func.func @_cd2_body(%arg0: i32, %arg1: memref<1024x128xf32, #tpu.memory_space<vmem>>, %arg2: memref<1024x128xf32, #tpu.memory_space<vmem>>, %arg3: memref<1024x128xf32, #tpu.memory_space<vmem>>, %arg4: memref<1024x1xf32, #tpu.memory_space<vmem>>, %arg5: memref<1024x32xf32, #tpu.memory_space<vmem>>, %arg6: memref<1x256xf32, #tpu.memory_space<vmem>>, %arg7: memref<256x128xf32, #tpu.memory_space<vmem>>, %arg8: memref<256x32xf32, #tpu.memory_space<vmem>>, %arg9: memref<1x32xf32, #tpu.memory_space<vmem>>, %arg10: memref<1024x128xf32, #tpu.memory_space<vmem>>, %arg11: memref<1024x32xf32, #tpu.memory_space<vmem>>) attributes {dimension_semantics = [#tpu.dimension_semantics<arbitrary>], iteration_bounds = array<i64: 10>, scalar_prefetch = 0 : i64, scratch_operands = 0 : i64, tpu.core_type = #tpu.core_type<tc>, window_params = [{transform_indices = @transform_0, window_bounds = array<i64: 1024, 128>}, {transform_indices = @transform_1, window_bounds = array<i64: 1024, 128>}, {transform_indices = @transform_2, window_bounds = array<i64: 1024, 128>}, {transform_indices = @transform_3, window_bounds = array<i64: 1024, 1>}, {transform_indices = @transform_4, window_bounds = array<i64: 1024, 32>}, {pipeline_mode = #tpu.pipeline_mode<synchronous>, transform_indices = @transform_5, window_bounds = array<i64: 1, 256>}, {pipeline_mode = #tpu.pipeline_mode<synchronous>, transform_indices = @transform_6, window_bounds = array<i64: 256, 128>}, {pipeline_mode = #tpu.pipeline_mode<synchronous>, transform_indices = @transform_7, window_bounds = array<i64: 256, 32>}, {pipeline_mode = #tpu.pipeline_mode<synchronous>, transform_indices = @transform_8, window_bounds = array<i64: 1, 32>}, {transform_indices = @transform_9, window_bounds = array<i64: 1024, 128>}, {transform_indices = @transform_10, window_bounds = array<i64: 1024, 32>}]} {
    %get3A = arith.constant 0 : index
    %get3A_0 = arith.constant 0 : index
    %get3A_1 = vector.load %arg1[%get3A, %get3A_0] : memref<1024x128xf32, #tpu.memory_space<vmem>>, vector<1024x128xf32>
    %get3A_2 = arith.constant 0 : index
    %get3A_3 = arith.constant 0 : index
    %get3A_4 = vector.load %arg2[%get3A_2, %get3A_3] : memref<1024x128xf32, #tpu.memory_space<vmem>>, vector<1024x128xf32>
    %get3A_5 = arith.constant 0 : index
    %get3A_6 = arith.constant 0 : index
    %get3A_7 = vector.load %arg3[%get3A_5, %get3A_6] : memref<1024x128xf32, #tpu.memory_space<vmem>>, vector<1024x128xf32>
    %get3A_8 = arith.constant 0 : index
    %get3A_9 = arith.constant 0 : index
    %get3A_10 = vector.load %arg4[%get3A_8, %get3A_9] : memref<1024x1xf32, #tpu.memory_space<vmem>>, vector<1024x1xf32>
    %get3A_11 = arith.constant 0 : index
    %get3A_12 = arith.constant 0 : index
    %get3A_13 = vector.load %arg5[%get3A_11, %get3A_12] : memref<1024x32xf32, #tpu.memory_space<vmem>>, vector<1024x32xf32>
    %get3A_14 = arith.constant 0 : index
    %get3A_15 = arith.constant 0 : index
    %get3A_16 = vector.load %arg6[%get3A_14, %get3A_15] : memref<1x256xf32, #tpu.memory_space<vmem>>, vector<1x256xf32>
    %add3A = arith.addf %get3A_1, %get3A_4 : vector<1024x128xf32>
    %add3A_17 = arith.addf %add3A, %get3A_7 : vector<1024x128xf32>
    %mul3A = vector.broadcast %get3A_10 : vector<1024x1xf32> to vector<1024x128xf32>
    %mul3A_18 = arith.mulf %mul3A, %add3A_17 : vector<1024x128xf32>
    %slice3A = vector.extract_strided_slice %get3A_13 {offsets = [0, 0], sizes = [1024, 1], strides = [1, 1]} : vector<1024x32xf32> to vector<1024x1xf32>
    %slice3A_19 = vector.extract_strided_slice %mul3A_18 {offsets = [0, 0], sizes = [1024, 32], strides = [1, 1]} : vector<1024x128xf32> to vector<1024x32xf32>
    %mul3A_20 = vector.broadcast %slice3A : vector<1024x1xf32> to vector<1024x32xf32>
    %mul3A_21 = arith.mulf %mul3A_20, %slice3A_19 : vector<1024x32xf32>
    %slice3A_22 = vector.extract_strided_slice %get3A_13 {offsets = [0, 1], sizes = [1024, 1], strides = [1, 1]} : vector<1024x32xf32> to vector<1024x1xf32>
    %slice3A_23 = vector.extract_strided_slice %mul3A_18 {offsets = [0, 32], sizes = [1024, 32], strides = [1, 1]} : vector<1024x128xf32> to vector<1024x32xf32>
    %mul3A_24 = vector.broadcast %slice3A_22 : vector<1024x1xf32> to vector<1024x32xf32>
    %mul3A_25 = arith.mulf %mul3A_24, %slice3A_23 : vector<1024x32xf32>
    %add3A_26 = arith.addf %mul3A_21, %mul3A_25 : vector<1024x32xf32>
    %slice3A_27 = vector.extract_strided_slice %get3A_13 {offsets = [0, 2], sizes = [1024, 1], strides = [1, 1]} : vector<1024x32xf32> to vector<1024x1xf32>
    %slice3A_28 = vector.extract_strided_slice %mul3A_18 {offsets = [0, 64], sizes = [1024, 32], strides = [1, 1]} : vector<1024x128xf32> to vector<1024x32xf32>
    %mul3A_29 = vector.broadcast %slice3A_27 : vector<1024x1xf32> to vector<1024x32xf32>
    %mul3A_30 = arith.mulf %mul3A_29, %slice3A_28 : vector<1024x32xf32>
    %add3A_31 = arith.addf %add3A_26, %mul3A_30 : vector<1024x32xf32>
    %slice3A_32 = vector.extract_strided_slice %get3A_13 {offsets = [0, 3], sizes = [1024, 1], strides = [1, 1]} : vector<1024x32xf32> to vector<1024x1xf32>
    %slice3A_33 = vector.extract_strided_slice %mul3A_18 {offsets = [0, 96], sizes = [1024, 32], strides = [1, 1]} : vector<1024x128xf32> to vector<1024x32xf32>
    %mul3A_34 = vector.broadcast %slice3A_32 : vector<1024x1xf32> to vector<1024x32xf32>
    %mul3A_35 = arith.mulf %mul3A_34, %slice3A_33 : vector<1024x32xf32>
    %add3A_36 = arith.addf %add3A_31, %mul3A_35 : vector<1024x32xf32>
    %slice3A_37 = vector.extract_strided_slice %get3A_13 {offsets = [0, 4], sizes = [1024, 1], strides = [1, 1]} : vector<1024x32xf32> to vector<1024x1xf32>
    %slice3A_38 = vector.extract_strided_slice %mul3A_18 {offsets = [0, 0], sizes = [1024, 32], strides = [1, 1]} : vector<1024x128xf32> to vector<1024x32xf32>
    %mul3A_39 = vector.broadcast %slice3A_37 : vector<1024x1xf32> to vector<1024x32xf32>
    %mul3A_40 = arith.mulf %mul3A_39, %slice3A_38 : vector<1024x32xf32>
    %slice3A_41 = vector.extract_strided_slice %get3A_13 {offsets = [0, 5], sizes = [1024, 1], strides = [1, 1]} : vector<1024x32xf32> to vector<1024x1xf32>
    %slice3A_42 = vector.extract_strided_slice %mul3A_18 {offsets = [0, 32], sizes = [1024, 32], strides = [1, 1]} : vector<1024x128xf32> to vector<1024x32xf32>
    %mul3A_43 = vector.broadcast %slice3A_41 : vector<1024x1xf32> to vector<1024x32xf32>
    %mul3A_44 = arith.mulf %mul3A_43, %slice3A_42 : vector<1024x32xf32>
    %add3A_45 = arith.addf %mul3A_40, %mul3A_44 : vector<1024x32xf32>
    %slice3A_46 = vector.extract_strided_slice %get3A_13 {offsets = [0, 6], sizes = [1024, 1], strides = [1, 1]} : vector<1024x32xf32> to vector<1024x1xf32>
    %slice3A_47 = vector.extract_strided_slice %mul3A_18 {offsets = [0, 64], sizes = [1024, 32], strides = [1, 1]} : vector<1024x128xf32> to vector<1024x32xf32>
    %mul3A_48 = vector.broadcast %slice3A_46 : vector<1024x1xf32> to vector<1024x32xf32>
    %mul3A_49 = arith.mulf %mul3A_48, %slice3A_47 : vector<1024x32xf32>
    %add3A_50 = arith.addf %add3A_45, %mul3A_49 : vector<1024x32xf32>
    %slice3A_51 = vector.extract_strided_slice %get3A_13 {offsets = [0, 7], sizes = [1024, 1], strides = [1, 1]} : vector<1024x32xf32> to vector<1024x1xf32>
    %slice3A_52 = vector.extract_strided_slice %mul3A_18 {offsets = [0, 96], sizes = [1024, 32], strides = [1, 1]} : vector<1024x128xf32> to vector<1024x32xf32>
    %mul3A_53 = vector.broadcast %slice3A_51 : vector<1024x1xf32> to vector<1024x32xf32>
    %mul3A_54 = arith.mulf %mul3A_53, %slice3A_52 : vector<1024x32xf32>
    %add3A_55 = arith.addf %add3A_50, %mul3A_54 : vector<1024x32xf32>
    %slice3A_56 = vector.extract_strided_slice %get3A_13 {offsets = [0, 8], sizes = [1024, 1], strides = [1, 1]} : vector<1024x32xf32> to vector<1024x1xf32>
    %slice3A_57 = vector.extract_strided_slice %mul3A_18 {offsets = [0, 0], sizes = [1024, 32], strides = [1, 1]} : vector<1024x128xf32> to vector<1024x32xf32>
    %mul3A_58 = vector.broadcast %slice3A_56 : vector<1024x1xf32> to vector<1024x32xf32>
    %mul3A_59 = arith.mulf %mul3A_58, %slice3A_57 : vector<1024x32xf32>
    %slice3A_60 = vector.extract_strided_slice %get3A_13 {offsets = [0, 9], sizes = [1024, 1], strides = [1, 1]} : vector<1024x32xf32> to vector<1024x1xf32>
    %slice3A_61 = vector.extract_strided_slice %mul3A_18 {offsets = [0, 32], sizes = [1024, 32], strides = [1, 1]} : vector<1024x128xf32> to vector<1024x32xf32>
    %mul3A_62 = vector.broadcast %slice3A_60 : vector<1024x1xf32> to vector<1024x32xf32>
    %mul3A_63 = arith.mulf %mul3A_62, %slice3A_61 : vector<1024x32xf32>
    %add3A_64 = arith.addf %mul3A_59, %mul3A_63 : vector<1024x32xf32>
    %slice3A_65 = vector.extract_strided_slice %get3A_13 {offsets = [0, 10], sizes = [1024, 1], strides = [1, 1]} : vector<1024x32xf32> to vector<1024x1xf32>
    %slice3A_66 = vector.extract_strided_slice %mul3A_18 {offsets = [0, 64], sizes = [1024, 32], strides = [1, 1]} : vector<1024x128xf32> to vector<1024x32xf32>
    %mul3A_67 = vector.broadcast %slice3A_65 : vector<1024x1xf32> to vector<1024x32xf32>
    %mul3A_68 = arith.mulf %mul3A_67, %slice3A_66 : vector<1024x32xf32>
    %add3A_69 = arith.addf %add3A_64, %mul3A_68 : vector<1024x32xf32>
    %slice3A_70 = vector.extract_strided_slice %get3A_13 {offsets = [0, 11], sizes = [1024, 1], strides = [1, 1]} : vector<1024x32xf32> to vector<1024x1xf32>
    %slice3A_71 = vector.extract_strided_slice %mul3A_18 {offsets = [0, 96], sizes = [1024, 32], strides = [1, 1]} : vector<1024x128xf32> to vector<1024x32xf32>
    %mul3A_72 = vector.broadcast %slice3A_70 : vector<1024x1xf32> to vector<1024x32xf32>
    %mul3A_73 = arith.mulf %mul3A_72, %slice3A_71 : vector<1024x32xf32>
    %add3A_74 = arith.addf %add3A_69, %mul3A_73 : vector<1024x32xf32>
    %slice3A_75 = vector.extract_strided_slice %get3A_13 {offsets = [0, 12], sizes = [1024, 1], strides = [1, 1]} : vector<1024x32xf32> to vector<1024x1xf32>
    %slice3A_76 = vector.extract_strided_slice %mul3A_18 {offsets = [0, 0], sizes = [1024, 32], strides = [1, 1]} : vector<1024x128xf32> to vector<1024x32xf32>
    %mul3A_77 = vector.broadcast %slice3A_75 : vector<1024x1xf32> to vector<1024x32xf32>
    %mul3A_78 = arith.mulf %mul3A_77, %slice3A_76 : vector<1024x32xf32>
    %slice3A_79 = vector.extract_strided_slice %get3A_13 {offsets = [0, 13], sizes = [1024, 1], strides = [1, 1]} : vector<1024x32xf32> to vector<1024x1xf32>
    %slice3A_80 = vector.extract_strided_slice %mul3A_18 {offsets = [0, 32], sizes = [1024, 32], strides = [1, 1]} : vector<1024x128xf32> to vector<1024x32xf32>
    %mul3A_81 = vector.broadcast %slice3A_79 : vector<1024x1xf32> to vector<1024x32xf32>
    %mul3A_82 = arith.mulf %mul3A_81, %slice3A_80 : vector<1024x32xf32>
    %add3A_83 = arith.addf %mul3A_78, %mul3A_82 : vector<1024x32xf32>
    %slice3A_84 = vector.extract_strided_slice %get3A_13 {offsets = [0, 14], sizes = [1024, 1], strides = [1, 1]} : vector<1024x32xf32> to vector<1024x1xf32>
    %slice3A_85 = vector.extract_strided_slice %mul3A_18 {offsets = [0, 64], sizes = [1024, 32], strides = [1, 1]} : vector<1024x128xf32> to vector<1024x32xf32>
    %mul3A_86 = vector.broadcast %slice3A_84 : vector<1024x1xf32> to vector<1024x32xf32>
    %mul3A_87 = arith.mulf %mul3A_86, %slice3A_85 : vector<1024x32xf32>
    %add3A_88 = arith.addf %add3A_83, %mul3A_87 : vector<1024x32xf32>
    %slice3A_89 = vector.extract_strided_slice %get3A_13 {offsets = [0, 15], sizes = [1024, 1], strides = [1, 1]} : vector<1024x32xf32> to vector<1024x1xf32>
    %slice3A_90 = vector.extract_strided_slice %mul3A_18 {offsets = [0, 96], sizes = [1024, 32], strides = [1, 1]} : vector<1024x128xf32> to vector<1024x32xf32>
    %mul3A_91 = vector.broadcast %slice3A_89 : vector<1024x1xf32> to vector<1024x32xf32>
    %mul3A_92 = arith.mulf %mul3A_91, %slice3A_90 : vector<1024x32xf32>
    %add3A_93 = arith.addf %add3A_88, %mul3A_92 : vector<1024x32xf32>
    %slice3A_94 = vector.extract_strided_slice %get3A_13 {offsets = [0, 16], sizes = [1024, 1], strides = [1, 1]} : vector<1024x32xf32> to vector<1024x1xf32>
    %slice3A_95 = vector.extract_strided_slice %mul3A_18 {offsets = [0, 0], sizes = [1024, 32], strides = [1, 1]} : vector<1024x128xf32> to vector<1024x32xf32>
    %mul3A_96 = vector.broadcast %slice3A_94 : vector<1024x1xf32> to vector<1024x32xf32>
    %mul3A_97 = arith.mulf %mul3A_96, %slice3A_95 : vector<1024x32xf32>
    %slice3A_98 = vector.extract_strided_slice %get3A_13 {offsets = [0, 17], sizes = [1024, 1], strides = [1, 1]} : vector<1024x32xf32> to vector<1024x1xf32>
    %slice3A_99 = vector.extract_strided_slice %mul3A_18 {offsets = [0, 32], sizes = [1024, 32], strides = [1, 1]} : vector<1024x128xf32> to vector<1024x32xf32>
    %mul3A_100 = vector.broadcast %slice3A_98 : vector<1024x1xf32> to vector<1024x32xf32>
    %mul3A_101 = arith.mulf %mul3A_100, %slice3A_99 : vector<1024x32xf32>
    %add3A_102 = arith.addf %mul3A_97, %mul3A_101 : vector<1024x32xf32>
    %slice3A_103 = vector.extract_strided_slice %get3A_13 {offsets = [0, 18], sizes = [1024, 1], strides = [1, 1]} : vector<1024x32xf32> to vector<1024x1xf32>
    %slice3A_104 = vector.extract_strided_slice %mul3A_18 {offsets = [0, 64], sizes = [1024, 32], strides = [1, 1]} : vector<1024x128xf32> to vector<1024x32xf32>
    %mul3A_105 = vector.broadcast %slice3A_103 : vector<1024x1xf32> to vector<1024x32xf32>
    %mul3A_106 = arith.mulf %mul3A_105, %slice3A_104 : vector<1024x32xf32>
    %add3A_107 = arith.addf %add3A_102, %mul3A_106 : vector<1024x32xf32>
    %slice3A_108 = vector.extract_strided_slice %get3A_13 {offsets = [0, 19], sizes = [1024, 1], strides = [1, 1]} : vector<1024x32xf32> to vector<1024x1xf32>
    %slice3A_109 = vector.extract_strided_slice %mul3A_18 {offsets = [0, 96], sizes = [1024, 32], strides = [1, 1]} : vector<1024x128xf32> to vector<1024x32xf32>
    %mul3A_110 = vector.broadcast %slice3A_108 : vector<1024x1xf32> to vector<1024x32xf32>
    %mul3A_111 = arith.mulf %mul3A_110, %slice3A_109 : vector<1024x32xf32>
    %add3A_112 = arith.addf %add3A_107, %mul3A_111 : vector<1024x32xf32>
    %slice3A_113 = vector.extract_strided_slice %get3A_13 {offsets = [0, 20], sizes = [1024, 1], strides = [1, 1]} : vector<1024x32xf32> to vector<1024x1xf32>
    %slice3A_114 = vector.extract_strided_slice %mul3A_18 {offsets = [0, 0], sizes = [1024, 32], strides = [1, 1]} : vector<1024x128xf32> to vector<1024x32xf32>
    %mul3A_115 = vector.broadcast %slice3A_113 : vector<1024x1xf32> to vector<1024x32xf32>
    %mul3A_116 = arith.mulf %mul3A_115, %slice3A_114 : vector<1024x32xf32>
    %slice3A_117 = vector.extract_strided_slice %get3A_13 {offsets = [0, 21], sizes = [1024, 1], strides = [1, 1]} : vector<1024x32xf32> to vector<1024x1xf32>
    %slice3A_118 = vector.extract_strided_slice %mul3A_18 {offsets = [0, 32], sizes = [1024, 32], strides = [1, 1]} : vector<1024x128xf32> to vector<1024x32xf32>
    %mul3A_119 = vector.broadcast %slice3A_117 : vector<1024x1xf32> to vector<1024x32xf32>
    %mul3A_120 = arith.mulf %mul3A_119, %slice3A_118 : vector<1024x32xf32>
    %add3A_121 = arith.addf %mul3A_116, %mul3A_120 : vector<1024x32xf32>
    %slice3A_122 = vector.extract_strided_slice %get3A_13 {offsets = [0, 22], sizes = [1024, 1], strides = [1, 1]} : vector<1024x32xf32> to vector<1024x1xf32>
    %slice3A_123 = vector.extract_strided_slice %mul3A_18 {offsets = [0, 64], sizes = [1024, 32], strides = [1, 1]} : vector<1024x128xf32> to vector<1024x32xf32>
    %mul3A_124 = vector.broadcast %slice3A_122 : vector<1024x1xf32> to vector<1024x32xf32>
    %mul3A_125 = arith.mulf %mul3A_124, %slice3A_123 : vector<1024x32xf32>
    %add3A_126 = arith.addf %add3A_121, %mul3A_125 : vector<1024x32xf32>
    %slice3A_127 = vector.extract_strided_slice %get3A_13 {offsets = [0, 23], sizes = [1024, 1], strides = [1, 1]} : vector<1024x32xf32> to vector<1024x1xf32>
    %slice3A_128 = vector.extract_strided_slice %mul3A_18 {offsets = [0, 96], sizes = [1024, 32], strides = [1, 1]} : vector<1024x128xf32> to vector<1024x32xf32>
    %mul3A_129 = vector.broadcast %slice3A_127 : vector<1024x1xf32> to vector<1024x32xf32>
    %mul3A_130 = arith.mulf %mul3A_129, %slice3A_128 : vector<1024x32xf32>
    %add3A_131 = arith.addf %add3A_126, %mul3A_130 : vector<1024x32xf32>
    %slice3A_132 = vector.extract_strided_slice %get3A_13 {offsets = [0, 24], sizes = [1024, 1], strides = [1, 1]} : vector<1024x32xf32> to vector<1024x1xf32>
    %slice3A_133 = vector.extract_strided_slice %mul3A_18 {offsets = [0, 0], sizes = [1024, 32], strides = [1, 1]} : vector<1024x128xf32> to vector<1024x32xf32>
    %mul3A_134 = vector.broadcast %slice3A_132 : vector<1024x1xf32> to vector<1024x32xf32>
    %mul3A_135 = arith.mulf %mul3A_134, %slice3A_133 : vector<1024x32xf32>
    %slice3A_136 = vector.extract_strided_slice %get3A_13 {offsets = [0, 25], sizes = [1024, 1], strides = [1, 1]} : vector<1024x32xf32> to vector<1024x1xf32>
    %slice3A_137 = vector.extract_strided_slice %mul3A_18 {offsets = [0, 32], sizes = [1024, 32], strides = [1, 1]} : vector<1024x128xf32> to vector<1024x32xf32>
    %mul3A_138 = vector.broadcast %slice3A_136 : vector<1024x1xf32> to vector<1024x32xf32>
    %mul3A_139 = arith.mulf %mul3A_138, %slice3A_137 : vector<1024x32xf32>
    %add3A_140 = arith.addf %mul3A_135, %mul3A_139 : vector<1024x32xf32>
    %slice3A_141 = vector.extract_strided_slice %get3A_13 {offsets = [0, 26], sizes = [1024, 1], strides = [1, 1]} : vector<1024x32xf32> to vector<1024x1xf32>
    %slice3A_142 = vector.extract_strided_slice %mul3A_18 {offsets = [0, 64], sizes = [1024, 32], strides = [1, 1]} : vector<1024x128xf32> to vector<1024x32xf32>
    %mul3A_143 = vector.broadcast %slice3A_141 : vector<1024x1xf32> to vector<1024x32xf32>
    %mul3A_144 = arith.mulf %mul3A_143, %slice3A_142 : vector<1024x32xf32>
    %add3A_145 = arith.addf %add3A_140, %mul3A_144 : vector<1024x32xf32>
    %slice3A_146 = vector.extract_strided_slice %get3A_13 {offsets = [0, 27], sizes = [1024, 1], strides = [1, 1]} : vector<1024x32xf32> to vector<1024x1xf32>
    %slice3A_147 = vector.extract_strided_slice %mul3A_18 {offsets = [0, 96], sizes = [1024, 32], strides = [1, 1]} : vector<1024x128xf32> to vector<1024x32xf32>
    %mul3A_148 = vector.broadcast %slice3A_146 : vector<1024x1xf32> to vector<1024x32xf32>
    %mul3A_149 = arith.mulf %mul3A_148, %slice3A_147 : vector<1024x32xf32>
    %add3A_150 = arith.addf %add3A_145, %mul3A_149 : vector<1024x32xf32>
    %slice3A_151 = vector.extract_strided_slice %get3A_13 {offsets = [0, 28], sizes = [1024, 1], strides = [1, 1]} : vector<1024x32xf32> to vector<1024x1xf32>
    %slice3A_152 = vector.extract_strided_slice %mul3A_18 {offsets = [0, 0], sizes = [1024, 32], strides = [1, 1]} : vector<1024x128xf32> to vector<1024x32xf32>
    %mul3A_153 = vector.broadcast %slice3A_151 : vector<1024x1xf32> to vector<1024x32xf32>
    %mul3A_154 = arith.mulf %mul3A_153, %slice3A_152 : vector<1024x32xf32>
    %slice3A_155 = vector.extract_strided_slice %get3A_13 {offsets = [0, 29], sizes = [1024, 1], strides = [1, 1]} : vector<1024x32xf32> to vector<1024x1xf32>
    %slice3A_156 = vector.extract_strided_slice %mul3A_18 {offsets = [0, 32], sizes = [1024, 32], strides = [1, 1]} : vector<1024x128xf32> to vector<1024x32xf32>
    %mul3A_157 = vector.broadcast %slice3A_155 : vector<1024x1xf32> to vector<1024x32xf32>
    %mul3A_158 = arith.mulf %mul3A_157, %slice3A_156 : vector<1024x32xf32>
    %add3A_159 = arith.addf %mul3A_154, %mul3A_158 : vector<1024x32xf32>
    %slice3A_160 = vector.extract_strided_slice %get3A_13 {offsets = [0, 30], sizes = [1024, 1], strides = [1, 1]} : vector<1024x32xf32> to vector<1024x1xf32>
    %slice3A_161 = vector.extract_strided_slice %mul3A_18 {offsets = [0, 64], sizes = [1024, 32], strides = [1, 1]} : vector<1024x128xf32> to vector<1024x32xf32>
    %mul3A_162 = vector.broadcast %slice3A_160 : vector<1024x1xf32> to vector<1024x32xf32>
    %mul3A_163 = arith.mulf %mul3A_162, %slice3A_161 : vector<1024x32xf32>
    %add3A_164 = arith.addf %add3A_159, %mul3A_163 : vector<1024x32xf32>
    %slice3A_165 = vector.extract_strided_slice %get3A_13 {offsets = [0, 31], sizes = [1024, 1], strides = [1, 1]} : vector<1024x32xf32> to vector<1024x1xf32>
    %slice3A_166 = vector.extract_strided_slice %mul3A_18 {offsets = [0, 96], sizes = [1024, 32], strides = [1, 1]} : vector<1024x128xf32> to vector<1024x32xf32>
    %mul3A_167 = vector.broadcast %slice3A_165 : vector<1024x1xf32> to vector<1024x32xf32>
    %mul3A_168 = arith.mulf %mul3A_167, %slice3A_166 : vector<1024x32xf32>
    %add3A_169 = arith.addf %add3A_164, %mul3A_168 : vector<1024x32xf32>
    %concatenate3A = tpu.concatenate %add3A_36, %add3A_55, %add3A_74, %add3A_93, %add3A_112, %add3A_131, %add3A_150, %add3A_169 in 1 : vector<1024x32xf32>, vector<1024x32xf32>, vector<1024x32xf32>, vector<1024x32xf32>, vector<1024x32xf32>, vector<1024x32xf32>, vector<1024x32xf32>, vector<1024x32xf32> -> vector<1024x256xf32>
    %add3A_170 = vector.broadcast %get3A_16 : vector<1x256xf32> to vector<1024x256xf32>
    %add3A_171 = arith.addf %concatenate3A, %add3A_170 : vector<1024x256xf32>
    %max3A = arith.constant 0.000000e+00 : f32
    %max3A_172 = vector.broadcast %max3A : f32 to vector<1024x256xf32>
    %max3A_173 = arith.maximumf %add3A_171, %max3A_172 : vector<1024x256xf32>
    %get3A_174 = arith.constant 0 : index
    %get3A_175 = arith.constant 0 : index
    %get3A_176 = vector.load %arg7[%get3A_174, %get3A_175] : memref<256x128xf32, #tpu.memory_space<vmem>>, vector<256x128xf32>
    %dot_general3A = arith.constant dense<0.000000e+00> : vector<1024x128xf32>
    %dot_general3A_177 = tpu.matmul %max3A_173, %get3A_176, %dot_general3A {dimension_numbers = #tpu.dot_dimension_numbers<[1], [0], [0], [1], [0, 0, 1, 1], [], []>, transpose_lhs_hint = false} : vector<1024x256xf32>, vector<256x128xf32>, vector<1024x128xf32> -> vector<1024x128xf32>
    %get3A_178 = arith.constant 0 : index
    %get3A_179 = arith.constant 0 : index
    %get3A_180 = vector.load %arg4[%get3A_178, %get3A_179] : memref<1024x1xf32, #tpu.memory_space<vmem>>, vector<1024x1xf32>
    %mul3A_181 = vector.broadcast %get3A_180 : vector<1024x1xf32> to vector<1024x128xf32>
    %mul3A_182 = arith.mulf %dot_general3A_177, %mul3A_181 : vector<1024x128xf32>
    %swap3A = arith.constant 0 : index
    %swap3A_183 = arith.constant 0 : index
    %swap3A_184 = vector.load %arg10[%swap3A, %swap3A_183] : memref<1024x128xf32, #tpu.memory_space<vmem>>, vector<1024x128xf32>
    tpu.vector_store %arg10[%swap3A, %swap3A_183], %mul3A_182 {strides = array<i32>} : memref<1024x128xf32, #tpu.memory_space<vmem>>, vector<1024x128xf32>,
    %get3A_185 = arith.constant 0 : index
    %get3A_186 = arith.constant 0 : index
    %get3A_187 = vector.load %arg8[%get3A_185, %get3A_186] : memref<256x32xf32, #tpu.memory_space<vmem>>, vector<256x32xf32>
    %dot_general3A_188 = arith.constant dense<0.000000e+00> : vector<1024x32xf32>
    %dot_general3A_189 = tpu.matmul %max3A_173, %get3A_187, %dot_general3A_188 {dimension_numbers = #tpu.dot_dimension_numbers<[1], [0], [0], [1], [0, 0, 1, 1], [], []>, transpose_lhs_hint = false} : vector<1024x256xf32>, vector<256x32xf32>, vector<1024x32xf32> -> vector<1024x32xf32>
    %get3A_190 = arith.constant 0 : index
    %get3A_191 = arith.constant 0 : index
    %get3A_192 = vector.load %arg9[%get3A_190, %get3A_191] : memref<1x32xf32, #tpu.memory_space<vmem>>, vector<1x32xf32>
    %add3A_193 = vector.broadcast %get3A_192 : vector<1x32xf32> to vector<1024x32xf32>
    %add3A_194 = arith.addf %dot_general3A_189, %add3A_193 : vector<1024x32xf32>
    %swap3A_195 = arith.constant 0 : index
    %swap3A_196 = arith.constant 0 : index
    %swap3A_197 = vector.load %arg11[%swap3A_195, %swap3A_196] : memref<1024x32xf32, #tpu.memory_space<vmem>>, vector<1024x32xf32>
    tpu.vector_store %arg11[%swap3A_195, %swap3A_196], %add3A_194 {strides = array<i32>} : memref<1024x32xf32, #tpu.memory_space<vmem>>, vector<1024x32xf32>,
    return
  }
  func.func @transform_0(%arg0: i32) -> (i32, i32) {
    %c0_i32 = arith.constant 0 : i32
    %c0_i32_0 = arith.constant 0 : i32
    return %arg0, %c0_i32 : i32, i32
  }
  func.func @transform_1(%arg0: i32) -> (i32, i32) {
    %add3A = arith.constant 10 : i32
    %add3A_0 = arith.addi %arg0, %add3A : i32
    %c0_i32 = arith.constant 0 : i32
    %c0_i32_1 = arith.constant 0 : i32
    return %add3A_0, %c0_i32 : i32, i32
  }
  func.func @transform_2(%arg0: i32) -> (i32, i32) {
    %c0_i32 = arith.constant 0 : i32
    %c0_i32_0 = arith.constant 0 : i32
    return %arg0, %c0_i32 : i32, i32
  }
  func.func @transform_3(%arg0: i32) -> (i32, i32) {
    %c0_i32 = arith.constant 0 : i32
    %c0_i32_0 = arith.constant 0 : i32
    return %arg0, %c0_i32 : i32, i32
  }
  func.func @transform_4(%arg0: i32) -> (i32, i32) {
    %c0_i32 = arith.constant 0 : i32
    %c0_i32_0 = arith.constant 0 : i32
    return %arg0, %c0_i32 : i32, i32
  }
  func.func @transform_5(%arg0: i32) -> (i32, i32) {
    %c0_i32 = arith.constant 0 : i32
    %c0_i32_0 = arith.constant 0 : i32
    %c0_i32_1 = arith.constant 0 : i32
    return %c0_i32, %c0_i32_0 : i32, i32
  }
  func.func @transform_6(%arg0: i32) -> (i32, i32) {
    %c0_i32 = arith.constant 0 : i32
    %c0_i32_0 = arith.constant 0 : i32
    %c0_i32_1 = arith.constant 0 : i32
    return %c0_i32, %c0_i32_0 : i32, i32
  }
  func.func @transform_7(%arg0: i32) -> (i32, i32) {
    %c0_i32 = arith.constant 0 : i32
    %c0_i32_0 = arith.constant 0 : i32
    %c0_i32_1 = arith.constant 0 : i32
    return %c0_i32, %c0_i32_0 : i32, i32
  }
  func.func @transform_8(%arg0: i32) -> (i32, i32) {
    %c0_i32 = arith.constant 0 : i32
    %c0_i32_0 = arith.constant 0 : i32
    %c0_i32_1 = arith.constant 0 : i32
    return %c0_i32, %c0_i32_0 : i32, i32
  }
  func.func @transform_9(%arg0: i32) -> (i32, i32) {
    %c0_i32 = arith.constant 0 : i32
    %c0_i32_0 = arith.constant 0 : i32
    return %arg0, %c0_i32 : i32, i32
  }
  func.func @transform_10(%arg0: i32) -> (i32, i32) {
    %c0_i32 = arith.constant 0 : i32
    %c0_i32_0 = arith.constant 0 : i32
    return %arg0, %c0_i32 : i32, i32
  }
}

module attributes {stable_mosaic.version = 14 : i64} {
  func.func @_cw3_body(%arg0: i32, %arg1: memref<1024x128xf32, #tpu.memory_space<vmem>>, %arg2: memref<1024x128xf32, #tpu.memory_space<vmem>>, %arg3: memref<1024x128xf32, #tpu.memory_space<vmem>>, %arg4: memref<1024x1xf32, #tpu.memory_space<vmem>>, %arg5: memref<1024x32xf32, #tpu.memory_space<vmem>>, %arg6: memref<1x256xf32, #tpu.memory_space<vmem>>, %arg7: memref<256x4xf32, #tpu.memory_space<vmem>>, %arg8: memref<1x4xf32, #tpu.memory_space<vmem>>, %arg9: memref<1024x256xf32, #tpu.memory_space<vmem>>, %arg10: memref<1024x4xf32, #tpu.memory_space<vmem>>) attributes {dimension_semantics = [#tpu.dimension_semantics<arbitrary>], iteration_bounds = array<i64: 10>, scalar_prefetch = 0 : i64, scratch_operands = 0 : i64, tpu.core_type = #tpu.core_type<tc>, window_params = [{transform_indices = @transform_0, window_bounds = array<i64: 1024, 128>}, {transform_indices = @transform_1, window_bounds = array<i64: 1024, 128>}, {transform_indices = @transform_2, window_bounds = array<i64: 1024, 128>}, {transform_indices = @transform_3, window_bounds = array<i64: 1024, 1>}, {transform_indices = @transform_4, window_bounds = array<i64: 1024, 32>}, {pipeline_mode = #tpu.pipeline_mode<synchronous>, transform_indices = @transform_5, window_bounds = array<i64: 1, 256>}, {pipeline_mode = #tpu.pipeline_mode<synchronous>, transform_indices = @transform_6, window_bounds = array<i64: 256, 4>}, {pipeline_mode = #tpu.pipeline_mode<synchronous>, transform_indices = @transform_7, window_bounds = array<i64: 1, 4>}, {transform_indices = @transform_8, window_bounds = array<i64: 1024, 256>}, {transform_indices = @transform_9, window_bounds = array<i64: 1024, 4>}]} {
    %get3A = arith.constant 0 : index
    %get3A_0 = arith.constant 0 : index
    %get3A_1 = vector.load %arg1[%get3A, %get3A_0] : memref<1024x128xf32, #tpu.memory_space<vmem>>, vector<1024x128xf32>
    %get3A_2 = arith.constant 0 : index
    %get3A_3 = arith.constant 0 : index
    %get3A_4 = vector.load %arg2[%get3A_2, %get3A_3] : memref<1024x128xf32, #tpu.memory_space<vmem>>, vector<1024x128xf32>
    %get3A_5 = arith.constant 0 : index
    %get3A_6 = arith.constant 0 : index
    %get3A_7 = vector.load %arg3[%get3A_5, %get3A_6] : memref<1024x128xf32, #tpu.memory_space<vmem>>, vector<1024x128xf32>
    %get3A_8 = arith.constant 0 : index
    %get3A_9 = arith.constant 0 : index
    %get3A_10 = vector.load %arg4[%get3A_8, %get3A_9] : memref<1024x1xf32, #tpu.memory_space<vmem>>, vector<1024x1xf32>
    %get3A_11 = arith.constant 0 : index
    %get3A_12 = arith.constant 0 : index
    %get3A_13 = vector.load %arg5[%get3A_11, %get3A_12] : memref<1024x32xf32, #tpu.memory_space<vmem>>, vector<1024x32xf32>
    %get3A_14 = arith.constant 0 : index
    %get3A_15 = arith.constant 0 : index
    %get3A_16 = vector.load %arg6[%get3A_14, %get3A_15] : memref<1x256xf32, #tpu.memory_space<vmem>>, vector<1x256xf32>
    %add3A = arith.addf %get3A_1, %get3A_4 : vector<1024x128xf32>
    %add3A_17 = arith.addf %add3A, %get3A_7 : vector<1024x128xf32>
    %mul3A = vector.broadcast %get3A_10 : vector<1024x1xf32> to vector<1024x128xf32>
    %mul3A_18 = arith.mulf %mul3A, %add3A_17 : vector<1024x128xf32>
    %slice3A = vector.extract_strided_slice %get3A_13 {offsets = [0, 0], sizes = [1024, 1], strides = [1, 1]} : vector<1024x32xf32> to vector<1024x1xf32>
    %slice3A_19 = vector.extract_strided_slice %mul3A_18 {offsets = [0, 0], sizes = [1024, 32], strides = [1, 1]} : vector<1024x128xf32> to vector<1024x32xf32>
    %mul3A_20 = vector.broadcast %slice3A : vector<1024x1xf32> to vector<1024x32xf32>
    %mul3A_21 = arith.mulf %mul3A_20, %slice3A_19 : vector<1024x32xf32>
    %slice3A_22 = vector.extract_strided_slice %get3A_13 {offsets = [0, 1], sizes = [1024, 1], strides = [1, 1]} : vector<1024x32xf32> to vector<1024x1xf32>
    %slice3A_23 = vector.extract_strided_slice %mul3A_18 {offsets = [0, 32], sizes = [1024, 32], strides = [1, 1]} : vector<1024x128xf32> to vector<1024x32xf32>
    %mul3A_24 = vector.broadcast %slice3A_22 : vector<1024x1xf32> to vector<1024x32xf32>
    %mul3A_25 = arith.mulf %mul3A_24, %slice3A_23 : vector<1024x32xf32>
    %add3A_26 = arith.addf %mul3A_21, %mul3A_25 : vector<1024x32xf32>
    %slice3A_27 = vector.extract_strided_slice %get3A_13 {offsets = [0, 2], sizes = [1024, 1], strides = [1, 1]} : vector<1024x32xf32> to vector<1024x1xf32>
    %slice3A_28 = vector.extract_strided_slice %mul3A_18 {offsets = [0, 64], sizes = [1024, 32], strides = [1, 1]} : vector<1024x128xf32> to vector<1024x32xf32>
    %mul3A_29 = vector.broadcast %slice3A_27 : vector<1024x1xf32> to vector<1024x32xf32>
    %mul3A_30 = arith.mulf %mul3A_29, %slice3A_28 : vector<1024x32xf32>
    %add3A_31 = arith.addf %add3A_26, %mul3A_30 : vector<1024x32xf32>
    %slice3A_32 = vector.extract_strided_slice %get3A_13 {offsets = [0, 3], sizes = [1024, 1], strides = [1, 1]} : vector<1024x32xf32> to vector<1024x1xf32>
    %slice3A_33 = vector.extract_strided_slice %mul3A_18 {offsets = [0, 96], sizes = [1024, 32], strides = [1, 1]} : vector<1024x128xf32> to vector<1024x32xf32>
    %mul3A_34 = vector.broadcast %slice3A_32 : vector<1024x1xf32> to vector<1024x32xf32>
    %mul3A_35 = arith.mulf %mul3A_34, %slice3A_33 : vector<1024x32xf32>
    %add3A_36 = arith.addf %add3A_31, %mul3A_35 : vector<1024x32xf32>
    %slice3A_37 = vector.extract_strided_slice %get3A_13 {offsets = [0, 4], sizes = [1024, 1], strides = [1, 1]} : vector<1024x32xf32> to vector<1024x1xf32>
    %slice3A_38 = vector.extract_strided_slice %mul3A_18 {offsets = [0, 0], sizes = [1024, 32], strides = [1, 1]} : vector<1024x128xf32> to vector<1024x32xf32>
    %mul3A_39 = vector.broadcast %slice3A_37 : vector<1024x1xf32> to vector<1024x32xf32>
    %mul3A_40 = arith.mulf %mul3A_39, %slice3A_38 : vector<1024x32xf32>
    %slice3A_41 = vector.extract_strided_slice %get3A_13 {offsets = [0, 5], sizes = [1024, 1], strides = [1, 1]} : vector<1024x32xf32> to vector<1024x1xf32>
    %slice3A_42 = vector.extract_strided_slice %mul3A_18 {offsets = [0, 32], sizes = [1024, 32], strides = [1, 1]} : vector<1024x128xf32> to vector<1024x32xf32>
    %mul3A_43 = vector.broadcast %slice3A_41 : vector<1024x1xf32> to vector<1024x32xf32>
    %mul3A_44 = arith.mulf %mul3A_43, %slice3A_42 : vector<1024x32xf32>
    %add3A_45 = arith.addf %mul3A_40, %mul3A_44 : vector<1024x32xf32>
    %slice3A_46 = vector.extract_strided_slice %get3A_13 {offsets = [0, 6], sizes = [1024, 1], strides = [1, 1]} : vector<1024x32xf32> to vector<1024x1xf32>
    %slice3A_47 = vector.extract_strided_slice %mul3A_18 {offsets = [0, 64], sizes = [1024, 32], strides = [1, 1]} : vector<1024x128xf32> to vector<1024x32xf32>
    %mul3A_48 = vector.broadcast %slice3A_46 : vector<1024x1xf32> to vector<1024x32xf32>
    %mul3A_49 = arith.mulf %mul3A_48, %slice3A_47 : vector<1024x32xf32>
    %add3A_50 = arith.addf %add3A_45, %mul3A_49 : vector<1024x32xf32>
    %slice3A_51 = vector.extract_strided_slice %get3A_13 {offsets = [0, 7], sizes = [1024, 1], strides = [1, 1]} : vector<1024x32xf32> to vector<1024x1xf32>
    %slice3A_52 = vector.extract_strided_slice %mul3A_18 {offsets = [0, 96], sizes = [1024, 32], strides = [1, 1]} : vector<1024x128xf32> to vector<1024x32xf32>
    %mul3A_53 = vector.broadcast %slice3A_51 : vector<1024x1xf32> to vector<1024x32xf32>
    %mul3A_54 = arith.mulf %mul3A_53, %slice3A_52 : vector<1024x32xf32>
    %add3A_55 = arith.addf %add3A_50, %mul3A_54 : vector<1024x32xf32>
    %slice3A_56 = vector.extract_strided_slice %get3A_13 {offsets = [0, 8], sizes = [1024, 1], strides = [1, 1]} : vector<1024x32xf32> to vector<1024x1xf32>
    %slice3A_57 = vector.extract_strided_slice %mul3A_18 {offsets = [0, 0], sizes = [1024, 32], strides = [1, 1]} : vector<1024x128xf32> to vector<1024x32xf32>
    %mul3A_58 = vector.broadcast %slice3A_56 : vector<1024x1xf32> to vector<1024x32xf32>
    %mul3A_59 = arith.mulf %mul3A_58, %slice3A_57 : vector<1024x32xf32>
    %slice3A_60 = vector.extract_strided_slice %get3A_13 {offsets = [0, 9], sizes = [1024, 1], strides = [1, 1]} : vector<1024x32xf32> to vector<1024x1xf32>
    %slice3A_61 = vector.extract_strided_slice %mul3A_18 {offsets = [0, 32], sizes = [1024, 32], strides = [1, 1]} : vector<1024x128xf32> to vector<1024x32xf32>
    %mul3A_62 = vector.broadcast %slice3A_60 : vector<1024x1xf32> to vector<1024x32xf32>
    %mul3A_63 = arith.mulf %mul3A_62, %slice3A_61 : vector<1024x32xf32>
    %add3A_64 = arith.addf %mul3A_59, %mul3A_63 : vector<1024x32xf32>
    %slice3A_65 = vector.extract_strided_slice %get3A_13 {offsets = [0, 10], sizes = [1024, 1], strides = [1, 1]} : vector<1024x32xf32> to vector<1024x1xf32>
    %slice3A_66 = vector.extract_strided_slice %mul3A_18 {offsets = [0, 64], sizes = [1024, 32], strides = [1, 1]} : vector<1024x128xf32> to vector<1024x32xf32>
    %mul3A_67 = vector.broadcast %slice3A_65 : vector<1024x1xf32> to vector<1024x32xf32>
    %mul3A_68 = arith.mulf %mul3A_67, %slice3A_66 : vector<1024x32xf32>
    %add3A_69 = arith.addf %add3A_64, %mul3A_68 : vector<1024x32xf32>
    %slice3A_70 = vector.extract_strided_slice %get3A_13 {offsets = [0, 11], sizes = [1024, 1], strides = [1, 1]} : vector<1024x32xf32> to vector<1024x1xf32>
    %slice3A_71 = vector.extract_strided_slice %mul3A_18 {offsets = [0, 96], sizes = [1024, 32], strides = [1, 1]} : vector<1024x128xf32> to vector<1024x32xf32>
    %mul3A_72 = vector.broadcast %slice3A_70 : vector<1024x1xf32> to vector<1024x32xf32>
    %mul3A_73 = arith.mulf %mul3A_72, %slice3A_71 : vector<1024x32xf32>
    %add3A_74 = arith.addf %add3A_69, %mul3A_73 : vector<1024x32xf32>
    %slice3A_75 = vector.extract_strided_slice %get3A_13 {offsets = [0, 12], sizes = [1024, 1], strides = [1, 1]} : vector<1024x32xf32> to vector<1024x1xf32>
    %slice3A_76 = vector.extract_strided_slice %mul3A_18 {offsets = [0, 0], sizes = [1024, 32], strides = [1, 1]} : vector<1024x128xf32> to vector<1024x32xf32>
    %mul3A_77 = vector.broadcast %slice3A_75 : vector<1024x1xf32> to vector<1024x32xf32>
    %mul3A_78 = arith.mulf %mul3A_77, %slice3A_76 : vector<1024x32xf32>
    %slice3A_79 = vector.extract_strided_slice %get3A_13 {offsets = [0, 13], sizes = [1024, 1], strides = [1, 1]} : vector<1024x32xf32> to vector<1024x1xf32>
    %slice3A_80 = vector.extract_strided_slice %mul3A_18 {offsets = [0, 32], sizes = [1024, 32], strides = [1, 1]} : vector<1024x128xf32> to vector<1024x32xf32>
    %mul3A_81 = vector.broadcast %slice3A_79 : vector<1024x1xf32> to vector<1024x32xf32>
    %mul3A_82 = arith.mulf %mul3A_81, %slice3A_80 : vector<1024x32xf32>
    %add3A_83 = arith.addf %mul3A_78, %mul3A_82 : vector<1024x32xf32>
    %slice3A_84 = vector.extract_strided_slice %get3A_13 {offsets = [0, 14], sizes = [1024, 1], strides = [1, 1]} : vector<1024x32xf32> to vector<1024x1xf32>
    %slice3A_85 = vector.extract_strided_slice %mul3A_18 {offsets = [0, 64], sizes = [1024, 32], strides = [1, 1]} : vector<1024x128xf32> to vector<1024x32xf32>
    %mul3A_86 = vector.broadcast %slice3A_84 : vector<1024x1xf32> to vector<1024x32xf32>
    %mul3A_87 = arith.mulf %mul3A_86, %slice3A_85 : vector<1024x32xf32>
    %add3A_88 = arith.addf %add3A_83, %mul3A_87 : vector<1024x32xf32>
    %slice3A_89 = vector.extract_strided_slice %get3A_13 {offsets = [0, 15], sizes = [1024, 1], strides = [1, 1]} : vector<1024x32xf32> to vector<1024x1xf32>
    %slice3A_90 = vector.extract_strided_slice %mul3A_18 {offsets = [0, 96], sizes = [1024, 32], strides = [1, 1]} : vector<1024x128xf32> to vector<1024x32xf32>
    %mul3A_91 = vector.broadcast %slice3A_89 : vector<1024x1xf32> to vector<1024x32xf32>
    %mul3A_92 = arith.mulf %mul3A_91, %slice3A_90 : vector<1024x32xf32>
    %add3A_93 = arith.addf %add3A_88, %mul3A_92 : vector<1024x32xf32>
    %slice3A_94 = vector.extract_strided_slice %get3A_13 {offsets = [0, 16], sizes = [1024, 1], strides = [1, 1]} : vector<1024x32xf32> to vector<1024x1xf32>
    %slice3A_95 = vector.extract_strided_slice %mul3A_18 {offsets = [0, 0], sizes = [1024, 32], strides = [1, 1]} : vector<1024x128xf32> to vector<1024x32xf32>
    %mul3A_96 = vector.broadcast %slice3A_94 : vector<1024x1xf32> to vector<1024x32xf32>
    %mul3A_97 = arith.mulf %mul3A_96, %slice3A_95 : vector<1024x32xf32>
    %slice3A_98 = vector.extract_strided_slice %get3A_13 {offsets = [0, 17], sizes = [1024, 1], strides = [1, 1]} : vector<1024x32xf32> to vector<1024x1xf32>
    %slice3A_99 = vector.extract_strided_slice %mul3A_18 {offsets = [0, 32], sizes = [1024, 32], strides = [1, 1]} : vector<1024x128xf32> to vector<1024x32xf32>
    %mul3A_100 = vector.broadcast %slice3A_98 : vector<1024x1xf32> to vector<1024x32xf32>
    %mul3A_101 = arith.mulf %mul3A_100, %slice3A_99 : vector<1024x32xf32>
    %add3A_102 = arith.addf %mul3A_97, %mul3A_101 : vector<1024x32xf32>
    %slice3A_103 = vector.extract_strided_slice %get3A_13 {offsets = [0, 18], sizes = [1024, 1], strides = [1, 1]} : vector<1024x32xf32> to vector<1024x1xf32>
    %slice3A_104 = vector.extract_strided_slice %mul3A_18 {offsets = [0, 64], sizes = [1024, 32], strides = [1, 1]} : vector<1024x128xf32> to vector<1024x32xf32>
    %mul3A_105 = vector.broadcast %slice3A_103 : vector<1024x1xf32> to vector<1024x32xf32>
    %mul3A_106 = arith.mulf %mul3A_105, %slice3A_104 : vector<1024x32xf32>
    %add3A_107 = arith.addf %add3A_102, %mul3A_106 : vector<1024x32xf32>
    %slice3A_108 = vector.extract_strided_slice %get3A_13 {offsets = [0, 19], sizes = [1024, 1], strides = [1, 1]} : vector<1024x32xf32> to vector<1024x1xf32>
    %slice3A_109 = vector.extract_strided_slice %mul3A_18 {offsets = [0, 96], sizes = [1024, 32], strides = [1, 1]} : vector<1024x128xf32> to vector<1024x32xf32>
    %mul3A_110 = vector.broadcast %slice3A_108 : vector<1024x1xf32> to vector<1024x32xf32>
    %mul3A_111 = arith.mulf %mul3A_110, %slice3A_109 : vector<1024x32xf32>
    %add3A_112 = arith.addf %add3A_107, %mul3A_111 : vector<1024x32xf32>
    %slice3A_113 = vector.extract_strided_slice %get3A_13 {offsets = [0, 20], sizes = [1024, 1], strides = [1, 1]} : vector<1024x32xf32> to vector<1024x1xf32>
    %slice3A_114 = vector.extract_strided_slice %mul3A_18 {offsets = [0, 0], sizes = [1024, 32], strides = [1, 1]} : vector<1024x128xf32> to vector<1024x32xf32>
    %mul3A_115 = vector.broadcast %slice3A_113 : vector<1024x1xf32> to vector<1024x32xf32>
    %mul3A_116 = arith.mulf %mul3A_115, %slice3A_114 : vector<1024x32xf32>
    %slice3A_117 = vector.extract_strided_slice %get3A_13 {offsets = [0, 21], sizes = [1024, 1], strides = [1, 1]} : vector<1024x32xf32> to vector<1024x1xf32>
    %slice3A_118 = vector.extract_strided_slice %mul3A_18 {offsets = [0, 32], sizes = [1024, 32], strides = [1, 1]} : vector<1024x128xf32> to vector<1024x32xf32>
    %mul3A_119 = vector.broadcast %slice3A_117 : vector<1024x1xf32> to vector<1024x32xf32>
    %mul3A_120 = arith.mulf %mul3A_119, %slice3A_118 : vector<1024x32xf32>
    %add3A_121 = arith.addf %mul3A_116, %mul3A_120 : vector<1024x32xf32>
    %slice3A_122 = vector.extract_strided_slice %get3A_13 {offsets = [0, 22], sizes = [1024, 1], strides = [1, 1]} : vector<1024x32xf32> to vector<1024x1xf32>
    %slice3A_123 = vector.extract_strided_slice %mul3A_18 {offsets = [0, 64], sizes = [1024, 32], strides = [1, 1]} : vector<1024x128xf32> to vector<1024x32xf32>
    %mul3A_124 = vector.broadcast %slice3A_122 : vector<1024x1xf32> to vector<1024x32xf32>
    %mul3A_125 = arith.mulf %mul3A_124, %slice3A_123 : vector<1024x32xf32>
    %add3A_126 = arith.addf %add3A_121, %mul3A_125 : vector<1024x32xf32>
    %slice3A_127 = vector.extract_strided_slice %get3A_13 {offsets = [0, 23], sizes = [1024, 1], strides = [1, 1]} : vector<1024x32xf32> to vector<1024x1xf32>
    %slice3A_128 = vector.extract_strided_slice %mul3A_18 {offsets = [0, 96], sizes = [1024, 32], strides = [1, 1]} : vector<1024x128xf32> to vector<1024x32xf32>
    %mul3A_129 = vector.broadcast %slice3A_127 : vector<1024x1xf32> to vector<1024x32xf32>
    %mul3A_130 = arith.mulf %mul3A_129, %slice3A_128 : vector<1024x32xf32>
    %add3A_131 = arith.addf %add3A_126, %mul3A_130 : vector<1024x32xf32>
    %slice3A_132 = vector.extract_strided_slice %get3A_13 {offsets = [0, 24], sizes = [1024, 1], strides = [1, 1]} : vector<1024x32xf32> to vector<1024x1xf32>
    %slice3A_133 = vector.extract_strided_slice %mul3A_18 {offsets = [0, 0], sizes = [1024, 32], strides = [1, 1]} : vector<1024x128xf32> to vector<1024x32xf32>
    %mul3A_134 = vector.broadcast %slice3A_132 : vector<1024x1xf32> to vector<1024x32xf32>
    %mul3A_135 = arith.mulf %mul3A_134, %slice3A_133 : vector<1024x32xf32>
    %slice3A_136 = vector.extract_strided_slice %get3A_13 {offsets = [0, 25], sizes = [1024, 1], strides = [1, 1]} : vector<1024x32xf32> to vector<1024x1xf32>
    %slice3A_137 = vector.extract_strided_slice %mul3A_18 {offsets = [0, 32], sizes = [1024, 32], strides = [1, 1]} : vector<1024x128xf32> to vector<1024x32xf32>
    %mul3A_138 = vector.broadcast %slice3A_136 : vector<1024x1xf32> to vector<1024x32xf32>
    %mul3A_139 = arith.mulf %mul3A_138, %slice3A_137 : vector<1024x32xf32>
    %add3A_140 = arith.addf %mul3A_135, %mul3A_139 : vector<1024x32xf32>
    %slice3A_141 = vector.extract_strided_slice %get3A_13 {offsets = [0, 26], sizes = [1024, 1], strides = [1, 1]} : vector<1024x32xf32> to vector<1024x1xf32>
    %slice3A_142 = vector.extract_strided_slice %mul3A_18 {offsets = [0, 64], sizes = [1024, 32], strides = [1, 1]} : vector<1024x128xf32> to vector<1024x32xf32>
    %mul3A_143 = vector.broadcast %slice3A_141 : vector<1024x1xf32> to vector<1024x32xf32>
    %mul3A_144 = arith.mulf %mul3A_143, %slice3A_142 : vector<1024x32xf32>
    %add3A_145 = arith.addf %add3A_140, %mul3A_144 : vector<1024x32xf32>
    %slice3A_146 = vector.extract_strided_slice %get3A_13 {offsets = [0, 27], sizes = [1024, 1], strides = [1, 1]} : vector<1024x32xf32> to vector<1024x1xf32>
    %slice3A_147 = vector.extract_strided_slice %mul3A_18 {offsets = [0, 96], sizes = [1024, 32], strides = [1, 1]} : vector<1024x128xf32> to vector<1024x32xf32>
    %mul3A_148 = vector.broadcast %slice3A_146 : vector<1024x1xf32> to vector<1024x32xf32>
    %mul3A_149 = arith.mulf %mul3A_148, %slice3A_147 : vector<1024x32xf32>
    %add3A_150 = arith.addf %add3A_145, %mul3A_149 : vector<1024x32xf32>
    %slice3A_151 = vector.extract_strided_slice %get3A_13 {offsets = [0, 28], sizes = [1024, 1], strides = [1, 1]} : vector<1024x32xf32> to vector<1024x1xf32>
    %slice3A_152 = vector.extract_strided_slice %mul3A_18 {offsets = [0, 0], sizes = [1024, 32], strides = [1, 1]} : vector<1024x128xf32> to vector<1024x32xf32>
    %mul3A_153 = vector.broadcast %slice3A_151 : vector<1024x1xf32> to vector<1024x32xf32>
    %mul3A_154 = arith.mulf %mul3A_153, %slice3A_152 : vector<1024x32xf32>
    %slice3A_155 = vector.extract_strided_slice %get3A_13 {offsets = [0, 29], sizes = [1024, 1], strides = [1, 1]} : vector<1024x32xf32> to vector<1024x1xf32>
    %slice3A_156 = vector.extract_strided_slice %mul3A_18 {offsets = [0, 32], sizes = [1024, 32], strides = [1, 1]} : vector<1024x128xf32> to vector<1024x32xf32>
    %mul3A_157 = vector.broadcast %slice3A_155 : vector<1024x1xf32> to vector<1024x32xf32>
    %mul3A_158 = arith.mulf %mul3A_157, %slice3A_156 : vector<1024x32xf32>
    %add3A_159 = arith.addf %mul3A_154, %mul3A_158 : vector<1024x32xf32>
    %slice3A_160 = vector.extract_strided_slice %get3A_13 {offsets = [0, 30], sizes = [1024, 1], strides = [1, 1]} : vector<1024x32xf32> to vector<1024x1xf32>
    %slice3A_161 = vector.extract_strided_slice %mul3A_18 {offsets = [0, 64], sizes = [1024, 32], strides = [1, 1]} : vector<1024x128xf32> to vector<1024x32xf32>
    %mul3A_162 = vector.broadcast %slice3A_160 : vector<1024x1xf32> to vector<1024x32xf32>
    %mul3A_163 = arith.mulf %mul3A_162, %slice3A_161 : vector<1024x32xf32>
    %add3A_164 = arith.addf %add3A_159, %mul3A_163 : vector<1024x32xf32>
    %slice3A_165 = vector.extract_strided_slice %get3A_13 {offsets = [0, 31], sizes = [1024, 1], strides = [1, 1]} : vector<1024x32xf32> to vector<1024x1xf32>
    %slice3A_166 = vector.extract_strided_slice %mul3A_18 {offsets = [0, 96], sizes = [1024, 32], strides = [1, 1]} : vector<1024x128xf32> to vector<1024x32xf32>
    %mul3A_167 = vector.broadcast %slice3A_165 : vector<1024x1xf32> to vector<1024x32xf32>
    %mul3A_168 = arith.mulf %mul3A_167, %slice3A_166 : vector<1024x32xf32>
    %add3A_169 = arith.addf %add3A_164, %mul3A_168 : vector<1024x32xf32>
    %concatenate3A = tpu.concatenate %add3A_36, %add3A_55, %add3A_74, %add3A_93, %add3A_112, %add3A_131, %add3A_150, %add3A_169 in 1 : vector<1024x32xf32>, vector<1024x32xf32>, vector<1024x32xf32>, vector<1024x32xf32>, vector<1024x32xf32>, vector<1024x32xf32>, vector<1024x32xf32>, vector<1024x32xf32> -> vector<1024x256xf32>
    %add3A_170 = vector.broadcast %get3A_16 : vector<1x256xf32> to vector<1024x256xf32>
    %add3A_171 = arith.addf %concatenate3A, %add3A_170 : vector<1024x256xf32>
    %max3A = arith.constant 0.000000e+00 : f32
    %max3A_172 = vector.broadcast %max3A : f32 to vector<1024x256xf32>
    %max3A_173 = arith.maximumf %add3A_171, %max3A_172 : vector<1024x256xf32>
    %get3A_174 = arith.constant 0 : index
    %get3A_175 = arith.constant 0 : index
    %get3A_176 = vector.load %arg4[%get3A_174, %get3A_175] : memref<1024x1xf32, #tpu.memory_space<vmem>>, vector<1024x1xf32>
    %mul3A_177 = vector.broadcast %get3A_176 : vector<1024x1xf32> to vector<1024x256xf32>
    %mul3A_178 = arith.mulf %max3A_173, %mul3A_177 : vector<1024x256xf32>
    %swap3A = arith.constant 0 : index
    %swap3A_179 = arith.constant 0 : index
    %swap3A_180 = vector.load %arg9[%swap3A, %swap3A_179] : memref<1024x256xf32, #tpu.memory_space<vmem>>, vector<1024x256xf32>
    tpu.vector_store %arg9[%swap3A, %swap3A_179], %mul3A_178 {strides = array<i32>} : memref<1024x256xf32, #tpu.memory_space<vmem>>, vector<1024x256xf32>,
    %get3A_181 = arith.constant 0 : index
    %get3A_182 = arith.constant 0 : index
    %get3A_183 = vector.load %arg7[%get3A_181, %get3A_182] : memref<256x4xf32, #tpu.memory_space<vmem>>, vector<256x4xf32>
    %dot_general3A = arith.constant dense<0.000000e+00> : vector<1024x4xf32>
    %dot_general3A_184 = tpu.matmul %max3A_173, %get3A_183, %dot_general3A {dimension_numbers = #tpu.dot_dimension_numbers<[1], [0], [0], [1], [0, 0, 1, 1], [], []>, transpose_lhs_hint = false} : vector<1024x256xf32>, vector<256x4xf32>, vector<1024x4xf32> -> vector<1024x4xf32>
    %get3A_185 = arith.constant 0 : index
    %get3A_186 = arith.constant 0 : index
    %get3A_187 = vector.load %arg8[%get3A_185, %get3A_186] : memref<1x4xf32, #tpu.memory_space<vmem>>, vector<1x4xf32>
    %add3A_188 = vector.broadcast %get3A_187 : vector<1x4xf32> to vector<1024x4xf32>
    %add3A_189 = arith.addf %dot_general3A_184, %add3A_188 : vector<1024x4xf32>
    %swap3A_190 = arith.constant 0 : index
    %swap3A_191 = arith.constant 0 : index
    %swap3A_192 = vector.load %arg10[%swap3A_190, %swap3A_191] : memref<1024x4xf32, #tpu.memory_space<vmem>>, vector<1024x4xf32>
    tpu.vector_store %arg10[%swap3A_190, %swap3A_191], %add3A_189 {strides = array<i32>} : memref<1024x4xf32, #tpu.memory_space<vmem>>, vector<1024x4xf32>,
    return
  }
  func.func @transform_0(%arg0: i32) -> (i32, i32) {
    %c0_i32 = arith.constant 0 : i32
    %c0_i32_0 = arith.constant 0 : i32
    return %arg0, %c0_i32 : i32, i32
  }
  func.func @transform_1(%arg0: i32) -> (i32, i32) {
    %add3A = arith.constant 10 : i32
    %add3A_0 = arith.addi %arg0, %add3A : i32
    %c0_i32 = arith.constant 0 : i32
    %c0_i32_1 = arith.constant 0 : i32
    return %add3A_0, %c0_i32 : i32, i32
  }
  func.func @transform_2(%arg0: i32) -> (i32, i32) {
    %c0_i32 = arith.constant 0 : i32
    %c0_i32_0 = arith.constant 0 : i32
    return %arg0, %c0_i32 : i32, i32
  }
  func.func @transform_3(%arg0: i32) -> (i32, i32) {
    %c0_i32 = arith.constant 0 : i32
    %c0_i32_0 = arith.constant 0 : i32
    return %arg0, %c0_i32 : i32, i32
  }
  func.func @transform_4(%arg0: i32) -> (i32, i32) {
    %c0_i32 = arith.constant 0 : i32
    %c0_i32_0 = arith.constant 0 : i32
    return %arg0, %c0_i32 : i32, i32
  }
  func.func @transform_5(%arg0: i32) -> (i32, i32) {
    %c0_i32 = arith.constant 0 : i32
    %c0_i32_0 = arith.constant 0 : i32
    %c0_i32_1 = arith.constant 0 : i32
    return %c0_i32, %c0_i32_0 : i32, i32
  }
  func.func @transform_6(%arg0: i32) -> (i32, i32) {
    %c0_i32 = arith.constant 0 : i32
    %c0_i32_0 = arith.constant 0 : i32
    %c0_i32_1 = arith.constant 0 : i32
    return %c0_i32, %c0_i32_0 : i32, i32
  }
  func.func @transform_7(%arg0: i32) -> (i32, i32) {
    %c0_i32 = arith.constant 0 : i32
    %c0_i32_0 = arith.constant 0 : i32
    %c0_i32_1 = arith.constant 0 : i32
    return %c0_i32, %c0_i32_0 : i32, i32
  }
  func.func @transform_8(%arg0: i32) -> (i32, i32) {
    %c0_i32 = arith.constant 0 : i32
    %c0_i32_0 = arith.constant 0 : i32
    return %arg0, %c0_i32 : i32, i32
  }
  func.func @transform_9(%arg0: i32) -> (i32, i32) {
    %c0_i32 = arith.constant 0 : i32
    %c0_i32_0 = arith.constant 0 : i32
    return %arg0, %c0_i32 : i32, i32
  }
}

module attributes {stable_mosaic.version = 14 : i64} {
  func.func @_final_body(%arg0: i32, %arg1: memref<1024x128xf32, #tpu.memory_space<vmem>>, %arg2: memref<1024x128xf32, #tpu.memory_space<vmem>>, %arg3: memref<1024x256xf32, #tpu.memory_space<vmem>>, %arg4: memref<1024x4xf32, #tpu.memory_space<vmem>>, %arg5: memref<1024x1xf32, #tpu.memory_space<vmem>>, %arg6: memref<256x512xf32, #tpu.memory_space<vmem>>, %arg7: memref<1x128xf32, #tpu.memory_space<vmem>>, %arg8: memref<1024x128xf32, #tpu.memory_space<vmem>>) attributes {dimension_semantics = [#tpu.dimension_semantics<arbitrary>], iteration_bounds = array<i64: 10>, scalar_prefetch = 0 : i64, scratch_operands = 0 : i64, tpu.core_type = #tpu.core_type<tc>, window_params = [{transform_indices = @transform_0, window_bounds = array<i64: 1024, 128>}, {transform_indices = @transform_1, window_bounds = array<i64: 1024, 128>}, {transform_indices = @transform_2, window_bounds = array<i64: 1024, 256>}, {transform_indices = @transform_3, window_bounds = array<i64: 1024, 4>}, {transform_indices = @transform_4, window_bounds = array<i64: 1024, 1>}, {pipeline_mode = #tpu.pipeline_mode<synchronous>, transform_indices = @transform_5, window_bounds = array<i64: 256, 512>}, {pipeline_mode = #tpu.pipeline_mode<synchronous>, transform_indices = @transform_6, window_bounds = array<i64: 1, 128>}, {transform_indices = @transform_7, window_bounds = array<i64: 1024, 128>}]} {
    %get3A = arith.constant 0 : index
    %get3A_0 = arith.constant 0 : index
    %get3A_1 = vector.load %arg5[%get3A, %get3A_0] : memref<1024x1xf32, #tpu.memory_space<vmem>>, vector<1024x1xf32>
    %get3A_2 = arith.constant 0 : index
    %get3A_3 = arith.constant 0 : index
    %get3A_4 = vector.load %arg1[%get3A_2, %get3A_3] : memref<1024x128xf32, #tpu.memory_space<vmem>>, vector<1024x128xf32>
    %get3A_5 = arith.constant 0 : index
    %get3A_6 = arith.constant 0 : index
    %get3A_7 = vector.load %arg2[%get3A_5, %get3A_6] : memref<1024x128xf32, #tpu.memory_space<vmem>>, vector<1024x128xf32>
    %concatenate3A = tpu.concatenate %get3A_4, %get3A_7 in 1 : vector<1024x128xf32>, vector<1024x128xf32> -> vector<1024x256xf32>
    %get3A_8 = arith.constant 0 : index
    %get3A_9 = arith.constant 0 : index
    %get3A_10 = vector.load %arg3[%get3A_8, %get3A_9] : memref<1024x256xf32, #tpu.memory_space<vmem>>, vector<1024x256xf32>
    %add3A = arith.addf %concatenate3A, %get3A_10 : vector<1024x256xf32>
    %mul3A = vector.broadcast %get3A_1 : vector<1024x1xf32> to vector<1024x256xf32>
    %mul3A_11 = arith.mulf %mul3A, %add3A : vector<1024x256xf32>
    %get3A_12 = arith.constant 0 : index
    %get3A_13 = arith.constant 0 : index
    %get3A_14 = vector.load %arg6[%get3A_12, %get3A_13] : memref<256x512xf32, #tpu.memory_space<vmem>>, vector<256x512xf32>
    %dot_general3A = arith.constant dense<0.000000e+00> : vector<1024x512xf32>
    %dot_general3A_15 = tpu.matmul %mul3A_11, %get3A_14, %dot_general3A {dimension_numbers = #tpu.dot_dimension_numbers<[1], [0], [0], [1], [0, 0, 1, 1], [], []>, transpose_lhs_hint = false} : vector<1024x256xf32>, vector<256x512xf32>, vector<1024x512xf32> -> vector<1024x512xf32>
    %get3A_16 = arith.constant 0 : index
    %get3A_17 = arith.constant 0 : index
    %get3A_18 = vector.load %arg4[%get3A_16, %get3A_17] : memref<1024x4xf32, #tpu.memory_space<vmem>>, vector<1024x4xf32>
    %slice3A = vector.extract_strided_slice %get3A_18 {offsets = [0, 0], sizes = [1024, 1], strides = [1, 1]} : vector<1024x4xf32> to vector<1024x1xf32>
    %slice3A_19 = vector.extract_strided_slice %dot_general3A_15 {offsets = [0, 0], sizes = [1024, 128], strides = [1, 1]} : vector<1024x512xf32> to vector<1024x128xf32>
    %mul3A_20 = vector.broadcast %slice3A : vector<1024x1xf32> to vector<1024x128xf32>
    %mul3A_21 = arith.mulf %mul3A_20, %slice3A_19 : vector<1024x128xf32>
    %slice3A_22 = vector.extract_strided_slice %get3A_18 {offsets = [0, 1], sizes = [1024, 1], strides = [1, 1]} : vector<1024x4xf32> to vector<1024x1xf32>
    %slice3A_23 = vector.extract_strided_slice %dot_general3A_15 {offsets = [0, 128], sizes = [1024, 128], strides = [1, 1]} : vector<1024x512xf32> to vector<1024x128xf32>
    %mul3A_24 = vector.broadcast %slice3A_22 : vector<1024x1xf32> to vector<1024x128xf32>
    %mul3A_25 = arith.mulf %mul3A_24, %slice3A_23 : vector<1024x128xf32>
    %add3A_26 = arith.addf %mul3A_21, %mul3A_25 : vector<1024x128xf32>
    %slice3A_27 = vector.extract_strided_slice %get3A_18 {offsets = [0, 2], sizes = [1024, 1], strides = [1, 1]} : vector<1024x4xf32> to vector<1024x1xf32>
    %slice3A_28 = vector.extract_strided_slice %dot_general3A_15 {offsets = [0, 256], sizes = [1024, 128], strides = [1, 1]} : vector<1024x512xf32> to vector<1024x128xf32>
    %mul3A_29 = vector.broadcast %slice3A_27 : vector<1024x1xf32> to vector<1024x128xf32>
    %mul3A_30 = arith.mulf %mul3A_29, %slice3A_28 : vector<1024x128xf32>
    %add3A_31 = arith.addf %add3A_26, %mul3A_30 : vector<1024x128xf32>
    %slice3A_32 = vector.extract_strided_slice %get3A_18 {offsets = [0, 3], sizes = [1024, 1], strides = [1, 1]} : vector<1024x4xf32> to vector<1024x1xf32>
    %slice3A_33 = vector.extract_strided_slice %dot_general3A_15 {offsets = [0, 384], sizes = [1024, 128], strides = [1, 1]} : vector<1024x512xf32> to vector<1024x128xf32>
    %mul3A_34 = vector.broadcast %slice3A_32 : vector<1024x1xf32> to vector<1024x128xf32>
    %mul3A_35 = arith.mulf %mul3A_34, %slice3A_33 : vector<1024x128xf32>
    %add3A_36 = arith.addf %add3A_31, %mul3A_35 : vector<1024x128xf32>
    %get3A_37 = arith.constant 0 : index
    %get3A_38 = arith.constant 0 : index
    %get3A_39 = vector.load %arg7[%get3A_37, %get3A_38] : memref<1x128xf32, #tpu.memory_space<vmem>>, vector<1x128xf32>
    %add3A_40 = vector.broadcast %get3A_39 : vector<1x128xf32> to vector<1024x128xf32>
    %add3A_41 = arith.addf %add3A_36, %add3A_40 : vector<1024x128xf32>
    %swap3A = arith.constant 0 : index
    %swap3A_42 = arith.constant 0 : index
    %swap3A_43 = vector.load %arg8[%swap3A, %swap3A_42] : memref<1024x128xf32, #tpu.memory_space<vmem>>, vector<1024x128xf32>
    tpu.vector_store %arg8[%swap3A, %swap3A_42], %add3A_41 {strides = array<i32>} : memref<1024x128xf32, #tpu.memory_space<vmem>>, vector<1024x128xf32>,
    return
  }
  func.func @transform_0(%arg0: i32) -> (i32, i32) {
    %c0_i32 = arith.constant 0 : i32
    %c0_i32_0 = arith.constant 0 : i32
    return %arg0, %c0_i32 : i32, i32
  }
  func.func @transform_1(%arg0: i32) -> (i32, i32) {
    %add3A = arith.constant 10 : i32
    %add3A_0 = arith.addi %arg0, %add3A : i32
    %c0_i32 = arith.constant 0 : i32
    %c0_i32_1 = arith.constant 0 : i32
    return %add3A_0, %c0_i32 : i32, i32
  }
  func.func @transform_2(%arg0: i32) -> (i32, i32) {
    %c0_i32 = arith.constant 0 : i32
    %c0_i32_0 = arith.constant 0 : i32
    return %arg0, %c0_i32 : i32, i32
  }
  func.func @transform_3(%arg0: i32) -> (i32, i32) {
    %c0_i32 = arith.constant 0 : i32
    %c0_i32_0 = arith.constant 0 : i32
    return %arg0, %c0_i32 : i32, i32
  }
  func.func @transform_4(%arg0: i32) -> (i32, i32) {
    %c0_i32 = arith.constant 0 : i32
    %c0_i32_0 = arith.constant 0 : i32
    return %arg0, %c0_i32 : i32, i32
  }
  func.func @transform_5(%arg0: i32) -> (i32, i32) {
    %c0_i32 = arith.constant 0 : i32
    %c0_i32_0 = arith.constant 0 : i32
    %c0_i32_1 = arith.constant 0 : i32
    return %c0_i32, %c0_i32_0 : i32, i32
  }
  func.func @transform_6(%arg0: i32) -> (i32, i32) {
    %c0_i32 = arith.constant 0 : i32
    %c0_i32_0 = arith.constant 0 : i32
    %c0_i32_1 = arith.constant 0 : i32
    return %c0_i32, %c0_i32_0 : i32, i32
  }
  func.func @transform_7(%arg0: i32) -> (i32, i32) {
    %c0_i32 = arith.constant 0 : i32
    %c0_i32_0 = arith.constant 0 : i32
    return %arg0, %c0_i32 : i32, i32
  }
}

</mosaic_0001>

<sc_bundles>
// kernel: kernel.11.cloned.1.call-start
scs
__scs_entry_jumppad:
0x0: {  	(pc) =	sbr.rel $0x88, $3  }
0x1: {  	(tag) =	ssettag $0x0;
	lr =	simm.s32 $0x1  }
0x2: {  	[smem:$0x3F93] =	sst lr;
	_ =	strace $0xD0000000  }
0x3: {  	_ = 	snop  }
0x4: {  	_ = 	snop  }
0x5: {  	_ = 	snop  }
0x6: {  	_ = 	snop  }
0x7: {  	_ = 	snop  }
__scs_overlays_trampoline_lowered:
0x8: {  	[smem:$0x3FA2] =	sst s0  }
0x9: {  	[smem:$0x3FA3] =	sst s1  }
0xa: {  	[smem:$0x3FA4] =	sst s2  }
0xb: {  	[smem:$0x3FA5] =	sst s3  }
0xc: {  	[smem:$0x3FA6] =	sst s4  }
0xd: {  	[smem:$0x3FA7] =	sst s5  }
0xe: {  	[smem:$0x3FA8] =	sst s6  }
0xf: {  	[smem:$0x3FA9] =	sst s7  }
0x10: {  	[smem:$0x3FAA] =	sst s8  }
0x11: {  	[smem:$0x3FAB] =	sst s9;
	s0 =	simm.s32 @!p0 $0x0  }
0x12: {  	s1 =	sld [smem:$0x3F91];
	s0 =	simm.s32 @p0 $0x1  }
0x13: {  	[smem:$0x3FAC] =	sst s0;
	s0 =	simm.s32 @!p1 $0x0  }
0x14: {  	s2 =	sld [smem:$0x3F90];
	s0 =	simm.s32 @p1 $0x1  }
0x15: {  	[smem:$0x3FAD] =	sst s0;
	s0 =	simm.s32 @!p2 $0x0  }
0x16: {  	s3 =	sld [smem:$0x3FDB];
	s0 =	simm.s32 @p2 $0x1  }
0x17: {  	s4 =	simm.s32 $0x1BF5;
	[smem:$0x3FAF] =	sst s0  }
0x18: {  	s0 =	sld [smem:$0x3F92];
	_ =	swait.ge [sflag:s4], $0x0  }
0x19: {  	s7 =	sld [smem:$0x3F93]  }
0x1a: {  	s8 =	sadd.s32 $0xFFFFE003, lr  }
0x1b: {  	s9 =	sadd.s32 $0xFFFFFEF7, lr;
	s5 =	simm.s32 $0xFFFFFFFF;
	p2 =	slt.u32 s8, $0xFFFFF086  }
0x1c: {  	p1 =	slt.u32 s9, $0xF7A;
	s5 =	simm.s32 @!p2 $0x0  }
0x1d: {  	s5 =	simm.s32 @p1 $0x1;
	p0 =	seq.s32 s7, s2  }
0x1e: {  	s7 =	smul.u32 @!p0 $0xF7A, s2;
	p2 =	seq.s32 @!p0 s5, $0x0  }
0x1f: {  	s9 =	smul.u32 $0xF7A, s1;
	s8 =	simm.s32 @!p0 $0x1BF5;
	p2 =	por !p2, p0  }
0x20: {  	[sflag:s8] =	ssyncset.s32 @!p0 $0xFFFFF086;
	s6 =	sadd.s32 @!p0 s3, s7;
	s7 =	simm.s32 @!p0 $0x108  }
0x21: {  	s3 =	sadd.s32 s3, s9;
	s6 =	sadd.s32 @!p0 $0x88, s6;
	s7 =	simm.s32 @p2 $0x1082  }
0x22: {  	[simem:s7], [sflag:s8] =	dma.local @!p0 [hbm:s6], $0xF7A  }
0x23: {  	s9 =	sor.u32 $0xD0000000, s2;
	s6 =	simm.s32 $0x108;
	_ =	swait.ge @!p0 [sflag:s8], $0x0  }
0x24: {  	s3 =	sadd.s32 $0x88, s3;
	s6 =	simm.s32 @!p1 $0x1082;
	[sflag:s4] =	ssyncset.s32 $0xFFFFF086  }
0x25: {  	[simem:s6], [sflag:s4] =	dma.local [hbm:s3], $0xF7A  }
0x26: {  	[smem:$0x3F93] =	sst s1;
	(tag) =	ssettag s2;
	_ =	strace s9  }
0x27: {  	s1 =	sld [smem:$0x3FA3]  }
0x28: {  	s2 =	sld [smem:$0x3FA4]  }
0x29: {  	s4 =	sld [smem:$0x3FA6]  }
0x2a: {  	p0 =	seq.s32 s5, $0x0;
	s5 =	sld [smem:$0x3FA7]  }
0x2b: {  	s6 =	sld [smem:$0x3FA8]  }
0x2c: {  	s7 =	sld [smem:$0x3FA9]  }
0x2d: {  	s3 =	simm.s32 $0x108;
	s8 =	sld [smem:$0x3FAA]  }
0x2e: {  	s3 =	simm.s32 @!p0 $0x1082;
	s9 =	sld [smem:$0x3FAB]  }
0x2f: {  	lr =	sadd.s32 s0, s3;
	s0 =	sld [smem:$0x3FA2]  }
0x30: {  	s3 =	sld [smem:$0x3FA5]  }
0x31: {  	[smem:$0x3FAE] =	sst s10  }
0x32: {  	s10 =	sld [smem:$0x3FAC];
	_ =	sdelay $0x3  }
0x33: {  	p0 =	seq.s32 s10, $0x1;
	s10 =	sld [smem:$0x3FAE];
	_ =	sdelay $0x3  }
0x34: {  	[smem:$0x3FAE] =	sst s10  }
0x35: {  	s10 =	sld [smem:$0x3FAD];
	_ =	sdelay $0x3  }
0x36: {  	p1 =	seq.s32 s10, $0x1;
	s10 =	sld [smem:$0x3FAE];
	_ =	sdelay $0x3  }
0x37: {  	[smem:$0x3FAE] =	sst s10  }
0x38: {  	s10 =	sld [smem:$0x3FAF]  }
0x39: {  	_ = 	snop;
	(pc) =	sbr.ind lr, $3  }
0x3a: {  	_ = 	snop  }
0x3b: {  	_ = 	snop  }
0x3c: {  	p2 =	seq.s32 s10, $0x1;
	s10 =	sld [smem:$0x3FAE]  }
0x3d: {  	_ =	shalt  }
0x3e: {  	_ =	shalt  }
0x3f: {  	_ =	shalt  }
0x40: {  	_ =	shalt  }
0x41: {  	_ =	shalt  }
0x42: {  	_ =	shalt  }
0x43: {  	_ =	shalt  }
0x44: {  	_ =	shalt  }
0x45: {  	_ =	shalt  }
0x46: {  	_ =	shalt  }
0x47: {  	_ =	shalt  }
0x48: {  	_ =	shalt  }
0x49: {  	_ =	shalt  }
0x4a: {  	_ =	shalt  }
0x4b: {  	_ =	shalt  }
0x4c: {  	_ =	shalt  }
0x4d: {  	_ =	shalt  }
0x4e: {  	_ =	shalt  }
0x4f: {  	_ =	shalt  }
0x50: {  	_ =	shalt  }
0x51: {  	_ =	shalt  }
0x52: {  	_ =	shalt  }
0x53: {  	_ =	shalt  }
0x54: {  	_ =	shalt  }
0x55: {  	_ =	shalt  }
0x56: {  	_ =	shalt  }
0x57: {  	_ =	shalt  }
0x58: {  	_ =	shalt  }
0x59: {  	_ =	shalt  }
0x5a: {  	_ =	shalt  }
0x5b: {  	_ =	shalt  }
0x5c: {  	_ =	shalt  }
0x5d: {  	_ =	shalt  }
0x5e: {  	_ =	shalt  }
0x5f: {  	_ =	shalt  }
0x60: {  	_ =	shalt  }
0x61: {  	_ =	shalt  }
0x62: {  	_ =	shalt  }
0x63: {  	_ =	shalt  }
0x64: {  	_ =	shalt  }
0x65: {  	_ =	shalt  }
0x66: {  	_ =	shalt  }
0x67: {  	_ =	shalt  }
0x68: {  	_ =	shalt  }
0x69: {  	_ =	shalt  }
0x6a: {  	_ =	shalt  }
0x6b: {  	_ =	shalt  }
0x6c: {  	_ =	shalt  }
0x6d: {  	_ =	shalt  }
0x6e: {  	_ =	shalt  }
0x6f: {  	_ =	shalt  }
0x70: {  	_ =	shalt  }
0x71: {  	_ =	shalt  }
0x72: {  	_ =	shalt  }
0x73: {  	_ =	shalt  }
0x74: {  	_ =	shalt  }
0x75: {  	_ =	shalt  }
0x76: {  	_ =	shalt  }
0x77: {  	_ =	shalt  }
0x78: {  	_ =	shalt  }
0x79: {  	_ =	shalt  }
0x7a: {  	_ =	shalt  }
0x7b: {  	_ =	shalt  }
0x7c: {  	_ =	shalt  }
0x7d: {  	_ =	shalt  }
0x7e: {  	_ =	shalt  }
0x7f: {  	_ =	shalt  }
0x80: {  	_ =	shalt  }
0x81: {  	_ =	shalt  }
0x82: {  	_ =	shalt  }
0x83: {  	_ =	shalt  }
0x84: {  	_ =	shalt  }
0x85: {  	_ =	shalt  }
0x86: {  	_ =	shalt  }
0x87: {  	_ =	shalt  }
.Lfunc_end0:
.L_simem_size_0:
called_computation_lowered:
.L_overlay_start_0:
0x88: {  	s2 =	sld [smem:$0x3FD9]  }
0x89: {  	s3 =	sld [smem:$0x3FFE];
	_ =	sdelay $0x1  }
0x8a: {  	s1 =	srdreg.scid  }
0x8b: {  	s0 =	sand.u32 $0x1, s1  }
0x8c: {  	s16 =	sshll.u32 s0, $0xA;
	s2 =	sadd.s32 s3, s2  }
0x8d: {  	s2 =	sadd.s32 s2, s16  }
0x8e: {  	[smem:$0x3FBA] =	sst s2  }
0x8f: {  	_ = 	snop  }
0x90: {  	(tm) =	ssettm $0x1  }
0x91: {  	s17 =	sld [smem:$0x3FFB];
	_ =	sdelay $0x3  }
0x92: {  	_ =	strace s17  }
0x93: {  	s2 =	sld [smem:$0x3FFC];
	_ =	sdelay $0x3  }
0x94: {  	_ =	strace s2  }
0x95: {  	s2 =	sld [smem:$0x3FFD];
	_ =	sdelay $0x3  }
0x96: {  	_ =	strace s2  }
0x97: {  	_ =	strace $0x8FFFFFFF  }
0x98: {  	s18 =	sld [smem:$0x3FDB];
	_ =	sdelay $0x1  }
0x99: {  	s19 =	simm.s32 $_scs_section_size  }
0x9a: {  	s4 =	simm.s32 $_size__tile_overlayer_lowered;
	s5 =	simm.s32 $_tile_overlayer_lowered  }
0x9b: {  	s22 =	simm.s32 $0x1BFF;
	s21 =	sshll.u32 s5, $0x1;
	s2 =	sadd.s32 s19, s18  }
0x9c: {  	s6 =	simm.s32 $0x0;
	s20 =	sshll.u32 s4, $0x1;
	s4 =	sadd.s32 s21, s2  }
0x9d: {  	[timem:s6], [sflag:s22] =	dma.local [hbm:s4], s20  }
0x9e: {  	_ =	swait.ge [sflag:s22], s20  }
0x9f: {  	s3 =	ssub.s32 $0x0, s20;
	[sflag:s22] =	ssyncset.done $0x0  }
0xa0: {  	[sflag:s22] =	ssyncadd.s32 s3;
	_ =	sdelay $0x1  }
0xa1: {  	s23 =	simm.s32 $0x1B8B  }
0xa2: {  	_ =	swait.ge [sflag:s23], $0x1  }
0xa3: {  	[sflag:s23] =	ssyncset.done $0x0  }
0xa4: {  	s25 =	simm.s32 $0x1B8E;
	s24 =	sld [smem:$0x3FFE];
	[sflag:s23] =	ssyncadd.s32 $0xFFFFFFFF  }
0xa5: {  	s26 =	simm.s32 $execute0_lowered;
	[smem:$0x3FD2] =	sst s25  }
0xa6: {  	s4 =	sshll.u32 s26, $0x1;
	_ =	strace $0x80000046;
	[dreg:$0x1] =	wrdreg $0xFFFFFFFF  }
0xa7: {  	s28 =	simm.s32 $_size_execute0_lowered;
	s2 =	sadd.s32 s2, s4;
	[dreg:$0x0] =	wrdreg $0x0  }
0xa8: {  	s4 =	sshll.u32 s28, $0x1;
	[dreg:$0x2] =	wrdreg s2  }
0xa9: {  	[dreg:$0x3] =	wrdreg s4  }
0xaa: {  	[dreg:$0x4] =	wrdreg $0xC0  }
0xab: {  	_ =	task [dreg:s6], $0x5FFFF  }
0xac: {  	[dreg:$0x1] =	wrdreg $0xFFFFFFFF  }
0xad: {  	[dreg:$0x0] =	wrdreg $0x60  }
0xae: {  	[dreg:$0x2] =	wrdreg s24  }
0xaf: {  	[dreg:$0x3] =	wrdreg $0x84000  }
0xb0: {  	[dreg:$0x4] =	wrdreg $0x9  }
0xb1: {  	_ =	task.clear_ibuf [dreg:s6], $0x5FFFF;
	_ =	strace $0x90000046  }
0xb2: {  	s29 =	simm.s32 $0x9;
	_ =	strace $0x80000048  }
0xb3: {  	_ =	swait.ge [sflag:s29], $0x1  }
0xb4: {  	[sflag:s29] =	ssyncadd.s32 $0xFFFFFFFF  }
0xb5: {  	_ =	strace $0x90000048  }
0xb6: {  	_ =	sfence  }
0xb7: {  	s30 =	sld [smem:$0x0];
	_ =	sdelay $0x2  }
0xb8: {  	s31 =	sshll.u32 s1, $0xD;
	s1 =	sshrl.u32 s1, $0x2  }
0xb9: {  	s3 =	sand.u32 $0x4000, s31;
	s1 =	sadd.s32 s1, s30  }
0xba: {  	s0 =	sor.u32 s3, s0;
	s1 =	sshll.u32 s1, $0x11  }
0xbb: {  	s0 =	sor.u32 s1, s0  }
0xbc: {  	s0 =	sadd.s32 $0x8F2B, s0  }
0xbd: {  	[sflag:s0] =	ssyncadd.remote.s32 $0x1  }
0xbe: {  	_ =	sfence.sel $0xFFFF  }
0xbf: {  	[dreg:$0x0] =	wrdreg $0xFFFFFFFF;
	(pc) =	sbr.abs _section_cstart, $3  }
0xc0: {  	[dreg:$0x1] =	wrdreg $0xFFFFFFFF  }
0xc1: {  	_ =	task.clear_ibuf [dreg:s6], $0x2FFFF;
	_ =	strace $0x9FFFFFFF  }
0xc2: {  	(tm) =	ssettm $0x7FFFFFFF  }
0xc3: {  	_ =	shalt  }
tec
execute0_lowered:
.L_overlay_start_1:
0x0: {  	(tag) =	ssettag $0x1  }
0x1: {  	s5 =	rddreg [dreg:$0x0]  }
0x2: {  	s2 =	rddreg [dreg:$0x1]  }
0x3: {  	s0 =	srdreg.scid;
	s1 =	rddreg [dreg:$0x2]  }
0x4: {  	s3 =	simm.s32 $0x0;
	s12 =	simm.s32 $0x400;
	s13 =	simm.s32 $0x1  }
0x5: {  	s14 =	simm.s32 $0x7D;
	s15 =	simm.s32 $0x4400;
	s4 =	sand.u32 $0x1, s0  }
0x6: {  	s16 =	simm.s32 $0x80;
	s0 =	stileid.u32;
	s6 =	smul.u32 $0x500, s4  }
0x7: {  	s17 =	simm.s32 $0x100;
	s18 =	simm.s32 $0x180;
	s7 =	smul.u32 $0x50, s0  }
0x8: {  	s19 =	simm.s32 $0x200;
	s20 =	simm.s32 $0x280;
	s8 =	smul.u32 $0x2800, s0  }
0x9: {  	s21 =	simm.s32 $0x300;
	s22 =	simm.s32 $0x380;
	s26 =	smul.u32 $0x50000, s0  }
0xa: {  	[smem:$0x7FF] =	sst s3;
	s9 =	smul.u32 $0x28000, s4;
	s28 =	ssub.s32 $0x2, s4  }
0xb: {  	s23 =	simm.s32 $0x0;
	_ =	strace $0x80000047;
	s31 =	sshrl.u32 s28, $0x1  }
0xc: {  	s6 =	sadd.s32 s7, s6;
	s29 =	sshrl.u32 s26, $0x2;
	s30 =	sadd.s32 s8, s9  }
0xd: {  	s10 =	ssub.s32 s28, s31;
	s6 =	sshll.u32 s6, $0x4;
	s4 =	sadd.s32 s29, s2  }
0xe: {  	s9 =	sadd.s32 s30, s5;
	s10 =	smax.u32 s10, $0x1;
	s11 =	sadd.s32 s6, s5  }
0xf: {  	s5 =	sadd.s32 $0x4000, s4;
	s6 =	sadd.s32 $0x8000, s4;
	s7 =	sadd.s32 $0xC000, s4  }
0x10: {  	v0 =	vimm.f32 $0.0e+00;
	v1 =	vimm.f32 $1.000000000e+00;
	s8 =	sadd.s32 $0x10000, s4;
	s9 =	sadd.s32 $0xF000, s9;
	s11 =	sadd.s32 $0x5000, s11  }
.LBB2_1:
0x11: {  	s24 =	simm.s32 $0x0;
	s25 =	simm.s32 $0x200  }
.LBB2_2:
0x12: {  	p0 =	sne.s32 s25, $0xFE00;
	[tilespmem:s24+$0x4470] =	vst v1  }
0x13: {  	[tilespmem:s24+$0x400] =	vst v0  }
0x14: {  	[tilespmem:s24+$0x4400] =	vst v1  }
0x15: {  	[tilespmem:s24+$0x410] =	vst v0  }
0x16: {  	[tilespmem:s24+$0x4410] =	vst v1  }
0x17: {  	[tilespmem:s24+$0x420] =	vst v0  }
0x18: {  	[tilespmem:s24+$0x4420] =	vst v1  }
0x19: {  	[tilespmem:s24+$0x430] =	vst v0  }
0x1a: {  	[tilespmem:s24+$0x4430] =	vst v1  }
0x1b: {  	[tilespmem:s24+$0x440] =	vst v0  }
0x1c: {  	[tilespmem:s24+$0x4440] =	vst v1  }
.Ltmp0:
0x1d: {  	[tilespmem:s24+$0x450] =	vst v0;
	(pc) =	sbr.rel @p0 .LBB2_2-.Ltmp0, $4  }
0x1e: {  	[tilespmem:s24+$0x4450] =	vst v1  }
0x1f: {  	[tilespmem:s24+$0x460] =	vst v0  }
0x20: {  	[tilespmem:s24+$0x4460] =	vst v1  }
0x21: {  	[tilespmem:s24+$0x470] =	vst v0;
	s24 =	sshra.s32 s25, $0x2;
	s25 =	sadd.s32 $0x200, s25  }
0x22: {  	[tilespmem:s24+$0x4470] =	vst v1  }
0x23: {  	[tilespmem:s24+$0x400] =	vst v0  }
0x24: {  	[tilespmem:s24+$0x4400] =	vst v1  }
0x25: {  	[tilespmem:s24+$0x410] =	vst v0  }
0x26: {  	[tilespmem:s24+$0x4410] =	vst v1  }
0x27: {  	[tilespmem:s24+$0x420] =	vst v0  }
0x28: {  	[tilespmem:s24+$0x4420] =	vst v1  }
0x29: {  	[tilespmem:s24+$0x430] =	vst v0  }
0x2a: {  	[tilespmem:s24+$0x4430] =	vst v1  }
0x2b: {  	[tilespmem:s24+$0x440] =	vst v0  }
0x2c: {  	[tilespmem:s24+$0x4440] =	vst v1  }
0x2d: {  	[tilespmem:s24+$0x450] =	vst v0  }
0x2e: {  	[tilespmem:s24+$0x4450] =	vst v1  }
0x2f: {  	[tilespmem:s24+$0x460] =	vst v0  }
0x30: {  	[tilespmem:s24+$0x4460] =	vst v1  }
0x31: {  	[tilespmem:s24+$0x470] =	vst v0  }
0x32: {  	[spmem:s4] =	stream.linear.scatter [tilespmem:s12], [sflag:$0x1], $0x4000, $0x38;
	[tilespmem:$0x1C400] =	vst v63  }
0x33: {  	_ =	swait.ge [sflag:s13], $0x4000  }
0x34: {  	[sflag:s13] =	ssyncset.done $0x0  }
0x35: {  	[sflag:s13] =	ssyncadd.s32 $0xFFFFC000  }
0x36: {  	[spmem:s5] =	stream.linear.scatter [tilespmem:s12], [sflag:$0x1], $0x4000, $0x38;
	[tilespmem:$0x1C400] =	vst v63  }
0x37: {  	_ =	swait.ge [sflag:s13], $0x4000  }
0x38: {  	[sflag:s13] =	ssyncset.done $0x0  }
0x39: {  	[sflag:s13] =	ssyncadd.s32 $0xFFFFC000  }
0x3a: {  	[spmem:s6] =	stream.linear.scatter [tilespmem:s12], [sflag:$0x1], $0x4000, $0x38;
	[tilespmem:$0x1C400] =	vst v63  }
0x3b: {  	_ =	swait.ge [sflag:s13], $0x4000  }
0x3c: {  	[sflag:s13] =	ssyncset.done $0x0  }
0x3d: {  	[sflag:s13] =	ssyncadd.s32 $0xFFFFC000  }
0x3e: {  	[spmem:s7] =	stream.linear.scatter [tilespmem:s12], [sflag:$0x1], $0x4000, $0x38;
	[tilespmem:$0x1C400] =	vst v63  }
0x3f: {  	_ =	swait.ge [sflag:s13], $0x4000  }
0x40: {  	[sflag:s13] =	ssyncset.done $0x0  }
0x41: {  	[sflag:s13] =	ssyncadd.s32 $0xFFFFC000  }
0x42: {  	[spmem:s8] =	stream.linear.scatter [tilespmem:s12], [sflag:$0x1], $0x4000, $0x38;
	[tilespmem:$0x1C400] =	vst v63  }
0x43: {  	_ =	swait.ge [sflag:s13], $0x4000  }
0x44: {  	[sflag:s13] =	ssyncset.done $0x0  }
0x45: {  	[sflag:s13] =	ssyncadd.s32 $0xFFFFC000  }
0x46: {  	s31 =	sadd.s32 $0x0, s11;
	[bflag:$0x0] =	sbarrier.arrive $0xFFFF  }
0x47: {  	[tilespmem:s3], [sflag:$0x1] =	stream.linear.gather [hbm4b:s31+s3], $0x400, $0x38;
	[tilespmem:$0x1C400] =	vst v63  }
0x48: {  	_ =	swait.ge [sflag:s13], $0x400  }
0x49: {  	[sflag:s13] =	ssyncset.done $0x0  }
0x4a: {  	[sflag:s13] =	ssyncadd.s32 $0xFFFFFC00  }
0x4b: {  	[spmem:s2] =	stream.indirect.scatter.add.f32 [tilespmem:s15], [sflag:$0x1], $0x80, s3, s14, $0xb8;
	[tilespmem:$0x1C400] =	vst v63  }
0x4c: {  	_ =	swait.ge [sflag:s13], $0x3E80  }
0x4d: {  	[sflag:s13] =	ssyncset.done $0x0  }
0x4e: {  	[sflag:s13] =	ssyncadd.s32 $0xFFFFC180  }
0x4f: {  	[spmem:s2] =	stream.indirect.scatter.add.f32 [tilespmem:s15], [sflag:$0x1], $0x80, s16, s14, $0xb8;
	[tilespmem:$0x1C400] =	vst v63  }
0x50: {  	_ =	swait.ge [sflag:s13], $0x3E80  }
0x51: {  	[sflag:s13] =	ssyncset.done $0x0  }
0x52: {  	[sflag:s13] =	ssyncadd.s32 $0xFFFFC180  }
0x53: {  	[spmem:s2] =	stream.indirect.scatter.add.f32 [tilespmem:s15], [sflag:$0x1], $0x80, s17, s14, $0xb8;
	[tilespmem:$0x1C400] =	vst v63  }
0x54: {  	_ =	swait.ge [sflag:s13], $0x3E80  }
0x55: {  	[sflag:s13] =	ssyncset.done $0x0  }
0x56: {  	[sflag:s13] =	ssyncadd.s32 $0xFFFFC180  }
0x57: {  	[spmem:s2] =	stream.indirect.scatter.add.f32 [tilespmem:s15], [sflag:$0x1], $0x80, s18, s14, $0xb8;
	[tilespmem:$0x1C400] =	vst v63  }
0x58: {  	_ =	swait.ge [sflag:s13], $0x3E80  }
0x59: {  	[sflag:s13] =	ssyncset.done $0x0  }
0x5a: {  	[sflag:s13] =	ssyncadd.s32 $0xFFFFC180  }
0x5b: {  	[spmem:s2] =	stream.indirect.scatter.add.f32 [tilespmem:s15], [sflag:$0x1], $0x80, s19, s14, $0xb8;
	[tilespmem:$0x1C400] =	vst v63  }
0x5c: {  	_ =	swait.ge [sflag:s13], $0x3E80  }
0x5d: {  	[sflag:s13] =	ssyncset.done $0x0  }
0x5e: {  	[sflag:s13] =	ssyncadd.s32 $0xFFFFC180  }
0x5f: {  	[spmem:s2] =	stream.indirect.scatter.add.f32 [tilespmem:s15], [sflag:$0x1], $0x80, s20, s14, $0xb8;
	[tilespmem:$0x1C400] =	vst v63  }
0x60: {  	_ =	swait.ge [sflag:s13], $0x3E80  }
0x61: {  	[sflag:s13] =	ssyncset.done $0x0  }
0x62: {  	[sflag:s13] =	ssyncadd.s32 $0xFFFFC180  }
0x63: {  	[spmem:s2] =	stream.indirect.scatter.add.f32 [tilespmem:s15], [sflag:$0x1], $0x80, s21, s14, $0xb8;
	[tilespmem:$0x1C400] =	vst v63  }
0x64: {  	_ =	swait.ge [sflag:s13], $0x3E80  }
0x65: {  	[sflag:s13] =	ssyncset.done $0x0  }
0x66: {  	[sflag:s13] =	ssyncadd.s32 $0xFFFFC180  }
0x67: {  	[spmem:s2] =	stream.indirect.scatter.add.f32 [tilespmem:s15], [sflag:$0x1], $0x80, s22, s14, $0xb8;
	[tilespmem:$0x1C400] =	vst v63  }
0x68: {  	_ =	swait.ge [sflag:s13], $0x3E80  }
0x69: {  	s24 =	simm.s32 $0x80;
	s26 =	simm.s32 $0x100;
	[sflag:s13] =	ssyncset.done $0x0  }
.LBB2_4:
0x6a: {  	s28 =	sadd.s32 s24, s11  }
0x6b: {  	[sflag:s13] =	ssyncadd.s32 $0xFFFFC180;
	s24 =	smov.u32 s26;
	s25 =	sadd.s32 $0x80, s26  }
0x6c: {  	[tilespmem:s3], [sflag:$0x1] =	stream.linear.gather [hbm4b:s28+s3], $0x400, $0x38;
	[tilespmem:$0x1C400] =	vst v63  }
0x6d: {  	p0 =	sne.s32 s26, $0x480;
	_ =	swait.ge [sflag:s13], $0x400  }
0x6e: {  	[sflag:s13] =	ssyncset.done $0x0  }
0x6f: {  	[sflag:s13] =	ssyncadd.s32 $0xFFFFFC00  }
0x70: {  	[spmem:s2] =	stream.indirect.scatter.add.f32 [tilespmem:s15], [sflag:$0x1], $0x80, s3, s14, $0xb8;
	[tilespmem:$0x1C400] =	vst v63  }
0x71: {  	_ =	swait.ge [sflag:s13], $0x3E80  }
0x72: {  	[sflag:s13] =	ssyncset.done $0x0  }
0x73: {  	[sflag:s13] =	ssyncadd.s32 $0xFFFFC180  }
0x74: {  	[spmem:s2] =	stream.indirect.scatter.add.f32 [tilespmem:s15], [sflag:$0x1], $0x80, s16, s14, $0xb8;
	[tilespmem:$0x1C400] =	vst v63  }
0x75: {  	_ =	swait.ge [sflag:s13], $0x3E80  }
0x76: {  	[sflag:s13] =	ssyncset.done $0x0  }
0x77: {  	[sflag:s13] =	ssyncadd.s32 $0xFFFFC180  }
0x78: {  	[spmem:s2] =	stream.indirect.scatter.add.f32 [tilespmem:s15], [sflag:$0x1], $0x80, s17, s14, $0xb8;
	[tilespmem:$0x1C400] =	vst v63  }
0x79: {  	_ =	swait.ge [sflag:s13], $0x3E80  }
0x7a: {  	[sflag:s13] =	ssyncset.done $0x0  }
0x7b: {  	[sflag:s13] =	ssyncadd.s32 $0xFFFFC180  }
0x7c: {  	[spmem:s2] =	stream.indirect.scatter.add.f32 [tilespmem:s15], [sflag:$0x1], $0x80, s18, s14, $0xb8;
	[tilespmem:$0x1C400] =	vst v63  }
0x7d: {  	_ =	swait.ge [sflag:s13], $0x3E80  }
0x7e: {  	[sflag:s13] =	ssyncset.done $0x0  }
0x7f: {  	[sflag:s13] =	ssyncadd.s32 $0xFFFFC180  }
0x80: {  	[spmem:s2] =	stream.indirect.scatter.add.f32 [tilespmem:s15], [sflag:$0x1], $0x80, s19, s14, $0xb8;
	[tilespmem:$0x1C400] =	vst v63  }
0x81: {  	_ =	swait.ge [sflag:s13], $0x3E80  }
0x82: {  	[sflag:s13] =	ssyncset.done $0x0  }
0x83: {  	[sflag:s13] =	ssyncadd.s32 $0xFFFFC180  }
0x84: {  	[spmem:s2] =	stream.indirect.scatter.add.f32 [tilespmem:s15], [sflag:$0x1], $0x80, s20, s14, $0xb8;
	[tilespmem:$0x1C400] =	vst v63  }
0x85: {  	_ =	swait.ge [sflag:s13], $0x3E80  }
0x86: {  	[sflag:s13] =	ssyncset.done $0x0  }
0x87: {  	[sflag:s13] =	ssyncadd.s32 $0xFFFFC180  }
0x88: {  	[spmem:s2] =	stream.indirect.scatter.add.f32 [tilespmem:s15], [sflag:$0x1], $0x80, s21, s14, $0xb8;
	[tilespmem:$0x1C400] =	vst v63  }
0x89: {  	_ =	swait.ge [sflag:s13], $0x3E80  }
.Ltmp1:
0x8a: {  	[sflag:s13] =	ssyncset.done $0x0;
	(pc) =	sbr.rel @p0 .LBB2_4-.Ltmp1, $4  }
0x8b: {  	[sflag:s13] =	ssyncadd.s32 $0xFFFFC180  }
0x8c: {  	[spmem:s2] =	stream.indirect.scatter.add.f32 [tilespmem:s15], [sflag:$0x1], $0x80, s22, s14, $0xb8;
	[tilespmem:$0x1C400] =	vst v63  }
0x8d: {  	_ =	swait.ge [sflag:s13], $0x3E80  }
0x8e: {  	s26 =	smov.u32 s25;
	[sflag:s13] =	ssyncset.done $0x0  }
0x8f: {  	s24 =	sadd.s32 s24, s11;
	[sflag:s13] =	ssyncadd.s32 $0xFFFFC180  }
0x90: {  	[tilespmem:s3], [sflag:$0x1] =	stream.linear.gather [hbm4b:s24+s3], $0x400, $0x38;
	[tilespmem:$0x1C400] =	vst v63  }
0x91: {  	_ =	swait.ge [sflag:s13], $0x400  }
0x92: {  	[sflag:s13] =	ssyncset.done $0x0  }
0x93: {  	[sflag:s13] =	ssyncadd.s32 $0xFFFFFC00  }
0x94: {  	[spmem:s2] =	stream.indirect.scatter.add.f32 [tilespmem:s15], [sflag:$0x1], $0x80, s3, s14, $0xb8;
	[tilespmem:$0x1C400] =	vst v63  }
0x95: {  	_ =	swait.ge [sflag:s13], $0x3E80  }
0x96: {  	[sflag:s13] =	ssyncset.done $0x0  }
0x97: {  	[sflag:s13] =	ssyncadd.s32 $0xFFFFC180  }
0x98: {  	[spmem:s2] =	stream.indirect.scatter.add.f32 [tilespmem:s15], [sflag:$0x1], $0x80, s16, s14, $0xb8;
	[tilespmem:$0x1C400] =	vst v63  }
0x99: {  	_ =	swait.ge [sflag:s13], $0x3E80  }
0x9a: {  	[sflag:s13] =	ssyncset.done $0x0  }
0x9b: {  	[sflag:s13] =	ssyncadd.s32 $0xFFFFC180  }
0x9c: {  	[spmem:s2] =	stream.indirect.scatter.add.f32 [tilespmem:s15], [sflag:$0x1], $0x80, s17, s14, $0xb8;
	[tilespmem:$0x1C400] =	vst v63  }
0x9d: {  	_ =	swait.ge [sflag:s13], $0x3E80  }
0x9e: {  	[sflag:s13] =	ssyncset.done $0x0  }
0x9f: {  	[sflag:s13] =	ssyncadd.s32 $0xFFFFC180  }
0xa0: {  	[spmem:s2] =	stream.indirect.scatter.add.f32 [tilespmem:s15], [sflag:$0x1], $0x80, s18, s14, $0xb8;
	[tilespmem:$0x1C400] =	vst v63  }
0xa1: {  	_ =	swait.ge [sflag:s13], $0x3E80  }
0xa2: {  	[sflag:s13] =	ssyncset.done $0x0  }
0xa3: {  	[sflag:s13] =	ssyncadd.s32 $0xFFFFC180  }
0xa4: {  	[spmem:s2] =	stream.indirect.scatter.add.f32 [tilespmem:s15], [sflag:$0x1], $0x80, s19, s14, $0xb8;
	[tilespmem:$0x1C400] =	vst v63  }
0xa5: {  	_ =	swait.ge [sflag:s13], $0x3E80  }
0xa6: {  	[sflag:s13] =	ssyncset.done $0x0  }
0xa7: {  	[sflag:s13] =	ssyncadd.s32 $0xFFFFC180  }
0xa8: {  	[spmem:s2] =	stream.indirect.scatter.add.f32 [tilespmem:s15], [sflag:$0x1], $0x80, s20, s14, $0xb8;
	[tilespmem:$0x1C400] =	vst v63  }
0xa9: {  	_ =	swait.ge [sflag:s13], $0x3E80  }
0xaa: {  	[sflag:s13] =	ssyncset.done $0x0  }
0xab: {  	[sflag:s13] =	ssyncadd.s32 $0xFFFFC180  }
0xac: {  	[spmem:s2] =	stream.indirect.scatter.add.f32 [tilespmem:s15], [sflag:$0x1], $0x80, s21, s14, $0xb8;
	[tilespmem:$0x1C400] =	vst v63  }
0xad: {  	_ =	swait.ge [sflag:s13], $0x3E80  }
0xae: {  	[sflag:s13] =	ssyncset.done $0x0  }
0xaf: {  	[sflag:s13] =	ssyncadd.s32 $0xFFFFC180  }
0xb0: {  	[spmem:s2] =	stream.indirect.scatter.add.f32 [tilespmem:s15], [sflag:$0x1], $0x80, s22, s14, $0xb8;
	[tilespmem:$0x1C400] =	vst v63  }
0xb1: {  	_ =	swait.ge [sflag:s13], $0x3E80  }
0xb2: {  	s31 =	sshll.u32 s0, $0x6;
	s23 =	sadd.s32 $0x1, s23;
	[sflag:s13] =	ssyncset.done $0x0  }
0xb3: {  	s25 =	sshrl.u32 s4, $0x3;
	p0 =	sne.s32 s23, s10;
	[sflag:s13] =	ssyncadd.s32 $0xFFFFC180  }
.Ltmp2:
0xb4: {  	s24 =	sor.u32 $0x1C01, s31;
	[bflag:$0x0] =	sbarrier.arrive $0xFFFF;
	(pc) =	sbr.rel @p0 .LBB2_1-.Ltmp2, $4  }
0xb5: {  	[hbm:s9], [sflag:s24] =	dma.local [spmem:s25], $0x2800  }
0xb6: {  	_ =	swait.ge [sflag:s13], $0x2800  }
0xb7: {  	[sflag:s13] =	ssyncset.done $0x0  }
0xb8: {  	[sflag:s13] =	ssyncadd.s32 $0xFFFFD800  }
0xb9: {  	_ =	sfence.sel $0x180000  }
0xba: {  	[bflag:$0x0] =	sbarrier.arrive $0xFFFF  }
0xbb: {  	p0 =	sne.s32 s0, $0x0;
	_ =	strace $0x90000047  }
0xbc: {  	s0 =	sadd.s32 @!p0 $0x100000, s1;
	[bflag:$0x2] =	sbarrier.arrive $0xFFFF  }
0xbd: {  	[sflag:s0] =	ssyncadd.tile.s32 @!p0 $0x1;
	_ =	shalt  }
.Lfunc_end2:
_tile_overlayer_lowered:
.L_overlay_start_2:
0xbe: {  	(tag) =	ssettag $0x2  }
0xbf: {  	s0 =	rddreg [dreg:$0x0];
	s2 =	stileid.u32  }
0xc0: {  	s1 =	rddreg [dreg:$0x1];
	p0 =	sne.s32 s2, $0x0  }
0xc1: {  	s3 =	rddreg [dreg:$0x2];
	[bflag:$0x3] =	sbarrier.arrive $0xFFFF;
	s2 =	simm.s32 @!p0 $0x1C01  }
0xc2: {  	[timem:s3], [sflag:s2] =	dma.local @!p0 [hbm:s0], s1  }
0xc3: {  	s0 =	simm.s32 @!p0 $0x1  }
0xc4: {  	_ =	swait.ge @!p0 [sflag:s0], s1  }
0xc5: {  	s1 =	ssub.s32 @!p0 $0x0, s1;
	[sflag:s0] =	ssyncset.done @!p0 $0x0  }
0xc6: {  	[sflag:s0] =	ssyncadd.s32 @!p0 s1  }
0xc7: {  	[bflag:$0x3] =	sbarrier.arrive $0xFFFF  }
0xc8: {  	_ =	shalt  }

// kernel: kernel.14.cloned.1.call-start
scs
__scs_entry_jumppad:
0x0: {  	(pc) =	sbr.rel $0x88, $3  }
0x1: {  	(tag) =	ssettag $0x0;
	lr =	simm.s32 $0x1  }
0x2: {  	[smem:$0x3F93] =	sst lr;
	_ =	strace $0xD0000000  }
0x3: {  	_ = 	snop  }
0x4: {  	_ = 	snop  }
0x5: {  	_ = 	snop  }
0x6: {  	_ = 	snop  }
0x7: {  	_ = 	snop  }
__scs_overlays_trampoline_lowered:
0x8: {  	[smem:$0x3FA2] =	sst s0  }
0x9: {  	[smem:$0x3FA3] =	sst s1  }
0xa: {  	[smem:$0x3FA4] =	sst s2  }
0xb: {  	[smem:$0x3FA5] =	sst s3  }
0xc: {  	[smem:$0x3FA6] =	sst s4  }
0xd: {  	[smem:$0x3FA7] =	sst s5  }
0xe: {  	[smem:$0x3FA8] =	sst s6  }
0xf: {  	[smem:$0x3FA9] =	sst s7  }
0x10: {  	[smem:$0x3FAA] =	sst s8  }
0x11: {  	[smem:$0x3FAB] =	sst s9;
	s0 =	simm.s32 @!p0 $0x0  }
0x12: {  	s1 =	sld [smem:$0x3F91];
	s0 =	simm.s32 @p0 $0x1  }
0x13: {  	[smem:$0x3FAC] =	sst s0;
	s0 =	simm.s32 @!p1 $0x0  }
0x14: {  	s2 =	sld [smem:$0x3F90];
	s0 =	simm.s32 @p1 $0x1  }
0x15: {  	[smem:$0x3FAD] =	sst s0;
	s0 =	simm.s32 @!p2 $0x0  }
0x16: {  	s3 =	sld [smem:$0x3FDB];
	s0 =	simm.s32 @p2 $0x1  }
0x17: {  	s4 =	simm.s32 $0x1BF5;
	[smem:$0x3FAF] =	sst s0  }
0x18: {  	s0 =	sld [smem:$0x3F92];
	_ =	swait.ge [sflag:s4], $0x0  }
0x19: {  	s7 =	sld [smem:$0x3F93]  }
0x1a: {  	s8 =	sadd.s32 $0xFFFFE003, lr  }
0x1b: {  	s9 =	sadd.s32 $0xFFFFFEF7, lr;
	s5 =	simm.s32 $0xFFFFFFFF;
	p2 =	slt.u32 s8, $0xFFFFF086  }
0x1c: {  	p1 =	slt.u32 s9, $0xF7A;
	s5 =	simm.s32 @!p2 $0x0  }
0x1d: {  	s5 =	simm.s32 @p1 $0x1;
	p0 =	seq.s32 s7, s2  }
0x1e: {  	s7 =	smul.u32 @!p0 $0xF7A, s2;
	p2 =	seq.s32 @!p0 s5, $0x0  }
0x1f: {  	s9 =	smul.u32 $0xF7A, s1;
	s8 =	simm.s32 @!p0 $0x1BF5;
	p2 =	por !p2, p0  }
0x20: {  	[sflag:s8] =	ssyncset.s32 @!p0 $0xFFFFF086;
	s6 =	sadd.s32 @!p0 s3, s7;
	s7 =	simm.s32 @!p0 $0x108  }
0x21: {  	s3 =	sadd.s32 s3, s9;
	s6 =	sadd.s32 @!p0 $0x88, s6;
	s7 =	simm.s32 @p2 $0x1082  }
0x22: {  	[simem:s7], [sflag:s8] =	dma.local @!p0 [hbm:s6], $0xF7A  }
0x23: {  	s9 =	sor.u32 $0xD0000000, s2;
	s6 =	simm.s32 $0x108;
	_ =	swait.ge @!p0 [sflag:s8], $0x0  }
0x24: {  	s3 =	sadd.s32 $0x88, s3;
	s6 =	simm.s32 @!p1 $0x1082;
	[sflag:s4] =	ssyncset.s32 $0xFFFFF086  }
0x25: {  	[simem:s6], [sflag:s4] =	dma.local [hbm:s3], $0xF7A  }
0x26: {  	[smem:$0x3F93] =	sst s1;
	(tag) =	ssettag s2;
	_ =	strace s9  }
0x27: {  	s1 =	sld [smem:$0x3FA3]  }
0x28: {  	s2 =	sld [smem:$0x3FA4]  }
0x29: {  	s4 =	sld [smem:$0x3FA6]  }
0x2a: {  	p0 =	seq.s32 s5, $0x0;
	s5 =	sld [smem:$0x3FA7]  }
0x2b: {  	s6 =	sld [smem:$0x3FA8]  }
0x2c: {  	s7 =	sld [smem:$0x3FA9]  }
0x2d: {  	s3 =	simm.s32 $0x108;
	s8 =	sld [smem:$0x3FAA]  }
0x2e: {  	s3 =	simm.s32 @!p0 $0x1082;
	s9 =	sld [smem:$0x3FAB]  }
0x2f: {  	lr =	sadd.s32 s0, s3;
	s0 =	sld [smem:$0x3FA2]  }
0x30: {  	s3 =	sld [smem:$0x3FA5]  }
0x31: {  	[smem:$0x3FAE] =	sst s10  }
0x32: {  	s10 =	sld [smem:$0x3FAC];
	_ =	sdelay $0x3  }
0x33: {  	p0 =	seq.s32 s10, $0x1;
	s10 =	sld [smem:$0x3FAE];
	_ =	sdelay $0x3  }
0x34: {  	[smem:$0x3FAE] =	sst s10  }
0x35: {  	s10 =	sld [smem:$0x3FAD];
	_ =	sdelay $0x3  }
0x36: {  	p1 =	seq.s32 s10, $0x1;
	s10 =	sld [smem:$0x3FAE];
	_ =	sdelay $0x3  }
0x37: {  	[smem:$0x3FAE] =	sst s10  }
0x38: {  	s10 =	sld [smem:$0x3FAF]  }
0x39: {  	_ = 	snop;
	(pc) =	sbr.ind lr, $3  }
0x3a: {  	_ = 	snop  }
0x3b: {  	_ = 	snop  }
0x3c: {  	p2 =	seq.s32 s10, $0x1;
	s10 =	sld [smem:$0x3FAE]  }
0x3d: {  	_ =	shalt  }
0x3e: {  	_ =	shalt  }
0x3f: {  	_ =	shalt  }
0x40: {  	_ =	shalt  }
0x41: {  	_ =	shalt  }
0x42: {  	_ =	shalt  }
0x43: {  	_ =	shalt  }
0x44: {  	_ =	shalt  }
0x45: {  	_ =	shalt  }
0x46: {  	_ =	shalt  }
0x47: {  	_ =	shalt  }
0x48: {  	_ =	shalt  }
0x49: {  	_ =	shalt  }
0x4a: {  	_ =	shalt  }
0x4b: {  	_ =	shalt  }
0x4c: {  	_ =	shalt  }
0x4d: {  	_ =	shalt  }
0x4e: {  	_ =	shalt  }
0x4f: {  	_ =	shalt  }
0x50: {  	_ =	shalt  }
0x51: {  	_ =	shalt  }
0x52: {  	_ =	shalt  }
0x53: {  	_ =	shalt  }
0x54: {  	_ =	shalt  }
0x55: {  	_ =	shalt  }
0x56: {  	_ =	shalt  }
0x57: {  	_ =	shalt  }
0x58: {  	_ =	shalt  }
0x59: {  	_ =	shalt  }
0x5a: {  	_ =	shalt  }
0x5b: {  	_ =	shalt  }
0x5c: {  	_ =	shalt  }
0x5d: {  	_ =	shalt  }
0x5e: {  	_ =	shalt  }
0x5f: {  	_ =	shalt  }
0x60: {  	_ =	shalt  }
0x61: {  	_ =	shalt  }
0x62: {  	_ =	shalt  }
0x63: {  	_ =	shalt  }
0x64: {  	_ =	shalt  }
0x65: {  	_ =	shalt  }
0x66: {  	_ =	shalt  }
0x67: {  	_ =	shalt  }
0x68: {  	_ =	shalt  }
0x69: {  	_ =	shalt  }
0x6a: {  	_ =	shalt  }
0x6b: {  	_ =	shalt  }
0x6c: {  	_ =	shalt  }
0x6d: {  	_ =	shalt  }
0x6e: {  	_ =	shalt  }
0x6f: {  	_ =	shalt  }
0x70: {  	_ =	shalt  }
0x71: {  	_ =	shalt  }
0x72: {  	_ =	shalt  }
0x73: {  	_ =	shalt  }
0x74: {  	_ =	shalt  }
0x75: {  	_ =	shalt  }
0x76: {  	_ =	shalt  }
0x77: {  	_ =	shalt  }
0x78: {  	_ =	shalt  }
0x79: {  	_ =	shalt  }
0x7a: {  	_ =	shalt  }
0x7b: {  	_ =	shalt  }
0x7c: {  	_ =	shalt  }
0x7d: {  	_ =	shalt  }
0x7e: {  	_ =	shalt  }
0x7f: {  	_ =	shalt  }
0x80: {  	_ =	shalt  }
0x81: {  	_ =	shalt  }
0x82: {  	_ =	shalt  }
0x83: {  	_ =	shalt  }
0x84: {  	_ =	shalt  }
0x85: {  	_ =	shalt  }
0x86: {  	_ =	shalt  }
0x87: {  	_ =	shalt  }
.Lfunc_end0:
.L_simem_size_0:
called_computation.1_lowered:
.L_overlay_start_0:
0x88: {  	s2 =	sld [smem:$0x3FD9]  }
0x89: {  	s3 =	sld [smem:$0x3FFE];
	_ =	sdelay $0x1  }
0x8a: {  	s1 =	srdreg.scid  }
0x8b: {  	s0 =	sand.u32 $0x1, s1  }
0x8c: {  	s17 =	sshll.u32 s0, $0xA;
	s2 =	sadd.s32 s3, s2  }
0x8d: {  	s2 =	sadd.s32 s2, s17  }
0x8e: {  	[smem:$0x3FBA] =	sst s2  }
0x8f: {  	_ = 	snop  }
0x90: {  	s2 =	sld [smem:$0x3FD0];
	(tm) =	ssettm $0x1  }
0x91: {  	s18 =	sld [smem:$0x3FFB];
	_ =	sdelay $0x3  }
0x92: {  	_ =	strace s18  }
0x93: {  	s3 =	sld [smem:$0x3FFC];
	_ =	sdelay $0x3  }
0x94: {  	_ =	strace s3  }
0x95: {  	s3 =	sld [smem:$0x3FFD];
	_ =	sdelay $0x3  }
0x96: {  	_ =	strace s3  }
0x97: {  	_ =	strace $0x8FFFFFFF  }
0x98: {  	s19 =	sld [smem:$0x3FDB];
	_ =	sdelay $0x1  }
0x99: {  	s4 =	simm.s32 $_scs_section_size  }
0x9a: {  	s5 =	simm.s32 $_size__tile_overlayer_lowered;
	s6 =	simm.s32 $_tile_overlayer_lowered  }
0x9b: {  	s22 =	simm.s32 $0x1BFF;
	s21 =	sshll.u32 s6, $0x1;
	s3 =	sadd.s32 s4, s19  }
0x9c: {  	s7 =	simm.s32 $0x0;
	s20 =	sshll.u32 s5, $0x1;
	s5 =	sadd.s32 s21, s3  }
0x9d: {  	[timem:s7], [sflag:s22] =	dma.local [hbm:s5], s20  }
0x9e: {  	_ =	swait.ge [sflag:s22], s20  }
0x9f: {  	s4 =	ssub.s32 $0x0, s20;
	[sflag:s22] =	ssyncset.done $0x0  }
0xa0: {  	[sflag:s22] =	ssyncadd.s32 s4;
	_ =	sdelay $0x1  }
0xa1: {  	s23 =	simm.s32 $0x1B8B  }
0xa2: {  	_ =	swait.ge [sflag:s23], $0x1  }
0xa3: {  	[sflag:s23] =	ssyncset.done $0x0  }
0xa4: {  	s25 =	simm.s32 $0x1B8E;
	s24 =	sld [smem:$0x3FFE];
	[sflag:s23] =	ssyncadd.s32 $0xFFFFFFFF  }
0xa5: {  	s26 =	simm.s32 $execute0_lowered;
	[smem:$0x3FD2] =	sst s25  }
0xa6: {  	s5 =	sshll.u32 s26, $0x1;
	_ =	strace $0x80000049;
	[dreg:$0x1] =	wrdreg $0xFFFFFFFF  }
0xa7: {  	s28 =	simm.s32 $_size_execute0_lowered;
	s3 =	sadd.s32 s3, s5;
	[dreg:$0x0] =	wrdreg $0x0  }
0xa8: {  	s5 =	sshll.u32 s28, $0x1;
	[dreg:$0x2] =	wrdreg s3  }
0xa9: {  	[dreg:$0x3] =	wrdreg s5  }
0xaa: {  	[dreg:$0x4] =	wrdreg $0xC0  }
0xab: {  	_ =	task [dreg:s7], $0x5FFFF  }
0xac: {  	[dreg:$0x1] =	wrdreg $0xFFFFFFFF  }
0xad: {  	[dreg:$0x0] =	wrdreg $0x60  }
0xae: {  	[dreg:$0x2] =	wrdreg s2  }
0xaf: {  	[dreg:$0x3] =	wrdreg s24  }
0xb0: {  	[dreg:$0x4] =	wrdreg $0x88000  }
0xb1: {  	[dreg:$0x5] =	wrdreg $0x9  }
0xb2: {  	_ =	task.clear_ibuf [dreg:s7], $0x6FFFF;
	_ =	strace $0x90000049  }
0xb3: {  	s29 =	simm.s32 $0x9;
	_ =	strace $0x8000004B  }
0xb4: {  	_ =	swait.ge [sflag:s29], $0x1  }
0xb5: {  	[sflag:s29] =	ssyncadd.s32 $0xFFFFFFFF  }
0xb6: {  	_ =	strace $0x9000004B  }
0xb7: {  	_ =	sfence  }
0xb8: {  	s30 =	sld [smem:$0x0];
	_ =	sdelay $0x2  }
0xb9: {  	s31 =	sshll.u32 s1, $0xD;
	s1 =	sshrl.u32 s1, $0x2  }
0xba: {  	s3 =	sand.u32 $0x4000, s31;
	s1 =	sadd.s32 s1, s30  }
0xbb: {  	s0 =	sor.u32 s3, s0;
	s1 =	sshll.u32 s1, $0x11  }
0xbc: {  	s0 =	sor.u32 s1, s0  }
0xbd: {  	s0 =	sadd.s32 $0x8F2B, s0  }
0xbe: {  	[sflag:s0] =	ssyncadd.remote.s32 $0x1  }
0xbf: {  	_ =	sfence.sel $0xFFFF  }
0xc0: {  	[dreg:$0x0] =	wrdreg $0xFFFFFFFF;
	(pc) =	sbr.abs _section_cstart, $3  }
0xc1: {  	[dreg:$0x1] =	wrdreg $0xFFFFFFFF  }
0xc2: {  	_ =	task.clear_ibuf [dreg:s7], $0x2FFFF;
	_ =	strace $0x9FFFFFFF  }
0xc3: {  	(tm) =	ssettm $0x7FFFFFFF  }
tec
execute0_lowered:
.L_overlay_start_1:
0x0: {  	(tag) =	ssettag $0x1  }
0x1: {  	s1 =	rddreg [dreg:$0x0];
	s0 =	srdreg.scid  }
0x2: {  	s2 =	rddreg [dreg:$0x1];
	s8 =	stileid.u32  }
0x3: {  	s3 =	rddreg [dreg:$0x2];
	s4 =	simm.s32 $0x0;
	s14 =	simm.s32 $0x800  }
0x4: {  	s15 =	simm.s32 $0x3;
	s16 =	simm.s32 $0x400;
	s6 =	smul.u32 $0x50, s8  }
0x5: {  	s17 =	simm.s32 $0x7D;
	s18 =	simm.s32 $0x1;
	s7 =	smul.u32 $0x2800, s8  }
0x6: {  	s28 =	simm.s32 $0x580;
	s0 =	sand.u32 $0x1, s0;
	s8 =	smul.u32 $0x50000, s8  }
0x7: {  	s29 =	simm.s32 $0x280;
	s30 =	simm.s32 $0x600;
	s5 =	smul.u32 $0x500, s0  }
0x8: {  	[smem:$0x7FF] =	sst s4;
	s19 =	smul.u32 $0x28000, s0;
	s0 =	ssub.s32 $0x2, s0  }
0x9: {  	s31 =	simm.s32 $0x300;
	_ =	strace $0x8000004A;
	s21 =	sshrl.u32 s0, $0x1  }
0xa: {  	s22 =	sshrl.u32 s8, $0x2;
	s8 =	simm.s32 $0x0;
	s5 =	sadd.s32 s6, s5  }
0xb: {  	s20 =	sadd.s32 s7, s19;
	s0 =	ssub.s32 s0, s21;
	s11 =	sadd.s32 s22, s3  }
0xc: {  	s19 =	simm.s32 $0x80;
	s21 =	simm.s32 $0x2;
	s22 =	simm.s32 $0x100  }
0xd: {  	s6 =	simm.s32 $0x700;
	s23 =	sadd.s32 $0x4000, s11;
	[dreg:$0x4] =	wrdreg s11  }
0xe: {  	s7 =	simm.s32 $0x780;
	s24 =	sadd.s32 $0x8000, s11;
	[dreg:$0x5] =	wrdreg s23  }
0xf: {  	s5 =	sshll.u32 s5, $0x4;
	s25 =	sadd.s32 $0xC000, s11;
	[dreg:$0x6] =	wrdreg s24  }
0x10: {  	s26 =	sadd.s32 $0x10000, s11;
	s0 =	smax.u32 s0, $0x1;
	[dreg:$0x7] =	wrdreg s25  }
0x11: {  	s9 =	sadd.s32 s5, s2;
	s2 =	sadd.s32 s20, s2;
	[dreg:$0x8] =	wrdreg s26  }
0x12: {  	[dreg:$0xa] =	wrdreg s0;
	s20 =	simm.s32 $0x4800;
	s23 =	simm.s32 $0x480  }
0x13: {  	s24 =	simm.s32 $0x180;
	s25 =	simm.s32 $0x500;
	s26 =	simm.s32 $0x200  }
0x14: {  	s0 =	simm.s32 $0x380;
	s2 =	sadd.s32 $0xF000, s2;
	s12 =	sadd.s32 $0x5000, s9  }
0x15: {  	v0 =	vimm.f32 $0.0e+00;
	s13 =	sadd.s32 $0x5F000, s9;
	[dreg:$0x9] =	wrdreg s2;
	s2 =	simm.s32 $0x680  }
.LBB2_1:
0x16: {  	s9 =	simm.s32 $0x0;
	s10 =	simm.s32 $0x200  }
.LBB2_2:
0x17: {  	p0 =	sne.s32 s10, $0xFE00;
	[tilespmem:s9+$0x870] =	vst v0  }
0x18: {  	[tilespmem:s9+$0x800] =	vst v0  }
0x19: {  	[tilespmem:s9+$0x810] =	vst v0  }
.Ltmp0:
0x1a: {  	[tilespmem:s9+$0x820] =	vst v0;
	(pc) =	sbr.rel @p0 .LBB2_2-.Ltmp0, $4  }
0x1b: {  	[tilespmem:s9+$0x830] =	vst v0  }
0x1c: {  	[tilespmem:s9+$0x840] =	vst v0  }
0x1d: {  	[tilespmem:s9+$0x850] =	vst v0  }
0x1e: {  	[tilespmem:s9+$0x860] =	vst v0;
	s9 =	sshra.s32 s10, $0x2;
	s10 =	sadd.s32 $0x200, s10  }
0x1f: {  	[tilespmem:s9+$0x870] =	vst v0  }
0x20: {  	[tilespmem:s9+$0x800] =	vst v0  }
0x21: {  	[tilespmem:s9+$0x810] =	vst v0  }
0x22: {  	[tilespmem:s9+$0x820] =	vst v0  }
0x23: {  	[tilespmem:s9+$0x830] =	vst v0  }
0x24: {  	[tilespmem:s9+$0x840] =	vst v0  }
0x25: {  	[tilespmem:s9+$0x850] =	vst v0  }
0x26: {  	[dreg:$0xb] =	wrdreg s8;
	[tilespmem:s9+$0x860] =	vst v0  }
0x27: {  	[spmem:s11] =	stream.linear.scatter [tilespmem:s14], [sflag:$0x3], $0x4000, $0x38;
	[tilespmem:$0x1C800] =	vst v63  }
0x28: {  	_ =	swait.ge [sflag:s15], $0x4000  }
0x29: {  	[sflag:s15] =	ssyncset.done $0x0  }
0x2a: {  	s5 =	rddreg [dreg:$0x5];
	[sflag:s15] =	ssyncadd.s32 $0xFFFFC000  }
0x2b: {  	[spmem:s5] =	stream.linear.scatter [tilespmem:s14], [sflag:$0x3], $0x4000, $0x38;
	[tilespmem:$0x1C800] =	vst v63  }
0x2c: {  	_ =	swait.ge [sflag:s15], $0x4000  }
0x2d: {  	[sflag:s15] =	ssyncset.done $0x0  }
0x2e: {  	s11 =	rddreg [dreg:$0x6];
	[sflag:s15] =	ssyncadd.s32 $0xFFFFC000  }
0x2f: {  	[spmem:s11] =	stream.linear.scatter [tilespmem:s14], [sflag:$0x3], $0x4000, $0x38;
	[tilespmem:$0x1C800] =	vst v63  }
0x30: {  	_ =	swait.ge [sflag:s15], $0x4000  }
0x31: {  	[sflag:s15] =	ssyncset.done $0x0  }
0x32: {  	s8 =	rddreg [dreg:$0x7];
	[sflag:s15] =	ssyncadd.s32 $0xFFFFC000  }
0x33: {  	[spmem:s8] =	stream.linear.scatter [tilespmem:s14], [sflag:$0x3], $0x4000, $0x38;
	[tilespmem:$0x1C800] =	vst v63  }
0x34: {  	_ =	swait.ge [sflag:s15], $0x4000  }
0x35: {  	[sflag:s15] =	ssyncset.done $0x0  }
0x36: {  	s9 =	rddreg [dreg:$0x8];
	[sflag:s15] =	ssyncadd.s32 $0xFFFFC000  }
0x37: {  	[spmem:s9] =	stream.linear.scatter [tilespmem:s14], [sflag:$0x3], $0x4000, $0x38;
	[tilespmem:$0x1C800] =	vst v63  }
0x38: {  	_ =	swait.ge [sflag:s15], $0x4000  }
0x39: {  	[sflag:s15] =	ssyncset.done $0x0  }
0x3a: {  	[sflag:s15] =	ssyncadd.s32 $0xFFFFC000  }
0x3b: {  	s10 =	sadd.s32 $0x0, s13;
	[bflag:$0x0] =	sbarrier.arrive $0xFFFF  }
0x3c: {  	[tilespmem:s4], [sflag:$0x3] =	stream.linear.gather [hbm4b:s10+s4], $0x400, $0x38;
	[tilespmem:$0x1C800] =	vst v63  }
0x3d: {  	_ =	swait.ge [sflag:s15], $0x400  }
0x3e: {  	[sflag:s15] =	ssyncset.done $0x0  }
0x3f: {  	s11 =	sadd.s32 $0x0, s12;
	[sflag:s15] =	ssyncadd.s32 $0xFFFFFC00  }
0x40: {  	[tilespmem:s16], [sflag:$0x3] =	stream.linear.gather [hbm4b:s11+s4], $0x400, $0x38;
	[tilespmem:$0x1C800] =	vst v63  }
0x41: {  	_ =	swait.ge [sflag:s15], $0x400  }
0x42: {  	[sflag:s15] =	ssyncset.done $0x0  }
0x43: {  	[sflag:s15] =	ssyncadd.s32 $0xFFFFFC00  }
0x44: {  	[tilespmem:s14], [sflag:$0x1] =	stream.indirect.gather [hbm4b:s1+s17], $0x80, s4, s17, $0xb8;
	[tilespmem:$0x1C800] =	vst v63  }
0x45: {  	_ =	swait.ge [sflag:s18], $0x3E80  }
0x46: {  	[sflag:s18] =	ssyncset.done $0x0  }
0x47: {  	[sflag:s18] =	ssyncadd.s32 $0xFFFFC180  }
0x48: {  	[tilespmem:s20], [sflag:$0x2] =	stream.indirect.gather [hbm4b:s1+s17], $0x80, s19, s17, $0xb8;
	[tilespmem:$0x1C800] =	vst v63  }
0x49: {  	_ = 	snop  }
0x4a: {  	[spmem:s3] =	stream.indirect.scatter.add.f32 [tilespmem:s14], [sflag:$0x3], $0x80, s16, s17, $0xb8;
	[tilespmem:$0x1C800] =	vst v63  }
0x4b: {  	_ =	swait.ge [sflag:s15], $0x3E80  }
0x4c: {  	[sflag:s15] =	ssyncset.done $0x0  }
0x4d: {  	[sflag:s15] =	ssyncadd.s32 $0xFFFFC180  }
0x4e: {  	_ =	swait.ge [sflag:s21], $0x3E80  }
0x4f: {  	[sflag:s21] =	ssyncset.done $0x0  }
0x50: {  	[sflag:s21] =	ssyncadd.s32 $0xFFFFC180  }
0x51: {  	[tilespmem:s14], [sflag:$0x1] =	stream.indirect.gather [hbm4b:s1+s17], $0x80, s22, s17, $0xb8;
	[tilespmem:$0x1C800] =	vst v63  }
0x52: {  	_ = 	snop  }
0x53: {  	[spmem:s3] =	stream.indirect.scatter.add.f32 [tilespmem:s20], [sflag:$0x3], $0x80, s23, s17, $0xb8;
	[tilespmem:$0x1C800] =	vst v63  }
0x54: {  	_ =	swait.ge [sflag:s15], $0x3E80  }
0x55: {  	[sflag:s15] =	ssyncset.done $0x0  }
0x56: {  	[sflag:s15] =	ssyncadd.s32 $0xFFFFC180  }
0x57: {  	_ =	swait.ge [sflag:s18], $0x3E80  }
0x58: {  	[sflag:s18] =	ssyncset.done $0x0  }
0x59: {  	[sflag:s18] =	ssyncadd.s32 $0xFFFFC180  }
0x5a: {  	[tilespmem:s20], [sflag:$0x2] =	stream.indirect.gather [hbm4b:s1+s17], $0x80, s24, s17, $0xb8;
	[tilespmem:$0x1C800] =	vst v63  }
0x5b: {  	_ = 	snop  }
0x5c: {  	[spmem:s3] =	stream.indirect.scatter.add.f32 [tilespmem:s14], [sflag:$0x3], $0x80, s25, s17, $0xb8;
	[tilespmem:$0x1C800] =	vst v63  }
0x5d: {  	_ =	swait.ge [sflag:s15], $0x3E80  }
0x5e: {  	[sflag:s15] =	ssyncset.done $0x0  }
0x5f: {  	[sflag:s15] =	ssyncadd.s32 $0xFFFFC180  }
0x60: {  	_ =	swait.ge [sflag:s21], $0x3E80  }
0x61: {  	[sflag:s21] =	ssyncset.done $0x0  }
0x62: {  	[sflag:s21] =	ssyncadd.s32 $0xFFFFC180  }
0x63: {  	[tilespmem:s14], [sflag:$0x1] =	stream.indirect.gather [hbm4b:s1+s17], $0x80, s26, s17, $0xb8;
	[tilespmem:$0x1C800] =	vst v63  }
0x64: {  	_ = 	snop  }
0x65: {  	[spmem:s3] =	stream.indirect.scatter.add.f32 [tilespmem:s20], [sflag:$0x3], $0x80, s28, s17, $0xb8;
	[tilespmem:$0x1C800] =	vst v63  }
0x66: {  	_ =	swait.ge [sflag:s15], $0x3E80  }
0x67: {  	[sflag:s15] =	ssyncset.done $0x0  }
0x68: {  	[sflag:s15] =	ssyncadd.s32 $0xFFFFC180  }
0x69: {  	_ =	swait.ge [sflag:s18], $0x3E80  }
0x6a: {  	[sflag:s18] =	ssyncset.done $0x0  }
0x6b: {  	[sflag:s18] =	ssyncadd.s32 $0xFFFFC180  }
0x6c: {  	[tilespmem:s20], [sflag:$0x2] =	stream.indirect.gather [hbm4b:s1+s17], $0x80, s29, s17, $0xb8;
	[tilespmem:$0x1C800] =	vst v63  }
0x6d: {  	_ = 	snop  }
0x6e: {  	[spmem:s3] =	stream.indirect.scatter.add.f32 [tilespmem:s14], [sflag:$0x3], $0x80, s30, s17, $0xb8;
	[tilespmem:$0x1C800] =	vst v63  }
0x6f: {  	_ =	swait.ge [sflag:s15], $0x3E80  }
0x70: {  	[sflag:s15] =	ssyncset.done $0x0  }
0x71: {  	[sflag:s15] =	ssyncadd.s32 $0xFFFFC180  }
0x72: {  	_ =	swait.ge [sflag:s21], $0x3E80  }
0x73: {  	[sflag:s21] =	ssyncset.done $0x0  }
0x74: {  	[sflag:s21] =	ssyncadd.s32 $0xFFFFC180  }
0x75: {  	[tilespmem:s14], [sflag:$0x1] =	stream.indirect.gather [hbm4b:s1+s17], $0x80, s31, s17, $0xb8;
	[tilespmem:$0x1C800] =	vst v63  }
0x76: {  	_ = 	snop  }
0x77: {  	[spmem:s3] =	stream.indirect.scatter.add.f32 [tilespmem:s20], [sflag:$0x3], $0x80, s2, s17, $0xb8;
	[tilespmem:$0x1C800] =	vst v63  }
0x78: {  	_ =	swait.ge [sflag:s15], $0x3E80  }
0x79: {  	[sflag:s15] =	ssyncset.done $0x0  }
0x7a: {  	[sflag:s15] =	ssyncadd.s32 $0xFFFFC180  }
0x7b: {  	_ =	swait.ge [sflag:s18], $0x3E80  }
0x7c: {  	[sflag:s18] =	ssyncset.done $0x0  }
0x7d: {  	[sflag:s18] =	ssyncadd.s32 $0xFFFFC180  }
0x7e: {  	[tilespmem:s20], [sflag:$0x2] =	stream.indirect.gather [hbm4b:s1+s17], $0x80, s0, s17, $0xb8;
	[tilespmem:$0x1C800] =	vst v63  }
0x7f: {  	_ = 	snop  }
0x80: {  	[spmem:s3] =	stream.indirect.scatter.add.f32 [tilespmem:s14], [sflag:$0x3], $0x80, s6, s17, $0xb8;
	[tilespmem:$0x1C800] =	vst v63  }
0x81: {  	_ =	swait.ge [sflag:s15], $0x3E80  }
0x82: {  	[sflag:s15] =	ssyncset.done $0x0  }
0x83: {  	[sflag:s15] =	ssyncadd.s32 $0xFFFFC180  }
0x84: {  	_ =	swait.ge [sflag:s21], $0x3E80  }
0x85: {  	[sflag:s21] =	ssyncset.done $0x0  }
0x86: {  	[sflag:s21] =	ssyncadd.s32 $0xFFFFC180  }
0x87: {  	[spmem:s3] =	stream.indirect.scatter.add.f32 [tilespmem:s20], [sflag:$0x3], $0x80, s7, s17, $0xb8;
	[tilespmem:$0x1C800] =	vst v63  }
0x88: {  	_ =	swait.ge [sflag:s15], $0x3E80  }
0x89: {  	s9 =	simm.s32 $0x80;
	s10 =	simm.s32 $0x100;
	[sflag:s15] =	ssyncset.done $0x0  }
.LBB2_4:
0x8a: {  	s5 =	sadd.s32 s9, s13  }
0x8b: {  	[sflag:s15] =	ssyncadd.s32 $0xFFFFC180;
	s8 =	smov.u32 s10;
	s11 =	sadd.s32 $0x80, s10  }
0x8c: {  	[tilespmem:s4], [sflag:$0x3] =	stream.linear.gather [hbm4b:s5+s4], $0x400, $0x38;
	[tilespmem:$0x1C800] =	vst v63  }
0x8d: {  	p0 =	sne.s32 s10, $0x480;
	_ =	swait.ge [sflag:s15], $0x400  }
0x8e: {  	[sflag:s15] =	ssyncset.done $0x0  }
0x8f: {  	s5 =	sadd.s32 s9, s12;
	s9 =	smov.u32 s8;
	[sflag:s15] =	ssyncadd.s32 $0xFFFFFC00  }
0x90: {  	[tilespmem:s16], [sflag:$0x3] =	stream.linear.gather [hbm4b:s5+s4], $0x400, $0x38;
	[tilespmem:$0x1C800] =	vst v63  }
0x91: {  	_ =	swait.ge [sflag:s15], $0x400  }
0x92: {  	[sflag:s15] =	ssyncset.done $0x0  }
0x93: {  	[sflag:s15] =	ssyncadd.s32 $0xFFFFFC00  }
0x94: {  	[tilespmem:s14], [sflag:$0x1] =	stream.indirect.gather [hbm4b:s1+s17], $0x80, s4, s17, $0xb8;
	[tilespmem:$0x1C800] =	vst v63  }
0x95: {  	_ =	swait.ge [sflag:s18], $0x3E80  }
0x96: {  	[sflag:s18] =	ssyncset.done $0x0  }
0x97: {  	[sflag:s18] =	ssyncadd.s32 $0xFFFFC180  }
0x98: {  	[tilespmem:s20], [sflag:$0x2] =	stream.indirect.gather [hbm4b:s1+s17], $0x80, s19, s17, $0xb8;
	[tilespmem:$0x1C800] =	vst v63  }
0x99: {  	_ = 	snop  }
0x9a: {  	[spmem:s3] =	stream.indirect.scatter.add.f32 [tilespmem:s14], [sflag:$0x3], $0x80, s16, s17, $0xb8;
	[tilespmem:$0x1C800] =	vst v63  }
0x9b: {  	_ =	swait.ge [sflag:s15], $0x3E80  }
0x9c: {  	[sflag:s15] =	ssyncset.done $0x0  }
0x9d: {  	[sflag:s15] =	ssyncadd.s32 $0xFFFFC180  }
0x9e: {  	_ =	swait.ge [sflag:s21], $0x3E80  }
0x9f: {  	[sflag:s21] =	ssyncset.done $0x0  }
0xa0: {  	[sflag:s21] =	ssyncadd.s32 $0xFFFFC180  }
0xa1: {  	[tilespmem:s14], [sflag:$0x1] =	stream.indirect.gather [hbm4b:s1+s17], $0x80, s22, s17, $0xb8;
	[tilespmem:$0x1C800] =	vst v63  }
0xa2: {  	_ = 	snop  }
0xa3: {  	[spmem:s3] =	stream.indirect.scatter.add.f32 [tilespmem:s20], [sflag:$0x3], $0x80, s23, s17, $0xb8;
	[tilespmem:$0x1C800] =	vst v63  }
0xa4: {  	_ =	swait.ge [sflag:s15], $0x3E80  }
0xa5: {  	[sflag:s15] =	ssyncset.done $0x0  }
0xa6: {  	[sflag:s15] =	ssyncadd.s32 $0xFFFFC180  }
0xa7: {  	_ =	swait.ge [sflag:s18], $0x3E80  }
0xa8: {  	[sflag:s18] =	ssyncset.done $0x0  }
0xa9: {  	[sflag:s18] =	ssyncadd.s32 $0xFFFFC180  }
0xaa: {  	[tilespmem:s20], [sflag:$0x2] =	stream.indirect.gather [hbm4b:s1+s17], $0x80, s24, s17, $0xb8;
	[tilespmem:$0x1C800] =	vst v63  }
0xab: {  	_ = 	snop  }
0xac: {  	[spmem:s3] =	stream.indirect.scatter.add.f32 [tilespmem:s14], [sflag:$0x3], $0x80, s25, s17, $0xb8;
	[tilespmem:$0x1C800] =	vst v63  }
0xad: {  	_ =	swait.ge [sflag:s15], $0x3E80  }
0xae: {  	[sflag:s15] =	ssyncset.done $0x0  }
0xaf: {  	[sflag:s15] =	ssyncadd.s32 $0xFFFFC180  }
0xb0: {  	_ =	swait.ge [sflag:s21], $0x3E80  }
0xb1: {  	[sflag:s21] =	ssyncset.done $0x0  }
0xb2: {  	[sflag:s21] =	ssyncadd.s32 $0xFFFFC180  }
0xb3: {  	[tilespmem:s14], [sflag:$0x1] =	stream.indirect.gather [hbm4b:s1+s17], $0x80, s26, s17, $0xb8;
	[tilespmem:$0x1C800] =	vst v63  }
0xb4: {  	_ = 	snop  }
0xb5: {  	[spmem:s3] =	stream.indirect.scatter.add.f32 [tilespmem:s20], [sflag:$0x3], $0x80, s28, s17, $0xb8;
	[tilespmem:$0x1C800] =	vst v63  }
0xb6: {  	_ =	swait.ge [sflag:s15], $0x3E80  }
0xb7: {  	[sflag:s15] =	ssyncset.done $0x0  }
0xb8: {  	[sflag:s15] =	ssyncadd.s32 $0xFFFFC180  }
0xb9: {  	_ =	swait.ge [sflag:s18], $0x3E80  }
0xba: {  	[sflag:s18] =	ssyncset.done $0x0  }
0xbb: {  	[sflag:s18] =	ssyncadd.s32 $0xFFFFC180  }
0xbc: {  	[tilespmem:s20], [sflag:$0x2] =	stream.indirect.gather [hbm4b:s1+s17], $0x80, s29, s17, $0xb8;
	[tilespmem:$0x1C800] =	vst v63  }
0xbd: {  	_ = 	snop  }
0xbe: {  	[spmem:s3] =	stream.indirect.scatter.add.f32 [tilespmem:s14], [sflag:$0x3], $0x80, s30, s17, $0xb8;
	[tilespmem:$0x1C800] =	vst v63  }
0xbf: {  	_ =	swait.ge [sflag:s15], $0x3E80  }
0xc0: {  	[sflag:s15] =	ssyncset.done $0x0  }
0xc1: {  	[sflag:s15] =	ssyncadd.s32 $0xFFFFC180  }
0xc2: {  	_ =	swait.ge [sflag:s21], $0x3E80  }
0xc3: {  	[sflag:s21] =	ssyncset.done $0x0  }
0xc4: {  	[sflag:s21] =	ssyncadd.s32 $0xFFFFC180  }
0xc5: {  	[tilespmem:s14], [sflag:$0x1] =	stream.indirect.gather [hbm4b:s1+s17], $0x80, s31, s17, $0xb8;
	[tilespmem:$0x1C800] =	vst v63  }
0xc6: {  	_ = 	snop  }
0xc7: {  	[spmem:s3] =	stream.indirect.scatter.add.f32 [tilespmem:s20], [sflag:$0x3], $0x80, s2, s17, $0xb8;
	[tilespmem:$0x1C800] =	vst v63  }
0xc8: {  	_ =	swait.ge [sflag:s15], $0x3E80  }
0xc9: {  	[sflag:s15] =	ssyncset.done $0x0  }
0xca: {  	[sflag:s15] =	ssyncadd.s32 $0xFFFFC180  }
0xcb: {  	_ =	swait.ge [sflag:s18], $0x3E80  }
0xcc: {  	[sflag:s18] =	ssyncset.done $0x0  }
0xcd: {  	[sflag:s18] =	ssyncadd.s32 $0xFFFFC180  }
0xce: {  	[tilespmem:s20], [sflag:$0x2] =	stream.indirect.gather [hbm4b:s1+s17], $0x80, s0, s17, $0xb8;
	[tilespmem:$0x1C800] =	vst v63  }
0xcf: {  	_ = 	snop  }
0xd0: {  	[spmem:s3] =	stream.indirect.scatter.add.f32 [tilespmem:s14], [sflag:$0x3], $0x80, s6, s17, $0xb8;
	[tilespmem:$0x1C800] =	vst v63  }
0xd1: {  	_ =	swait.ge [sflag:s15], $0x3E80  }
0xd2: {  	[sflag:s15] =	ssyncset.done $0x0  }
0xd3: {  	[sflag:s15] =	ssyncadd.s32 $0xFFFFC180  }
0xd4: {  	_ =	swait.ge [sflag:s21], $0x3E80  }
.Ltmp1:
0xd5: {  	[sflag:s21] =	ssyncset.done $0x0;
	(pc) =	sbr.rel @p0 .LBB2_4-.Ltmp1, $4  }
0xd6: {  	[sflag:s21] =	ssyncadd.s32 $0xFFFFC180  }
0xd7: {  	[spmem:s3] =	stream.indirect.scatter.add.f32 [tilespmem:s20], [sflag:$0x3], $0x80, s7, s17, $0xb8;
	[tilespmem:$0x1C800] =	vst v63  }
0xd8: {  	_ =	swait.ge [sflag:s15], $0x3E80  }
0xd9: {  	s10 =	smov.u32 s11;
	[sflag:s15] =	ssyncset.done $0x0  }
0xda: {  	s5 =	sadd.s32 s9, s13;
	[sflag:s15] =	ssyncadd.s32 $0xFFFFC180  }
0xdb: {  	[tilespmem:s4], [sflag:$0x3] =	stream.linear.gather [hbm4b:s5+s4], $0x400, $0x38;
	[tilespmem:$0x1C800] =	vst v63  }
0xdc: {  	_ =	swait.ge [sflag:s15], $0x400  }
0xdd: {  	[sflag:s15] =	ssyncset.done $0x0  }
0xde: {  	s8 =	sadd.s32 s9, s12;
	[sflag:s15] =	ssyncadd.s32 $0xFFFFFC00  }
0xdf: {  	[tilespmem:s16], [sflag:$0x3] =	stream.linear.gather [hbm4b:s8+s4], $0x400, $0x38;
	[tilespmem:$0x1C800] =	vst v63  }
0xe0: {  	_ =	swait.ge [sflag:s15], $0x400  }
0xe1: {  	[sflag:s15] =	ssyncset.done $0x0  }
0xe2: {  	[sflag:s15] =	ssyncadd.s32 $0xFFFFFC00  }
0xe3: {  	[tilespmem:s14], [sflag:$0x1] =	stream.indirect.gather [hbm4b:s1+s17], $0x80, s4, s17, $0xb8;
	[tilespmem:$0x1C800] =	vst v63  }
0xe4: {  	_ =	swait.ge [sflag:s18], $0x3E80  }
0xe5: {  	[sflag:s18] =	ssyncset.done $0x0  }
0xe6: {  	[sflag:s18] =	ssyncadd.s32 $0xFFFFC180  }
0xe7: {  	[tilespmem:s20], [sflag:$0x2] =	stream.indirect.gather [hbm4b:s1+s17], $0x80, s19, s17, $0xb8;
	[tilespmem:$0x1C800] =	vst v63  }
0xe8: {  	_ = 	snop  }
0xe9: {  	[spmem:s3] =	stream.indirect.scatter.add.f32 [tilespmem:s14], [sflag:$0x3], $0x80, s16, s17, $0xb8;
	[tilespmem:$0x1C800] =	vst v63  }
0xea: {  	_ =	swait.ge [sflag:s15], $0x3E80  }
0xeb: {  	[sflag:s15] =	ssyncset.done $0x0  }
0xec: {  	[sflag:s15] =	ssyncadd.s32 $0xFFFFC180  }
0xed: {  	_ =	swait.ge [sflag:s21], $0x3E80  }
0xee: {  	[sflag:s21] =	ssyncset.done $0x0  }
0xef: {  	[sflag:s21] =	ssyncadd.s32 $0xFFFFC180  }
0xf0: {  	[tilespmem:s14], [sflag:$0x1] =	stream.indirect.gather [hbm4b:s1+s17], $0x80, s22, s17, $0xb8;
	[tilespmem:$0x1C800] =	vst v63  }
0xf1: {  	_ = 	snop  }
0xf2: {  	[spmem:s3] =	stream.indirect.scatter.add.f32 [tilespmem:s20], [sflag:$0x3], $0x80, s23, s17, $0xb8;
	[tilespmem:$0x1C800] =	vst v63  }
0xf3: {  	_ =	swait.ge [sflag:s15], $0x3E80  }
0xf4: {  	[sflag:s15] =	ssyncset.done $0x0  }
0xf5: {  	[sflag:s15] =	ssyncadd.s32 $0xFFFFC180  }
0xf6: {  	_ =	swait.ge [sflag:s18], $0x3E80  }
0xf7: {  	[sflag:s18] =	ssyncset.done $0x0  }
0xf8: {  	[sflag:s18] =	ssyncadd.s32 $0xFFFFC180  }
0xf9: {  	[tilespmem:s20], [sflag:$0x2] =	stream.indirect.gather [hbm4b:s1+s17], $0x80, s24, s17, $0xb8;
	[tilespmem:$0x1C800] =	vst v63  }
0xfa: {  	_ = 	snop  }
0xfb: {  	[spmem:s3] =	stream.indirect.scatter.add.f32 [tilespmem:s14], [sflag:$0x3], $0x80, s25, s17, $0xb8;
	[tilespmem:$0x1C800] =	vst v63  }
0xfc: {  	_ =	swait.ge [sflag:s15], $0x3E80  }
0xfd: {  	[sflag:s15] =	ssyncset.done $0x0  }
0xfe: {  	[sflag:s15] =	ssyncadd.s32 $0xFFFFC180  }
0xff: {  	_ =	swait.ge [sflag:s21], $0x3E80  }
0x100: {  	[sflag:s21] =	ssyncset.done $0x0  }
0x101: {  	[sflag:s21] =	ssyncadd.s32 $0xFFFFC180  }
0x102: {  	[tilespmem:s14], [sflag:$0x1] =	stream.indirect.gather [hbm4b:s1+s17], $0x80, s26, s17, $0xb8;
	[tilespmem:$0x1C800] =	vst v63  }
0x103: {  	_ = 	snop  }
0x104: {  	[spmem:s3] =	stream.indirect.scatter.add.f32 [tilespmem:s20], [sflag:$0x3], $0x80, s28, s17, $0xb8;
	[tilespmem:$0x1C800] =	vst v63  }
0x105: {  	_ =	swait.ge [sflag:s15], $0x3E80  }
0x106: {  	[sflag:s15] =	ssyncset.done $0x0  }
0x107: {  	[sflag:s15] =	ssyncadd.s32 $0xFFFFC180  }
0x108: {  	_ =	swait.ge [sflag:s18], $0x3E80  }
0x109: {  	[sflag:s18] =	ssyncset.done $0x0  }
0x10a: {  	[sflag:s18] =	ssyncadd.s32 $0xFFFFC180  }
0x10b: {  	[tilespmem:s20], [sflag:$0x2] =	stream.indirect.gather [hbm4b:s1+s17], $0x80, s29, s17, $0xb8;
	[tilespmem:$0x1C800] =	vst v63  }
0x10c: {  	_ = 	snop  }
0x10d: {  	[spmem:s3] =	stream.indirect.scatter.add.f32 [tilespmem:s14], [sflag:$0x3], $0x80, s30, s17, $0xb8;
	[tilespmem:$0x1C800] =	vst v63  }
0x10e: {  	_ =	swait.ge [sflag:s15], $0x3E80  }
0x10f: {  	[sflag:s15] =	ssyncset.done $0x0  }
0x110: {  	[sflag:s15] =	ssyncadd.s32 $0xFFFFC180  }
0x111: {  	_ =	swait.ge [sflag:s21], $0x3E80  }
0x112: {  	[sflag:s21] =	ssyncset.done $0x0  }
0x113: {  	[sflag:s21] =	ssyncadd.s32 $0xFFFFC180  }
0x114: {  	[tilespmem:s14], [sflag:$0x1] =	stream.indirect.gather [hbm4b:s1+s17], $0x80, s31, s17, $0xb8;
	[tilespmem:$0x1C800] =	vst v63  }
0x115: {  	_ = 	snop  }
0x116: {  	[spmem:s3] =	stream.indirect.scatter.add.f32 [tilespmem:s20], [sflag:$0x3], $0x80, s2, s17, $0xb8;
	[tilespmem:$0x1C800] =	vst v63  }
0x117: {  	_ =	swait.ge [sflag:s15], $0x3E80  }
0x118: {  	[sflag:s15] =	ssyncset.done $0x0  }
0x119: {  	[sflag:s15] =	ssyncadd.s32 $0xFFFFC180  }
0x11a: {  	_ =	swait.ge [sflag:s18], $0x3E80  }
0x11b: {  	[sflag:s18] =	ssyncset.done $0x0  }
0x11c: {  	[sflag:s18] =	ssyncadd.s32 $0xFFFFC180  }
0x11d: {  	[tilespmem:s20], [sflag:$0x2] =	stream.indirect.gather [hbm4b:s1+s17], $0x80, s0, s17, $0xb8;
	[tilespmem:$0x1C800] =	vst v63  }
0x11e: {  	_ = 	snop  }
0x11f: {  	[spmem:s3] =	stream.indirect.scatter.add.f32 [tilespmem:s14], [sflag:$0x3], $0x80, s6, s17, $0xb8;
	[tilespmem:$0x1C800] =	vst v63  }
0x120: {  	_ =	swait.ge [sflag:s15], $0x3E80  }
0x121: {  	[sflag:s15] =	ssyncset.done $0x0  }
0x122: {  	[sflag:s15] =	ssyncadd.s32 $0xFFFFC180  }
0x123: {  	_ =	swait.ge [sflag:s21], $0x3E80  }
0x124: {  	[sflag:s21] =	ssyncset.done $0x0  }
0x125: {  	[sflag:s21] =	ssyncadd.s32 $0xFFFFC180  }
0x126: {  	[spmem:s3] =	stream.indirect.scatter.add.f32 [tilespmem:s20], [sflag:$0x3], $0x80, s7, s17, $0xb8;
	[tilespmem:$0x1C800] =	vst v63  }
0x127: {  	_ =	swait.ge [sflag:s15], $0x3E80  }
0x128: {  	[sflag:s15] =	ssyncset.done $0x0  }
0x129: {  	[sflag:s15] =	ssyncadd.s32 $0xFFFFC180  }
0x12a: {  	s9 =	stileid.u32;
	[bflag:$0x0] =	sbarrier.arrive $0xFFFF  }
0x12b: {  	s5 =	sshll.u32 s9, $0x6;
	s11 =	rddreg [dreg:$0x4]  }
0x12c: {  	s5 =	sor.u32 $0x1C03, s5;
	s10 =	rddreg [dreg:$0x9];
	s8 =	sshrl.u32 s11, $0x3  }
0x12d: {  	[hbm:s10], [sflag:s5] =	dma.local [spmem:s8], $0x2800  }
0x12e: {  	_ =	swait.ge [sflag:s15], $0x2800  }
0x12f: {  	s9 =	rddreg [dreg:$0xb]  }
0x130: {  	s10 =	rddreg [dreg:$0xa];
	s8 =	sadd.s32 $0x1, s9  }
0x131: {  	p0 =	sne.s32 s8, s10  }
.Ltmp2:
0x132: {  	_ = 	snop;
	(pc) =	sbr.rel @p0 .LBB2_1-.Ltmp2, $3  }
0x133: {  	_ =	sdelay $0x1  }
0x134: {  	[sflag:s15] =	ssyncset.done $0x0  }
0x135: {  	[sflag:s15] =	ssyncadd.s32 $0xFFFFD800  }
0x136: {  	_ =	sfence.sel $0x180000  }
0x137: {  	[bflag:$0x0] =	sbarrier.arrive $0xFFFF  }
0x138: {  	_ =	strace $0x9000004A  }
0x139: {  	s0 =	stileid.u32;
	[bflag:$0x2] =	sbarrier.arrive $0xFFFF  }
0x13a: {  	p0 =	sne.s32 s0, $0x0;
	s0 =	rddreg [dreg:$0x3]  }
0x13b: {  	s0 =	sadd.s32 @!p0 $0x100000, s0  }
0x13c: {  	[sflag:s0] =	ssyncadd.tile.s32 @!p0 $0x1;
	_ =	shalt  }
.Lfunc_end2:
_tile_overlayer_lowered:
.L_overlay_start_2:
0x13d: {  	(tag) =	ssettag $0x2  }
0x13e: {  	s0 =	rddreg [dreg:$0x0];
	s2 =	stileid.u32  }
0x13f: {  	s1 =	rddreg [dreg:$0x1];
	p0 =	sne.s32 s2, $0x0  }
0x140: {  	s3 =	rddreg [dreg:$0x2];
	[bflag:$0x3] =	sbarrier.arrive $0xFFFF;
	s2 =	simm.s32 @!p0 $0x1C03  }
0x141: {  	[timem:s3], [sflag:s2] =	dma.local @!p0 [hbm:s0], s1  }
0x142: {  	s0 =	simm.s32 @!p0 $0x3  }
0x143: {  	_ =	swait.ge @!p0 [sflag:s0], s1  }
0x144: {  	s1 =	ssub.s32 @!p0 $0x0, s1;
	[sflag:s0] =	ssyncset.done @!p0 $0x0  }
0x145: {  	[sflag:s0] =	ssyncadd.s32 @!p0 s1  }
0x146: {  	[bflag:$0x3] =	sbarrier.arrive $0xFFFF  }
0x147: {  	_ =	shalt  }

// kernel: kernel.17.cloned.1.call-start
scs
__scs_entry_jumppad:
0x0: {  	(pc) =	sbr.rel $0x88, $3  }
0x1: {  	(tag) =	ssettag $0x0;
	lr =	simm.s32 $0x1  }
0x2: {  	[smem:$0x3F93] =	sst lr;
	_ =	strace $0xD0000000  }
0x3: {  	_ = 	snop  }
0x4: {  	_ = 	snop  }
0x5: {  	_ = 	snop  }
0x6: {  	_ = 	snop  }
0x7: {  	_ = 	snop  }
__scs_overlays_trampoline_lowered:
0x8: {  	[smem:$0x3FA2] =	sst s0  }
0x9: {  	[smem:$0x3FA3] =	sst s1  }
0xa: {  	[smem:$0x3FA4] =	sst s2  }
0xb: {  	[smem:$0x3FA5] =	sst s3  }
0xc: {  	[smem:$0x3FA6] =	sst s4  }
0xd: {  	[smem:$0x3FA7] =	sst s5  }
0xe: {  	[smem:$0x3FA8] =	sst s6  }
0xf: {  	[smem:$0x3FA9] =	sst s7  }
0x10: {  	[smem:$0x3FAA] =	sst s8  }
0x11: {  	[smem:$0x3FAB] =	sst s9;
	s0 =	simm.s32 @!p0 $0x0  }
0x12: {  	s1 =	sld [smem:$0x3F91];
	s0 =	simm.s32 @p0 $0x1  }
0x13: {  	[smem:$0x3FAC] =	sst s0;
	s0 =	simm.s32 @!p1 $0x0  }
0x14: {  	s2 =	sld [smem:$0x3F90];
	s0 =	simm.s32 @p1 $0x1  }
0x15: {  	[smem:$0x3FAD] =	sst s0;
	s0 =	simm.s32 @!p2 $0x0  }
0x16: {  	s3 =	sld [smem:$0x3FDB];
	s0 =	simm.s32 @p2 $0x1  }
0x17: {  	s4 =	simm.s32 $0x1BF5;
	[smem:$0x3FAF] =	sst s0  }
0x18: {  	s0 =	sld [smem:$0x3F92];
	_ =	swait.ge [sflag:s4], $0x0  }
0x19: {  	s7 =	sld [smem:$0x3F93]  }
0x1a: {  	s8 =	sadd.s32 $0xFFFFE003, lr  }
0x1b: {  	s9 =	sadd.s32 $0xFFFFFEF7, lr;
	s5 =	simm.s32 $0xFFFFFFFF;
	p2 =	slt.u32 s8, $0xFFFFF086  }
0x1c: {  	p1 =	slt.u32 s9, $0xF7A;
	s5 =	simm.s32 @!p2 $0x0  }
0x1d: {  	s5 =	simm.s32 @p1 $0x1;
	p0 =	seq.s32 s7, s2  }
0x1e: {  	s7 =	smul.u32 @!p0 $0xF7A, s2;
	p2 =	seq.s32 @!p0 s5, $0x0  }
0x1f: {  	s9 =	smul.u32 $0xF7A, s1;
	s8 =	simm.s32 @!p0 $0x1BF5;
	p2 =	por !p2, p0  }
0x20: {  	[sflag:s8] =	ssyncset.s32 @!p0 $0xFFFFF086;
	s6 =	sadd.s32 @!p0 s3, s7;
	s7 =	simm.s32 @!p0 $0x108  }
0x21: {  	s3 =	sadd.s32 s3, s9;
	s6 =	sadd.s32 @!p0 $0x88, s6;
	s7 =	simm.s32 @p2 $0x1082  }
0x22: {  	[simem:s7], [sflag:s8] =	dma.local @!p0 [hbm:s6], $0xF7A  }
0x23: {  	s9 =	sor.u32 $0xD0000000, s2;
	s6 =	simm.s32 $0x108;
	_ =	swait.ge @!p0 [sflag:s8], $0x0  }
0x24: {  	s3 =	sadd.s32 $0x88, s3;
	s6 =	simm.s32 @!p1 $0x1082;
	[sflag:s4] =	ssyncset.s32 $0xFFFFF086  }
0x25: {  	[simem:s6], [sflag:s4] =	dma.local [hbm:s3], $0xF7A  }
0x26: {  	[smem:$0x3F93] =	sst s1;
	(tag) =	ssettag s2;
	_ =	strace s9  }
0x27: {  	s1 =	sld [smem:$0x3FA3]  }
0x28: {  	s2 =	sld [smem:$0x3FA4]  }
0x29: {  	s4 =	sld [smem:$0x3FA6]  }
0x2a: {  	p0 =	seq.s32 s5, $0x0;
	s5 =	sld [smem:$0x3FA7]  }
0x2b: {  	s6 =	sld [smem:$0x3FA8]  }
0x2c: {  	s7 =	sld [smem:$0x3FA9]  }
0x2d: {  	s3 =	simm.s32 $0x108;
	s8 =	sld [smem:$0x3FAA]  }
0x2e: {  	s3 =	simm.s32 @!p0 $0x1082;
	s9 =	sld [smem:$0x3FAB]  }
0x2f: {  	lr =	sadd.s32 s0, s3;
	s0 =	sld [smem:$0x3FA2]  }
0x30: {  	s3 =	sld [smem:$0x3FA5]  }
0x31: {  	[smem:$0x3FAE] =	sst s10  }
0x32: {  	s10 =	sld [smem:$0x3FAC];
	_ =	sdelay $0x3  }
0x33: {  	p0 =	seq.s32 s10, $0x1;
	s10 =	sld [smem:$0x3FAE];
	_ =	sdelay $0x3  }
0x34: {  	[smem:$0x3FAE] =	sst s10  }
0x35: {  	s10 =	sld [smem:$0x3FAD];
	_ =	sdelay $0x3  }
0x36: {  	p1 =	seq.s32 s10, $0x1;
	s10 =	sld [smem:$0x3FAE];
	_ =	sdelay $0x3  }
0x37: {  	[smem:$0x3FAE] =	sst s10  }
0x38: {  	s10 =	sld [smem:$0x3FAF]  }
0x39: {  	_ = 	snop;
	(pc) =	sbr.ind lr, $3  }
0x3a: {  	_ = 	snop  }
0x3b: {  	_ = 	snop  }
0x3c: {  	p2 =	seq.s32 s10, $0x1;
	s10 =	sld [smem:$0x3FAE]  }
0x3d: {  	_ =	shalt  }
0x3e: {  	_ =	shalt  }
0x3f: {  	_ =	shalt  }
0x40: {  	_ =	shalt  }
0x41: {  	_ =	shalt  }
0x42: {  	_ =	shalt  }
0x43: {  	_ =	shalt  }
0x44: {  	_ =	shalt  }
0x45: {  	_ =	shalt  }
0x46: {  	_ =	shalt  }
0x47: {  	_ =	shalt  }
0x48: {  	_ =	shalt  }
0x49: {  	_ =	shalt  }
0x4a: {  	_ =	shalt  }
0x4b: {  	_ =	shalt  }
0x4c: {  	_ =	shalt  }
0x4d: {  	_ =	shalt  }
0x4e: {  	_ =	shalt  }
0x4f: {  	_ =	shalt  }
0x50: {  	_ =	shalt  }
0x51: {  	_ =	shalt  }
0x52: {  	_ =	shalt  }
0x53: {  	_ =	shalt  }
0x54: {  	_ =	shalt  }
0x55: {  	_ =	shalt  }
0x56: {  	_ =	shalt  }
0x57: {  	_ =	shalt  }
0x58: {  	_ =	shalt  }
0x59: {  	_ =	shalt  }
0x5a: {  	_ =	shalt  }
0x5b: {  	_ =	shalt  }
0x5c: {  	_ =	shalt  }
0x5d: {  	_ =	shalt  }
0x5e: {  	_ =	shalt  }
0x5f: {  	_ =	shalt  }
0x60: {  	_ =	shalt  }
0x61: {  	_ =	shalt  }
0x62: {  	_ =	shalt  }
0x63: {  	_ =	shalt  }
0x64: {  	_ =	shalt  }
0x65: {  	_ =	shalt  }
0x66: {  	_ =	shalt  }
0x67: {  	_ =	shalt  }
0x68: {  	_ =	shalt  }
0x69: {  	_ =	shalt  }
0x6a: {  	_ =	shalt  }
0x6b: {  	_ =	shalt  }
0x6c: {  	_ =	shalt  }
0x6d: {  	_ =	shalt  }
0x6e: {  	_ =	shalt  }
0x6f: {  	_ =	shalt  }
0x70: {  	_ =	shalt  }
0x71: {  	_ =	shalt  }
0x72: {  	_ =	shalt  }
0x73: {  	_ =	shalt  }
0x74: {  	_ =	shalt  }
0x75: {  	_ =	shalt  }
0x76: {  	_ =	shalt  }
0x77: {  	_ =	shalt  }
0x78: {  	_ =	shalt  }
0x79: {  	_ =	shalt  }
0x7a: {  	_ =	shalt  }
0x7b: {  	_ =	shalt  }
0x7c: {  	_ =	shalt  }
0x7d: {  	_ =	shalt  }
0x7e: {  	_ =	shalt  }
0x7f: {  	_ =	shalt  }
0x80: {  	_ =	shalt  }
0x81: {  	_ =	shalt  }
0x82: {  	_ =	shalt  }
0x83: {  	_ =	shalt  }
0x84: {  	_ =	shalt  }
0x85: {  	_ =	shalt  }
0x86: {  	_ =	shalt  }
0x87: {  	_ =	shalt  }
.Lfunc_end0:
.L_simem_size_0:
called_computation.2_lowered:
.L_overlay_start_0:
0x88: {  	s2 =	sld [smem:$0x3FD9]  }
0x89: {  	s3 =	sld [smem:$0x3FFE];
	_ =	sdelay $0x1  }
0x8a: {  	s1 =	srdreg.scid  }
0x8b: {  	s0 =	sand.u32 $0x1, s1  }
0x8c: {  	s17 =	sshll.u32 s0, $0xA;
	s2 =	sadd.s32 s3, s2  }
0x8d: {  	s2 =	sadd.s32 s2, s17  }
0x8e: {  	[smem:$0x3FBA] =	sst s2  }
0x8f: {  	_ = 	snop  }
0x90: {  	s2 =	sld [smem:$0x3FD0];
	(tm) =	ssettm $0x1  }
0x91: {  	s18 =	sld [smem:$0x3FFB];
	_ =	sdelay $0x3  }
0x92: {  	_ =	strace s18  }
0x93: {  	s3 =	sld [smem:$0x3FFC];
	_ =	sdelay $0x3  }
0x94: {  	_ =	strace s3  }
0x95: {  	s3 =	sld [smem:$0x3FFD];
	_ =	sdelay $0x3  }
0x96: {  	_ =	strace s3  }
0x97: {  	_ =	strace $0x8FFFFFFF  }
0x98: {  	s19 =	sld [smem:$0x3FDB];
	_ =	sdelay $0x1  }
0x99: {  	s4 =	simm.s32 $_scs_section_size  }
0x9a: {  	s5 =	simm.s32 $_size__tile_overlayer_lowered;
	s6 =	simm.s32 $_tile_overlayer_lowered  }
0x9b: {  	s22 =	simm.s32 $0x1BFF;
	s21 =	sshll.u32 s6, $0x1;
	s3 =	sadd.s32 s4, s19  }
0x9c: {  	s7 =	simm.s32 $0x0;
	s20 =	sshll.u32 s5, $0x1;
	s5 =	sadd.s32 s21, s3  }
0x9d: {  	[timem:s7], [sflag:s22] =	dma.local [hbm:s5], s20  }
0x9e: {  	_ =	swait.ge [sflag:s22], s20  }
0x9f: {  	s4 =	ssub.s32 $0x0, s20;
	[sflag:s22] =	ssyncset.done $0x0  }
0xa0: {  	[sflag:s22] =	ssyncadd.s32 s4;
	_ =	sdelay $0x1  }
0xa1: {  	s23 =	simm.s32 $0x1B8B  }
0xa2: {  	_ =	swait.ge [sflag:s23], $0x1  }
0xa3: {  	[sflag:s23] =	ssyncset.done $0x0  }
0xa4: {  	s25 =	simm.s32 $0x1B8E;
	s24 =	sld [smem:$0x3FFE];
	[sflag:s23] =	ssyncadd.s32 $0xFFFFFFFF  }
0xa5: {  	s26 =	simm.s32 $execute0_lowered;
	[smem:$0x3FD2] =	sst s25  }
0xa6: {  	s5 =	sshll.u32 s26, $0x1;
	_ =	strace $0x8000004C;
	[dreg:$0x1] =	wrdreg $0xFFFFFFFF  }
0xa7: {  	s28 =	simm.s32 $_size_execute0_lowered;
	s3 =	sadd.s32 s3, s5;
	[dreg:$0x0] =	wrdreg $0x0  }
0xa8: {  	s5 =	sshll.u32 s28, $0x1;
	[dreg:$0x2] =	wrdreg s3  }
0xa9: {  	[dreg:$0x3] =	wrdreg s5  }
0xaa: {  	[dreg:$0x4] =	wrdreg $0xC0  }
0xab: {  	_ =	task [dreg:s7], $0x5FFFF  }
0xac: {  	[dreg:$0x1] =	wrdreg $0xFFFFFFFF  }
0xad: {  	[dreg:$0x0] =	wrdreg $0x60  }
0xae: {  	[dreg:$0x2] =	wrdreg s2  }
0xaf: {  	[dreg:$0x3] =	wrdreg s24  }
0xb0: {  	[dreg:$0x4] =	wrdreg $0x88000  }
0xb1: {  	[dreg:$0x5] =	wrdreg $0x9  }
0xb2: {  	_ =	task.clear_ibuf [dreg:s7], $0x6FFFF;
	_ =	strace $0x9000004C  }
0xb3: {  	s29 =	simm.s32 $0x9;
	_ =	strace $0x8000004E  }
0xb4: {  	_ =	swait.ge [sflag:s29], $0x1  }
0xb5: {  	[sflag:s29] =	ssyncadd.s32 $0xFFFFFFFF  }
0xb6: {  	_ =	strace $0x9000004E  }
0xb7: {  	_ =	sfence  }
0xb8: {  	s30 =	sld [smem:$0x0];
	_ =	sdelay $0x2  }
0xb9: {  	s31 =	sshll.u32 s1, $0xD;
	s1 =	sshrl.u32 s1, $0x2  }
0xba: {  	s3 =	sand.u32 $0x4000, s31;
	s1 =	sadd.s32 s1, s30  }
0xbb: {  	s0 =	sor.u32 s3, s0;
	s1 =	sshll.u32 s1, $0x11  }
0xbc: {  	s0 =	sor.u32 s1, s0  }
0xbd: {  	s0 =	sadd.s32 $0x8F2B, s0  }
0xbe: {  	[sflag:s0] =	ssyncadd.remote.s32 $0x1  }
0xbf: {  	_ =	sfence.sel $0xFFFF  }
0xc0: {  	[dreg:$0x0] =	wrdreg $0xFFFFFFFF;
	(pc) =	sbr.abs _section_cstart, $3  }
0xc1: {  	[dreg:$0x1] =	wrdreg $0xFFFFFFFF  }
0xc2: {  	_ =	task.clear_ibuf [dreg:s7], $0x2FFFF;
	_ =	strace $0x9FFFFFFF  }
0xc3: {  	(tm) =	ssettm $0x7FFFFFFF  }
tec
execute0_lowered:
.L_overlay_start_1:
0x0: {  	(tag) =	ssettag $0x1  }
0x1: {  	s1 =	rddreg [dreg:$0x0];
	s0 =	srdreg.scid  }
0x2: {  	s2 =	rddreg [dreg:$0x1];
	s8 =	stileid.u32  }
0x3: {  	s3 =	rddreg [dreg:$0x2];
	s4 =	simm.s32 $0x0;
	s14 =	simm.s32 $0x800  }
0x4: {  	s15 =	simm.s32 $0x3;
	s16 =	simm.s32 $0x400;
	s6 =	smul.u32 $0x50, s8  }
0x5: {  	s17 =	simm.s32 $0x7D;
	s18 =	simm.s32 $0x1;
	s7 =	smul.u32 $0x2800, s8  }
0x6: {  	s28 =	simm.s32 $0x580;
	s0 =	sand.u32 $0x1, s0;
	s8 =	smul.u32 $0x50000, s8  }
0x7: {  	s29 =	simm.s32 $0x280;
	s30 =	simm.s32 $0x600;
	s5 =	smul.u32 $0x500, s0  }
0x8: {  	[smem:$0x7FF] =	sst s4;
	s19 =	smul.u32 $0x28000, s0;
	s0 =	ssub.s32 $0x2, s0  }
0x9: {  	s31 =	simm.s32 $0x300;
	_ =	strace $0x8000004D;
	s21 =	sshrl.u32 s0, $0x1  }
0xa: {  	s22 =	sshrl.u32 s8, $0x2;
	s8 =	simm.s32 $0x0;
	s5 =	sadd.s32 s6, s5  }
0xb: {  	s20 =	sadd.s32 s7, s19;
	s0 =	ssub.s32 s0, s21;
	s11 =	sadd.s32 s22, s3  }
0xc: {  	s19 =	simm.s32 $0x80;
	s21 =	simm.s32 $0x2;
	s22 =	simm.s32 $0x100  }
0xd: {  	s6 =	simm.s32 $0x700;
	s23 =	sadd.s32 $0x4000, s11;
	[dreg:$0x4] =	wrdreg s11  }
0xe: {  	s7 =	simm.s32 $0x780;
	s24 =	sadd.s32 $0x8000, s11;
	[dreg:$0x5] =	wrdreg s23  }
0xf: {  	s5 =	sshll.u32 s5, $0x4;
	s25 =	sadd.s32 $0xC000, s11;
	[dreg:$0x6] =	wrdreg s24  }
0x10: {  	s26 =	sadd.s32 $0x10000, s11;
	s0 =	smax.u32 s0, $0x1;
	[dreg:$0x7] =	wrdreg s25  }
0x11: {  	s9 =	sadd.s32 s5, s2;
	s2 =	sadd.s32 s20, s2;
	[dreg:$0x8] =	wrdreg s26  }
0x12: {  	[dreg:$0xa] =	wrdreg s0;
	s20 =	simm.s32 $0x4800;
	s23 =	simm.s32 $0x480  }
0x13: {  	s24 =	simm.s32 $0x180;
	s25 =	simm.s32 $0x500;
	s26 =	simm.s32 $0x200  }
0x14: {  	s0 =	simm.s32 $0x380;
	s2 =	sadd.s32 $0xF000, s2;
	s12 =	sadd.s32 $0x5000, s9  }
0x15: {  	v0 =	vimm.f32 $0.0e+00;
	s13 =	sadd.s32 $0x5F000, s9;
	[dreg:$0x9] =	wrdreg s2;
	s2 =	simm.s32 $0x680  }
.LBB2_1:
0x16: {  	s9 =	simm.s32 $0x0;
	s10 =	simm.s32 $0x200  }
.LBB2_2:
0x17: {  	p0 =	sne.s32 s10, $0xFE00;
	[tilespmem:s9+$0x870] =	vst v0  }
0x18: {  	[tilespmem:s9+$0x800] =	vst v0  }
0x19: {  	[tilespmem:s9+$0x810] =	vst v0  }
.Ltmp0:
0x1a: {  	[tilespmem:s9+$0x820] =	vst v0;
	(pc) =	sbr.rel @p0 .LBB2_2-.Ltmp0, $4  }
0x1b: {  	[tilespmem:s9+$0x830] =	vst v0  }
0x1c: {  	[tilespmem:s9+$0x840] =	vst v0  }
0x1d: {  	[tilespmem:s9+$0x850] =	vst v0  }
0x1e: {  	[tilespmem:s9+$0x860] =	vst v0;
	s9 =	sshra.s32 s10, $0x2;
	s10 =	sadd.s32 $0x200, s10  }
0x1f: {  	[tilespmem:s9+$0x870] =	vst v0  }
0x20: {  	[tilespmem:s9+$0x800] =	vst v0  }
0x21: {  	[tilespmem:s9+$0x810] =	vst v0  }
0x22: {  	[tilespmem:s9+$0x820] =	vst v0  }
0x23: {  	[tilespmem:s9+$0x830] =	vst v0  }
0x24: {  	[tilespmem:s9+$0x840] =	vst v0  }
0x25: {  	[tilespmem:s9+$0x850] =	vst v0  }
0x26: {  	[dreg:$0xb] =	wrdreg s8;
	[tilespmem:s9+$0x860] =	vst v0  }
0x27: {  	[spmem:s11] =	stream.linear.scatter [tilespmem:s14], [sflag:$0x3], $0x4000, $0x38;
	[tilespmem:$0x1C800] =	vst v63  }
0x28: {  	_ =	swait.ge [sflag:s15], $0x4000  }
0x29: {  	[sflag:s15] =	ssyncset.done $0x0  }
0x2a: {  	s5 =	rddreg [dreg:$0x5];
	[sflag:s15] =	ssyncadd.s32 $0xFFFFC000  }
0x2b: {  	[spmem:s5] =	stream.linear.scatter [tilespmem:s14], [sflag:$0x3], $0x4000, $0x38;
	[tilespmem:$0x1C800] =	vst v63  }
0x2c: {  	_ =	swait.ge [sflag:s15], $0x4000  }
0x2d: {  	[sflag:s15] =	ssyncset.done $0x0  }
0x2e: {  	s11 =	rddreg [dreg:$0x6];
	[sflag:s15] =	ssyncadd.s32 $0xFFFFC000  }
0x2f: {  	[spmem:s11] =	stream.linear.scatter [tilespmem:s14], [sflag:$0x3], $0x4000, $0x38;
	[tilespmem:$0x1C800] =	vst v63  }
0x30: {  	_ =	swait.ge [sflag:s15], $0x4000  }
0x31: {  	[sflag:s15] =	ssyncset.done $0x0  }
0x32: {  	s8 =	rddreg [dreg:$0x7];
	[sflag:s15] =	ssyncadd.s32 $0xFFFFC000  }
0x33: {  	[spmem:s8] =	stream.linear.scatter [tilespmem:s14], [sflag:$0x3], $0x4000, $0x38;
	[tilespmem:$0x1C800] =	vst v63  }
0x34: {  	_ =	swait.ge [sflag:s15], $0x4000  }
0x35: {  	[sflag:s15] =	ssyncset.done $0x0  }
0x36: {  	s9 =	rddreg [dreg:$0x8];
	[sflag:s15] =	ssyncadd.s32 $0xFFFFC000  }
0x37: {  	[spmem:s9] =	stream.linear.scatter [tilespmem:s14], [sflag:$0x3], $0x4000, $0x38;
	[tilespmem:$0x1C800] =	vst v63  }
0x38: {  	_ =	swait.ge [sflag:s15], $0x4000  }
0x39: {  	[sflag:s15] =	ssyncset.done $0x0  }
0x3a: {  	[sflag:s15] =	ssyncadd.s32 $0xFFFFC000  }
0x3b: {  	s10 =	sadd.s32 $0x0, s13;
	[bflag:$0x0] =	sbarrier.arrive $0xFFFF  }
0x3c: {  	[tilespmem:s4], [sflag:$0x3] =	stream.linear.gather [hbm4b:s10+s4], $0x400, $0x38;
	[tilespmem:$0x1C800] =	vst v63  }
0x3d: {  	_ =	swait.ge [sflag:s15], $0x400  }
0x3e: {  	[sflag:s15] =	ssyncset.done $0x0  }
0x3f: {  	s11 =	sadd.s32 $0x0, s12;
	[sflag:s15] =	ssyncadd.s32 $0xFFFFFC00  }
0x40: {  	[tilespmem:s16], [sflag:$0x3] =	stream.linear.gather [hbm4b:s11+s4], $0x400, $0x38;
	[tilespmem:$0x1C800] =	vst v63  }
0x41: {  	_ =	swait.ge [sflag:s15], $0x400  }
0x42: {  	[sflag:s15] =	ssyncset.done $0x0  }
0x43: {  	[sflag:s15] =	ssyncadd.s32 $0xFFFFFC00  }
0x44: {  	[tilespmem:s14], [sflag:$0x1] =	stream.indirect.gather [hbm4b:s1+s17], $0x80, s4, s17, $0xb8;
	[tilespmem:$0x1C800] =	vst v63  }
0x45: {  	_ =	swait.ge [sflag:s18], $0x3E80  }
0x46: {  	[sflag:s18] =	ssyncset.done $0x0  }
0x47: {  	[sflag:s18] =	ssyncadd.s32 $0xFFFFC180  }
0x48: {  	[tilespmem:s20], [sflag:$0x2] =	stream.indirect.gather [hbm4b:s1+s17], $0x80, s19, s17, $0xb8;
	[tilespmem:$0x1C800] =	vst v63  }
0x49: {  	_ = 	snop  }
0x4a: {  	[spmem:s3] =	stream.indirect.scatter.add.f32 [tilespmem:s14], [sflag:$0x3], $0x80, s16, s17, $0xb8;
	[tilespmem:$0x1C800] =	vst v63  }
0x4b: {  	_ =	swait.ge [sflag:s15], $0x3E80  }
0x4c: {  	[sflag:s15] =	ssyncset.done $0x0  }
0x4d: {  	[sflag:s15] =	ssyncadd.s32 $0xFFFFC180  }
0x4e: {  	_ =	swait.ge [sflag:s21], $0x3E80  }
0x4f: {  	[sflag:s21] =	ssyncset.done $0x0  }
0x50: {  	[sflag:s21] =	ssyncadd.s32 $0xFFFFC180  }
0x51: {  	[tilespmem:s14], [sflag:$0x1] =	stream.indirect.gather [hbm4b:s1+s17], $0x80, s22, s17, $0xb8;
	[tilespmem:$0x1C800] =	vst v63  }
0x52: {  	_ = 	snop  }
0x53: {  	[spmem:s3] =	stream.indirect.scatter.add.f32 [tilespmem:s20], [sflag:$0x3], $0x80, s23, s17, $0xb8;
	[tilespmem:$0x1C800] =	vst v63  }
0x54: {  	_ =	swait.ge [sflag:s15], $0x3E80  }
0x55: {  	[sflag:s15] =	ssyncset.done $0x0  }
0x56: {  	[sflag:s15] =	ssyncadd.s32 $0xFFFFC180  }
0x57: {  	_ =	swait.ge [sflag:s18], $0x3E80  }
0x58: {  	[sflag:s18] =	ssyncset.done $0x0  }
0x59: {  	[sflag:s18] =	ssyncadd.s32 $0xFFFFC180  }
0x5a: {  	[tilespmem:s20], [sflag:$0x2] =	stream.indirect.gather [hbm4b:s1+s17], $0x80, s24, s17, $0xb8;
	[tilespmem:$0x1C800] =	vst v63  }
0x5b: {  	_ = 	snop  }
0x5c: {  	[spmem:s3] =	stream.indirect.scatter.add.f32 [tilespmem:s14], [sflag:$0x3], $0x80, s25, s17, $0xb8;
	[tilespmem:$0x1C800] =	vst v63  }
0x5d: {  	_ =	swait.ge [sflag:s15], $0x3E80  }
0x5e: {  	[sflag:s15] =	ssyncset.done $0x0  }
0x5f: {  	[sflag:s15] =	ssyncadd.s32 $0xFFFFC180  }
0x60: {  	_ =	swait.ge [sflag:s21], $0x3E80  }
0x61: {  	[sflag:s21] =	ssyncset.done $0x0  }
0x62: {  	[sflag:s21] =	ssyncadd.s32 $0xFFFFC180  }
0x63: {  	[tilespmem:s14], [sflag:$0x1] =	stream.indirect.gather [hbm4b:s1+s17], $0x80, s26, s17, $0xb8;
	[tilespmem:$0x1C800] =	vst v63  }
0x64: {  	_ = 	snop  }
0x65: {  	[spmem:s3] =	stream.indirect.scatter.add.f32 [tilespmem:s20], [sflag:$0x3], $0x80, s28, s17, $0xb8;
	[tilespmem:$0x1C800] =	vst v63  }
0x66: {  	_ =	swait.ge [sflag:s15], $0x3E80  }
0x67: {  	[sflag:s15] =	ssyncset.done $0x0  }
0x68: {  	[sflag:s15] =	ssyncadd.s32 $0xFFFFC180  }
0x69: {  	_ =	swait.ge [sflag:s18], $0x3E80  }
0x6a: {  	[sflag:s18] =	ssyncset.done $0x0  }
0x6b: {  	[sflag:s18] =	ssyncadd.s32 $0xFFFFC180  }
0x6c: {  	[tilespmem:s20], [sflag:$0x2] =	stream.indirect.gather [hbm4b:s1+s17], $0x80, s29, s17, $0xb8;
	[tilespmem:$0x1C800] =	vst v63  }
0x6d: {  	_ = 	snop  }
0x6e: {  	[spmem:s3] =	stream.indirect.scatter.add.f32 [tilespmem:s14], [sflag:$0x3], $0x80, s30, s17, $0xb8;
	[tilespmem:$0x1C800] =	vst v63  }
0x6f: {  	_ =	swait.ge [sflag:s15], $0x3E80  }
0x70: {  	[sflag:s15] =	ssyncset.done $0x0  }
0x71: {  	[sflag:s15] =	ssyncadd.s32 $0xFFFFC180  }
0x72: {  	_ =	swait.ge [sflag:s21], $0x3E80  }
0x73: {  	[sflag:s21] =	ssyncset.done $0x0  }
0x74: {  	[sflag:s21] =	ssyncadd.s32 $0xFFFFC180  }
0x75: {  	[tilespmem:s14], [sflag:$0x1] =	stream.indirect.gather [hbm4b:s1+s17], $0x80, s31, s17, $0xb8;
	[tilespmem:$0x1C800] =	vst v63  }
0x76: {  	_ = 	snop  }
0x77: {  	[spmem:s3] =	stream.indirect.scatter.add.f32 [tilespmem:s20], [sflag:$0x3], $0x80, s2, s17, $0xb8;
	[tilespmem:$0x1C800] =	vst v63  }
0x78: {  	_ =	swait.ge [sflag:s15], $0x3E80  }
0x79: {  	[sflag:s15] =	ssyncset.done $0x0  }
0x7a: {  	[sflag:s15] =	ssyncadd.s32 $0xFFFFC180  }
0x7b: {  	_ =	swait.ge [sflag:s18], $0x3E80  }
0x7c: {  	[sflag:s18] =	ssyncset.done $0x0  }
0x7d: {  	[sflag:s18] =	ssyncadd.s32 $0xFFFFC180  }
0x7e: {  	[tilespmem:s20], [sflag:$0x2] =	stream.indirect.gather [hbm4b:s1+s17], $0x80, s0, s17, $0xb8;
	[tilespmem:$0x1C800] =	vst v63  }
0x7f: {  	_ = 	snop  }
0x80: {  	[spmem:s3] =	stream.indirect.scatter.add.f32 [tilespmem:s14], [sflag:$0x3], $0x80, s6, s17, $0xb8;
	[tilespmem:$0x1C800] =	vst v63  }
0x81: {  	_ =	swait.ge [sflag:s15], $0x3E80  }
0x82: {  	[sflag:s15] =	ssyncset.done $0x0  }
0x83: {  	[sflag:s15] =	ssyncadd.s32 $0xFFFFC180  }
0x84: {  	_ =	swait.ge [sflag:s21], $0x3E80  }
0x85: {  	[sflag:s21] =	ssyncset.done $0x0  }
0x86: {  	[sflag:s21] =	ssyncadd.s32 $0xFFFFC180  }
0x87: {  	[spmem:s3] =	stream.indirect.scatter.add.f32 [tilespmem:s20], [sflag:$0x3], $0x80, s7, s17, $0xb8;
	[tilespmem:$0x1C800] =	vst v63  }
0x88: {  	_ =	swait.ge [sflag:s15], $0x3E80  }
0x89: {  	s9 =	simm.s32 $0x80;
	s10 =	simm.s32 $0x100;
	[sflag:s15] =	ssyncset.done $0x0  }
.LBB2_4:
0x8a: {  	s5 =	sadd.s32 s9, s13  }
0x8b: {  	[sflag:s15] =	ssyncadd.s32 $0xFFFFC180;
	s8 =	smov.u32 s10;
	s11 =	sadd.s32 $0x80, s10  }
0x8c: {  	[tilespmem:s4], [sflag:$0x3] =	stream.linear.gather [hbm4b:s5+s4], $0x400, $0x38;
	[tilespmem:$0x1C800] =	vst v63  }
0x8d: {  	p0 =	sne.s32 s10, $0x480;
	_ =	swait.ge [sflag:s15], $0x400  }
0x8e: {  	[sflag:s15] =	ssyncset.done $0x0  }
0x8f: {  	s5 =	sadd.s32 s9, s12;
	s9 =	smov.u32 s8;
	[sflag:s15] =	ssyncadd.s32 $0xFFFFFC00  }
0x90: {  	[tilespmem:s16], [sflag:$0x3] =	stream.linear.gather [hbm4b:s5+s4], $0x400, $0x38;
	[tilespmem:$0x1C800] =	vst v63  }
0x91: {  	_ =	swait.ge [sflag:s15], $0x400  }
0x92: {  	[sflag:s15] =	ssyncset.done $0x0  }
0x93: {  	[sflag:s15] =	ssyncadd.s32 $0xFFFFFC00  }
0x94: {  	[tilespmem:s14], [sflag:$0x1] =	stream.indirect.gather [hbm4b:s1+s17], $0x80, s4, s17, $0xb8;
	[tilespmem:$0x1C800] =	vst v63  }
0x95: {  	_ =	swait.ge [sflag:s18], $0x3E80  }
0x96: {  	[sflag:s18] =	ssyncset.done $0x0  }
0x97: {  	[sflag:s18] =	ssyncadd.s32 $0xFFFFC180  }
0x98: {  	[tilespmem:s20], [sflag:$0x2] =	stream.indirect.gather [hbm4b:s1+s17], $0x80, s19, s17, $0xb8;
	[tilespmem:$0x1C800] =	vst v63  }
0x99: {  	_ = 	snop  }
0x9a: {  	[spmem:s3] =	stream.indirect.scatter.add.f32 [tilespmem:s14], [sflag:$0x3], $0x80, s16, s17, $0xb8;
	[tilespmem:$0x1C800] =	vst v63  }
0x9b: {  	_ =	swait.ge [sflag:s15], $0x3E80  }
0x9c: {  	[sflag:s15] =	ssyncset.done $0x0  }
0x9d: {  	[sflag:s15] =	ssyncadd.s32 $0xFFFFC180  }
0x9e: {  	_ =	swait.ge [sflag:s21], $0x3E80  }
0x9f: {  	[sflag:s21] =	ssyncset.done $0x0  }
0xa0: {  	[sflag:s21] =	ssyncadd.s32 $0xFFFFC180  }
0xa1: {  	[tilespmem:s14], [sflag:$0x1] =	stream.indirect.gather [hbm4b:s1+s17], $0x80, s22, s17, $0xb8;
	[tilespmem:$0x1C800] =	vst v63  }
0xa2: {  	_ = 	snop  }
0xa3: {  	[spmem:s3] =	stream.indirect.scatter.add.f32 [tilespmem:s20], [sflag:$0x3], $0x80, s23, s17, $0xb8;
	[tilespmem:$0x1C800] =	vst v63  }
0xa4: {  	_ =	swait.ge [sflag:s15], $0x3E80  }
0xa5: {  	[sflag:s15] =	ssyncset.done $0x0  }
0xa6: {  	[sflag:s15] =	ssyncadd.s32 $0xFFFFC180  }
0xa7: {  	_ =	swait.ge [sflag:s18], $0x3E80  }
0xa8: {  	[sflag:s18] =	ssyncset.done $0x0  }
0xa9: {  	[sflag:s18] =	ssyncadd.s32 $0xFFFFC180  }
0xaa: {  	[tilespmem:s20], [sflag:$0x2] =	stream.indirect.gather [hbm4b:s1+s17], $0x80, s24, s17, $0xb8;
	[tilespmem:$0x1C800] =	vst v63  }
0xab: {  	_ = 	snop  }
0xac: {  	[spmem:s3] =	stream.indirect.scatter.add.f32 [tilespmem:s14], [sflag:$0x3], $0x80, s25, s17, $0xb8;
	[tilespmem:$0x1C800] =	vst v63  }
0xad: {  	_ =	swait.ge [sflag:s15], $0x3E80  }
0xae: {  	[sflag:s15] =	ssyncset.done $0x0  }
0xaf: {  	[sflag:s15] =	ssyncadd.s32 $0xFFFFC180  }
0xb0: {  	_ =	swait.ge [sflag:s21], $0x3E80  }
0xb1: {  	[sflag:s21] =	ssyncset.done $0x0  }
0xb2: {  	[sflag:s21] =	ssyncadd.s32 $0xFFFFC180  }
0xb3: {  	[tilespmem:s14], [sflag:$0x1] =	stream.indirect.gather [hbm4b:s1+s17], $0x80, s26, s17, $0xb8;
	[tilespmem:$0x1C800] =	vst v63  }
0xb4: {  	_ = 	snop  }
0xb5: {  	[spmem:s3] =	stream.indirect.scatter.add.f32 [tilespmem:s20], [sflag:$0x3], $0x80, s28, s17, $0xb8;
	[tilespmem:$0x1C800] =	vst v63  }
0xb6: {  	_ =	swait.ge [sflag:s15], $0x3E80  }
0xb7: {  	[sflag:s15] =	ssyncset.done $0x0  }
0xb8: {  	[sflag:s15] =	ssyncadd.s32 $0xFFFFC180  }
0xb9: {  	_ =	swait.ge [sflag:s18], $0x3E80  }
0xba: {  	[sflag:s18] =	ssyncset.done $0x0  }
0xbb: {  	[sflag:s18] =	ssyncadd.s32 $0xFFFFC180  }
0xbc: {  	[tilespmem:s20], [sflag:$0x2] =	stream.indirect.gather [hbm4b:s1+s17], $0x80, s29, s17, $0xb8;
	[tilespmem:$0x1C800] =	vst v63  }
0xbd: {  	_ = 	snop  }
0xbe: {  	[spmem:s3] =	stream.indirect.scatter.add.f32 [tilespmem:s14], [sflag:$0x3], $0x80, s30, s17, $0xb8;
	[tilespmem:$0x1C800] =	vst v63  }
0xbf: {  	_ =	swait.ge [sflag:s15], $0x3E80  }
0xc0: {  	[sflag:s15] =	ssyncset.done $0x0  }
0xc1: {  	[sflag:s15] =	ssyncadd.s32 $0xFFFFC180  }
0xc2: {  	_ =	swait.ge [sflag:s21], $0x3E80  }
0xc3: {  	[sflag:s21] =	ssyncset.done $0x0  }
0xc4: {  	[sflag:s21] =	ssyncadd.s32 $0xFFFFC180  }
0xc5: {  	[tilespmem:s14], [sflag:$0x1] =	stream.indirect.gather [hbm4b:s1+s17], $0x80, s31, s17, $0xb8;
	[tilespmem:$0x1C800] =	vst v63  }
0xc6: {  	_ = 	snop  }
0xc7: {  	[spmem:s3] =	stream.indirect.scatter.add.f32 [tilespmem:s20], [sflag:$0x3], $0x80, s2, s17, $0xb8;
	[tilespmem:$0x1C800] =	vst v63  }
0xc8: {  	_ =	swait.ge [sflag:s15], $0x3E80  }
0xc9: {  	[sflag:s15] =	ssyncset.done $0x0  }
0xca: {  	[sflag:s15] =	ssyncadd.s32 $0xFFFFC180  }
0xcb: {  	_ =	swait.ge [sflag:s18], $0x3E80  }
0xcc: {  	[sflag:s18] =	ssyncset.done $0x0  }
0xcd: {  	[sflag:s18] =	ssyncadd.s32 $0xFFFFC180  }
0xce: {  	[tilespmem:s20], [sflag:$0x2] =	stream.indirect.gather [hbm4b:s1+s17], $0x80, s0, s17, $0xb8;
	[tilespmem:$0x1C800] =	vst v63  }
0xcf: {  	_ = 	snop  }
0xd0: {  	[spmem:s3] =	stream.indirect.scatter.add.f32 [tilespmem:s14], [sflag:$0x3], $0x80, s6, s17, $0xb8;
	[tilespmem:$0x1C800] =	vst v63  }
0xd1: {  	_ =	swait.ge [sflag:s15], $0x3E80  }
0xd2: {  	[sflag:s15] =	ssyncset.done $0x0  }
0xd3: {  	[sflag:s15] =	ssyncadd.s32 $0xFFFFC180  }
0xd4: {  	_ =	swait.ge [sflag:s21], $0x3E80  }
.Ltmp1:
0xd5: {  	[sflag:s21] =	ssyncset.done $0x0;
	(pc) =	sbr.rel @p0 .LBB2_4-.Ltmp1, $4  }
0xd6: {  	[sflag:s21] =	ssyncadd.s32 $0xFFFFC180  }
0xd7: {  	[spmem:s3] =	stream.indirect.scatter.add.f32 [tilespmem:s20], [sflag:$0x3], $0x80, s7, s17, $0xb8;
	[tilespmem:$0x1C800] =	vst v63  }
0xd8: {  	_ =	swait.ge [sflag:s15], $0x3E80  }
0xd9: {  	s10 =	smov.u32 s11;
	[sflag:s15] =	ssyncset.done $0x0  }
0xda: {  	s5 =	sadd.s32 s9, s13;
	[sflag:s15] =	ssyncadd.s32 $0xFFFFC180  }
0xdb: {  	[tilespmem:s4], [sflag:$0x3] =	stream.linear.gather [hbm4b:s5+s4], $0x400, $0x38;
	[tilespmem:$0x1C800] =	vst v63  }
0xdc: {  	_ =	swait.ge [sflag:s15], $0x400  }
0xdd: {  	[sflag:s15] =	ssyncset.done $0x0  }
0xde: {  	s8 =	sadd.s32 s9, s12;
	[sflag:s15] =	ssyncadd.s32 $0xFFFFFC00  }
0xdf: {  	[tilespmem:s16], [sflag:$0x3] =	stream.linear.gather [hbm4b:s8+s4], $0x400, $0x38;
	[tilespmem:$0x1C800] =	vst v63  }
0xe0: {  	_ =	swait.ge [sflag:s15], $0x400  }
0xe1: {  	[sflag:s15] =	ssyncset.done $0x0  }
0xe2: {  	[sflag:s15] =	ssyncadd.s32 $0xFFFFFC00  }
0xe3: {  	[tilespmem:s14], [sflag:$0x1] =	stream.indirect.gather [hbm4b:s1+s17], $0x80, s4, s17, $0xb8;
	[tilespmem:$0x1C800] =	vst v63  }
0xe4: {  	_ =	swait.ge [sflag:s18], $0x3E80  }
0xe5: {  	[sflag:s18] =	ssyncset.done $0x0  }
0xe6: {  	[sflag:s18] =	ssyncadd.s32 $0xFFFFC180  }
0xe7: {  	[tilespmem:s20], [sflag:$0x2] =	stream.indirect.gather [hbm4b:s1+s17], $0x80, s19, s17, $0xb8;
	[tilespmem:$0x1C800] =	vst v63  }
0xe8: {  	_ = 	snop  }
0xe9: {  	[spmem:s3] =	stream.indirect.scatter.add.f32 [tilespmem:s14], [sflag:$0x3], $0x80, s16, s17, $0xb8;
	[tilespmem:$0x1C800] =	vst v63  }
0xea: {  	_ =	swait.ge [sflag:s15], $0x3E80  }
0xeb: {  	[sflag:s15] =	ssyncset.done $0x0  }
0xec: {  	[sflag:s15] =	ssyncadd.s32 $0xFFFFC180  }
0xed: {  	_ =	swait.ge [sflag:s21], $0x3E80  }
0xee: {  	[sflag:s21] =	ssyncset.done $0x0  }
0xef: {  	[sflag:s21] =	ssyncadd.s32 $0xFFFFC180  }
0xf0: {  	[tilespmem:s14], [sflag:$0x1] =	stream.indirect.gather [hbm4b:s1+s17], $0x80, s22, s17, $0xb8;
	[tilespmem:$0x1C800] =	vst v63  }
0xf1: {  	_ = 	snop  }
0xf2: {  	[spmem:s3] =	stream.indirect.scatter.add.f32 [tilespmem:s20], [sflag:$0x3], $0x80, s23, s17, $0xb8;
	[tilespmem:$0x1C800] =	vst v63  }
0xf3: {  	_ =	swait.ge [sflag:s15], $0x3E80  }
0xf4: {  	[sflag:s15] =	ssyncset.done $0x0  }
0xf5: {  	[sflag:s15] =	ssyncadd.s32 $0xFFFFC180  }
0xf6: {  	_ =	swait.ge [sflag:s18], $0x3E80  }
0xf7: {  	[sflag:s18] =	ssyncset.done $0x0  }
0xf8: {  	[sflag:s18] =	ssyncadd.s32 $0xFFFFC180  }
0xf9: {  	[tilespmem:s20], [sflag:$0x2] =	stream.indirect.gather [hbm4b:s1+s17], $0x80, s24, s17, $0xb8;
	[tilespmem:$0x1C800] =	vst v63  }
0xfa: {  	_ = 	snop  }
0xfb: {  	[spmem:s3] =	stream.indirect.scatter.add.f32 [tilespmem:s14], [sflag:$0x3], $0x80, s25, s17, $0xb8;
	[tilespmem:$0x1C800] =	vst v63  }
0xfc: {  	_ =	swait.ge [sflag:s15], $0x3E80  }
0xfd: {  	[sflag:s15] =	ssyncset.done $0x0  }
0xfe: {  	[sflag:s15] =	ssyncadd.s32 $0xFFFFC180  }
0xff: {  	_ =	swait.ge [sflag:s21], $0x3E80  }
0x100: {  	[sflag:s21] =	ssyncset.done $0x0  }
0x101: {  	[sflag:s21] =	ssyncadd.s32 $0xFFFFC180  }
0x102: {  	[tilespmem:s14], [sflag:$0x1] =	stream.indirect.gather [hbm4b:s1+s17], $0x80, s26, s17, $0xb8;
	[tilespmem:$0x1C800] =	vst v63  }
0x103: {  	_ = 	snop  }
0x104: {  	[spmem:s3] =	stream.indirect.scatter.add.f32 [tilespmem:s20], [sflag:$0x3], $0x80, s28, s17, $0xb8;
	[tilespmem:$0x1C800] =	vst v63  }
0x105: {  	_ =	swait.ge [sflag:s15], $0x3E80  }
0x106: {  	[sflag:s15] =	ssyncset.done $0x0  }
0x107: {  	[sflag:s15] =	ssyncadd.s32 $0xFFFFC180  }
0x108: {  	_ =	swait.ge [sflag:s18], $0x3E80  }
0x109: {  	[sflag:s18] =	ssyncset.done $0x0  }
0x10a: {  	[sflag:s18] =	ssyncadd.s32 $0xFFFFC180  }
0x10b: {  	[tilespmem:s20], [sflag:$0x2] =	stream.indirect.gather [hbm4b:s1+s17], $0x80, s29, s17, $0xb8;
	[tilespmem:$0x1C800] =	vst v63  }
0x10c: {  	_ = 	snop  }
0x10d: {  	[spmem:s3] =	stream.indirect.scatter.add.f32 [tilespmem:s14], [sflag:$0x3], $0x80, s30, s17, $0xb8;
	[tilespmem:$0x1C800] =	vst v63  }
0x10e: {  	_ =	swait.ge [sflag:s15], $0x3E80  }
0x10f: {  	[sflag:s15] =	ssyncset.done $0x0  }
0x110: {  	[sflag:s15] =	ssyncadd.s32 $0xFFFFC180  }
0x111: {  	_ =	swait.ge [sflag:s21], $0x3E80  }
0x112: {  	[sflag:s21] =	ssyncset.done $0x0  }
0x113: {  	[sflag:s21] =	ssyncadd.s32 $0xFFFFC180  }
0x114: {  	[tilespmem:s14], [sflag:$0x1] =	stream.indirect.gather [hbm4b:s1+s17], $0x80, s31, s17, $0xb8;
	[tilespmem:$0x1C800] =	vst v63  }
0x115: {  	_ = 	snop  }
0x116: {  	[spmem:s3] =	stream.indirect.scatter.add.f32 [tilespmem:s20], [sflag:$0x3], $0x80, s2, s17, $0xb8;
	[tilespmem:$0x1C800] =	vst v63  }
0x117: {  	_ =	swait.ge [sflag:s15], $0x3E80  }
0x118: {  	[sflag:s15] =	ssyncset.done $0x0  }
0x119: {  	[sflag:s15] =	ssyncadd.s32 $0xFFFFC180  }
0x11a: {  	_ =	swait.ge [sflag:s18], $0x3E80  }
0x11b: {  	[sflag:s18] =	ssyncset.done $0x0  }
0x11c: {  	[sflag:s18] =	ssyncadd.s32 $0xFFFFC180  }
0x11d: {  	[tilespmem:s20], [sflag:$0x2] =	stream.indirect.gather [hbm4b:s1+s17], $0x80, s0, s17, $0xb8;
	[tilespmem:$0x1C800] =	vst v63  }
0x11e: {  	_ = 	snop  }
0x11f: {  	[spmem:s3] =	stream.indirect.scatter.add.f32 [tilespmem:s14], [sflag:$0x3], $0x80, s6, s17, $0xb8;
	[tilespmem:$0x1C800] =	vst v63  }
0x120: {  	_ =	swait.ge [sflag:s15], $0x3E80  }
0x121: {  	[sflag:s15] =	ssyncset.done $0x0  }
0x122: {  	[sflag:s15] =	ssyncadd.s32 $0xFFFFC180  }
0x123: {  	_ =	swait.ge [sflag:s21], $0x3E80  }
0x124: {  	[sflag:s21] =	ssyncset.done $0x0  }
0x125: {  	[sflag:s21] =	ssyncadd.s32 $0xFFFFC180  }
0x126: {  	[spmem:s3] =	stream.indirect.scatter.add.f32 [tilespmem:s20], [sflag:$0x3], $0x80, s7, s17, $0xb8;
	[tilespmem:$0x1C800] =	vst v63  }
0x127: {  	_ =	swait.ge [sflag:s15], $0x3E80  }
0x128: {  	[sflag:s15] =	ssyncset.done $0x0  }
0x129: {  	[sflag:s15] =	ssyncadd.s32 $0xFFFFC180  }
0x12a: {  	s9 =	stileid.u32;
	[bflag:$0x0] =	sbarrier.arrive $0xFFFF  }
0x12b: {  	s5 =	sshll.u32 s9, $0x6;
	s11 =	rddreg [dreg:$0x4]  }
0x12c: {  	s5 =	sor.u32 $0x1C03, s5;
	s10 =	rddreg [dreg:$0x9];
	s8 =	sshrl.u32 s11, $0x3  }
0x12d: {  	[hbm:s10], [sflag:s5] =	dma.local [spmem:s8], $0x2800  }
0x12e: {  	_ =	swait.ge [sflag:s15], $0x2800  }
0x12f: {  	s9 =	rddreg [dreg:$0xb]  }
0x130: {  	s10 =	rddreg [dreg:$0xa];
	s8 =	sadd.s32 $0x1, s9  }
0x131: {  	p0 =	sne.s32 s8, s10  }
.Ltmp2:
0x132: {  	_ = 	snop;
	(pc) =	sbr.rel @p0 .LBB2_1-.Ltmp2, $3  }
0x133: {  	_ =	sdelay $0x1  }
0x134: {  	[sflag:s15] =	ssyncset.done $0x0  }
0x135: {  	[sflag:s15] =	ssyncadd.s32 $0xFFFFD800  }
0x136: {  	_ =	sfence.sel $0x180000  }
0x137: {  	[bflag:$0x0] =	sbarrier.arrive $0xFFFF  }
0x138: {  	_ =	strace $0x9000004D  }
0x139: {  	s0 =	stileid.u32;
	[bflag:$0x2] =	sbarrier.arrive $0xFFFF  }
0x13a: {  	p0 =	sne.s32 s0, $0x0;
	s0 =	rddreg [dreg:$0x3]  }
0x13b: {  	s0 =	sadd.s32 @!p0 $0x100000, s0  }
0x13c: {  	[sflag:s0] =	ssyncadd.tile.s32 @!p0 $0x1;
	_ =	shalt  }
.Lfunc_end2:
_tile_overlayer_lowered:
.L_overlay_start_2:
0x13d: {  	(tag) =	ssettag $0x2  }
0x13e: {  	s0 =	rddreg [dreg:$0x0];
	s2 =	stileid.u32  }
0x13f: {  	s1 =	rddreg [dreg:$0x1];
	p0 =	sne.s32 s2, $0x0  }
0x140: {  	s3 =	rddreg [dreg:$0x2];
	[bflag:$0x3] =	sbarrier.arrive $0xFFFF;
	s2 =	simm.s32 @!p0 $0x1C03  }
0x141: {  	[timem:s3], [sflag:s2] =	dma.local @!p0 [hbm:s0], s1  }
0x142: {  	s0 =	simm.s32 @!p0 $0x3  }
0x143: {  	_ =	swait.ge @!p0 [sflag:s0], s1  }
0x144: {  	s1 =	ssub.s32 @!p0 $0x0, s1;
	[sflag:s0] =	ssyncset.done @!p0 $0x0  }
0x145: {  	[sflag:s0] =	ssyncadd.s32 @!p0 s1  }
0x146: {  	[bflag:$0x3] =	sbarrier.arrive $0xFFFF  }
0x147: {  	_ =	shalt  }

// kernel: kernel.20.cloned.1.call-start
scs
__scs_entry_jumppad:
0x0: {  	(pc) =	sbr.rel $0x88, $3  }
0x1: {  	(tag) =	ssettag $0x0;
	lr =	simm.s32 $0x1  }
0x2: {  	[smem:$0x3F93] =	sst lr;
	_ =	strace $0xD0000000  }
0x3: {  	_ = 	snop  }
0x4: {  	_ = 	snop  }
0x5: {  	_ = 	snop  }
0x6: {  	_ = 	snop  }
0x7: {  	_ = 	snop  }
__scs_overlays_trampoline_lowered:
0x8: {  	[smem:$0x3FA2] =	sst s0  }
0x9: {  	[smem:$0x3FA3] =	sst s1  }
0xa: {  	[smem:$0x3FA4] =	sst s2  }
0xb: {  	[smem:$0x3FA5] =	sst s3  }
0xc: {  	[smem:$0x3FA6] =	sst s4  }
0xd: {  	[smem:$0x3FA7] =	sst s5  }
0xe: {  	[smem:$0x3FA8] =	sst s6  }
0xf: {  	[smem:$0x3FA9] =	sst s7  }
0x10: {  	[smem:$0x3FAA] =	sst s8  }
0x11: {  	[smem:$0x3FAB] =	sst s9;
	s0 =	simm.s32 @!p0 $0x0  }
0x12: {  	s1 =	sld [smem:$0x3F91];
	s0 =	simm.s32 @p0 $0x1  }
0x13: {  	[smem:$0x3FAC] =	sst s0;
	s0 =	simm.s32 @!p1 $0x0  }
0x14: {  	s2 =	sld [smem:$0x3F90];
	s0 =	simm.s32 @p1 $0x1  }
0x15: {  	[smem:$0x3FAD] =	sst s0;
	s0 =	simm.s32 @!p2 $0x0  }
0x16: {  	s3 =	sld [smem:$0x3FDB];
	s0 =	simm.s32 @p2 $0x1  }
0x17: {  	s4 =	simm.s32 $0x1BF5;
	[smem:$0x3FAF] =	sst s0  }
0x18: {  	s0 =	sld [smem:$0x3F92];
	_ =	swait.ge [sflag:s4], $0x0  }
0x19: {  	s7 =	sld [smem:$0x3F93]  }
0x1a: {  	s8 =	sadd.s32 $0xFFFFE003, lr  }
0x1b: {  	s9 =	sadd.s32 $0xFFFFFEF7, lr;
	s5 =	simm.s32 $0xFFFFFFFF;
	p2 =	slt.u32 s8, $0xFFFFF086  }
0x1c: {  	p1 =	slt.u32 s9, $0xF7A;
	s5 =	simm.s32 @!p2 $0x0  }
0x1d: {  	s5 =	simm.s32 @p1 $0x1;
	p0 =	seq.s32 s7, s2  }
0x1e: {  	s7 =	smul.u32 @!p0 $0xF7A, s2;
	p2 =	seq.s32 @!p0 s5, $0x0  }
0x1f: {  	s9 =	smul.u32 $0xF7A, s1;
	s8 =	simm.s32 @!p0 $0x1BF5;
	p2 =	por !p2, p0  }
0x20: {  	[sflag:s8] =	ssyncset.s32 @!p0 $0xFFFFF086;
	s6 =	sadd.s32 @!p0 s3, s7;
	s7 =	simm.s32 @!p0 $0x108  }
0x21: {  	s3 =	sadd.s32 s3, s9;
	s6 =	sadd.s32 @!p0 $0x88, s6;
	s7 =	simm.s32 @p2 $0x1082  }
0x22: {  	[simem:s7], [sflag:s8] =	dma.local @!p0 [hbm:s6], $0xF7A  }
0x23: {  	s9 =	sor.u32 $0xD0000000, s2;
	s6 =	simm.s32 $0x108;
	_ =	swait.ge @!p0 [sflag:s8], $0x0  }
0x24: {  	s3 =	sadd.s32 $0x88, s3;
	s6 =	simm.s32 @!p1 $0x1082;
	[sflag:s4] =	ssyncset.s32 $0xFFFFF086  }
0x25: {  	[simem:s6], [sflag:s4] =	dma.local [hbm:s3], $0xF7A  }
0x26: {  	[smem:$0x3F93] =	sst s1;
	(tag) =	ssettag s2;
	_ =	strace s9  }
0x27: {  	s1 =	sld [smem:$0x3FA3]  }
0x28: {  	s2 =	sld [smem:$0x3FA4]  }
0x29: {  	s4 =	sld [smem:$0x3FA6]  }
0x2a: {  	p0 =	seq.s32 s5, $0x0;
	s5 =	sld [smem:$0x3FA7]  }
0x2b: {  	s6 =	sld [smem:$0x3FA8]  }
0x2c: {  	s7 =	sld [smem:$0x3FA9]  }
0x2d: {  	s3 =	simm.s32 $0x108;
	s8 =	sld [smem:$0x3FAA]  }
0x2e: {  	s3 =	simm.s32 @!p0 $0x1082;
	s9 =	sld [smem:$0x3FAB]  }
0x2f: {  	lr =	sadd.s32 s0, s3;
	s0 =	sld [smem:$0x3FA2]  }
0x30: {  	s3 =	sld [smem:$0x3FA5]  }
0x31: {  	[smem:$0x3FAE] =	sst s10  }
0x32: {  	s10 =	sld [smem:$0x3FAC];
	_ =	sdelay $0x3  }
0x33: {  	p0 =	seq.s32 s10, $0x1;
	s10 =	sld [smem:$0x3FAE];
	_ =	sdelay $0x3  }
0x34: {  	[smem:$0x3FAE] =	sst s10  }
0x35: {  	s10 =	sld [smem:$0x3FAD];
	_ =	sdelay $0x3  }
0x36: {  	p1 =	seq.s32 s10, $0x1;
	s10 =	sld [smem:$0x3FAE];
	_ =	sdelay $0x3  }
0x37: {  	[smem:$0x3FAE] =	sst s10  }
0x38: {  	s10 =	sld [smem:$0x3FAF]  }
0x39: {  	_ = 	snop;
	(pc) =	sbr.ind lr, $3  }
0x3a: {  	_ = 	snop  }
0x3b: {  	_ = 	snop  }
0x3c: {  	p2 =	seq.s32 s10, $0x1;
	s10 =	sld [smem:$0x3FAE]  }
0x3d: {  	_ =	shalt  }
0x3e: {  	_ =	shalt  }
0x3f: {  	_ =	shalt  }
0x40: {  	_ =	shalt  }
0x41: {  	_ =	shalt  }
0x42: {  	_ =	shalt  }
0x43: {  	_ =	shalt  }
0x44: {  	_ =	shalt  }
0x45: {  	_ =	shalt  }
0x46: {  	_ =	shalt  }
0x47: {  	_ =	shalt  }
0x48: {  	_ =	shalt  }
0x49: {  	_ =	shalt  }
0x4a: {  	_ =	shalt  }
0x4b: {  	_ =	shalt  }
0x4c: {  	_ =	shalt  }
0x4d: {  	_ =	shalt  }
0x4e: {  	_ =	shalt  }
0x4f: {  	_ =	shalt  }
0x50: {  	_ =	shalt  }
0x51: {  	_ =	shalt  }
0x52: {  	_ =	shalt  }
0x53: {  	_ =	shalt  }
0x54: {  	_ =	shalt  }
0x55: {  	_ =	shalt  }
0x56: {  	_ =	shalt  }
0x57: {  	_ =	shalt  }
0x58: {  	_ =	shalt  }
0x59: {  	_ =	shalt  }
0x5a: {  	_ =	shalt  }
0x5b: {  	_ =	shalt  }
0x5c: {  	_ =	shalt  }
0x5d: {  	_ =	shalt  }
0x5e: {  	_ =	shalt  }
0x5f: {  	_ =	shalt  }
0x60: {  	_ =	shalt  }
0x61: {  	_ =	shalt  }
0x62: {  	_ =	shalt  }
0x63: {  	_ =	shalt  }
0x64: {  	_ =	shalt  }
0x65: {  	_ =	shalt  }
0x66: {  	_ =	shalt  }
0x67: {  	_ =	shalt  }
0x68: {  	_ =	shalt  }
0x69: {  	_ =	shalt  }
0x6a: {  	_ =	shalt  }
0x6b: {  	_ =	shalt  }
0x6c: {  	_ =	shalt  }
0x6d: {  	_ =	shalt  }
0x6e: {  	_ =	shalt  }
0x6f: {  	_ =	shalt  }
0x70: {  	_ =	shalt  }
0x71: {  	_ =	shalt  }
0x72: {  	_ =	shalt  }
0x73: {  	_ =	shalt  }
0x74: {  	_ =	shalt  }
0x75: {  	_ =	shalt  }
0x76: {  	_ =	shalt  }
0x77: {  	_ =	shalt  }
0x78: {  	_ =	shalt  }
0x79: {  	_ =	shalt  }
0x7a: {  	_ =	shalt  }
0x7b: {  	_ =	shalt  }
0x7c: {  	_ =	shalt  }
0x7d: {  	_ =	shalt  }
0x7e: {  	_ =	shalt  }
0x7f: {  	_ =	shalt  }
0x80: {  	_ =	shalt  }
0x81: {  	_ =	shalt  }
0x82: {  	_ =	shalt  }
0x83: {  	_ =	shalt  }
0x84: {  	_ =	shalt  }
0x85: {  	_ =	shalt  }
0x86: {  	_ =	shalt  }
0x87: {  	_ =	shalt  }
.Lfunc_end0:
.L_simem_size_0:
called_computation.3_lowered:
.L_overlay_start_0:
0x88: {  	s2 =	sld [smem:$0x3FD9]  }
0x89: {  	s3 =	sld [smem:$0x3FFE];
	_ =	sdelay $0x1  }
0x8a: {  	s1 =	srdreg.scid  }
0x8b: {  	s0 =	sand.u32 $0x1, s1  }
0x8c: {  	s16 =	sshll.u32 s0, $0xA;
	s2 =	sadd.s32 s3, s2  }
0x8d: {  	s2 =	sadd.s32 s2, s16  }
0x8e: {  	[smem:$0x3FBA] =	sst s2  }
0x8f: {  	_ = 	snop  }
0x90: {  	(tm) =	ssettm $0x1  }
0x91: {  	s17 =	sld [smem:$0x3FFB];
	_ =	sdelay $0x3  }
0x92: {  	_ =	strace s17  }
0x93: {  	s2 =	sld [smem:$0x3FFC];
	_ =	sdelay $0x3  }
0x94: {  	_ =	strace s2  }
0x95: {  	s2 =	sld [smem:$0x3FFD];
	_ =	sdelay $0x3  }
0x96: {  	_ =	strace s2  }
0x97: {  	_ =	strace $0x8FFFFFFF  }
0x98: {  	s18 =	sld [smem:$0x3FDB];
	_ =	sdelay $0x1  }
0x99: {  	s19 =	simm.s32 $_scs_section_size  }
0x9a: {  	s4 =	simm.s32 $_size__tile_overlayer_lowered;
	s5 =	simm.s32 $_tile_overlayer_lowered  }
0x9b: {  	s22 =	simm.s32 $0x1BFF;
	s21 =	sshll.u32 s5, $0x1;
	s2 =	sadd.s32 s19, s18  }
0x9c: {  	s6 =	simm.s32 $0x0;
	s20 =	sshll.u32 s4, $0x1;
	s4 =	sadd.s32 s21, s2  }
0x9d: {  	[timem:s6], [sflag:s22] =	dma.local [hbm:s4], s20  }
0x9e: {  	_ =	swait.ge [sflag:s22], s20  }
0x9f: {  	s3 =	ssub.s32 $0x0, s20;
	[sflag:s22] =	ssyncset.done $0x0  }
0xa0: {  	[sflag:s22] =	ssyncadd.s32 s3;
	_ =	sdelay $0x1  }
0xa1: {  	s23 =	simm.s32 $0x1B8B  }
0xa2: {  	_ =	swait.ge [sflag:s23], $0x1  }
0xa3: {  	[sflag:s23] =	ssyncset.done $0x0  }
0xa4: {  	s25 =	simm.s32 $0x1B8E;
	s24 =	sld [smem:$0x3FFE];
	[sflag:s23] =	ssyncadd.s32 $0xFFFFFFFF  }
0xa5: {  	s26 =	simm.s32 $execute0_lowered;
	[smem:$0x3FD2] =	sst s25  }
0xa6: {  	s4 =	sshll.u32 s26, $0x1;
	_ =	strace $0x8000004F;
	[dreg:$0x1] =	wrdreg $0xFFFFFFFF  }
0xa7: {  	s28 =	simm.s32 $_size_execute0_lowered;
	s2 =	sadd.s32 s2, s4;
	[dreg:$0x0] =	wrdreg $0x0  }
0xa8: {  	s4 =	sshll.u32 s28, $0x1;
	[dreg:$0x2] =	wrdreg s2  }
0xa9: {  	[dreg:$0x3] =	wrdreg s4  }
0xaa: {  	[dreg:$0x4] =	wrdreg $0xC0  }
0xab: {  	_ =	task [dreg:s6], $0x5FFFF  }
0xac: {  	[dreg:$0x1] =	wrdreg $0xFFFFFFFF  }
0xad: {  	[dreg:$0x0] =	wrdreg $0x60  }
0xae: {  	[dreg:$0x2] =	wrdreg s24  }
0xaf: {  	[dreg:$0x3] =	wrdreg $0x88000  }
0xb0: {  	[dreg:$0x4] =	wrdreg $0x9  }
0xb1: {  	_ =	task.clear_ibuf [dreg:s6], $0x5FFFF;
	_ =	strace $0x9000004F  }
0xb2: {  	s29 =	simm.s32 $0x9;
	_ =	strace $0x80000051  }
0xb3: {  	_ =	swait.ge [sflag:s29], $0x1  }
0xb4: {  	[sflag:s29] =	ssyncadd.s32 $0xFFFFFFFF  }
0xb5: {  	_ =	strace $0x90000051  }
0xb6: {  	_ =	sfence  }
0xb7: {  	s30 =	sld [smem:$0x0];
	_ =	sdelay $0x2  }
0xb8: {  	s31 =	sshll.u32 s1, $0xD;
	s1 =	sshrl.u32 s1, $0x2  }
0xb9: {  	s3 =	sand.u32 $0x4000, s31;
	s1 =	sadd.s32 s1, s30  }
0xba: {  	s0 =	sor.u32 s3, s0;
	s1 =	sshll.u32 s1, $0x11  }
0xbb: {  	s0 =	sor.u32 s1, s0  }
0xbc: {  	s0 =	sadd.s32 $0x8F2B, s0  }
0xbd: {  	[sflag:s0] =	ssyncadd.remote.s32 $0x1  }
0xbe: {  	_ =	sfence.sel $0xFFFF  }
0xbf: {  	[dreg:$0x0] =	wrdreg $0xFFFFFFFF;
	(pc) =	sbr.abs _section_cstart, $3  }
0xc0: {  	[dreg:$0x1] =	wrdreg $0xFFFFFFFF  }
0xc1: {  	_ =	task.clear_ibuf [dreg:s6], $0x2FFFF;
	_ =	strace $0x9FFFFFFF  }
0xc2: {  	(tm) =	ssettm $0x7FFFFFFF  }
0xc3: {  	_ =	shalt  }
tec
execute0_lowered:
.L_overlay_start_1:
0x0: {  	(tag) =	ssettag $0x1  }
0x1: {  	s0 =	rddreg [dreg:$0x0]  }
0x2: {  	s4 =	stileid.u32;
	s3 =	srdreg.scid  }
0x3: {  	s2 =	rddreg [dreg:$0x1];
	s14 =	simm.s32 $0x800;
	s15 =	simm.s32 $0x3  }
0x4: {  	s16 =	simm.s32 $0x400;
	s17 =	simm.s32 $0x7D;
	s18 =	simm.s32 $0x1  }
0x5: {  	s19 =	simm.s32 $0x80;
	s28 =	simm.s32 $0x580;
	s1 =	smul.u32 $0xA00, s4  }
0x6: {  	s29 =	simm.s32 $0x280;
	s30 =	simm.s32 $0x600;
	s5 =	smul.u32 $0x2800, s4  }
0x7: {  	s31 =	simm.s32 $0x300;
	s6 =	sand.u32 $0x1, s3;
	s8 =	smul.u32 $0x50000, s4  }
0x8: {  	s3 =	simm.s32 $0x0;
	s4 =	sadd.s32 $0xF000, s0;
	s7 =	smul.u32 $0x28000, s6  }
0x9: {  	[smem:$0x7FF] =	sst s3;
	s20 =	ssub.s32 $0x2, s6;
	s6 =	smul.u32 $0xA000, s6  }
0xa: {  	_ =	strace $0x80000050;
	s1 =	sadd.s32 s1, s0;
	s8 =	sshrl.u32 s8, $0x2  }
0xb: {  	s9 =	sshrl.u32 s20, $0x1;
	s5 =	sadd.s32 s5, s7;
	s11 =	sadd.s32 s8, s2  }
0xc: {  	s7 =	ssub.s32 s20, s9;
	s26 =	sadd.s32 s6, s1;
	s13 =	sadd.s32 $0x5000, s1  }
0xd: {  	s20 =	simm.s32 $0x4800;
	s1 =	simm.s32 $0x680;
	s6 =	simm.s32 $0x700  }
0xe: {  	s8 =	simm.s32 $0x0;
	s21 =	sadd.s32 $0x4000, s11;
	[dreg:$0x3] =	wrdreg s11  }
0xf: {  	s0 =	sadd.s32 s5, s0;
	s22 =	sadd.s32 $0x8000, s11;
	[dreg:$0x4] =	wrdreg s21  }
0x10: {  	s23 =	sadd.s32 $0xC000, s11;
	s24 =	sadd.s32 $0x10000, s11;
	[dreg:$0x5] =	wrdreg s22  }
0x11: {  	s25 =	smax.u32 s7, $0x1;
	s12 =	sadd.s32 $0x69000, s26;
	[dreg:$0x6] =	wrdreg s23  }
0x12: {  	s26 =	simm.s32 $0x200;
	s7 =	simm.s32 $0x780;
	[dreg:$0x7] =	wrdreg s24  }
0x13: {  	s0 =	sadd.s32 $0xCB200, s0;
	[dreg:$0x9] =	wrdreg s25;
	s21 =	simm.s32 $0x2  }
0x14: {  	s22 =	simm.s32 $0x100;
	s23 =	simm.s32 $0x480;
	s24 =	simm.s32 $0x180  }
0x15: {  	v0 =	vimm.f32 $0.0e+00;
	s25 =	simm.s32 $0x500;
	[dreg:$0x8] =	wrdreg s0;
	s0 =	simm.s32 $0x380  }
.LBB2_1:
0x16: {  	s9 =	simm.s32 $0x0;
	s10 =	simm.s32 $0x200  }
.LBB2_2:
0x17: {  	p0 =	sne.s32 s10, $0xFE00;
	[tilespmem:s9+$0x870] =	vst v0  }
0x18: {  	[tilespmem:s9+$0x800] =	vst v0  }
0x19: {  	[tilespmem:s9+$0x810] =	vst v0  }
.Ltmp0:
0x1a: {  	[tilespmem:s9+$0x820] =	vst v0;
	(pc) =	sbr.rel @p0 .LBB2_2-.Ltmp0, $4  }
0x1b: {  	[tilespmem:s9+$0x830] =	vst v0  }
0x1c: {  	[tilespmem:s9+$0x840] =	vst v0  }
0x1d: {  	[tilespmem:s9+$0x850] =	vst v0  }
0x1e: {  	[tilespmem:s9+$0x860] =	vst v0;
	s9 =	sshra.s32 s10, $0x2;
	s10 =	sadd.s32 $0x200, s10  }
0x1f: {  	[tilespmem:s9+$0x870] =	vst v0  }
0x20: {  	[tilespmem:s9+$0x800] =	vst v0  }
0x21: {  	[tilespmem:s9+$0x810] =	vst v0  }
0x22: {  	[tilespmem:s9+$0x820] =	vst v0  }
0x23: {  	[tilespmem:s9+$0x830] =	vst v0  }
0x24: {  	[tilespmem:s9+$0x840] =	vst v0  }
0x25: {  	[tilespmem:s9+$0x850] =	vst v0  }
0x26: {  	[dreg:$0xa] =	wrdreg s8;
	[tilespmem:s9+$0x860] =	vst v0  }
0x27: {  	[spmem:s11] =	stream.linear.scatter [tilespmem:s14], [sflag:$0x3], $0x4000, $0x38;
	[tilespmem:$0x1C800] =	vst v63  }
0x28: {  	_ =	swait.ge [sflag:s15], $0x4000  }
0x29: {  	[sflag:s15] =	ssyncset.done $0x0  }
0x2a: {  	s5 =	rddreg [dreg:$0x4];
	[sflag:s15] =	ssyncadd.s32 $0xFFFFC000  }
0x2b: {  	[spmem:s5] =	stream.linear.scatter [tilespmem:s14], [sflag:$0x3], $0x4000, $0x38;
	[tilespmem:$0x1C800] =	vst v63  }
0x2c: {  	_ =	swait.ge [sflag:s15], $0x4000  }
0x2d: {  	[sflag:s15] =	ssyncset.done $0x0  }
0x2e: {  	s11 =	rddreg [dreg:$0x5];
	[sflag:s15] =	ssyncadd.s32 $0xFFFFC000  }
0x2f: {  	[spmem:s11] =	stream.linear.scatter [tilespmem:s14], [sflag:$0x3], $0x4000, $0x38;
	[tilespmem:$0x1C800] =	vst v63  }
0x30: {  	_ =	swait.ge [sflag:s15], $0x4000  }
0x31: {  	[sflag:s15] =	ssyncset.done $0x0  }
0x32: {  	s8 =	rddreg [dreg:$0x6];
	[sflag:s15] =	ssyncadd.s32 $0xFFFFC000  }
0x33: {  	[spmem:s8] =	stream.linear.scatter [tilespmem:s14], [sflag:$0x3], $0x4000, $0x38;
	[tilespmem:$0x1C800] =	vst v63  }
0x34: {  	_ =	swait.ge [sflag:s15], $0x4000  }
0x35: {  	[sflag:s15] =	ssyncset.done $0x0  }
0x36: {  	s9 =	rddreg [dreg:$0x7];
	[sflag:s15] =	ssyncadd.s32 $0xFFFFC000  }
0x37: {  	[spmem:s9] =	stream.linear.scatter [tilespmem:s14], [sflag:$0x3], $0x4000, $0x38;
	[tilespmem:$0x1C800] =	vst v63  }
0x38: {  	_ =	swait.ge [sflag:s15], $0x4000  }
0x39: {  	[sflag:s15] =	ssyncset.done $0x0  }
0x3a: {  	[sflag:s15] =	ssyncadd.s32 $0xFFFFC000  }
0x3b: {  	s10 =	sadd.s32 $0x0, s12;
	[bflag:$0x0] =	sbarrier.arrive $0xFFFF  }
0x3c: {  	[tilespmem:s3], [sflag:$0x3] =	stream.linear.gather [hbm4b:s10+s3], $0x400, $0x38;
	[tilespmem:$0x1C800] =	vst v63  }
0x3d: {  	_ =	swait.ge [sflag:s15], $0x400  }
0x3e: {  	[sflag:s15] =	ssyncset.done $0x0  }
0x3f: {  	s11 =	sadd.s32 $0x0, s13;
	[sflag:s15] =	ssyncadd.s32 $0xFFFFFC00  }
0x40: {  	[tilespmem:s16], [sflag:$0x3] =	stream.linear.gather [hbm4b:s11+s3], $0x400, $0x38;
	[tilespmem:$0x1C800] =	vst v63  }
0x41: {  	_ =	swait.ge [sflag:s15], $0x400  }
0x42: {  	[sflag:s15] =	ssyncset.done $0x0  }
0x43: {  	[sflag:s15] =	ssyncadd.s32 $0xFFFFFC00  }
0x44: {  	[tilespmem:s14], [sflag:$0x1] =	stream.indirect.gather [hbm4b:s4+s17], $0x80, s3, s17, $0xb8;
	[tilespmem:$0x1C800] =	vst v63  }
0x45: {  	_ =	swait.ge [sflag:s18], $0x3E80  }
0x46: {  	[sflag:s18] =	ssyncset.done $0x0  }
0x47: {  	[sflag:s18] =	ssyncadd.s32 $0xFFFFC180  }
0x48: {  	[tilespmem:s20], [sflag:$0x2] =	stream.indirect.gather [hbm4b:s4+s17], $0x80, s19, s17, $0xb8;
	[tilespmem:$0x1C800] =	vst v63  }
0x49: {  	_ = 	snop  }
0x4a: {  	[spmem:s2] =	stream.indirect.scatter.add.f32 [tilespmem:s14], [sflag:$0x3], $0x80, s16, s17, $0xb8;
	[tilespmem:$0x1C800] =	vst v63  }
0x4b: {  	_ =	swait.ge [sflag:s15], $0x3E80  }
0x4c: {  	[sflag:s15] =	ssyncset.done $0x0  }
0x4d: {  	[sflag:s15] =	ssyncadd.s32 $0xFFFFC180  }
0x4e: {  	_ =	swait.ge [sflag:s21], $0x3E80  }
0x4f: {  	[sflag:s21] =	ssyncset.done $0x0  }
0x50: {  	[sflag:s21] =	ssyncadd.s32 $0xFFFFC180  }
0x51: {  	[tilespmem:s14], [sflag:$0x1] =	stream.indirect.gather [hbm4b:s4+s17], $0x80, s22, s17, $0xb8;
	[tilespmem:$0x1C800] =	vst v63  }
0x52: {  	_ = 	snop  }
0x53: {  	[spmem:s2] =	stream.indirect.scatter.add.f32 [tilespmem:s20], [sflag:$0x3], $0x80, s23, s17, $0xb8;
	[tilespmem:$0x1C800] =	vst v63  }
0x54: {  	_ =	swait.ge [sflag:s15], $0x3E80  }
0x55: {  	[sflag:s15] =	ssyncset.done $0x0  }
0x56: {  	[sflag:s15] =	ssyncadd.s32 $0xFFFFC180  }
0x57: {  	_ =	swait.ge [sflag:s18], $0x3E80  }
0x58: {  	[sflag:s18] =	ssyncset.done $0x0  }
0x59: {  	[sflag:s18] =	ssyncadd.s32 $0xFFFFC180  }
0x5a: {  	[tilespmem:s20], [sflag:$0x2] =	stream.indirect.gather [hbm4b:s4+s17], $0x80, s24, s17, $0xb8;
	[tilespmem:$0x1C800] =	vst v63  }
0x5b: {  	_ = 	snop  }
0x5c: {  	[spmem:s2] =	stream.indirect.scatter.add.f32 [tilespmem:s14], [sflag:$0x3], $0x80, s25, s17, $0xb8;
	[tilespmem:$0x1C800] =	vst v63  }
0x5d: {  	_ =	swait.ge [sflag:s15], $0x3E80  }
0x5e: {  	[sflag:s15] =	ssyncset.done $0x0  }
0x5f: {  	[sflag:s15] =	ssyncadd.s32 $0xFFFFC180  }
0x60: {  	_ =	swait.ge [sflag:s21], $0x3E80  }
0x61: {  	[sflag:s21] =	ssyncset.done $0x0  }
0x62: {  	[sflag:s21] =	ssyncadd.s32 $0xFFFFC180  }
0x63: {  	[tilespmem:s14], [sflag:$0x1] =	stream.indirect.gather [hbm4b:s4+s17], $0x80, s26, s17, $0xb8;
	[tilespmem:$0x1C800] =	vst v63  }
0x64: {  	_ = 	snop  }
0x65: {  	[spmem:s2] =	stream.indirect.scatter.add.f32 [tilespmem:s20], [sflag:$0x3], $0x80, s28, s17, $0xb8;
	[tilespmem:$0x1C800] =	vst v63  }
0x66: {  	_ =	swait.ge [sflag:s15], $0x3E80  }
0x67: {  	[sflag:s15] =	ssyncset.done $0x0  }
0x68: {  	[sflag:s15] =	ssyncadd.s32 $0xFFFFC180  }
0x69: {  	_ =	swait.ge [sflag:s18], $0x3E80  }
0x6a: {  	[sflag:s18] =	ssyncset.done $0x0  }
0x6b: {  	[sflag:s18] =	ssyncadd.s32 $0xFFFFC180  }
0x6c: {  	[tilespmem:s20], [sflag:$0x2] =	stream.indirect.gather [hbm4b:s4+s17], $0x80, s29, s17, $0xb8;
	[tilespmem:$0x1C800] =	vst v63  }
0x6d: {  	_ = 	snop  }
0x6e: {  	[spmem:s2] =	stream.indirect.scatter.add.f32 [tilespmem:s14], [sflag:$0x3], $0x80, s30, s17, $0xb8;
	[tilespmem:$0x1C800] =	vst v63  }
0x6f: {  	_ =	swait.ge [sflag:s15], $0x3E80  }
0x70: {  	[sflag:s15] =	ssyncset.done $0x0  }
0x71: {  	[sflag:s15] =	ssyncadd.s32 $0xFFFFC180  }
0x72: {  	_ =	swait.ge [sflag:s21], $0x3E80  }
0x73: {  	[sflag:s21] =	ssyncset.done $0x0  }
0x74: {  	[sflag:s21] =	ssyncadd.s32 $0xFFFFC180  }
0x75: {  	[tilespmem:s14], [sflag:$0x1] =	stream.indirect.gather [hbm4b:s4+s17], $0x80, s31, s17, $0xb8;
	[tilespmem:$0x1C800] =	vst v63  }
0x76: {  	_ = 	snop  }
0x77: {  	[spmem:s2] =	stream.indirect.scatter.add.f32 [tilespmem:s20], [sflag:$0x3], $0x80, s1, s17, $0xb8;
	[tilespmem:$0x1C800] =	vst v63  }
0x78: {  	_ =	swait.ge [sflag:s15], $0x3E80  }
0x79: {  	[sflag:s15] =	ssyncset.done $0x0  }
0x7a: {  	[sflag:s15] =	ssyncadd.s32 $0xFFFFC180  }
0x7b: {  	_ =	swait.ge [sflag:s18], $0x3E80  }
0x7c: {  	[sflag:s18] =	ssyncset.done $0x0  }
0x7d: {  	[sflag:s18] =	ssyncadd.s32 $0xFFFFC180  }
0x7e: {  	[tilespmem:s20], [sflag:$0x2] =	stream.indirect.gather [hbm4b:s4+s17], $0x80, s0, s17, $0xb8;
	[tilespmem:$0x1C800] =	vst v63  }
0x7f: {  	_ = 	snop  }
0x80: {  	[spmem:s2] =	stream.indirect.scatter.add.f32 [tilespmem:s14], [sflag:$0x3], $0x80, s6, s17, $0xb8;
	[tilespmem:$0x1C800] =	vst v63  }
0x81: {  	_ =	swait.ge [sflag:s15], $0x3E80  }
0x82: {  	[sflag:s15] =	ssyncset.done $0x0  }
0x83: {  	[sflag:s15] =	ssyncadd.s32 $0xFFFFC180  }
0x84: {  	_ =	swait.ge [sflag:s21], $0x3E80  }
0x85: {  	[sflag:s21] =	ssyncset.done $0x0  }
0x86: {  	[sflag:s21] =	ssyncadd.s32 $0xFFFFC180  }
0x87: {  	[spmem:s2] =	stream.indirect.scatter.add.f32 [tilespmem:s20], [sflag:$0x3], $0x80, s7, s17, $0xb8;
	[tilespmem:$0x1C800] =	vst v63  }
0x88: {  	_ =	swait.ge [sflag:s15], $0x3E80  }
0x89: {  	s9 =	simm.s32 $0x80;
	s10 =	simm.s32 $0x100;
	[sflag:s15] =	ssyncset.done $0x0  }
.LBB2_4:
0x8a: {  	s5 =	sadd.s32 s9, s12  }
0x8b: {  	[sflag:s15] =	ssyncadd.s32 $0xFFFFC180;
	s8 =	smov.u32 s10;
	s11 =	sadd.s32 $0x80, s10  }
0x8c: {  	[tilespmem:s3], [sflag:$0x3] =	stream.linear.gather [hbm4b:s5+s3], $0x400, $0x38;
	[tilespmem:$0x1C800] =	vst v63  }
0x8d: {  	p0 =	sne.s32 s10, $0x980;
	_ =	swait.ge [sflag:s15], $0x400  }
0x8e: {  	[sflag:s15] =	ssyncset.done $0x0  }
0x8f: {  	s5 =	sadd.s32 s9, s13;
	s9 =	smov.u32 s8;
	[sflag:s15] =	ssyncadd.s32 $0xFFFFFC00  }
0x90: {  	[tilespmem:s16], [sflag:$0x3] =	stream.linear.gather [hbm4b:s5+s3], $0x400, $0x38;
	[tilespmem:$0x1C800] =	vst v63  }
0x91: {  	_ =	swait.ge [sflag:s15], $0x400  }
0x92: {  	[sflag:s15] =	ssyncset.done $0x0  }
0x93: {  	[sflag:s15] =	ssyncadd.s32 $0xFFFFFC00  }
0x94: {  	[tilespmem:s14], [sflag:$0x1] =	stream.indirect.gather [hbm4b:s4+s17], $0x80, s3, s17, $0xb8;
	[tilespmem:$0x1C800] =	vst v63  }
0x95: {  	_ =	swait.ge [sflag:s18], $0x3E80  }
0x96: {  	[sflag:s18] =	ssyncset.done $0x0  }
0x97: {  	[sflag:s18] =	ssyncadd.s32 $0xFFFFC180  }
0x98: {  	[tilespmem:s20], [sflag:$0x2] =	stream.indirect.gather [hbm4b:s4+s17], $0x80, s19, s17, $0xb8;
	[tilespmem:$0x1C800] =	vst v63  }
0x99: {  	_ = 	snop  }
0x9a: {  	[spmem:s2] =	stream.indirect.scatter.add.f32 [tilespmem:s14], [sflag:$0x3], $0x80, s16, s17, $0xb8;
	[tilespmem:$0x1C800] =	vst v63  }
0x9b: {  	_ =	swait.ge [sflag:s15], $0x3E80  }
0x9c: {  	[sflag:s15] =	ssyncset.done $0x0  }
0x9d: {  	[sflag:s15] =	ssyncadd.s32 $0xFFFFC180  }
0x9e: {  	_ =	swait.ge [sflag:s21], $0x3E80  }
0x9f: {  	[sflag:s21] =	ssyncset.done $0x0  }
0xa0: {  	[sflag:s21] =	ssyncadd.s32 $0xFFFFC180  }
0xa1: {  	[tilespmem:s14], [sflag:$0x1] =	stream.indirect.gather [hbm4b:s4+s17], $0x80, s22, s17, $0xb8;
	[tilespmem:$0x1C800] =	vst v63  }
0xa2: {  	_ = 	snop  }
0xa3: {  	[spmem:s2] =	stream.indirect.scatter.add.f32 [tilespmem:s20], [sflag:$0x3], $0x80, s23, s17, $0xb8;
	[tilespmem:$0x1C800] =	vst v63  }
0xa4: {  	_ =	swait.ge [sflag:s15], $0x3E80  }
0xa5: {  	[sflag:s15] =	ssyncset.done $0x0  }
0xa6: {  	[sflag:s15] =	ssyncadd.s32 $0xFFFFC180  }
0xa7: {  	_ =	swait.ge [sflag:s18], $0x3E80  }
0xa8: {  	[sflag:s18] =	ssyncset.done $0x0  }
0xa9: {  	[sflag:s18] =	ssyncadd.s32 $0xFFFFC180  }
0xaa: {  	[tilespmem:s20], [sflag:$0x2] =	stream.indirect.gather [hbm4b:s4+s17], $0x80, s24, s17, $0xb8;
	[tilespmem:$0x1C800] =	vst v63  }
0xab: {  	_ = 	snop  }
0xac: {  	[spmem:s2] =	stream.indirect.scatter.add.f32 [tilespmem:s14], [sflag:$0x3], $0x80, s25, s17, $0xb8;
	[tilespmem:$0x1C800] =	vst v63  }
0xad: {  	_ =	swait.ge [sflag:s15], $0x3E80  }
0xae: {  	[sflag:s15] =	ssyncset.done $0x0  }
0xaf: {  	[sflag:s15] =	ssyncadd.s32 $0xFFFFC180  }
0xb0: {  	_ =	swait.ge [sflag:s21], $0x3E80  }
0xb1: {  	[sflag:s21] =	ssyncset.done $0x0  }
0xb2: {  	[sflag:s21] =	ssyncadd.s32 $0xFFFFC180  }
0xb3: {  	[tilespmem:s14], [sflag:$0x1] =	stream.indirect.gather [hbm4b:s4+s17], $0x80, s26, s17, $0xb8;
	[tilespmem:$0x1C800] =	vst v63  }
0xb4: {  	_ = 	snop  }
0xb5: {  	[spmem:s2] =	stream.indirect.scatter.add.f32 [tilespmem:s20], [sflag:$0x3], $0x80, s28, s17, $0xb8;
	[tilespmem:$0x1C800] =	vst v63  }
0xb6: {  	_ =	swait.ge [sflag:s15], $0x3E80  }
0xb7: {  	[sflag:s15] =	ssyncset.done $0x0  }
0xb8: {  	[sflag:s15] =	ssyncadd.s32 $0xFFFFC180  }
0xb9: {  	_ =	swait.ge [sflag:s18], $0x3E80  }
0xba: {  	[sflag:s18] =	ssyncset.done $0x0  }
0xbb: {  	[sflag:s18] =	ssyncadd.s32 $0xFFFFC180  }
0xbc: {  	[tilespmem:s20], [sflag:$0x2] =	stream.indirect.gather [hbm4b:s4+s17], $0x80, s29, s17, $0xb8;
	[tilespmem:$0x1C800] =	vst v63  }
0xbd: {  	_ = 	snop  }
0xbe: {  	[spmem:s2] =	stream.indirect.scatter.add.f32 [tilespmem:s14], [sflag:$0x3], $0x80, s30, s17, $0xb8;
	[tilespmem:$0x1C800] =	vst v63  }
0xbf: {  	_ =	swait.ge [sflag:s15], $0x3E80  }
0xc0: {  	[sflag:s15] =	ssyncset.done $0x0  }
0xc1: {  	[sflag:s15] =	ssyncadd.s32 $0xFFFFC180  }
0xc2: {  	_ =	swait.ge [sflag:s21], $0x3E80  }
0xc3: {  	[sflag:s21] =	ssyncset.done $0x0  }
0xc4: {  	[sflag:s21] =	ssyncadd.s32 $0xFFFFC180  }
0xc5: {  	[tilespmem:s14], [sflag:$0x1] =	stream.indirect.gather [hbm4b:s4+s17], $0x80, s31, s17, $0xb8;
	[tilespmem:$0x1C800] =	vst v63  }
0xc6: {  	_ = 	snop  }
0xc7: {  	[spmem:s2] =	stream.indirect.scatter.add.f32 [tilespmem:s20], [sflag:$0x3], $0x80, s1, s17, $0xb8;
	[tilespmem:$0x1C800] =	vst v63  }
0xc8: {  	_ =	swait.ge [sflag:s15], $0x3E80  }
0xc9: {  	[sflag:s15] =	ssyncset.done $0x0  }
0xca: {  	[sflag:s15] =	ssyncadd.s32 $0xFFFFC180  }
0xcb: {  	_ =	swait.ge [sflag:s18], $0x3E80  }
0xcc: {  	[sflag:s18] =	ssyncset.done $0x0  }
0xcd: {  	[sflag:s18] =	ssyncadd.s32 $0xFFFFC180  }
0xce: {  	[tilespmem:s20], [sflag:$0x2] =	stream.indirect.gather [hbm4b:s4+s17], $0x80, s0, s17, $0xb8;
	[tilespmem:$0x1C800] =	vst v63  }
0xcf: {  	_ = 	snop  }
0xd0: {  	[spmem:s2] =	stream.indirect.scatter.add.f32 [tilespmem:s14], [sflag:$0x3], $0x80, s6, s17, $0xb8;
	[tilespmem:$0x1C800] =	vst v63  }
0xd1: {  	_ =	swait.ge [sflag:s15], $0x3E80  }
0xd2: {  	[sflag:s15] =	ssyncset.done $0x0  }
0xd3: {  	[sflag:s15] =	ssyncadd.s32 $0xFFFFC180  }
0xd4: {  	_ =	swait.ge [sflag:s21], $0x3E80  }
.Ltmp1:
0xd5: {  	[sflag:s21] =	ssyncset.done $0x0;
	(pc) =	sbr.rel @p0 .LBB2_4-.Ltmp1, $4  }
0xd6: {  	[sflag:s21] =	ssyncadd.s32 $0xFFFFC180  }
0xd7: {  	[spmem:s2] =	stream.indirect.scatter.add.f32 [tilespmem:s20], [sflag:$0x3], $0x80, s7, s17, $0xb8;
	[tilespmem:$0x1C800] =	vst v63  }
0xd8: {  	_ =	swait.ge [sflag:s15], $0x3E80  }
0xd9: {  	s10 =	smov.u32 s11;
	[sflag:s15] =	ssyncset.done $0x0  }
0xda: {  	s5 =	sadd.s32 s9, s12;
	[sflag:s15] =	ssyncadd.s32 $0xFFFFC180  }
0xdb: {  	[tilespmem:s3], [sflag:$0x3] =	stream.linear.gather [hbm4b:s5+s3], $0x400, $0x38;
	[tilespmem:$0x1C800] =	vst v63  }
0xdc: {  	_ =	swait.ge [sflag:s15], $0x400  }
0xdd: {  	[sflag:s15] =	ssyncset.done $0x0  }
0xde: {  	s8 =	sadd.s32 s9, s13;
	[sflag:s15] =	ssyncadd.s32 $0xFFFFFC00  }
0xdf: {  	[tilespmem:s16], [sflag:$0x3] =	stream.linear.gather [hbm4b:s8+s3], $0x400, $0x38;
	[tilespmem:$0x1C800] =	vst v63  }
0xe0: {  	_ =	swait.ge [sflag:s15], $0x400  }
0xe1: {  	[sflag:s15] =	ssyncset.done $0x0  }
0xe2: {  	[sflag:s15] =	ssyncadd.s32 $0xFFFFFC00  }
0xe3: {  	[tilespmem:s14], [sflag:$0x1] =	stream.indirect.gather [hbm4b:s4+s17], $0x80, s3, s17, $0xb8;
	[tilespmem:$0x1C800] =	vst v63  }
0xe4: {  	_ =	swait.ge [sflag:s18], $0x3E80  }
0xe5: {  	[sflag:s18] =	ssyncset.done $0x0  }
0xe6: {  	[sflag:s18] =	ssyncadd.s32 $0xFFFFC180  }
0xe7: {  	[tilespmem:s20], [sflag:$0x2] =	stream.indirect.gather [hbm4b:s4+s17], $0x80, s19, s17, $0xb8;
	[tilespmem:$0x1C800] =	vst v63  }
0xe8: {  	_ = 	snop  }
0xe9: {  	[spmem:s2] =	stream.indirect.scatter.add.f32 [tilespmem:s14], [sflag:$0x3], $0x80, s16, s17, $0xb8;
	[tilespmem:$0x1C800] =	vst v63  }
0xea: {  	_ =	swait.ge [sflag:s15], $0x3E80  }
0xeb: {  	[sflag:s15] =	ssyncset.done $0x0  }
0xec: {  	[sflag:s15] =	ssyncadd.s32 $0xFFFFC180  }
0xed: {  	_ =	swait.ge [sflag:s21], $0x3E80  }
0xee: {  	[sflag:s21] =	ssyncset.done $0x0  }
0xef: {  	[sflag:s21] =	ssyncadd.s32 $0xFFFFC180  }
0xf0: {  	[tilespmem:s14], [sflag:$0x1] =	stream.indirect.gather [hbm4b:s4+s17], $0x80, s22, s17, $0xb8;
	[tilespmem:$0x1C800] =	vst v63  }
0xf1: {  	_ = 	snop  }
0xf2: {  	[spmem:s2] =	stream.indirect.scatter.add.f32 [tilespmem:s20], [sflag:$0x3], $0x80, s23, s17, $0xb8;
	[tilespmem:$0x1C800] =	vst v63  }
0xf3: {  	_ =	swait.ge [sflag:s15], $0x3E80  }
0xf4: {  	[sflag:s15] =	ssyncset.done $0x0  }
0xf5: {  	[sflag:s15] =	ssyncadd.s32 $0xFFFFC180  }
0xf6: {  	_ =	swait.ge [sflag:s18], $0x3E80  }
0xf7: {  	[sflag:s18] =	ssyncset.done $0x0  }
0xf8: {  	[sflag:s18] =	ssyncadd.s32 $0xFFFFC180  }
0xf9: {  	[tilespmem:s20], [sflag:$0x2] =	stream.indirect.gather [hbm4b:s4+s17], $0x80, s24, s17, $0xb8;
	[tilespmem:$0x1C800] =	vst v63  }
0xfa: {  	_ = 	snop  }
0xfb: {  	[spmem:s2] =	stream.indirect.scatter.add.f32 [tilespmem:s14], [sflag:$0x3], $0x80, s25, s17, $0xb8;
	[tilespmem:$0x1C800] =	vst v63  }
0xfc: {  	_ =	swait.ge [sflag:s15], $0x3E80  }
0xfd: {  	[sflag:s15] =	ssyncset.done $0x0  }
0xfe: {  	[sflag:s15] =	ssyncadd.s32 $0xFFFFC180  }
0xff: {  	_ =	swait.ge [sflag:s21], $0x3E80  }
0x100: {  	[sflag:s21] =	ssyncset.done $0x0  }
0x101: {  	[sflag:s21] =	ssyncadd.s32 $0xFFFFC180  }
0x102: {  	[tilespmem:s14], [sflag:$0x1] =	stream.indirect.gather [hbm4b:s4+s17], $0x80, s26, s17, $0xb8;
	[tilespmem:$0x1C800] =	vst v63  }
0x103: {  	_ = 	snop  }
0x104: {  	[spmem:s2] =	stream.indirect.scatter.add.f32 [tilespmem:s20], [sflag:$0x3], $0x80, s28, s17, $0xb8;
	[tilespmem:$0x1C800] =	vst v63  }
0x105: {  	_ =	swait.ge [sflag:s15], $0x3E80  }
0x106: {  	[sflag:s15] =	ssyncset.done $0x0  }
0x107: {  	[sflag:s15] =	ssyncadd.s32 $0xFFFFC180  }
0x108: {  	_ =	swait.ge [sflag:s18], $0x3E80  }
0x109: {  	[sflag:s18] =	ssyncset.done $0x0  }
0x10a: {  	[sflag:s18] =	ssyncadd.s32 $0xFFFFC180  }
0x10b: {  	[tilespmem:s20], [sflag:$0x2] =	stream.indirect.gather [hbm4b:s4+s17], $0x80, s29, s17, $0xb8;
	[tilespmem:$0x1C800] =	vst v63  }
0x10c: {  	_ = 	snop  }
0x10d: {  	[spmem:s2] =	stream.indirect.scatter.add.f32 [tilespmem:s14], [sflag:$0x3], $0x80, s30, s17, $0xb8;
	[tilespmem:$0x1C800] =	vst v63  }
0x10e: {  	_ =	swait.ge [sflag:s15], $0x3E80  }
0x10f: {  	[sflag:s15] =	ssyncset.done $0x0  }
0x110: {  	[sflag:s15] =	ssyncadd.s32 $0xFFFFC180  }
0x111: {  	_ =	swait.ge [sflag:s21], $0x3E80  }
0x112: {  	[sflag:s21] =	ssyncset.done $0x0  }
0x113: {  	[sflag:s21] =	ssyncadd.s32 $0xFFFFC180  }
0x114: {  	[tilespmem:s14], [sflag:$0x1] =	stream.indirect.gather [hbm4b:s4+s17], $0x80, s31, s17, $0xb8;
	[tilespmem:$0x1C800] =	vst v63  }
0x115: {  	_ = 	snop  }
0x116: {  	[spmem:s2] =	stream.indirect.scatter.add.f32 [tilespmem:s20], [sflag:$0x3], $0x80, s1, s17, $0xb8;
	[tilespmem:$0x1C800] =	vst v63  }
0x117: {  	_ =	swait.ge [sflag:s15], $0x3E80  }
0x118: {  	[sflag:s15] =	ssyncset.done $0x0  }
0x119: {  	[sflag:s15] =	ssyncadd.s32 $0xFFFFC180  }
0x11a: {  	_ =	swait.ge [sflag:s18], $0x3E80  }
0x11b: {  	[sflag:s18] =	ssyncset.done $0x0  }
0x11c: {  	[sflag:s18] =	ssyncadd.s32 $0xFFFFC180  }
0x11d: {  	[tilespmem:s20], [sflag:$0x2] =	stream.indirect.gather [hbm4b:s4+s17], $0x80, s0, s17, $0xb8;
	[tilespmem:$0x1C800] =	vst v63  }
0x11e: {  	_ = 	snop  }
0x11f: {  	[spmem:s2] =	stream.indirect.scatter.add.f32 [tilespmem:s14], [sflag:$0x3], $0x80, s6, s17, $0xb8;
	[tilespmem:$0x1C800] =	vst v63  }
0x120: {  	_ =	swait.ge [sflag:s15], $0x3E80  }
0x121: {  	[sflag:s15] =	ssyncset.done $0x0  }
0x122: {  	[sflag:s15] =	ssyncadd.s32 $0xFFFFC180  }
0x123: {  	_ =	swait.ge [sflag:s21], $0x3E80  }
0x124: {  	[sflag:s21] =	ssyncset.done $0x0  }
0x125: {  	[sflag:s21] =	ssyncadd.s32 $0xFFFFC180  }
0x126: {  	[spmem:s2] =	stream.indirect.scatter.add.f32 [tilespmem:s20], [sflag:$0x3], $0x80, s7, s17, $0xb8;
	[tilespmem:$0x1C800] =	vst v63  }
0x127: {  	_ =	swait.ge [sflag:s15], $0x3E80  }
0x128: {  	[sflag:s15] =	ssyncset.done $0x0  }
0x129: {  	[sflag:s15] =	ssyncadd.s32 $0xFFFFC180  }
0x12a: {  	s9 =	stileid.u32;
	[bflag:$0x0] =	sbarrier.arrive $0xFFFF  }
0x12b: {  	s5 =	sshll.u32 s9, $0x6;
	s11 =	rddreg [dreg:$0x3]  }
0x12c: {  	s5 =	sor.u32 $0x1C03, s5;
	s10 =	rddreg [dreg:$0x8];
	s8 =	sshrl.u32 s11, $0x3  }
0x12d: {  	[hbm:s10], [sflag:s5] =	dma.local [spmem:s8], $0x2800  }
0x12e: {  	_ =	swait.ge [sflag:s15], $0x2800  }
0x12f: {  	s9 =	rddreg [dreg:$0xa]  }
0x130: {  	s10 =	rddreg [dreg:$0x9];
	s8 =	sadd.s32 $0x1, s9  }
0x131: {  	p0 =	sne.s32 s8, s10  }
.Ltmp2:
0x132: {  	_ = 	snop;
	(pc) =	sbr.rel @p0 .LBB2_1-.Ltmp2, $3  }
0x133: {  	_ =	sdelay $0x1  }
0x134: {  	[sflag:s15] =	ssyncset.done $0x0  }
0x135: {  	[sflag:s15] =	ssyncadd.s32 $0xFFFFD800  }
0x136: {  	_ =	sfence.sel $0x180000  }
0x137: {  	[bflag:$0x0] =	sbarrier.arrive $0xFFFF  }
0x138: {  	_ =	strace $0x90000050  }
0x139: {  	s0 =	stileid.u32;
	[bflag:$0x2] =	sbarrier.arrive $0xFFFF  }
0x13a: {  	p0 =	sne.s32 s0, $0x0;
	s0 =	rddreg [dreg:$0x2]  }
0x13b: {  	s0 =	sadd.s32 @!p0 $0x100000, s0  }
0x13c: {  	[sflag:s0] =	ssyncadd.tile.s32 @!p0 $0x1;
	_ =	shalt  }
.Lfunc_end2:
_tile_overlayer_lowered:
.L_overlay_start_2:
0x13d: {  	(tag) =	ssettag $0x2  }
0x13e: {  	s0 =	rddreg [dreg:$0x0];
	s2 =	stileid.u32  }
0x13f: {  	s1 =	rddreg [dreg:$0x1];
	p0 =	sne.s32 s2, $0x0  }
0x140: {  	s3 =	rddreg [dreg:$0x2];
	[bflag:$0x3] =	sbarrier.arrive $0xFFFF;
	s2 =	simm.s32 @!p0 $0x1C03  }
0x141: {  	[timem:s3], [sflag:s2] =	dma.local @!p0 [hbm:s0], s1  }
0x142: {  	s0 =	simm.s32 @!p0 $0x3  }
0x143: {  	_ =	swait.ge @!p0 [sflag:s0], s1  }
0x144: {  	s1 =	ssub.s32 @!p0 $0x0, s1;
	[sflag:s0] =	ssyncset.done @!p0 $0x0  }
0x145: {  	[sflag:s0] =	ssyncadd.s32 @!p0 s1  }
0x146: {  	[bflag:$0x3] =	sbarrier.arrive $0xFFFF  }
0x147: {  	_ =	shalt  }

</sc_bundles>
